<compile_context>
chip_gen: v7x
topology: tpu7x:2x2x1
jax: 0.10.2.dev20260603
libtpu: 0.0.44.dev20260713+nightly
codegen_flags: <defaults>
</compile_context>

<pallas_src>
import functools

import jax
import jax.numpy as jnp
from jax import lax
from jax.experimental import pallas as pl
from jax.experimental.pallas import tpu as pltpu
from jax.experimental.pallas import tpu_sc as plsc

N = 10000
E = 320000
D = 128

R = 10240
BLK = 512
GRID = R // BLK
CHUNK = 128
NWORK = 32
NBUF = 2
C0 = 104
C1 = 56
CMAX = max(C0, C1)
TCHUNK = 16 * (C0 + C1)
EP = TCHUNK * CHUNK
TPAD = max(TCHUNK, 16 * C0 + 15 * C1 + CMAX)
RPT = R // 16


def _elu(v):
    return jnp.where(v > 0, v, jnp.exp(v) - 1.0)


def _tc_a_body(x_ref, w1_ref, al_ref, ar_ref, out_ref, er_ref):
    feat = jnp.dot(x_ref[...], w1_ref[...], preferred_element_type=jnp.float32)
    el = jnp.dot(feat, al_ref[...], preferred_element_type=jnp.float32)
    er = jnp.dot(feat, ar_ref[...], preferred_element_type=jnp.float32)
    z8 = jnp.zeros((BLK, 8), jnp.float32)
    out_ref[...] = jnp.concatenate([feat, el, z8], axis=1)
    er_ref[...] = jnp.concatenate([er, z8], axis=1)


def _tc_a(xp, W1, A_l, A_r):
    return pl.pallas_call(
        _tc_a_body,
        grid=(GRID,),
        in_specs=[
            pl.BlockSpec((BLK, D), lambda i: (i, 0)),
            pl.BlockSpec((D, 64), lambda i: (0, 0)),
            pl.BlockSpec((64, 8), lambda i: (0, 0)),
            pl.BlockSpec((64, 8), lambda i: (0, 0)),
        ],
        out_specs=[
            pl.BlockSpec((BLK, 80), lambda i: (i, 0)),
            pl.BlockSpec((BLK, 16), lambda i: (i, 0)),
        ],
        out_shape=[
            jax.ShapeDtypeStruct((R, 80), jnp.float32),
            jax.ShapeDtypeStruct((R, 16), jnp.float32),
        ],
    )(xp, W1, A_l, A_r)


def _tc_b_body(acc_ref, w2_ref, p_ref, b1_ref, a2l_ref, a2r_ref,
               out_ref, er_ref):
    t = acc_ref[0] + acc_ref[1]
    s = t[:, 64:72]
    sinv = 1.0 / jnp.where(s > 0, s, 1.0)
    sexp = jnp.dot(sinv, p_ref[...], preferred_element_type=jnp.float32)
    h = _elu(_elu(t[:, :64] * sexp + b1_ref[...]))
    feat2 = jnp.dot(h, w2_ref[...], preferred_element_type=jnp.float32)
    el2 = jnp.dot(feat2, a2l_ref[...], preferred_element_type=jnp.float32)
    er2 = jnp.dot(feat2, a2r_ref[...], preferred_element_type=jnp.float32)
    z24 = jnp.zeros((BLK, 24), jnp.float32)
    out_ref[...] = jnp.concatenate([feat2, z24, el2], axis=1)
    er_ref[...] = er2


def _tc_b(acc1, W2, P, b1, A2l, A2r):
    return pl.pallas_call(
        _tc_b_body,
        grid=(GRID,),
        in_specs=[
            pl.BlockSpec((2, BLK, 80), lambda i: (0, i, 0)),
            pl.BlockSpec((64, 40), lambda i: (0, 0)),
            pl.BlockSpec((8, 64), lambda i: (0, 0)),
            pl.BlockSpec((1, 64), lambda i: (0, 0)),
            pl.BlockSpec((40, 16), lambda i: (0, 0)),
            pl.BlockSpec((40, 16), lambda i: (0, 0)),
        ],
        out_specs=[
            pl.BlockSpec((BLK, 80), lambda i: (i, 0)),
            pl.BlockSpec((BLK, 16), lambda i: (i, 0)),
        ],
        out_shape=[
            jax.ShapeDtypeStruct((R, 80), jnp.float32),
            jax.ShapeDtypeStruct((R, 16), jnp.float32),
        ],
    )(acc1, W2, P, b1, A2l, A2r)


def _tc_c_body(acc_ref, b2_ref, out_ref):
    t = acc_ref[0] + acc_ref[1]
    s = t[:, 64:65]
    sinv = 1.0 / jnp.where(s > 0, s, 1.0)
    out_ref[...] = t[:, :40] * sinv + b2_ref[...]


def _tc_c(acc2, b2):
    return pl.pallas_call(
        _tc_c_body,
        grid=(GRID,),
        in_specs=[
            pl.BlockSpec((2, BLK, 80), lambda i: (0, i, 0)),
            pl.BlockSpec((1, 40), lambda i: (0, 0)),
        ],
        out_specs=pl.BlockSpec((BLK, 40), lambda i: (i, 0)),
        out_shape=jax.ShapeDtypeStruct((N, 40), jnp.float32),
    )(acc2, b2)


def _bcast_heads(wv, k):
    col = (jnp.arange(16, dtype=jnp.int32) >> 3) + 2 * k
    dnums = lax.GatherDimensionNumbers(
        offset_dims=(), collapsed_slice_dims=(0,), start_index_map=(0,))
    return lax.gather(wv, col[:, None], dnums, slice_sizes=(1,),
                      mode=lax.GatherScatterMode.PROMISE_IN_BOUNDS)


def _make_sc_edge(width, el_off, per_head):
    nfv = el_off // 16

    mesh = plsc.VectorSubcoreMesh(core_axis_name="c", subcore_axis_name="s",
                                  num_cores=2, num_subcores=16)

    scratch = (
        [pltpu.VMEM((CMAX, CHUNK), jnp.int32) for _ in range(2)]
        + [pltpu.VMEM((CHUNK, width), jnp.float32) for _ in range(NBUF)]
        + [pltpu.VMEM((CHUNK, 16), jnp.float32) for _ in range(NBUF)]
        + [pltpu.VMEM((CHUNK, width), jnp.float32) for _ in range(NBUF)]
        + [pltpu.VMEM_SHARED((R, width), jnp.float32)]
        + [pltpu.SemaphoreType.DMA for _ in range(2 * NBUF)]
    )

    @functools.partial(
        pl.kernel,
        out_type=jax.ShapeDtypeStruct((2, R, width), jnp.float32),
        mesh=mesh,
        compiler_params=pltpu.CompilerParams(use_tc_tiling_on_sc=False,
                                             needs_layout_passes=False),
        scratch_types=scratch,
    )
    def edge_kernel(feat_hbm, er_hbm, src_hbm, dst_hbm, out_hbm, *refs):
        idx_src, idx_dst = refs[0:2]
        rows = refs[2:2 + NBUF]
        errows = refs[2 + NBUF:2 + 2 * NBUF]
        scaled = refs[2 + 2 * NBUF:2 + 3 * NBUF]
        acc = refs[2 + 3 * NBUF]
        gsem = refs[3 + 3 * NBUF:3 + 4 * NBUF]
        ssem = refs[3 + 4 * NBUF:3 + 5 * NBUF]

        cid = lax.axis_index("c")
        sid = lax.axis_index("s")
        cw = C0 + cid * (C1 - C0)
        start = cid * (16 * C0) + sid * cw

        def fire_gather(ci, b):
            pltpu.async_copy(feat_hbm.at[idx_src.at[ci]], rows[b], gsem[b])
            pltpu.async_copy(er_hbm.at[idx_dst.at[ci]], errows[b], gsem[b])

        def wait_gather(ci, b):
            pltpu.make_async_copy(feat_hbm.at[idx_src.at[ci]], rows[b],
                                  gsem[b]).wait()
            pltpu.make_async_copy(er_hbm.at[idx_dst.at[ci]], errows[b],
                                  gsem[b]).wait()

        def fire_scatter(ci, b):
            pltpu.async_copy(scaled[b], acc.at[idx_dst.at[ci]], ssem[b],
                             add=True)

        def wait_scatter(ci, b):
            pltpu.make_async_copy(scaled[b], acc.at[idx_dst.at[ci]],
                                  ssem[b]).wait()

        def compute(b):
            def edge_body(i, carry):
                for u in range(4):
                    e = i * 4 + u
                    vel = rows[b][e, pl.ds(el_off, 16)]
                    ver = errows[b][e, pl.ds(0, 16)]
                    t = vel + ver
                    wv = jnp.exp(jnp.maximum(t, 0.2 * t))
                    scaled[b][e, pl.ds(el_off, 16)] = wv
                    for k in range(nfv):
                        wk = _bcast_heads(wv, k) if per_head else wv
                        scaled[b][e, pl.ds(16 * k, 16)] = (
                            rows[b][e, pl.ds(16 * k, 16)] * wk)
                return carry
            lax.fori_loop(0, CHUNK // 4, edge_body, 0)

        pltpu.sync_copy(src_hbm.at[pl.ds(start, CMAX)], idx_src)
        pltpu.sync_copy(dst_hbm.at[pl.ds(start, CMAX)], idx_dst)

        def zrow(i, carry):
            for k in range(width // 16):
                scaled[0][i, pl.ds(16 * k, 16)] = jnp.zeros((16,), jnp.float32)
            return carry
        lax.fori_loop(0, CHUNK, zrow, 0)
        for j in range(RPT // CHUNK):
            pltpu.sync_copy(scaled[0],
                            acc.at[pl.ds(sid * RPT + j * CHUNK, CHUNK)])

        for b in range(NBUF):
            fire_gather(b, b)
        plsc.subcore_barrier()

        def group_body(g, carry):
            for b in range(NBUF):
                ci = g * NBUF + b
                wait_gather(ci, b)

                @pl.when(g >= 1)
                def _drain():
                    wait_scatter(ci - NBUF, b)
                compute(b)
                fire_scatter(ci, b)

                @pl.when(ci + NBUF < cw)
                def _prefetch():
                    fire_gather(ci + NBUF, b)
            return carry
        lax.fori_loop(0, cw // NBUF, group_body, 0)
        for b in range(NBUF):
            wait_scatter(cw - NBUF + b, b)
        plsc.subcore_barrier()

        pltpu.sync_copy(acc.at[pl.ds(sid * RPT, RPT)],
                        out_hbm.at[cid, pl.ds(sid * RPT, RPT)])

    return edge_kernel


@functools.lru_cache(maxsize=None)
def _sc_edge(width, el_off, per_head):
    return _make_sc_edge(width=width, el_off=el_off, per_head=per_head)


def kernel(x, edge_index, W1, attn_l1, attn_r1, b1, W2, attn_l2, attn_r2, b2):
    f32 = jnp.float32
    xp = jnp.zeros((R, D), f32).at[:N].set(x)

    eye8 = jnp.eye(8, dtype=f32)
    A_l = (attn_l1[:, :, None] * eye8[:, None, :]).reshape(64, 8)
    A_r = (attn_r1[:, :, None] * eye8[:, None, :]).reshape(64, 8)
    P = jnp.repeat(eye8, 8, axis=1)
    A2l = jnp.broadcast_to(attn_l2.reshape(40, 1), (40, 16)).astype(f32)
    A2r = jnp.broadcast_to(attn_r2.reshape(40, 1), (40, 16)).astype(f32)

    pad = EP - E
    tailpad = (TPAD - TCHUNK) * CHUNK
    srcp = jnp.concatenate([edge_index[0], jnp.zeros((pad + tailpad,),
                                                     jnp.int32)])
    dstp = jnp.concatenate([edge_index[1], jnp.full((pad,), N, jnp.int32),
                            jnp.zeros((tailpad,), jnp.int32)])
    srcp = srcp.reshape(TPAD, CHUNK)
    dstp = dstp.reshape(TPAD, CHUNK)

    table1, er1 = _tc_a(xp, W1, A_l, A_r)
    acc1 = _sc_edge(80, 64, True)(table1, er1, srcp, dstp)
    table2, er2 = _tc_b(acc1, W2, P, b1.reshape(1, 64), A2l, A2r)
    acc2 = _sc_edge(80, 64, True)(table2, er2, srcp, dstp)
    return _tc_c(acc2, b2.reshape(1, 40))

# --- scband reference (transcript-rebuilt; emitter-appended) ---
"""Pipeline reference for scband-gat-full-dgl-38225208934552 (READ-ONLY COPY).

The authoritative reference and input builder live on the scoring server;
editing this copy changes nothing except your own understanding.
"""

import jax, jax.numpy as jnp
import numpy as np

N = 10000
E = 320000
D = 128
H1, F1 = 8, 8
C = 40


def setup_inputs(seed: int = 0) -> dict:
    key = jax.random.key(seed)
    ks = jax.random.split(key, 12)
    x = jax.random.normal(ks[0], (N, D), dtype=jnp.float32)
    edge_index = jax.random.randint(ks[1], (2, E), 0, N, dtype=jnp.int32)
    # layer 1: GATConv(128 -> 8 per head, 8 heads), fc bias=False, attn params, out bias
    W1 = jax.random.normal(ks[2], (D, H1 * F1), dtype=jnp.float32) * (1.0 / np.sqrt(D))
    attn_l1 = jax.random.normal(ks[3], (H1, F1), dtype=jnp.float32) * 0.1
    attn_r1 = jax.random.normal(ks[4], (H1, F1), dtype=jnp.float32) * 0.1
    b1 = jnp.zeros((H1 * F1,), dtype=jnp.float32)
    # layer 2: GATConv(64 -> 40, 1 head)
    W2 = jax.random.normal(ks[5], (H1 * F1, 1 * C), dtype=jnp.float32) * (1.0 / np.sqrt(H1 * F1))
    attn_l2 = jax.random.normal(ks[6], (1, C), dtype=jnp.float32) * 0.1
    attn_r2 = jax.random.normal(ks[7], (1, C), dtype=jnp.float32) * 0.1
    b2 = jnp.zeros((1 * C,), dtype=jnp.float32)
    return {"x": x, "edge_index": edge_index, "W1": W1, "attn_l1": attn_l1,
            "attn_r1": attn_r1, "b1": b1, "W2": W2, "attn_l2": attn_l2,
            "attn_r2": attn_r2, "b2": b2}


def _gat_layer(x, src, dst, W, al, ar, b, act):
    n = x.shape[0]
    H, Fo = al.shape
    feat = (x @ W).reshape(n, H, Fo)                       # fc, no bias
    el = jnp.sum(feat * al[None, :, :], axis=-1)           # [n, H]
    er = jnp.sum(feat * ar[None, :, :], axis=-1)           # [n, H]
    e = jax.nn.leaky_relu(el[src] + er[dst], negative_slope=0.2)  # [E, H]
    m = jax.ops.segment_max(e, dst, num_segments=n)        # edge softmax (per-dst, per-head)
    m = jnp.where(jnp.isfinite(m), m, 0.0)
    p = jnp.exp(e - m[dst])
    s = jax.ops.segment_sum(p, dst, num_segments=n)
    a = p / s[dst]                                          # attn coefficients [E, H]
    out = jax.ops.segment_sum(feat[src] * a[:, :, None], dst, num_segments=n)  # [n, H, Fo]
    out = out + b.reshape(1, H, Fo)
    if act is not None:
        out = act(out)
    return out


def reference(x, edge_index, W1, attn_l1, attn_r1, b1, W2, attn_l2, attn_r2, b2):
    src = edge_index[0]
    dst = edge_index[1]
    # layer 1: GATConv with internal elu activation
    h = _gat_layer(x, src, dst, W1, attn_l1, attn_r1, b1, jax.nn.elu)  # [N, 8, 8]
    h = h.reshape(h.shape[0], -1)                                       # [N, 64]
    h = jax.nn.elu(h)                                                   # model-level F.elu
    # dropout(0.5) is identity in eval mode
    # layer 2: GATConv, 1 head, no activation, then mean over heads
    o = _gat_layer(h, src, dst, W2, attn_l2, attn_r2, b2, None)         # [N, 1, 40]
    return o.mean(axis=1)                                               # [N, 40]

if __name__ == "__main__":
    import jax
    _d = setup_inputs()
    print(jax.jit(kernel)(*tuple(_d.values())))

</pallas_src>

<mosaic_0001>
#map = affine_map<(d0, d1) -> (0, 0)>
#map1 = affine_map<(d0, d1) -> (0, 0, 0)>
module attributes {stable_mosaic.version = 14 : i64} {
  func.func @edge_kernel(%arg0: i32, %arg1: i32, %arg2: memref<10240x80xf32, #tpu.memory_space<hbm>>, %arg3: memref<10240x16xf32, #tpu.memory_space<hbm>>, %arg4: memref<2608x128xi32, #tpu.memory_space<hbm>>, %arg5: memref<2608x128xi32, #tpu.memory_space<hbm>>, %arg6: memref<2x10240x80xf32, #tpu.memory_space<hbm>>, %arg7: memref<104x128xi32, #tpu.memory_space<vmem>>, %arg8: memref<104x128xi32, #tpu.memory_space<vmem>>, %arg9: memref<128x80xf32, #tpu.memory_space<vmem>>, %arg10: memref<128x80xf32, #tpu.memory_space<vmem>>, %arg11: memref<128x16xf32, #tpu.memory_space<vmem>>, %arg12: memref<128x16xf32, #tpu.memory_space<vmem>>, %arg13: memref<128x80xf32, #tpu.memory_space<vmem>>, %arg14: memref<128x80xf32, #tpu.memory_space<vmem>>, %arg15: memref<10240x80xf32, #tpu.memory_space<vmem_shared>>, %arg16: memref<!tpu.dma_semaphore, #tpu.memory_space<semaphore_mem>>, %arg17: memref<!tpu.dma_semaphore, #tpu.memory_space<semaphore_mem>>, %arg18: memref<!tpu.dma_semaphore, #tpu.memory_space<semaphore_mem>>, %arg19: memref<!tpu.dma_semaphore, #tpu.memory_space<semaphore_mem>>) attributes {dimension_semantics = [#tpu.dimension_semantics<core_parallel>, #tpu.dimension_semantics<subcore_parallel>], iteration_bounds = array<i64: 2, 16>, scalar_prefetch = 0 : i64, scratch_operands = 13 : i64, tpu.core_type = #tpu.core_type<sc_vector_subcore>, window_params = [{transform_indices = #map}, {transform_indices = #map}, {transform_indices = #map}, {transform_indices = #map}, {transform_indices = #map1}]} {
    %mul3A = arith.constant -48 : i32
    %mul3A_0 = arith.muli %arg0, %mul3A : i32
    %add3A = arith.constant 104 : i32
    %add3A_1 = arith.addi %add3A, %mul3A_0 : i32
    %mul3A_2 = arith.constant 1664 : i32
    %mul3A_3 = arith.muli %arg0, %mul3A_2 : i32
    %mul3A_4 = arith.muli %arg1, %add3A_1 : i32
    %add3A_5 = arith.addi %mul3A_3, %mul3A_4 : i32
    "tpu.region"() ({
      %run_scoped3A = tpu.sem_alloc : memref<!tpu.dma_semaphore, #tpu.memory_space<semaphore_mem>>
      %dma_start3A_107 = arith.constant 0 : i32
      %dma_start3A_108 = tpu.memref_slice %arg4[%add3A_5, %dma_start3A_107] : memref<2608x128xi32, #tpu.memory_space<hbm>> -> memref<104x128xi32, #tpu.memory_space<hbm>>
      %dma_start3A_109 = arith.constant 0 : i32
      %dma_start3A_110 = tpu.memref_slice %arg4[%add3A_5, %dma_start3A_109] : memref<2608x128xi32, #tpu.memory_space<hbm>> -> memref<104x128xi32, #tpu.memory_space<hbm>>
      tpu.enqueue_dma source(%dma_start3A_110 : memref<104x128xi32, #tpu.memory_space<hbm>>) target(%arg7 : memref<104x128xi32, #tpu.memory_space<vmem>>) target_semaphore(%run_scoped3A : memref<!tpu.dma_semaphore, #tpu.memory_space<semaphore_mem>>)
      %dma_wait3A_111 = arith.constant 0 : i32
      %dma_wait3A_112 = tpu.memref_slice %arg4[%add3A_5, %dma_wait3A_111] : memref<2608x128xi32, #tpu.memory_space<hbm>> -> memref<104x128xi32, #tpu.memory_space<hbm>>
      %dma_wait3A_113 = arith.constant 0 : i32
      %dma_wait3A_114 = tpu.memref_slice %arg4[%add3A_5, %dma_wait3A_113] : memref<2608x128xi32, #tpu.memory_space<hbm>> -> memref<104x128xi32, #tpu.memory_space<hbm>>
      tpu.wait_dma2 semaphore(%run_scoped3A : memref<!tpu.dma_semaphore, #tpu.memory_space<semaphore_mem>>) src(%dma_wait3A_114 : memref<104x128xi32, #tpu.memory_space<hbm>>) dst(%arg7 : memref<104x128xi32, #tpu.memory_space<vmem>>)
      tpu.yield
    }) : () -> ()
    "tpu.region"() ({
      %run_scoped3A = tpu.sem_alloc : memref<!tpu.dma_semaphore, #tpu.memory_space<semaphore_mem>>
      %dma_start3A_107 = arith.constant 0 : i32
      %dma_start3A_108 = tpu.memref_slice %arg5[%add3A_5, %dma_start3A_107] : memref<2608x128xi32, #tpu.memory_space<hbm>> -> memref<104x128xi32, #tpu.memory_space<hbm>>
      %dma_start3A_109 = arith.constant 0 : i32
      %dma_start3A_110 = tpu.memref_slice %arg5[%add3A_5, %dma_start3A_109] : memref<2608x128xi32, #tpu.memory_space<hbm>> -> memref<104x128xi32, #tpu.memory_space<hbm>>
      tpu.enqueue_dma source(%dma_start3A_110 : memref<104x128xi32, #tpu.memory_space<hbm>>) target(%arg8 : memref<104x128xi32, #tpu.memory_space<vmem>>) target_semaphore(%run_scoped3A : memref<!tpu.dma_semaphore, #tpu.memory_space<semaphore_mem>>)
      %dma_wait3A_111 = arith.constant 0 : i32
      %dma_wait3A_112 = tpu.memref_slice %arg5[%add3A_5, %dma_wait3A_111] : memref<2608x128xi32, #tpu.memory_space<hbm>> -> memref<104x128xi32, #tpu.memory_space<hbm>>
      %dma_wait3A_113 = arith.constant 0 : i32
      %dma_wait3A_114 = tpu.memref_slice %arg5[%add3A_5, %dma_wait3A_113] : memref<2608x128xi32, #tpu.memory_space<hbm>> -> memref<104x128xi32, #tpu.memory_space<hbm>>
      tpu.wait_dma2 semaphore(%run_scoped3A : memref<!tpu.dma_semaphore, #tpu.memory_space<semaphore_mem>>) src(%dma_wait3A_114 : memref<104x128xi32, #tpu.memory_space<hbm>>) dst(%arg8 : memref<104x128xi32, #tpu.memory_space<vmem>>)
      tpu.yield
    }) : () -> ()
    %scan3A = arith.constant 0 : i32
    %scan3A_6 = arith.constant 0 : i32
    %scan3A_7 = arith.constant 128 : i32
    %scan3A_8 = arith.addi %scan3A_6, %scan3A_7 : i32
    %scan3A_9 = arith.constant 1 : i32
    scf.for %scan3A_107 = %scan3A_6 to %scan3A_8 step %scan3A_9  : i32 {
      %broadcast_in_dim3A = arith.constant 0.000000e+00 : f32
      %broadcast_in_dim3A_108 = vector.broadcast %broadcast_in_dim3A : f32 to vector<16xf32>
      %swap3A = arith.index_cast %scan3A_107 : i32 to index
      %swap3A_109 = arith.constant 0 : index
      %swap3A_110 = tpu.vector_load %arg13[%swap3A, %swap3A_109] {strides = array<i32>} : memref<128x80xf32, #tpu.memory_space<vmem>>, vector<16xf32>,
      tpu.vector_store %arg13[%swap3A, %swap3A_109], %broadcast_in_dim3A_108 {strides = array<i32>} : memref<128x80xf32, #tpu.memory_space<vmem>>, vector<16xf32>,
      %broadcast_in_dim3A_111 = arith.constant 0.000000e+00 : f32
      %broadcast_in_dim3A_112 = vector.broadcast %broadcast_in_dim3A_111 : f32 to vector<16xf32>
      %swap3A_113 = arith.index_cast %scan3A_107 : i32 to index
      %swap3A_114 = arith.constant 16 : index
      %swap3A_115 = tpu.vector_load %arg13[%swap3A_113, %swap3A_114] {strides = array<i32>} : memref<128x80xf32, #tpu.memory_space<vmem>>, vector<16xf32>,
      tpu.vector_store %arg13[%swap3A_113, %swap3A_114], %broadcast_in_dim3A_112 {strides = array<i32>} : memref<128x80xf32, #tpu.memory_space<vmem>>, vector<16xf32>,
      %broadcast_in_dim3A_116 = arith.constant 0.000000e+00 : f32
      %broadcast_in_dim3A_117 = vector.broadcast %broadcast_in_dim3A_116 : f32 to vector<16xf32>
      %swap3A_118 = arith.index_cast %scan3A_107 : i32 to index
      %swap3A_119 = arith.constant 32 : index
      %swap3A_120 = tpu.vector_load %arg13[%swap3A_118, %swap3A_119] {strides = array<i32>} : memref<128x80xf32, #tpu.memory_space<vmem>>, vector<16xf32>,
      tpu.vector_store %arg13[%swap3A_118, %swap3A_119], %broadcast_in_dim3A_117 {strides = array<i32>} : memref<128x80xf32, #tpu.memory_space<vmem>>, vector<16xf32>,
      %broadcast_in_dim3A_121 = arith.constant 0.000000e+00 : f32
      %broadcast_in_dim3A_122 = vector.broadcast %broadcast_in_dim3A_121 : f32 to vector<16xf32>
      %swap3A_123 = arith.index_cast %scan3A_107 : i32 to index
      %swap3A_124 = arith.constant 48 : index
      %swap3A_125 = tpu.vector_load %arg13[%swap3A_123, %swap3A_124] {strides = array<i32>} : memref<128x80xf32, #tpu.memory_space<vmem>>, vector<16xf32>,
      tpu.vector_store %arg13[%swap3A_123, %swap3A_124], %broadcast_in_dim3A_122 {strides = array<i32>} : memref<128x80xf32, #tpu.memory_space<vmem>>, vector<16xf32>,
      %broadcast_in_dim3A_126 = arith.constant 0.000000e+00 : f32
      %broadcast_in_dim3A_127 = vector.broadcast %broadcast_in_dim3A_126 : f32 to vector<16xf32>
      %swap3A_128 = arith.index_cast %scan3A_107 : i32 to index
      %swap3A_129 = arith.constant 64 : index
      %swap3A_130 = tpu.vector_load %arg13[%swap3A_128, %swap3A_129] {strides = array<i32>} : memref<128x80xf32, #tpu.memory_space<vmem>>, vector<16xf32>,
      tpu.vector_store %arg13[%swap3A_128, %swap3A_129], %broadcast_in_dim3A_127 {strides = array<i32>} : memref<128x80xf32, #tpu.memory_space<vmem>>, vector<16xf32>,
    }
    %scan3A_10 = arith.constant 128 : i32
    %mul3A_11 = arith.constant 640 : i32
    %mul3A_12 = arith.muli %arg1, %mul3A_11 : i32
    %add3A_13 = arith.constant 0 : i32
    %add3A_14 = arith.addi %mul3A_12, %add3A_13 : i32
    "tpu.region"() ({
      %run_scoped3A = tpu.sem_alloc : memref<!tpu.dma_semaphore, #tpu.memory_space<semaphore_mem>>
      %dma_start3A_107 = arith.constant 0 : i32
      %dma_start3A_108 = tpu.memref_slice %arg15[%add3A_14, %dma_start3A_107] : memref<10240x80xf32, #tpu.memory_space<vmem_shared>> -> memref<128x80xf32, #tpu.memory_space<vmem_shared>>
      %dma_start3A_109 = arith.constant 0 : i32
      %dma_start3A_110 = tpu.memref_slice %arg15[%add3A_14, %dma_start3A_109] : memref<10240x80xf32, #tpu.memory_space<vmem_shared>> -> memref<128x80xf32, #tpu.memory_space<vmem_shared>>
      tpu.enqueue_dma source(%arg13 : memref<128x80xf32, #tpu.memory_space<vmem>>) target(%dma_start3A_110 : memref<128x80xf32, #tpu.memory_space<vmem_shared>>) target_semaphore(%run_scoped3A : memref<!tpu.dma_semaphore, #tpu.memory_space<semaphore_mem>>)
      %dma_wait3A_111 = arith.constant 0 : i32
      %dma_wait3A_112 = tpu.memref_slice %arg15[%add3A_14, %dma_wait3A_111] : memref<10240x80xf32, #tpu.memory_space<vmem_shared>> -> memref<128x80xf32, #tpu.memory_space<vmem_shared>>
      %dma_wait3A_113 = arith.constant 0 : i32
      %dma_wait3A_114 = tpu.memref_slice %arg15[%add3A_14, %dma_wait3A_113] : memref<10240x80xf32, #tpu.memory_space<vmem_shared>> -> memref<128x80xf32, #tpu.memory_space<vmem_shared>>
      tpu.wait_dma2 semaphore(%run_scoped3A : memref<!tpu.dma_semaphore, #tpu.memory_space<semaphore_mem>>) src(%arg13 : memref<128x80xf32, #tpu.memory_space<vmem>>) dst(%dma_wait3A_114 : memref<128x80xf32, #tpu.memory_space<vmem_shared>>)
      tpu.yield
    }) : () -> ()
    %mul3A_15 = arith.constant 640 : i32
    %mul3A_16 = arith.muli %arg1, %mul3A_15 : i32
    %add3A_17 = arith.constant 128 : i32
    %add3A_18 = arith.addi %mul3A_16, %add3A_17 : i32
    "tpu.region"() ({
      %run_scoped3A = tpu.sem_alloc : memref<!tpu.dma_semaphore, #tpu.memory_space<semaphore_mem>>
      %dma_start3A_107 = arith.constant 0 : i32
      %dma_start3A_108 = tpu.memref_slice %arg15[%add3A_18, %dma_start3A_107] : memref<10240x80xf32, #tpu.memory_space<vmem_shared>> -> memref<128x80xf32, #tpu.memory_space<vmem_shared>>
      %dma_start3A_109 = arith.constant 0 : i32
      %dma_start3A_110 = tpu.memref_slice %arg15[%add3A_18, %dma_start3A_109] : memref<10240x80xf32, #tpu.memory_space<vmem_shared>> -> memref<128x80xf32, #tpu.memory_space<vmem_shared>>
      tpu.enqueue_dma source(%arg13 : memref<128x80xf32, #tpu.memory_space<vmem>>) target(%dma_start3A_110 : memref<128x80xf32, #tpu.memory_space<vmem_shared>>) target_semaphore(%run_scoped3A : memref<!tpu.dma_semaphore, #tpu.memory_space<semaphore_mem>>)
      %dma_wait3A_111 = arith.constant 0 : i32
      %dma_wait3A_112 = tpu.memref_slice %arg15[%add3A_18, %dma_wait3A_111] : memref<10240x80xf32, #tpu.memory_space<vmem_shared>> -> memref<128x80xf32, #tpu.memory_space<vmem_shared>>
      %dma_wait3A_113 = arith.constant 0 : i32
      %dma_wait3A_114 = tpu.memref_slice %arg15[%add3A_18, %dma_wait3A_113] : memref<10240x80xf32, #tpu.memory_space<vmem_shared>> -> memref<128x80xf32, #tpu.memory_space<vmem_shared>>
      tpu.wait_dma2 semaphore(%run_scoped3A : memref<!tpu.dma_semaphore, #tpu.memory_space<semaphore_mem>>) src(%arg13 : memref<128x80xf32, #tpu.memory_space<vmem>>) dst(%dma_wait3A_114 : memref<128x80xf32, #tpu.memory_space<vmem_shared>>)
      tpu.yield
    }) : () -> ()
    %mul3A_19 = arith.constant 640 : i32
    %mul3A_20 = arith.muli %arg1, %mul3A_19 : i32
    %add3A_21 = arith.constant 256 : i32
    %add3A_22 = arith.addi %mul3A_20, %add3A_21 : i32
    "tpu.region"() ({
      %run_scoped3A = tpu.sem_alloc : memref<!tpu.dma_semaphore, #tpu.memory_space<semaphore_mem>>
      %dma_start3A_107 = arith.constant 0 : i32
      %dma_start3A_108 = tpu.memref_slice %arg15[%add3A_22, %dma_start3A_107] : memref<10240x80xf32, #tpu.memory_space<vmem_shared>> -> memref<128x80xf32, #tpu.memory_space<vmem_shared>>
      %dma_start3A_109 = arith.constant 0 : i32
      %dma_start3A_110 = tpu.memref_slice %arg15[%add3A_22, %dma_start3A_109] : memref<10240x80xf32, #tpu.memory_space<vmem_shared>> -> memref<128x80xf32, #tpu.memory_space<vmem_shared>>
      tpu.enqueue_dma source(%arg13 : memref<128x80xf32, #tpu.memory_space<vmem>>) target(%dma_start3A_110 : memref<128x80xf32, #tpu.memory_space<vmem_shared>>) target_semaphore(%run_scoped3A : memref<!tpu.dma_semaphore, #tpu.memory_space<semaphore_mem>>)
      %dma_wait3A_111 = arith.constant 0 : i32
      %dma_wait3A_112 = tpu.memref_slice %arg15[%add3A_22, %dma_wait3A_111] : memref<10240x80xf32, #tpu.memory_space<vmem_shared>> -> memref<128x80xf32, #tpu.memory_space<vmem_shared>>
      %dma_wait3A_113 = arith.constant 0 : i32
      %dma_wait3A_114 = tpu.memref_slice %arg15[%add3A_22, %dma_wait3A_113] : memref<10240x80xf32, #tpu.memory_space<vmem_shared>> -> memref<128x80xf32, #tpu.memory_space<vmem_shared>>
      tpu.wait_dma2 semaphore(%run_scoped3A : memref<!tpu.dma_semaphore, #tpu.memory_space<semaphore_mem>>) src(%arg13 : memref<128x80xf32, #tpu.memory_space<vmem>>) dst(%dma_wait3A_114 : memref<128x80xf32, #tpu.memory_space<vmem_shared>>)
      tpu.yield
    }) : () -> ()
    %mul3A_23 = arith.constant 640 : i32
    %mul3A_24 = arith.muli %arg1, %mul3A_23 : i32
    %add3A_25 = arith.constant 384 : i32
    %add3A_26 = arith.addi %mul3A_24, %add3A_25 : i32
    "tpu.region"() ({
      %run_scoped3A = tpu.sem_alloc : memref<!tpu.dma_semaphore, #tpu.memory_space<semaphore_mem>>
      %dma_start3A_107 = arith.constant 0 : i32
      %dma_start3A_108 = tpu.memref_slice %arg15[%add3A_26, %dma_start3A_107] : memref<10240x80xf32, #tpu.memory_space<vmem_shared>> -> memref<128x80xf32, #tpu.memory_space<vmem_shared>>
      %dma_start3A_109 = arith.constant 0 : i32
      %dma_start3A_110 = tpu.memref_slice %arg15[%add3A_26, %dma_start3A_109] : memref<10240x80xf32, #tpu.memory_space<vmem_shared>> -> memref<128x80xf32, #tpu.memory_space<vmem_shared>>
      tpu.enqueue_dma source(%arg13 : memref<128x80xf32, #tpu.memory_space<vmem>>) target(%dma_start3A_110 : memref<128x80xf32, #tpu.memory_space<vmem_shared>>) target_semaphore(%run_scoped3A : memref<!tpu.dma_semaphore, #tpu.memory_space<semaphore_mem>>)
      %dma_wait3A_111 = arith.constant 0 : i32
      %dma_wait3A_112 = tpu.memref_slice %arg15[%add3A_26, %dma_wait3A_111] : memref<10240x80xf32, #tpu.memory_space<vmem_shared>> -> memref<128x80xf32, #tpu.memory_space<vmem_shared>>
      %dma_wait3A_113 = arith.constant 0 : i32
      %dma_wait3A_114 = tpu.memref_slice %arg15[%add3A_26, %dma_wait3A_113] : memref<10240x80xf32, #tpu.memory_space<vmem_shared>> -> memref<128x80xf32, #tpu.memory_space<vmem_shared>>
      tpu.wait_dma2 semaphore(%run_scoped3A : memref<!tpu.dma_semaphore, #tpu.memory_space<semaphore_mem>>) src(%arg13 : memref<128x80xf32, #tpu.memory_space<vmem>>) dst(%dma_wait3A_114 : memref<128x80xf32, #tpu.memory_space<vmem_shared>>)
      tpu.yield
    }) : () -> ()
    %mul3A_27 = arith.constant 640 : i32
    %mul3A_28 = arith.muli %arg1, %mul3A_27 : i32
    %add3A_29 = arith.constant 512 : i32
    %add3A_30 = arith.addi %mul3A_28, %add3A_29 : i32
    "tpu.region"() ({
      %run_scoped3A = tpu.sem_alloc : memref<!tpu.dma_semaphore, #tpu.memory_space<semaphore_mem>>
      %dma_start3A_107 = arith.constant 0 : i32
      %dma_start3A_108 = tpu.memref_slice %arg15[%add3A_30, %dma_start3A_107] : memref<10240x80xf32, #tpu.memory_space<vmem_shared>> -> memref<128x80xf32, #tpu.memory_space<vmem_shared>>
      %dma_start3A_109 = arith.constant 0 : i32
      %dma_start3A_110 = tpu.memref_slice %arg15[%add3A_30, %dma_start3A_109] : memref<10240x80xf32, #tpu.memory_space<vmem_shared>> -> memref<128x80xf32, #tpu.memory_space<vmem_shared>>
      tpu.enqueue_dma source(%arg13 : memref<128x80xf32, #tpu.memory_space<vmem>>) target(%dma_start3A_110 : memref<128x80xf32, #tpu.memory_space<vmem_shared>>) target_semaphore(%run_scoped3A : memref<!tpu.dma_semaphore, #tpu.memory_space<semaphore_mem>>)
      %dma_wait3A_111 = arith.constant 0 : i32
      %dma_wait3A_112 = tpu.memref_slice %arg15[%add3A_30, %dma_wait3A_111] : memref<10240x80xf32, #tpu.memory_space<vmem_shared>> -> memref<128x80xf32, #tpu.memory_space<vmem_shared>>
      %dma_wait3A_113 = arith.constant 0 : i32
      %dma_wait3A_114 = tpu.memref_slice %arg15[%add3A_30, %dma_wait3A_113] : memref<10240x80xf32, #tpu.memory_space<vmem_shared>> -> memref<128x80xf32, #tpu.memory_space<vmem_shared>>
      tpu.wait_dma2 semaphore(%run_scoped3A : memref<!tpu.dma_semaphore, #tpu.memory_space<semaphore_mem>>) src(%arg13 : memref<128x80xf32, #tpu.memory_space<vmem>>) dst(%dma_wait3A_114 : memref<128x80xf32, #tpu.memory_space<vmem_shared>>)
      tpu.yield
    }) : () -> ()
    %dma_start3A = arith.constant 0 : i32
    %dma_start3A_31 = arith.constant 0 : i32
    %dma_start3A_32 = tpu.memref_slice %arg7[%dma_start3A, %dma_start3A_31] : memref<104x128xi32, #tpu.memory_space<vmem>> -> memref<1x128xi32, #tpu.memory_space<vmem>>
    %dma_start3A_33 = tpu.memref_squeeze %dma_start3A_32 : memref<1x128xi32, #tpu.memory_space<vmem>> -> memref<128xi32, #tpu.memory_space<vmem>>
    %dma_start3A_34 = arith.constant 0 : i32
    %dma_start3A_35 = arith.constant 0 : i32
    %dma_start3A_36 = tpu.memref_slice %arg2[%dma_start3A_34, %dma_start3A_35] : memref<10240x80xf32, #tpu.memory_space<hbm>> -> memref<10240x80xf32, #tpu.memory_space<hbm>>
    tpu.enqueue_indirect_dma source(%dma_start3A_36 : memref<10240x80xf32, #tpu.memory_space<hbm>>) target(%arg9 : memref<128x80xf32, #tpu.memory_space<vmem>>) offsets(%dma_start3A_33 : memref<128xi32, #tpu.memory_space<vmem>>) semaphore(%arg16 : memref<!tpu.dma_semaphore, #tpu.memory_space<semaphore_mem>>)
    %dma_start3A_37 = arith.constant 0 : i32
    %dma_start3A_38 = arith.constant 0 : i32
    %dma_start3A_39 = tpu.memref_slice %arg8[%dma_start3A_37, %dma_start3A_38] : memref<104x128xi32, #tpu.memory_space<vmem>> -> memref<1x128xi32, #tpu.memory_space<vmem>>
    %dma_start3A_40 = tpu.memref_squeeze %dma_start3A_39 : memref<1x128xi32, #tpu.memory_space<vmem>> -> memref<128xi32, #tpu.memory_space<vmem>>
    %dma_start3A_41 = arith.constant 0 : i32
    %dma_start3A_42 = arith.constant 0 : i32
    %dma_start3A_43 = tpu.memref_slice %arg3[%dma_start3A_41, %dma_start3A_42] : memref<10240x16xf32, #tpu.memory_space<hbm>> -> memref<10240x16xf32, #tpu.memory_space<hbm>>
    tpu.enqueue_indirect_dma source(%dma_start3A_43 : memref<10240x16xf32, #tpu.memory_space<hbm>>) target(%arg11 : memref<128x16xf32, #tpu.memory_space<vmem>>) offsets(%dma_start3A_40 : memref<128xi32, #tpu.memory_space<vmem>>) semaphore(%arg16 : memref<!tpu.dma_semaphore, #tpu.memory_space<semaphore_mem>>)
    %dma_start3A_44 = arith.constant 1 : i32
    %dma_start3A_45 = arith.constant 0 : i32
    %dma_start3A_46 = tpu.memref_slice %arg7[%dma_start3A_44, %dma_start3A_45] : memref<104x128xi32, #tpu.memory_space<vmem>> -> memref<1x128xi32, #tpu.memory_space<vmem>>
    %dma_start3A_47 = tpu.memref_squeeze %dma_start3A_46 : memref<1x128xi32, #tpu.memory_space<vmem>> -> memref<128xi32, #tpu.memory_space<vmem>>
    %dma_start3A_48 = arith.constant 0 : i32
    %dma_start3A_49 = arith.constant 0 : i32
    %dma_start3A_50 = tpu.memref_slice %arg2[%dma_start3A_48, %dma_start3A_49] : memref<10240x80xf32, #tpu.memory_space<hbm>> -> memref<10240x80xf32, #tpu.memory_space<hbm>>
    tpu.enqueue_indirect_dma source(%dma_start3A_50 : memref<10240x80xf32, #tpu.memory_space<hbm>>) target(%arg10 : memref<128x80xf32, #tpu.memory_space<vmem>>) offsets(%dma_start3A_47 : memref<128xi32, #tpu.memory_space<vmem>>) semaphore(%arg17 : memref<!tpu.dma_semaphore, #tpu.memory_space<semaphore_mem>>)
    %dma_start3A_51 = arith.constant 1 : i32
    %dma_start3A_52 = arith.constant 0 : i32
    %dma_start3A_53 = tpu.memref_slice %arg8[%dma_start3A_51, %dma_start3A_52] : memref<104x128xi32, #tpu.memory_space<vmem>> -> memref<1x128xi32, #tpu.memory_space<vmem>>
    %dma_start3A_54 = tpu.memref_squeeze %dma_start3A_53 : memref<1x128xi32, #tpu.memory_space<vmem>> -> memref<128xi32, #tpu.memory_space<vmem>>
    %dma_start3A_55 = arith.constant 0 : i32
    %dma_start3A_56 = arith.constant 0 : i32
    %dma_start3A_57 = tpu.memref_slice %arg3[%dma_start3A_55, %dma_start3A_56] : memref<10240x16xf32, #tpu.memory_space<hbm>> -> memref<10240x16xf32, #tpu.memory_space<hbm>>
    tpu.enqueue_indirect_dma source(%dma_start3A_57 : memref<10240x16xf32, #tpu.memory_space<hbm>>) target(%arg12 : memref<128x16xf32, #tpu.memory_space<vmem>>) offsets(%dma_start3A_54 : memref<128xi32, #tpu.memory_space<vmem>>) semaphore(%arg17 : memref<!tpu.dma_semaphore, #tpu.memory_space<semaphore_mem>>)
    %barrier3A = arith.constant 0 : index
    tpu.barrier barrier_id(%barrier3A)
    %jit3A = arith.constant 2 : i32
    %div3A = arith.divsi %add3A_1, %jit3A : i32
    %sign3A = arith.constant 0 : i32
    %sign3A_58 = arith.cmpi sgt, %add3A_1, %sign3A : i32
    %sign3A_59 = arith.extui %sign3A_58 : i1 to i32
    %sign3A_60 = arith.constant 0 : i32
    %sign3A_61 = arith.cmpi slt, %add3A_1, %sign3A_60 : i32
    %sign3A_62 = arith.extui %sign3A_61 : i1 to i32
    %sign3A_63 = arith.subi %sign3A_59, %sign3A_62 : i32
    %sign3A_64 = arith.constant 0 : i32
    %sign3A_65 = arith.cmpi sgt, %jit3A, %sign3A_64 : i32
    %sign3A_66 = arith.extui %sign3A_65 : i1 to i32
    %sign3A_67 = arith.constant 0 : i32
    %sign3A_68 = arith.cmpi slt, %jit3A, %sign3A_67 : i32
    %sign3A_69 = arith.extui %sign3A_68 : i1 to i32
    %sign3A_70 = arith.subi %sign3A_66, %sign3A_69 : i32
    %ne3A = arith.cmpi ne, %sign3A_63, %sign3A_70 : i32
    %rem3A = arith.remsi %add3A_1, %jit3A : i32
    %ne3A_71 = arith.constant 0 : i32
    %ne3A_72 = arith.cmpi ne, %rem3A, %ne3A_71 : i32
    %and3A = arith.andi %ne3A, %ne3A_72 : i1
    %sub3A = arith.constant 1 : i32
    %sub3A_73 = arith.subi %div3A, %sub3A : i32
    %select_n3A = arith.select %and3A, %sub3A_73, %div3A : i32
    %while3A = arith.constant 0 : i32
    %while3A_74 = arith.constant 0 : i32
    %while3A_75 = arith.subi %select_n3A, %while3A_74 : i32
    %while3A_76 = arith.addi %while3A_74, %while3A_75 : i32
    %while3A_77 = arith.constant 1 : i32
    %while3A_78 = arith.divsi %while3A_75, %while3A_77 : i32
    %while3A_79 = arith.muli %while3A_78, %while3A_77 : i32
    %while3A_80 = arith.addi %while3A_74, %while3A_79 : i32
    %while3A_81 = arith.constant 1 : i32
    scf.for %while3A_107 = %while3A_74 to %while3A_80 step %while3A_81  : i32 {
      %mul3A_108 = arith.constant 2 : i32
      %mul3A_109 = arith.muli %while3A_107, %mul3A_108 : i32
      %add3A_110 = arith.constant 0 : i32
      %add3A_111 = arith.addi %mul3A_109, %add3A_110 : i32
      %dma_wait3A_112 = arith.constant 0 : i32
      %dma_wait3A_113 = tpu.memref_slice %arg7[%add3A_111, %dma_wait3A_112] : memref<104x128xi32, #tpu.memory_space<vmem>> -> memref<1x128xi32, #tpu.memory_space<vmem>>
      %dma_wait3A_114 = tpu.memref_squeeze %dma_wait3A_113 : memref<1x128xi32, #tpu.memory_space<vmem>> -> memref<128xi32, #tpu.memory_space<vmem>>
      %dma_wait3A_115 = arith.constant 0 : i32
      %dma_wait3A_116 = arith.constant 0 : i32
      %dma_wait3A_117 = tpu.memref_slice %arg2[%dma_wait3A_115, %dma_wait3A_116] : memref<10240x80xf32, #tpu.memory_space<hbm>> -> memref<10240x80xf32, #tpu.memory_space<hbm>>
      tpu.wait_indirect_dma semaphore(%arg16 : memref<!tpu.dma_semaphore, #tpu.memory_space<semaphore_mem>>) src(%dma_wait3A_117 : memref<10240x80xf32, #tpu.memory_space<hbm>>) dst(%arg9 : memref<128x80xf32, #tpu.memory_space<vmem>>)
      %dma_wait3A_118 = arith.constant 0 : i32
      %dma_wait3A_119 = tpu.memref_slice %arg8[%add3A_111, %dma_wait3A_118] : memref<104x128xi32, #tpu.memory_space<vmem>> -> memref<1x128xi32, #tpu.memory_space<vmem>>
      %dma_wait3A_120 = tpu.memref_squeeze %dma_wait3A_119 : memref<1x128xi32, #tpu.memory_space<vmem>> -> memref<128xi32, #tpu.memory_space<vmem>>
      %dma_wait3A_121 = arith.constant 0 : i32
      %dma_wait3A_122 = arith.constant 0 : i32
      %dma_wait3A_123 = tpu.memref_slice %arg3[%dma_wait3A_121, %dma_wait3A_122] : memref<10240x16xf32, #tpu.memory_space<hbm>> -> memref<10240x16xf32, #tpu.memory_space<hbm>>
      tpu.wait_indirect_dma semaphore(%arg16 : memref<!tpu.dma_semaphore, #tpu.memory_space<semaphore_mem>>) src(%dma_wait3A_123 : memref<10240x16xf32, #tpu.memory_space<hbm>>) dst(%arg11 : memref<128x16xf32, #tpu.memory_space<vmem>>)
      %ge3A = arith.constant 1 : i32
      %ge3A_124 = arith.cmpi sge, %while3A_107, %ge3A : i32
      %convert_element_type3A = arith.extui %ge3A_124 : i1 to i32
      %cond3A = arith.constant 0 : i32
      %cond3A_125 = arith.cmpi ne, %convert_element_type3A, %cond3A : i32
      scf.if %cond3A_125 {
        %sub3A_182 = arith.constant 2 : i32
        %sub3A_183 = arith.subi %add3A_111, %sub3A_182 : i32
        %dma_wait3A_184 = arith.constant 0 : i32
        %dma_wait3A_185 = tpu.memref_slice %arg8[%sub3A_183, %dma_wait3A_184] : memref<104x128xi32, #tpu.memory_space<vmem>> -> memref<1x128xi32, #tpu.memory_space<vmem>>
        %dma_wait3A_186 = tpu.memref_squeeze %dma_wait3A_185 : memref<1x128xi32, #tpu.memory_space<vmem>> -> memref<128xi32, #tpu.memory_space<vmem>>
        %dma_wait3A_187 = arith.constant 0 : i32
        %dma_wait3A_188 = arith.constant 0 : i32
        %dma_wait3A_189 = tpu.memref_slice %arg15[%dma_wait3A_187, %dma_wait3A_188] : memref<10240x80xf32, #tpu.memory_space<vmem_shared>> -> memref<10240x80xf32, #tpu.memory_space<vmem_shared>>
        tpu.wait_indirect_dma semaphore(%arg18 : memref<!tpu.dma_semaphore, #tpu.memory_space<semaphore_mem>>) src(%arg13 : memref<128x80xf32, #tpu.memory_space<vmem>>) dst(%dma_wait3A_189 : memref<10240x80xf32, #tpu.memory_space<vmem_shared>>)
      } else {
      }
      %scan3A_126 = arith.constant 0 : i32
      %scan3A_127 = arith.constant 0 : i32
      %scan3A_128 = arith.constant 32 : i32
      %scan3A_129 = arith.addi %scan3A_127, %scan3A_128 : i32
      %scan3A_130 = arith.constant 1 : i32
      scf.for %scan3A_182 = %scan3A_127 to %scan3A_129 step %scan3A_130  : i32 {
        %mul3A_183 = arith.constant 4 : i32
        %mul3A_184 = arith.muli %scan3A_182, %mul3A_183 : i32
        %add3A_185 = arith.constant 0 : i32
        %add3A_186 = arith.addi %mul3A_184, %add3A_185 : i32
        %get3A = arith.index_cast %add3A_186 : i32 to index
        %get3A_187 = arith.constant 64 : index
        %get3A_188 = tpu.vector_load %arg9[%get3A, %get3A_187] {strides = array<i32>} : memref<128x80xf32, #tpu.memory_space<vmem>>, vector<16xf32>,
        %get3A_189 = arith.index_cast %add3A_186 : i32 to index
        %get3A_190 = arith.constant 0 : index
        %get3A_191 = tpu.vector_load %arg11[%get3A_189, %get3A_190] {strides = array<i32>} : memref<128x16xf32, #tpu.memory_space<vmem>>, vector<16xf32>,
        %add3A_192 = arith.addf %get3A_188, %get3A_191 : vector<16xf32>
        %mul3A_193 = arith.constant 2.000000e-01 : f32
        %mul3A_194 = vector.broadcast %mul3A_193 : f32 to vector<16xf32>
        %mul3A_195 = arith.mulf %mul3A_194, %add3A_192 : vector<16xf32>
        %max3A = arith.maximumf %add3A_192, %mul3A_195 : vector<16xf32>
        %exp3A = math.exp %max3A : vector<16xf32>
        %swap3A = arith.index_cast %add3A_186 : i32 to index
        %swap3A_196 = arith.constant 64 : index
        %swap3A_197 = tpu.vector_load %arg13[%swap3A, %swap3A_196] {strides = array<i32>} : memref<128x80xf32, #tpu.memory_space<vmem>>, vector<16xf32>,
        tpu.vector_store %arg13[%swap3A, %swap3A_196], %exp3A {strides = array<i32>} : memref<128x80xf32, #tpu.memory_space<vmem>>, vector<16xf32>,
        %iota3A = tpu.iota {dimensions = array<i32: 0>} : vector<16xi32>
        %shift_right_arithmetic3A = arith.constant 3 : i32
        %shift_right_arithmetic3A_198 = vector.broadcast %shift_right_arithmetic3A : i32 to vector<16xi32>
        %shift_right_arithmetic3A_199 = arith.shrsi %iota3A, %shift_right_arithmetic3A_198 : vector<16xi32>
        %add3A_200 = arith.constant 0 : i32
        %add3A_201 = vector.broadcast %add3A_200 : i32 to vector<16xi32>
        %add3A_202 = arith.addi %shift_right_arithmetic3A_199, %add3A_201 : vector<16xi32>
        %broadcast_in_dim3A = vector.shape_cast %add3A_202 : vector<16xi32> to vector<16x1xi32>
        %gather3A = vector.shape_cast %broadcast_in_dim3A : vector<16x1xi32> to vector<16xi32>
        %gather3A_203 = tpu.dynamic_gather %exp3A[%gather3A] in [0] : vector<16xf32>, vector<16xi32> -> vector<16xf32>
        %get3A_204 = arith.index_cast %add3A_186 : i32 to index
        %get3A_205 = arith.constant 0 : index
        %get3A_206 = tpu.vector_load %arg9[%get3A_204, %get3A_205] {strides = array<i32>} : memref<128x80xf32, #tpu.memory_space<vmem>>, vector<16xf32>,
        %mul3A_207 = arith.mulf %get3A_206, %gather3A_203 : vector<16xf32>
        %swap3A_208 = arith.index_cast %add3A_186 : i32 to index
        %swap3A_209 = arith.constant 0 : index
        %swap3A_210 = tpu.vector_load %arg13[%swap3A_208, %swap3A_209] {strides = array<i32>} : memref<128x80xf32, #tpu.memory_space<vmem>>, vector<16xf32>,
        tpu.vector_store %arg13[%swap3A_208, %swap3A_209], %mul3A_207 {strides = array<i32>} : memref<128x80xf32, #tpu.memory_space<vmem>>, vector<16xf32>,
        %iota3A_211 = tpu.iota {dimensions = array<i32: 0>} : vector<16xi32>
        %shift_right_arithmetic3A_212 = arith.constant 3 : i32
        %shift_right_arithmetic3A_213 = vector.broadcast %shift_right_arithmetic3A_212 : i32 to vector<16xi32>
        %shift_right_arithmetic3A_214 = arith.shrsi %iota3A_211, %shift_right_arithmetic3A_213 : vector<16xi32>
        %add3A_215 = arith.constant 2 : i32
        %add3A_216 = vector.broadcast %add3A_215 : i32 to vector<16xi32>
        %add3A_217 = arith.addi %shift_right_arithmetic3A_214, %add3A_216 : vector<16xi32>
        %broadcast_in_dim3A_218 = vector.shape_cast %add3A_217 : vector<16xi32> to vector<16x1xi32>
        %gather3A_219 = vector.shape_cast %broadcast_in_dim3A_218 : vector<16x1xi32> to vector<16xi32>
        %gather3A_220 = tpu.dynamic_gather %exp3A[%gather3A_219] in [0] : vector<16xf32>, vector<16xi32> -> vector<16xf32>
        %get3A_221 = arith.index_cast %add3A_186 : i32 to index
        %get3A_222 = arith.constant 16 : index
        %get3A_223 = tpu.vector_load %arg9[%get3A_221, %get3A_222] {strides = array<i32>} : memref<128x80xf32, #tpu.memory_space<vmem>>, vector<16xf32>,
        %mul3A_224 = arith.mulf %get3A_223, %gather3A_220 : vector<16xf32>
        %swap3A_225 = arith.index_cast %add3A_186 : i32 to index
        %swap3A_226 = arith.constant 16 : index
        %swap3A_227 = tpu.vector_load %arg13[%swap3A_225, %swap3A_226] {strides = array<i32>} : memref<128x80xf32, #tpu.memory_space<vmem>>, vector<16xf32>,
        tpu.vector_store %arg13[%swap3A_225, %swap3A_226], %mul3A_224 {strides = array<i32>} : memref<128x80xf32, #tpu.memory_space<vmem>>, vector<16xf32>,
        %iota3A_228 = tpu.iota {dimensions = array<i32: 0>} : vector<16xi32>
        %shift_right_arithmetic3A_229 = arith.constant 3 : i32
        %shift_right_arithmetic3A_230 = vector.broadcast %shift_right_arithmetic3A_229 : i32 to vector<16xi32>
        %shift_right_arithmetic3A_231 = arith.shrsi %iota3A_228, %shift_right_arithmetic3A_230 : vector<16xi32>
        %add3A_232 = arith.constant 4 : i32
        %add3A_233 = vector.broadcast %add3A_232 : i32 to vector<16xi32>
        %add3A_234 = arith.addi %shift_right_arithmetic3A_231, %add3A_233 : vector<16xi32>
        %broadcast_in_dim3A_235 = vector.shape_cast %add3A_234 : vector<16xi32> to vector<16x1xi32>
        %gather3A_236 = vector.shape_cast %broadcast_in_dim3A_235 : vector<16x1xi32> to vector<16xi32>
        %gather3A_237 = tpu.dynamic_gather %exp3A[%gather3A_236] in [0] : vector<16xf32>, vector<16xi32> -> vector<16xf32>
        %get3A_238 = arith.index_cast %add3A_186 : i32 to index
        %get3A_239 = arith.constant 32 : index
        %get3A_240 = tpu.vector_load %arg9[%get3A_238, %get3A_239] {strides = array<i32>} : memref<128x80xf32, #tpu.memory_space<vmem>>, vector<16xf32>,
        %mul3A_241 = arith.mulf %get3A_240, %gather3A_237 : vector<16xf32>
        %swap3A_242 = arith.index_cast %add3A_186 : i32 to index
        %swap3A_243 = arith.constant 32 : index
        %swap3A_244 = tpu.vector_load %arg13[%swap3A_242, %swap3A_243] {strides = array<i32>} : memref<128x80xf32, #tpu.memory_space<vmem>>, vector<16xf32>,
        tpu.vector_store %arg13[%swap3A_242, %swap3A_243], %mul3A_241 {strides = array<i32>} : memref<128x80xf32, #tpu.memory_space<vmem>>, vector<16xf32>,
        %iota3A_245 = tpu.iota {dimensions = array<i32: 0>} : vector<16xi32>
        %shift_right_arithmetic3A_246 = arith.constant 3 : i32
        %shift_right_arithmetic3A_247 = vector.broadcast %shift_right_arithmetic3A_246 : i32 to vector<16xi32>
        %shift_right_arithmetic3A_248 = arith.shrsi %iota3A_245, %shift_right_arithmetic3A_247 : vector<16xi32>
        %add3A_249 = arith.constant 6 : i32
        %add3A_250 = vector.broadcast %add3A_249 : i32 to vector<16xi32>
        %add3A_251 = arith.addi %shift_right_arithmetic3A_248, %add3A_250 : vector<16xi32>
        %broadcast_in_dim3A_252 = vector.shape_cast %add3A_251 : vector<16xi32> to vector<16x1xi32>
        %gather3A_253 = vector.shape_cast %broadcast_in_dim3A_252 : vector<16x1xi32> to vector<16xi32>
        %gather3A_254 = tpu.dynamic_gather %exp3A[%gather3A_253] in [0] : vector<16xf32>, vector<16xi32> -> vector<16xf32>
        %get3A_255 = arith.index_cast %add3A_186 : i32 to index
        %get3A_256 = arith.constant 48 : index
        %get3A_257 = tpu.vector_load %arg9[%get3A_255, %get3A_256] {strides = array<i32>} : memref<128x80xf32, #tpu.memory_space<vmem>>, vector<16xf32>,
        %mul3A_258 = arith.mulf %get3A_257, %gather3A_254 : vector<16xf32>
        %swap3A_259 = arith.index_cast %add3A_186 : i32 to index
        %swap3A_260 = arith.constant 48 : index
        %swap3A_261 = tpu.vector_load %arg13[%swap3A_259, %swap3A_260] {strides = array<i32>} : memref<128x80xf32, #tpu.memory_space<vmem>>, vector<16xf32>,
        tpu.vector_store %arg13[%swap3A_259, %swap3A_260], %mul3A_258 {strides = array<i32>} : memref<128x80xf32, #tpu.memory_space<vmem>>, vector<16xf32>,
        %mul3A_262 = arith.constant 4 : i32
        %mul3A_263 = arith.muli %scan3A_182, %mul3A_262 : i32
        %add3A_264 = arith.constant 1 : i32
        %add3A_265 = arith.addi %mul3A_263, %add3A_264 : i32
        %get3A_266 = arith.index_cast %add3A_265 : i32 to index
        %get3A_267 = arith.constant 64 : index
        %get3A_268 = tpu.vector_load %arg9[%get3A_266, %get3A_267] {strides = array<i32>} : memref<128x80xf32, #tpu.memory_space<vmem>>, vector<16xf32>,
        %get3A_269 = arith.index_cast %add3A_265 : i32 to index
        %get3A_270 = arith.constant 0 : index
        %get3A_271 = tpu.vector_load %arg11[%get3A_269, %get3A_270] {strides = array<i32>} : memref<128x16xf32, #tpu.memory_space<vmem>>, vector<16xf32>,
        %add3A_272 = arith.addf %get3A_268, %get3A_271 : vector<16xf32>
        %mul3A_273 = arith.constant 2.000000e-01 : f32
        %mul3A_274 = vector.broadcast %mul3A_273 : f32 to vector<16xf32>
        %mul3A_275 = arith.mulf %mul3A_274, %add3A_272 : vector<16xf32>
        %max3A_276 = arith.maximumf %add3A_272, %mul3A_275 : vector<16xf32>
        %exp3A_277 = math.exp %max3A_276 : vector<16xf32>
        %swap3A_278 = arith.index_cast %add3A_265 : i32 to index
        %swap3A_279 = arith.constant 64 : index
        %swap3A_280 = tpu.vector_load %arg13[%swap3A_278, %swap3A_279] {strides = array<i32>} : memref<128x80xf32, #tpu.memory_space<vmem>>, vector<16xf32>,
        tpu.vector_store %arg13[%swap3A_278, %swap3A_279], %exp3A_277 {strides = array<i32>} : memref<128x80xf32, #tpu.memory_space<vmem>>, vector<16xf32>,
        %iota3A_281 = tpu.iota {dimensions = array<i32: 0>} : vector<16xi32>
        %shift_right_arithmetic3A_282 = arith.constant 3 : i32
        %shift_right_arithmetic3A_283 = vector.broadcast %shift_right_arithmetic3A_282 : i32 to vector<16xi32>
        %shift_right_arithmetic3A_284 = arith.shrsi %iota3A_281, %shift_right_arithmetic3A_283 : vector<16xi32>
        %add3A_285 = arith.constant 0 : i32
        %add3A_286 = vector.broadcast %add3A_285 : i32 to vector<16xi32>
        %add3A_287 = arith.addi %shift_right_arithmetic3A_284, %add3A_286 : vector<16xi32>
        %broadcast_in_dim3A_288 = vector.shape_cast %add3A_287 : vector<16xi32> to vector<16x1xi32>
        %gather3A_289 = vector.shape_cast %broadcast_in_dim3A_288 : vector<16x1xi32> to vector<16xi32>
        %gather3A_290 = tpu.dynamic_gather %exp3A_277[%gather3A_289] in [0] : vector<16xf32>, vector<16xi32> -> vector<16xf32>
        %get3A_291 = arith.index_cast %add3A_265 : i32 to index
        %get3A_292 = arith.constant 0 : index
        %get3A_293 = tpu.vector_load %arg9[%get3A_291, %get3A_292] {strides = array<i32>} : memref<128x80xf32, #tpu.memory_space<vmem>>, vector<16xf32>,
        %mul3A_294 = arith.mulf %get3A_293, %gather3A_290 : vector<16xf32>
        %swap3A_295 = arith.index_cast %add3A_265 : i32 to index
        %swap3A_296 = arith.constant 0 : index
        %swap3A_297 = tpu.vector_load %arg13[%swap3A_295, %swap3A_296] {strides = array<i32>} : memref<128x80xf32, #tpu.memory_space<vmem>>, vector<16xf32>,
        tpu.vector_store %arg13[%swap3A_295, %swap3A_296], %mul3A_294 {strides = array<i32>} : memref<128x80xf32, #tpu.memory_space<vmem>>, vector<16xf32>,
        %iota3A_298 = tpu.iota {dimensions = array<i32: 0>} : vector<16xi32>
        %shift_right_arithmetic3A_299 = arith.constant 3 : i32
        %shift_right_arithmetic3A_300 = vector.broadcast %shift_right_arithmetic3A_299 : i32 to vector<16xi32>
        %shift_right_arithmetic3A_301 = arith.shrsi %iota3A_298, %shift_right_arithmetic3A_300 : vector<16xi32>
        %add3A_302 = arith.constant 2 : i32
        %add3A_303 = vector.broadcast %add3A_302 : i32 to vector<16xi32>
        %add3A_304 = arith.addi %shift_right_arithmetic3A_301, %add3A_303 : vector<16xi32>
        %broadcast_in_dim3A_305 = vector.shape_cast %add3A_304 : vector<16xi32> to vector<16x1xi32>
        %gather3A_306 = vector.shape_cast %broadcast_in_dim3A_305 : vector<16x1xi32> to vector<16xi32>
        %gather3A_307 = tpu.dynamic_gather %exp3A_277[%gather3A_306] in [0] : vector<16xf32>, vector<16xi32> -> vector<16xf32>
        %get3A_308 = arith.index_cast %add3A_265 : i32 to index
        %get3A_309 = arith.constant 16 : index
        %get3A_310 = tpu.vector_load %arg9[%get3A_308, %get3A_309] {strides = array<i32>} : memref<128x80xf32, #tpu.memory_space<vmem>>, vector<16xf32>,
        %mul3A_311 = arith.mulf %get3A_310, %gather3A_307 : vector<16xf32>
        %swap3A_312 = arith.index_cast %add3A_265 : i32 to index
        %swap3A_313 = arith.constant 16 : index
        %swap3A_314 = tpu.vector_load %arg13[%swap3A_312, %swap3A_313] {strides = array<i32>} : memref<128x80xf32, #tpu.memory_space<vmem>>, vector<16xf32>,
        tpu.vector_store %arg13[%swap3A_312, %swap3A_313], %mul3A_311 {strides = array<i32>} : memref<128x80xf32, #tpu.memory_space<vmem>>, vector<16xf32>,
        %iota3A_315 = tpu.iota {dimensions = array<i32: 0>} : vector<16xi32>
        %shift_right_arithmetic3A_316 = arith.constant 3 : i32
        %shift_right_arithmetic3A_317 = vector.broadcast %shift_right_arithmetic3A_316 : i32 to vector<16xi32>
        %shift_right_arithmetic3A_318 = arith.shrsi %iota3A_315, %shift_right_arithmetic3A_317 : vector<16xi32>
        %add3A_319 = arith.constant 4 : i32
        %add3A_320 = vector.broadcast %add3A_319 : i32 to vector<16xi32>
        %add3A_321 = arith.addi %shift_right_arithmetic3A_318, %add3A_320 : vector<16xi32>
        %broadcast_in_dim3A_322 = vector.shape_cast %add3A_321 : vector<16xi32> to vector<16x1xi32>
        %gather3A_323 = vector.shape_cast %broadcast_in_dim3A_322 : vector<16x1xi32> to vector<16xi32>
        %gather3A_324 = tpu.dynamic_gather %exp3A_277[%gather3A_323] in [0] : vector<16xf32>, vector<16xi32> -> vector<16xf32>
        %get3A_325 = arith.index_cast %add3A_265 : i32 to index
        %get3A_326 = arith.constant 32 : index
        %get3A_327 = tpu.vector_load %arg9[%get3A_325, %get3A_326] {strides = array<i32>} : memref<128x80xf32, #tpu.memory_space<vmem>>, vector<16xf32>,
        %mul3A_328 = arith.mulf %get3A_327, %gather3A_324 : vector<16xf32>
        %swap3A_329 = arith.index_cast %add3A_265 : i32 to index
        %swap3A_330 = arith.constant 32 : index
        %swap3A_331 = tpu.vector_load %arg13[%swap3A_329, %swap3A_330] {strides = array<i32>} : memref<128x80xf32, #tpu.memory_space<vmem>>, vector<16xf32>,
        tpu.vector_store %arg13[%swap3A_329, %swap3A_330], %mul3A_328 {strides = array<i32>} : memref<128x80xf32, #tpu.memory_space<vmem>>, vector<16xf32>,
        %iota3A_332 = tpu.iota {dimensions = array<i32: 0>} : vector<16xi32>
        %shift_right_arithmetic3A_333 = arith.constant 3 : i32
        %shift_right_arithmetic3A_334 = vector.broadcast %shift_right_arithmetic3A_333 : i32 to vector<16xi32>
        %shift_right_arithmetic3A_335 = arith.shrsi %iota3A_332, %shift_right_arithmetic3A_334 : vector<16xi32>
        %add3A_336 = arith.constant 6 : i32
        %add3A_337 = vector.broadcast %add3A_336 : i32 to vector<16xi32>
        %add3A_338 = arith.addi %shift_right_arithmetic3A_335, %add3A_337 : vector<16xi32>
        %broadcast_in_dim3A_339 = vector.shape_cast %add3A_338 : vector<16xi32> to vector<16x1xi32>
        %gather3A_340 = vector.shape_cast %broadcast_in_dim3A_339 : vector<16x1xi32> to vector<16xi32>
        %gather3A_341 = tpu.dynamic_gather %exp3A_277[%gather3A_340] in [0] : vector<16xf32>, vector<16xi32> -> vector<16xf32>
        %get3A_342 = arith.index_cast %add3A_265 : i32 to index
        %get3A_343 = arith.constant 48 : index
        %get3A_344 = tpu.vector_load %arg9[%get3A_342, %get3A_343] {strides = array<i32>} : memref<128x80xf32, #tpu.memory_space<vmem>>, vector<16xf32>,
        %mul3A_345 = arith.mulf %get3A_344, %gather3A_341 : vector<16xf32>
        %swap3A_346 = arith.index_cast %add3A_265 : i32 to index
        %swap3A_347 = arith.constant 48 : index
        %swap3A_348 = tpu.vector_load %arg13[%swap3A_346, %swap3A_347] {strides = array<i32>} : memref<128x80xf32, #tpu.memory_space<vmem>>, vector<16xf32>,
        tpu.vector_store %arg13[%swap3A_346, %swap3A_347], %mul3A_345 {strides = array<i32>} : memref<128x80xf32, #tpu.memory_space<vmem>>, vector<16xf32>,
        %mul3A_349 = arith.constant 4 : i32
        %mul3A_350 = arith.muli %scan3A_182, %mul3A_349 : i32
        %add3A_351 = arith.constant 2 : i32
        %add3A_352 = arith.addi %mul3A_350, %add3A_351 : i32
        %get3A_353 = arith.index_cast %add3A_352 : i32 to index
        %get3A_354 = arith.constant 64 : index
        %get3A_355 = tpu.vector_load %arg9[%get3A_353, %get3A_354] {strides = array<i32>} : memref<128x80xf32, #tpu.memory_space<vmem>>, vector<16xf32>,
        %get3A_356 = arith.index_cast %add3A_352 : i32 to index
        %get3A_357 = arith.constant 0 : index
        %get3A_358 = tpu.vector_load %arg11[%get3A_356, %get3A_357] {strides = array<i32>} : memref<128x16xf32, #tpu.memory_space<vmem>>, vector<16xf32>,
        %add3A_359 = arith.addf %get3A_355, %get3A_358 : vector<16xf32>
        %mul3A_360 = arith.constant 2.000000e-01 : f32
        %mul3A_361 = vector.broadcast %mul3A_360 : f32 to vector<16xf32>
        %mul3A_362 = arith.mulf %mul3A_361, %add3A_359 : vector<16xf32>
        %max3A_363 = arith.maximumf %add3A_359, %mul3A_362 : vector<16xf32>
        %exp3A_364 = math.exp %max3A_363 : vector<16xf32>
        %swap3A_365 = arith.index_cast %add3A_352 : i32 to index
        %swap3A_366 = arith.constant 64 : index
        %swap3A_367 = tpu.vector_load %arg13[%swap3A_365, %swap3A_366] {strides = array<i32>} : memref<128x80xf32, #tpu.memory_space<vmem>>, vector<16xf32>,
        tpu.vector_store %arg13[%swap3A_365, %swap3A_366], %exp3A_364 {strides = array<i32>} : memref<128x80xf32, #tpu.memory_space<vmem>>, vector<16xf32>,
        %iota3A_368 = tpu.iota {dimensions = array<i32: 0>} : vector<16xi32>
        %shift_right_arithmetic3A_369 = arith.constant 3 : i32
        %shift_right_arithmetic3A_370 = vector.broadcast %shift_right_arithmetic3A_369 : i32 to vector<16xi32>
        %shift_right_arithmetic3A_371 = arith.shrsi %iota3A_368, %shift_right_arithmetic3A_370 : vector<16xi32>
        %add3A_372 = arith.constant 0 : i32
        %add3A_373 = vector.broadcast %add3A_372 : i32 to vector<16xi32>
        %add3A_374 = arith.addi %shift_right_arithmetic3A_371, %add3A_373 : vector<16xi32>
        %broadcast_in_dim3A_375 = vector.shape_cast %add3A_374 : vector<16xi32> to vector<16x1xi32>
        %gather3A_376 = vector.shape_cast %broadcast_in_dim3A_375 : vector<16x1xi32> to vector<16xi32>
        %gather3A_377 = tpu.dynamic_gather %exp3A_364[%gather3A_376] in [0] : vector<16xf32>, vector<16xi32> -> vector<16xf32>
        %get3A_378 = arith.index_cast %add3A_352 : i32 to index
        %get3A_379 = arith.constant 0 : index
        %get3A_380 = tpu.vector_load %arg9[%get3A_378, %get3A_379] {strides = array<i32>} : memref<128x80xf32, #tpu.memory_space<vmem>>, vector<16xf32>,
        %mul3A_381 = arith.mulf %get3A_380, %gather3A_377 : vector<16xf32>
        %swap3A_382 = arith.index_cast %add3A_352 : i32 to index
        %swap3A_383 = arith.constant 0 : index
        %swap3A_384 = tpu.vector_load %arg13[%swap3A_382, %swap3A_383] {strides = array<i32>} : memref<128x80xf32, #tpu.memory_space<vmem>>, vector<16xf32>,
        tpu.vector_store %arg13[%swap3A_382, %swap3A_383], %mul3A_381 {strides = array<i32>} : memref<128x80xf32, #tpu.memory_space<vmem>>, vector<16xf32>,
        %iota3A_385 = tpu.iota {dimensions = array<i32: 0>} : vector<16xi32>
        %shift_right_arithmetic3A_386 = arith.constant 3 : i32
        %shift_right_arithmetic3A_387 = vector.broadcast %shift_right_arithmetic3A_386 : i32 to vector<16xi32>
        %shift_right_arithmetic3A_388 = arith.shrsi %iota3A_385, %shift_right_arithmetic3A_387 : vector<16xi32>
        %add3A_389 = arith.constant 2 : i32
        %add3A_390 = vector.broadcast %add3A_389 : i32 to vector<16xi32>
        %add3A_391 = arith.addi %shift_right_arithmetic3A_388, %add3A_390 : vector<16xi32>
        %broadcast_in_dim3A_392 = vector.shape_cast %add3A_391 : vector<16xi32> to vector<16x1xi32>
        %gather3A_393 = vector.shape_cast %broadcast_in_dim3A_392 : vector<16x1xi32> to vector<16xi32>
        %gather3A_394 = tpu.dynamic_gather %exp3A_364[%gather3A_393] in [0] : vector<16xf32>, vector<16xi32> -> vector<16xf32>
        %get3A_395 = arith.index_cast %add3A_352 : i32 to index
        %get3A_396 = arith.constant 16 : index
        %get3A_397 = tpu.vector_load %arg9[%get3A_395, %get3A_396] {strides = array<i32>} : memref<128x80xf32, #tpu.memory_space<vmem>>, vector<16xf32>,
        %mul3A_398 = arith.mulf %get3A_397, %gather3A_394 : vector<16xf32>
        %swap3A_399 = arith.index_cast %add3A_352 : i32 to index
        %swap3A_400 = arith.constant 16 : index
        %swap3A_401 = tpu.vector_load %arg13[%swap3A_399, %swap3A_400] {strides = array<i32>} : memref<128x80xf32, #tpu.memory_space<vmem>>, vector<16xf32>,
        tpu.vector_store %arg13[%swap3A_399, %swap3A_400], %mul3A_398 {strides = array<i32>} : memref<128x80xf32, #tpu.memory_space<vmem>>, vector<16xf32>,
        %iota3A_402 = tpu.iota {dimensions = array<i32: 0>} : vector<16xi32>
        %shift_right_arithmetic3A_403 = arith.constant 3 : i32
        %shift_right_arithmetic3A_404 = vector.broadcast %shift_right_arithmetic3A_403 : i32 to vector<16xi32>
        %shift_right_arithmetic3A_405 = arith.shrsi %iota3A_402, %shift_right_arithmetic3A_404 : vector<16xi32>
        %add3A_406 = arith.constant 4 : i32
        %add3A_407 = vector.broadcast %add3A_406 : i32 to vector<16xi32>
        %add3A_408 = arith.addi %shift_right_arithmetic3A_405, %add3A_407 : vector<16xi32>
        %broadcast_in_dim3A_409 = vector.shape_cast %add3A_408 : vector<16xi32> to vector<16x1xi32>
        %gather3A_410 = vector.shape_cast %broadcast_in_dim3A_409 : vector<16x1xi32> to vector<16xi32>
        %gather3A_411 = tpu.dynamic_gather %exp3A_364[%gather3A_410] in [0] : vector<16xf32>, vector<16xi32> -> vector<16xf32>
        %get3A_412 = arith.index_cast %add3A_352 : i32 to index
        %get3A_413 = arith.constant 32 : index
        %get3A_414 = tpu.vector_load %arg9[%get3A_412, %get3A_413] {strides = array<i32>} : memref<128x80xf32, #tpu.memory_space<vmem>>, vector<16xf32>,
        %mul3A_415 = arith.mulf %get3A_414, %gather3A_411 : vector<16xf32>
        %swap3A_416 = arith.index_cast %add3A_352 : i32 to index
        %swap3A_417 = arith.constant 32 : index
        %swap3A_418 = tpu.vector_load %arg13[%swap3A_416, %swap3A_417] {strides = array<i32>} : memref<128x80xf32, #tpu.memory_space<vmem>>, vector<16xf32>,
        tpu.vector_store %arg13[%swap3A_416, %swap3A_417], %mul3A_415 {strides = array<i32>} : memref<128x80xf32, #tpu.memory_space<vmem>>, vector<16xf32>,
        %iota3A_419 = tpu.iota {dimensions = array<i32: 0>} : vector<16xi32>
        %shift_right_arithmetic3A_420 = arith.constant 3 : i32
        %shift_right_arithmetic3A_421 = vector.broadcast %shift_right_arithmetic3A_420 : i32 to vector<16xi32>
        %shift_right_arithmetic3A_422 = arith.shrsi %iota3A_419, %shift_right_arithmetic3A_421 : vector<16xi32>
        %add3A_423 = arith.constant 6 : i32
        %add3A_424 = vector.broadcast %add3A_423 : i32 to vector<16xi32>
        %add3A_425 = arith.addi %shift_right_arithmetic3A_422, %add3A_424 : vector<16xi32>
        %broadcast_in_dim3A_426 = vector.shape_cast %add3A_425 : vector<16xi32> to vector<16x1xi32>
        %gather3A_427 = vector.shape_cast %broadcast_in_dim3A_426 : vector<16x1xi32> to vector<16xi32>
        %gather3A_428 = tpu.dynamic_gather %exp3A_364[%gather3A_427] in [0] : vector<16xf32>, vector<16xi32> -> vector<16xf32>
        %get3A_429 = arith.index_cast %add3A_352 : i32 to index
        %get3A_430 = arith.constant 48 : index
        %get3A_431 = tpu.vector_load %arg9[%get3A_429, %get3A_430] {strides = array<i32>} : memref<128x80xf32, #tpu.memory_space<vmem>>, vector<16xf32>,
        %mul3A_432 = arith.mulf %get3A_431, %gather3A_428 : vector<16xf32>
        %swap3A_433 = arith.index_cast %add3A_352 : i32 to index
        %swap3A_434 = arith.constant 48 : index
        %swap3A_435 = tpu.vector_load %arg13[%swap3A_433, %swap3A_434] {strides = array<i32>} : memref<128x80xf32, #tpu.memory_space<vmem>>, vector<16xf32>,
        tpu.vector_store %arg13[%swap3A_433, %swap3A_434], %mul3A_432 {strides = array<i32>} : memref<128x80xf32, #tpu.memory_space<vmem>>, vector<16xf32>,
        %mul3A_436 = arith.constant 4 : i32
        %mul3A_437 = arith.muli %scan3A_182, %mul3A_436 : i32
        %add3A_438 = arith.constant 3 : i32
        %add3A_439 = arith.addi %mul3A_437, %add3A_438 : i32
        %get3A_440 = arith.index_cast %add3A_439 : i32 to index
        %get3A_441 = arith.constant 64 : index
        %get3A_442 = tpu.vector_load %arg9[%get3A_440, %get3A_441] {strides = array<i32>} : memref<128x80xf32, #tpu.memory_space<vmem>>, vector<16xf32>,
        %get3A_443 = arith.index_cast %add3A_439 : i32 to index
        %get3A_444 = arith.constant 0 : index
        %get3A_445 = tpu.vector_load %arg11[%get3A_443, %get3A_444] {strides = array<i32>} : memref<128x16xf32, #tpu.memory_space<vmem>>, vector<16xf32>,
        %add3A_446 = arith.addf %get3A_442, %get3A_445 : vector<16xf32>
        %mul3A_447 = arith.constant 2.000000e-01 : f32
        %mul3A_448 = vector.broadcast %mul3A_447 : f32 to vector<16xf32>
        %mul3A_449 = arith.mulf %mul3A_448, %add3A_446 : vector<16xf32>
        %max3A_450 = arith.maximumf %add3A_446, %mul3A_449 : vector<16xf32>
        %exp3A_451 = math.exp %max3A_450 : vector<16xf32>
        %swap3A_452 = arith.index_cast %add3A_439 : i32 to index
        %swap3A_453 = arith.constant 64 : index
        %swap3A_454 = tpu.vector_load %arg13[%swap3A_452, %swap3A_453] {strides = array<i32>} : memref<128x80xf32, #tpu.memory_space<vmem>>, vector<16xf32>,
        tpu.vector_store %arg13[%swap3A_452, %swap3A_453], %exp3A_451 {strides = array<i32>} : memref<128x80xf32, #tpu.memory_space<vmem>>, vector<16xf32>,
        %iota3A_455 = tpu.iota {dimensions = array<i32: 0>} : vector<16xi32>
        %shift_right_arithmetic3A_456 = arith.constant 3 : i32
        %shift_right_arithmetic3A_457 = vector.broadcast %shift_right_arithmetic3A_456 : i32 to vector<16xi32>
        %shift_right_arithmetic3A_458 = arith.shrsi %iota3A_455, %shift_right_arithmetic3A_457 : vector<16xi32>
        %add3A_459 = arith.constant 0 : i32
        %add3A_460 = vector.broadcast %add3A_459 : i32 to vector<16xi32>
        %add3A_461 = arith.addi %shift_right_arithmetic3A_458, %add3A_460 : vector<16xi32>
        %broadcast_in_dim3A_462 = vector.shape_cast %add3A_461 : vector<16xi32> to vector<16x1xi32>
        %gather3A_463 = vector.shape_cast %broadcast_in_dim3A_462 : vector<16x1xi32> to vector<16xi32>
        %gather3A_464 = tpu.dynamic_gather %exp3A_451[%gather3A_463] in [0] : vector<16xf32>, vector<16xi32> -> vector<16xf32>
        %get3A_465 = arith.index_cast %add3A_439 : i32 to index
        %get3A_466 = arith.constant 0 : index
        %get3A_467 = tpu.vector_load %arg9[%get3A_465, %get3A_466] {strides = array<i32>} : memref<128x80xf32, #tpu.memory_space<vmem>>, vector<16xf32>,
        %mul3A_468 = arith.mulf %get3A_467, %gather3A_464 : vector<16xf32>
        %swap3A_469 = arith.index_cast %add3A_439 : i32 to index
        %swap3A_470 = arith.constant 0 : index
        %swap3A_471 = tpu.vector_load %arg13[%swap3A_469, %swap3A_470] {strides = array<i32>} : memref<128x80xf32, #tpu.memory_space<vmem>>, vector<16xf32>,
        tpu.vector_store %arg13[%swap3A_469, %swap3A_470], %mul3A_468 {strides = array<i32>} : memref<128x80xf32, #tpu.memory_space<vmem>>, vector<16xf32>,
        %iota3A_472 = tpu.iota {dimensions = array<i32: 0>} : vector<16xi32>
        %shift_right_arithmetic3A_473 = arith.constant 3 : i32
        %shift_right_arithmetic3A_474 = vector.broadcast %shift_right_arithmetic3A_473 : i32 to vector<16xi32>
        %shift_right_arithmetic3A_475 = arith.shrsi %iota3A_472, %shift_right_arithmetic3A_474 : vector<16xi32>
        %add3A_476 = arith.constant 2 : i32
        %add3A_477 = vector.broadcast %add3A_476 : i32 to vector<16xi32>
        %add3A_478 = arith.addi %shift_right_arithmetic3A_475, %add3A_477 : vector<16xi32>
        %broadcast_in_dim3A_479 = vector.shape_cast %add3A_478 : vector<16xi32> to vector<16x1xi32>
        %gather3A_480 = vector.shape_cast %broadcast_in_dim3A_479 : vector<16x1xi32> to vector<16xi32>
        %gather3A_481 = tpu.dynamic_gather %exp3A_451[%gather3A_480] in [0] : vector<16xf32>, vector<16xi32> -> vector<16xf32>
        %get3A_482 = arith.index_cast %add3A_439 : i32 to index
        %get3A_483 = arith.constant 16 : index
        %get3A_484 = tpu.vector_load %arg9[%get3A_482, %get3A_483] {strides = array<i32>} : memref<128x80xf32, #tpu.memory_space<vmem>>, vector<16xf32>,
        %mul3A_485 = arith.mulf %get3A_484, %gather3A_481 : vector<16xf32>
        %swap3A_486 = arith.index_cast %add3A_439 : i32 to index
        %swap3A_487 = arith.constant 16 : index
        %swap3A_488 = tpu.vector_load %arg13[%swap3A_486, %swap3A_487] {strides = array<i32>} : memref<128x80xf32, #tpu.memory_space<vmem>>, vector<16xf32>,
        tpu.vector_store %arg13[%swap3A_486, %swap3A_487], %mul3A_485 {strides = array<i32>} : memref<128x80xf32, #tpu.memory_space<vmem>>, vector<16xf32>,
        %iota3A_489 = tpu.iota {dimensions = array<i32: 0>} : vector<16xi32>
        %shift_right_arithmetic3A_490 = arith.constant 3 : i32
        %shift_right_arithmetic3A_491 = vector.broadcast %shift_right_arithmetic3A_490 : i32 to vector<16xi32>
        %shift_right_arithmetic3A_492 = arith.shrsi %iota3A_489, %shift_right_arithmetic3A_491 : vector<16xi32>
        %add3A_493 = arith.constant 4 : i32
        %add3A_494 = vector.broadcast %add3A_493 : i32 to vector<16xi32>
        %add3A_495 = arith.addi %shift_right_arithmetic3A_492, %add3A_494 : vector<16xi32>
        %broadcast_in_dim3A_496 = vector.shape_cast %add3A_495 : vector<16xi32> to vector<16x1xi32>
        %gather3A_497 = vector.shape_cast %broadcast_in_dim3A_496 : vector<16x1xi32> to vector<16xi32>
        %gather3A_498 = tpu.dynamic_gather %exp3A_451[%gather3A_497] in [0] : vector<16xf32>, vector<16xi32> -> vector<16xf32>
        %get3A_499 = arith.index_cast %add3A_439 : i32 to index
        %get3A_500 = arith.constant 32 : index
        %get3A_501 = tpu.vector_load %arg9[%get3A_499, %get3A_500] {strides = array<i32>} : memref<128x80xf32, #tpu.memory_space<vmem>>, vector<16xf32>,
        %mul3A_502 = arith.mulf %get3A_501, %gather3A_498 : vector<16xf32>
        %swap3A_503 = arith.index_cast %add3A_439 : i32 to index
        %swap3A_504 = arith.constant 32 : index
        %swap3A_505 = tpu.vector_load %arg13[%swap3A_503, %swap3A_504] {strides = array<i32>} : memref<128x80xf32, #tpu.memory_space<vmem>>, vector<16xf32>,
        tpu.vector_store %arg13[%swap3A_503, %swap3A_504], %mul3A_502 {strides = array<i32>} : memref<128x80xf32, #tpu.memory_space<vmem>>, vector<16xf32>,
        %iota3A_506 = tpu.iota {dimensions = array<i32: 0>} : vector<16xi32>
        %shift_right_arithmetic3A_507 = arith.constant 3 : i32
        %shift_right_arithmetic3A_508 = vector.broadcast %shift_right_arithmetic3A_507 : i32 to vector<16xi32>
        %shift_right_arithmetic3A_509 = arith.shrsi %iota3A_506, %shift_right_arithmetic3A_508 : vector<16xi32>
        %add3A_510 = arith.constant 6 : i32
        %add3A_511 = vector.broadcast %add3A_510 : i32 to vector<16xi32>
        %add3A_512 = arith.addi %shift_right_arithmetic3A_509, %add3A_511 : vector<16xi32>
        %broadcast_in_dim3A_513 = vector.shape_cast %add3A_512 : vector<16xi32> to vector<16x1xi32>
        %gather3A_514 = vector.shape_cast %broadcast_in_dim3A_513 : vector<16x1xi32> to vector<16xi32>
        %gather3A_515 = tpu.dynamic_gather %exp3A_451[%gather3A_514] in [0] : vector<16xf32>, vector<16xi32> -> vector<16xf32>
        %get3A_516 = arith.index_cast %add3A_439 : i32 to index
        %get3A_517 = arith.constant 48 : index
        %get3A_518 = tpu.vector_load %arg9[%get3A_516, %get3A_517] {strides = array<i32>} : memref<128x80xf32, #tpu.memory_space<vmem>>, vector<16xf32>,
        %mul3A_519 = arith.mulf %get3A_518, %gather3A_515 : vector<16xf32>
        %swap3A_520 = arith.index_cast %add3A_439 : i32 to index
        %swap3A_521 = arith.constant 48 : index
        %swap3A_522 = tpu.vector_load %arg13[%swap3A_520, %swap3A_521] {strides = array<i32>} : memref<128x80xf32, #tpu.memory_space<vmem>>, vector<16xf32>,
        tpu.vector_store %arg13[%swap3A_520, %swap3A_521], %mul3A_519 {strides = array<i32>} : memref<128x80xf32, #tpu.memory_space<vmem>>, vector<16xf32>,
      }
      %scan3A_131 = arith.constant 32 : i32
      %dma_start3A_132 = arith.constant 0 : i32
      %dma_start3A_133 = tpu.memref_slice %arg8[%add3A_111, %dma_start3A_132] : memref<104x128xi32, #tpu.memory_space<vmem>> -> memref<1x128xi32, #tpu.memory_space<vmem>>
      %dma_start3A_134 = tpu.memref_squeeze %dma_start3A_133 : memref<1x128xi32, #tpu.memory_space<vmem>> -> memref<128xi32, #tpu.memory_space<vmem>>
      %dma_start3A_135 = arith.constant 0 : i32
      %dma_start3A_136 = arith.constant 0 : i32
      %dma_start3A_137 = tpu.memref_slice %arg15[%dma_start3A_135, %dma_start3A_136] : memref<10240x80xf32, #tpu.memory_space<vmem_shared>> -> memref<10240x80xf32, #tpu.memory_space<vmem_shared>>
      tpu.enqueue_indirect_dma source(%arg13 : memref<128x80xf32, #tpu.memory_space<vmem>>) target(%dma_start3A_137 : memref<10240x80xf32, #tpu.memory_space<vmem_shared>>) offsets(%dma_start3A_134 : memref<128xi32, #tpu.memory_space<vmem>>) semaphore(%arg18 : memref<!tpu.dma_semaphore, #tpu.memory_space<semaphore_mem>>) {add = true}
      %add3A_138 = arith.constant 2 : i32
      %add3A_139 = arith.addi %add3A_111, %add3A_138 : i32
      %lt3A = arith.cmpi slt, %add3A_139, %add3A_1 : i32
      %convert_element_type3A_140 = arith.extui %lt3A : i1 to i32
      %cond3A_141 = arith.constant 0 : i32
      %cond3A_142 = arith.cmpi ne, %convert_element_type3A_140, %cond3A_141 : i32
      scf.if %cond3A_142 {
        %add3A_182 = arith.constant 2 : i32
        %add3A_183 = arith.addi %add3A_111, %add3A_182 : i32
        %dma_start3A_184 = arith.constant 0 : i32
        %dma_start3A_185 = tpu.memref_slice %arg7[%add3A_183, %dma_start3A_184] : memref<104x128xi32, #tpu.memory_space<vmem>> -> memref<1x128xi32, #tpu.memory_space<vmem>>
        %dma_start3A_186 = tpu.memref_squeeze %dma_start3A_185 : memref<1x128xi32, #tpu.memory_space<vmem>> -> memref<128xi32, #tpu.memory_space<vmem>>
        %dma_start3A_187 = arith.constant 0 : i32
        %dma_start3A_188 = arith.constant 0 : i32
        %dma_start3A_189 = tpu.memref_slice %arg2[%dma_start3A_187, %dma_start3A_188] : memref<10240x80xf32, #tpu.memory_space<hbm>> -> memref<10240x80xf32, #tpu.memory_space<hbm>>
        tpu.enqueue_indirect_dma source(%dma_start3A_189 : memref<10240x80xf32, #tpu.memory_space<hbm>>) target(%arg9 : memref<128x80xf32, #tpu.memory_space<vmem>>) offsets(%dma_start3A_186 : memref<128xi32, #tpu.memory_space<vmem>>) semaphore(%arg16 : memref<!tpu.dma_semaphore, #tpu.memory_space<semaphore_mem>>)
        %dma_start3A_190 = arith.constant 0 : i32
        %dma_start3A_191 = tpu.memref_slice %arg8[%add3A_183, %dma_start3A_190] : memref<104x128xi32, #tpu.memory_space<vmem>> -> memref<1x128xi32, #tpu.memory_space<vmem>>
        %dma_start3A_192 = tpu.memref_squeeze %dma_start3A_191 : memref<1x128xi32, #tpu.memory_space<vmem>> -> memref<128xi32, #tpu.memory_space<vmem>>
        %dma_start3A_193 = arith.constant 0 : i32
        %dma_start3A_194 = arith.constant 0 : i32
        %dma_start3A_195 = tpu.memref_slice %arg3[%dma_start3A_193, %dma_start3A_194] : memref<10240x16xf32, #tpu.memory_space<hbm>> -> memref<10240x16xf32, #tpu.memory_space<hbm>>
        tpu.enqueue_indirect_dma source(%dma_start3A_195 : memref<10240x16xf32, #tpu.memory_space<hbm>>) target(%arg11 : memref<128x16xf32, #tpu.memory_space<vmem>>) offsets(%dma_start3A_192 : memref<128xi32, #tpu.memory_space<vmem>>) semaphore(%arg16 : memref<!tpu.dma_semaphore, #tpu.memory_space<semaphore_mem>>)
      } else {
      }
      %mul3A_143 = arith.constant 2 : i32
      %mul3A_144 = arith.muli %while3A_107, %mul3A_143 : i32
      %add3A_145 = arith.constant 1 : i32
      %add3A_146 = arith.addi %mul3A_144, %add3A_145 : i32
      %dma_wait3A_147 = arith.constant 0 : i32
      %dma_wait3A_148 = tpu.memref_slice %arg7[%add3A_146, %dma_wait3A_147] : memref<104x128xi32, #tpu.memory_space<vmem>> -> memref<1x128xi32, #tpu.memory_space<vmem>>
      %dma_wait3A_149 = tpu.memref_squeeze %dma_wait3A_148 : memref<1x128xi32, #tpu.memory_space<vmem>> -> memref<128xi32, #tpu.memory_space<vmem>>
      %dma_wait3A_150 = arith.constant 0 : i32
      %dma_wait3A_151 = arith.constant 0 : i32
      %dma_wait3A_152 = tpu.memref_slice %arg2[%dma_wait3A_150, %dma_wait3A_151] : memref<10240x80xf32, #tpu.memory_space<hbm>> -> memref<10240x80xf32, #tpu.memory_space<hbm>>
      tpu.wait_indirect_dma semaphore(%arg17 : memref<!tpu.dma_semaphore, #tpu.memory_space<semaphore_mem>>) src(%dma_wait3A_152 : memref<10240x80xf32, #tpu.memory_space<hbm>>) dst(%arg10 : memref<128x80xf32, #tpu.memory_space<vmem>>)
      %dma_wait3A_153 = arith.constant 0 : i32
      %dma_wait3A_154 = tpu.memref_slice %arg8[%add3A_146, %dma_wait3A_153] : memref<104x128xi32, #tpu.memory_space<vmem>> -> memref<1x128xi32, #tpu.memory_space<vmem>>
      %dma_wait3A_155 = tpu.memref_squeeze %dma_wait3A_154 : memref<1x128xi32, #tpu.memory_space<vmem>> -> memref<128xi32, #tpu.memory_space<vmem>>
      %dma_wait3A_156 = arith.constant 0 : i32
      %dma_wait3A_157 = arith.constant 0 : i32
      %dma_wait3A_158 = tpu.memref_slice %arg3[%dma_wait3A_156, %dma_wait3A_157] : memref<10240x16xf32, #tpu.memory_space<hbm>> -> memref<10240x16xf32, #tpu.memory_space<hbm>>
      tpu.wait_indirect_dma semaphore(%arg17 : memref<!tpu.dma_semaphore, #tpu.memory_space<semaphore_mem>>) src(%dma_wait3A_158 : memref<10240x16xf32, #tpu.memory_space<hbm>>) dst(%arg12 : memref<128x16xf32, #tpu.memory_space<vmem>>)
      %ge3A_159 = arith.constant 1 : i32
      %ge3A_160 = arith.cmpi sge, %while3A_107, %ge3A_159 : i32
      %convert_element_type3A_161 = arith.extui %ge3A_160 : i1 to i32
      %cond3A_162 = arith.constant 0 : i32
      %cond3A_163 = arith.cmpi ne, %convert_element_type3A_161, %cond3A_162 : i32
      scf.if %cond3A_163 {
        %sub3A_182 = arith.constant 2 : i32
        %sub3A_183 = arith.subi %add3A_146, %sub3A_182 : i32
        %dma_wait3A_184 = arith.constant 0 : i32
        %dma_wait3A_185 = tpu.memref_slice %arg8[%sub3A_183, %dma_wait3A_184] : memref<104x128xi32, #tpu.memory_space<vmem>> -> memref<1x128xi32, #tpu.memory_space<vmem>>
        %dma_wait3A_186 = tpu.memref_squeeze %dma_wait3A_185 : memref<1x128xi32, #tpu.memory_space<vmem>> -> memref<128xi32, #tpu.memory_space<vmem>>
        %dma_wait3A_187 = arith.constant 0 : i32
        %dma_wait3A_188 = arith.constant 0 : i32
        %dma_wait3A_189 = tpu.memref_slice %arg15[%dma_wait3A_187, %dma_wait3A_188] : memref<10240x80xf32, #tpu.memory_space<vmem_shared>> -> memref<10240x80xf32, #tpu.memory_space<vmem_shared>>
        tpu.wait_indirect_dma semaphore(%arg19 : memref<!tpu.dma_semaphore, #tpu.memory_space<semaphore_mem>>) src(%arg14 : memref<128x80xf32, #tpu.memory_space<vmem>>) dst(%dma_wait3A_189 : memref<10240x80xf32, #tpu.memory_space<vmem_shared>>)
      } else {
      }
      %scan3A_164 = arith.constant 0 : i32
      %scan3A_165 = arith.constant 0 : i32
      %scan3A_166 = arith.constant 32 : i32
      %scan3A_167 = arith.addi %scan3A_165, %scan3A_166 : i32
      %scan3A_168 = arith.constant 1 : i32
      scf.for %scan3A_182 = %scan3A_165 to %scan3A_167 step %scan3A_168  : i32 {
        %mul3A_183 = arith.constant 4 : i32
        %mul3A_184 = arith.muli %scan3A_182, %mul3A_183 : i32
        %add3A_185 = arith.constant 0 : i32
        %add3A_186 = arith.addi %mul3A_184, %add3A_185 : i32
        %get3A = arith.index_cast %add3A_186 : i32 to index
        %get3A_187 = arith.constant 64 : index
        %get3A_188 = tpu.vector_load %arg10[%get3A, %get3A_187] {strides = array<i32>} : memref<128x80xf32, #tpu.memory_space<vmem>>, vector<16xf32>,
        %get3A_189 = arith.index_cast %add3A_186 : i32 to index
        %get3A_190 = arith.constant 0 : index
        %get3A_191 = tpu.vector_load %arg12[%get3A_189, %get3A_190] {strides = array<i32>} : memref<128x16xf32, #tpu.memory_space<vmem>>, vector<16xf32>,
        %add3A_192 = arith.addf %get3A_188, %get3A_191 : vector<16xf32>
        %mul3A_193 = arith.constant 2.000000e-01 : f32
        %mul3A_194 = vector.broadcast %mul3A_193 : f32 to vector<16xf32>
        %mul3A_195 = arith.mulf %mul3A_194, %add3A_192 : vector<16xf32>
        %max3A = arith.maximumf %add3A_192, %mul3A_195 : vector<16xf32>
        %exp3A = math.exp %max3A : vector<16xf32>
        %swap3A = arith.index_cast %add3A_186 : i32 to index
        %swap3A_196 = arith.constant 64 : index
        %swap3A_197 = tpu.vector_load %arg14[%swap3A, %swap3A_196] {strides = array<i32>} : memref<128x80xf32, #tpu.memory_space<vmem>>, vector<16xf32>,
        tpu.vector_store %arg14[%swap3A, %swap3A_196], %exp3A {strides = array<i32>} : memref<128x80xf32, #tpu.memory_space<vmem>>, vector<16xf32>,
        %iota3A = tpu.iota {dimensions = array<i32: 0>} : vector<16xi32>
        %shift_right_arithmetic3A = arith.constant 3 : i32
        %shift_right_arithmetic3A_198 = vector.broadcast %shift_right_arithmetic3A : i32 to vector<16xi32>
        %shift_right_arithmetic3A_199 = arith.shrsi %iota3A, %shift_right_arithmetic3A_198 : vector<16xi32>
        %add3A_200 = arith.constant 0 : i32
        %add3A_201 = vector.broadcast %add3A_200 : i32 to vector<16xi32>
        %add3A_202 = arith.addi %shift_right_arithmetic3A_199, %add3A_201 : vector<16xi32>
        %broadcast_in_dim3A = vector.shape_cast %add3A_202 : vector<16xi32> to vector<16x1xi32>
        %gather3A = vector.shape_cast %broadcast_in_dim3A : vector<16x1xi32> to vector<16xi32>
        %gather3A_203 = tpu.dynamic_gather %exp3A[%gather3A] in [0] : vector<16xf32>, vector<16xi32> -> vector<16xf32>
        %get3A_204 = arith.index_cast %add3A_186 : i32 to index
        %get3A_205 = arith.constant 0 : index
        %get3A_206 = tpu.vector_load %arg10[%get3A_204, %get3A_205] {strides = array<i32>} : memref<128x80xf32, #tpu.memory_space<vmem>>, vector<16xf32>,
        %mul3A_207 = arith.mulf %get3A_206, %gather3A_203 : vector<16xf32>
        %swap3A_208 = arith.index_cast %add3A_186 : i32 to index
        %swap3A_209 = arith.constant 0 : index
        %swap3A_210 = tpu.vector_load %arg14[%swap3A_208, %swap3A_209] {strides = array<i32>} : memref<128x80xf32, #tpu.memory_space<vmem>>, vector<16xf32>,
        tpu.vector_store %arg14[%swap3A_208, %swap3A_209], %mul3A_207 {strides = array<i32>} : memref<128x80xf32, #tpu.memory_space<vmem>>, vector<16xf32>,
        %iota3A_211 = tpu.iota {dimensions = array<i32: 0>} : vector<16xi32>
        %shift_right_arithmetic3A_212 = arith.constant 3 : i32
        %shift_right_arithmetic3A_213 = vector.broadcast %shift_right_arithmetic3A_212 : i32 to vector<16xi32>
        %shift_right_arithmetic3A_214 = arith.shrsi %iota3A_211, %shift_right_arithmetic3A_213 : vector<16xi32>
        %add3A_215 = arith.constant 2 : i32
        %add3A_216 = vector.broadcast %add3A_215 : i32 to vector<16xi32>
        %add3A_217 = arith.addi %shift_right_arithmetic3A_214, %add3A_216 : vector<16xi32>
        %broadcast_in_dim3A_218 = vector.shape_cast %add3A_217 : vector<16xi32> to vector<16x1xi32>
        %gather3A_219 = vector.shape_cast %broadcast_in_dim3A_218 : vector<16x1xi32> to vector<16xi32>
        %gather3A_220 = tpu.dynamic_gather %exp3A[%gather3A_219] in [0] : vector<16xf32>, vector<16xi32> -> vector<16xf32>
        %get3A_221 = arith.index_cast %add3A_186 : i32 to index
        %get3A_222 = arith.constant 16 : index
        %get3A_223 = tpu.vector_load %arg10[%get3A_221, %get3A_222] {strides = array<i32>} : memref<128x80xf32, #tpu.memory_space<vmem>>, vector<16xf32>,
        %mul3A_224 = arith.mulf %get3A_223, %gather3A_220 : vector<16xf32>
        %swap3A_225 = arith.index_cast %add3A_186 : i32 to index
        %swap3A_226 = arith.constant 16 : index
        %swap3A_227 = tpu.vector_load %arg14[%swap3A_225, %swap3A_226] {strides = array<i32>} : memref<128x80xf32, #tpu.memory_space<vmem>>, vector<16xf32>,
        tpu.vector_store %arg14[%swap3A_225, %swap3A_226], %mul3A_224 {strides = array<i32>} : memref<128x80xf32, #tpu.memory_space<vmem>>, vector<16xf32>,
        %iota3A_228 = tpu.iota {dimensions = array<i32: 0>} : vector<16xi32>
        %shift_right_arithmetic3A_229 = arith.constant 3 : i32
        %shift_right_arithmetic3A_230 = vector.broadcast %shift_right_arithmetic3A_229 : i32 to vector<16xi32>
        %shift_right_arithmetic3A_231 = arith.shrsi %iota3A_228, %shift_right_arithmetic3A_230 : vector<16xi32>
        %add3A_232 = arith.constant 4 : i32
        %add3A_233 = vector.broadcast %add3A_232 : i32 to vector<16xi32>
        %add3A_234 = arith.addi %shift_right_arithmetic3A_231, %add3A_233 : vector<16xi32>
        %broadcast_in_dim3A_235 = vector.shape_cast %add3A_234 : vector<16xi32> to vector<16x1xi32>
        %gather3A_236 = vector.shape_cast %broadcast_in_dim3A_235 : vector<16x1xi32> to vector<16xi32>
        %gather3A_237 = tpu.dynamic_gather %exp3A[%gather3A_236] in [0] : vector<16xf32>, vector<16xi32> -> vector<16xf32>
        %get3A_238 = arith.index_cast %add3A_186 : i32 to index
        %get3A_239 = arith.constant 32 : index
        %get3A_240 = tpu.vector_load %arg10[%get3A_238, %get3A_239] {strides = array<i32>} : memref<128x80xf32, #tpu.memory_space<vmem>>, vector<16xf32>,
        %mul3A_241 = arith.mulf %get3A_240, %gather3A_237 : vector<16xf32>
        %swap3A_242 = arith.index_cast %add3A_186 : i32 to index
        %swap3A_243 = arith.constant 32 : index
        %swap3A_244 = tpu.vector_load %arg14[%swap3A_242, %swap3A_243] {strides = array<i32>} : memref<128x80xf32, #tpu.memory_space<vmem>>, vector<16xf32>,
        tpu.vector_store %arg14[%swap3A_242, %swap3A_243], %mul3A_241 {strides = array<i32>} : memref<128x80xf32, #tpu.memory_space<vmem>>, vector<16xf32>,
        %iota3A_245 = tpu.iota {dimensions = array<i32: 0>} : vector<16xi32>
        %shift_right_arithmetic3A_246 = arith.constant 3 : i32
        %shift_right_arithmetic3A_247 = vector.broadcast %shift_right_arithmetic3A_246 : i32 to vector<16xi32>
        %shift_right_arithmetic3A_248 = arith.shrsi %iota3A_245, %shift_right_arithmetic3A_247 : vector<16xi32>
        %add3A_249 = arith.constant 6 : i32
        %add3A_250 = vector.broadcast %add3A_249 : i32 to vector<16xi32>
        %add3A_251 = arith.addi %shift_right_arithmetic3A_248, %add3A_250 : vector<16xi32>
        %broadcast_in_dim3A_252 = vector.shape_cast %add3A_251 : vector<16xi32> to vector<16x1xi32>
        %gather3A_253 = vector.shape_cast %broadcast_in_dim3A_252 : vector<16x1xi32> to vector<16xi32>
        %gather3A_254 = tpu.dynamic_gather %exp3A[%gather3A_253] in [0] : vector<16xf32>, vector<16xi32> -> vector<16xf32>
        %get3A_255 = arith.index_cast %add3A_186 : i32 to index
        %get3A_256 = arith.constant 48 : index
        %get3A_257 = tpu.vector_load %arg10[%get3A_255, %get3A_256] {strides = array<i32>} : memref<128x80xf32, #tpu.memory_space<vmem>>, vector<16xf32>,
        %mul3A_258 = arith.mulf %get3A_257, %gather3A_254 : vector<16xf32>
        %swap3A_259 = arith.index_cast %add3A_186 : i32 to index
        %swap3A_260 = arith.constant 48 : index
        %swap3A_261 = tpu.vector_load %arg14[%swap3A_259, %swap3A_260] {strides = array<i32>} : memref<128x80xf32, #tpu.memory_space<vmem>>, vector<16xf32>,
        tpu.vector_store %arg14[%swap3A_259, %swap3A_260], %mul3A_258 {strides = array<i32>} : memref<128x80xf32, #tpu.memory_space<vmem>>, vector<16xf32>,
        %mul3A_262 = arith.constant 4 : i32
        %mul3A_263 = arith.muli %scan3A_182, %mul3A_262 : i32
        %add3A_264 = arith.constant 1 : i32
        %add3A_265 = arith.addi %mul3A_263, %add3A_264 : i32
        %get3A_266 = arith.index_cast %add3A_265 : i32 to index
        %get3A_267 = arith.constant 64 : index
        %get3A_268 = tpu.vector_load %arg10[%get3A_266, %get3A_267] {strides = array<i32>} : memref<128x80xf32, #tpu.memory_space<vmem>>, vector<16xf32>,
        %get3A_269 = arith.index_cast %add3A_265 : i32 to index
        %get3A_270 = arith.constant 0 : index
        %get3A_271 = tpu.vector_load %arg12[%get3A_269, %get3A_270] {strides = array<i32>} : memref<128x16xf32, #tpu.memory_space<vmem>>, vector<16xf32>,
        %add3A_272 = arith.addf %get3A_268, %get3A_271 : vector<16xf32>
        %mul3A_273 = arith.constant 2.000000e-01 : f32
        %mul3A_274 = vector.broadcast %mul3A_273 : f32 to vector<16xf32>
        %mul3A_275 = arith.mulf %mul3A_274, %add3A_272 : vector<16xf32>
        %max3A_276 = arith.maximumf %add3A_272, %mul3A_275 : vector<16xf32>
        %exp3A_277 = math.exp %max3A_276 : vector<16xf32>
        %swap3A_278 = arith.index_cast %add3A_265 : i32 to index
        %swap3A_279 = arith.constant 64 : index
        %swap3A_280 = tpu.vector_load %arg14[%swap3A_278, %swap3A_279] {strides = array<i32>} : memref<128x80xf32, #tpu.memory_space<vmem>>, vector<16xf32>,
        tpu.vector_store %arg14[%swap3A_278, %swap3A_279], %exp3A_277 {strides = array<i32>} : memref<128x80xf32, #tpu.memory_space<vmem>>, vector<16xf32>,
        %iota3A_281 = tpu.iota {dimensions = array<i32: 0>} : vector<16xi32>
        %shift_right_arithmetic3A_282 = arith.constant 3 : i32
        %shift_right_arithmetic3A_283 = vector.broadcast %shift_right_arithmetic3A_282 : i32 to vector<16xi32>
        %shift_right_arithmetic3A_284 = arith.shrsi %iota3A_281, %shift_right_arithmetic3A_283 : vector<16xi32>
        %add3A_285 = arith.constant 0 : i32
        %add3A_286 = vector.broadcast %add3A_285 : i32 to vector<16xi32>
        %add3A_287 = arith.addi %shift_right_arithmetic3A_284, %add3A_286 : vector<16xi32>
        %broadcast_in_dim3A_288 = vector.shape_cast %add3A_287 : vector<16xi32> to vector<16x1xi32>
        %gather3A_289 = vector.shape_cast %broadcast_in_dim3A_288 : vector<16x1xi32> to vector<16xi32>
        %gather3A_290 = tpu.dynamic_gather %exp3A_277[%gather3A_289] in [0] : vector<16xf32>, vector<16xi32> -> vector<16xf32>
        %get3A_291 = arith.index_cast %add3A_265 : i32 to index
        %get3A_292 = arith.constant 0 : index
        %get3A_293 = tpu.vector_load %arg10[%get3A_291, %get3A_292] {strides = array<i32>} : memref<128x80xf32, #tpu.memory_space<vmem>>, vector<16xf32>,
        %mul3A_294 = arith.mulf %get3A_293, %gather3A_290 : vector<16xf32>
        %swap3A_295 = arith.index_cast %add3A_265 : i32 to index
        %swap3A_296 = arith.constant 0 : index
        %swap3A_297 = tpu.vector_load %arg14[%swap3A_295, %swap3A_296] {strides = array<i32>} : memref<128x80xf32, #tpu.memory_space<vmem>>, vector<16xf32>,
        tpu.vector_store %arg14[%swap3A_295, %swap3A_296], %mul3A_294 {strides = array<i32>} : memref<128x80xf32, #tpu.memory_space<vmem>>, vector<16xf32>,
        %iota3A_298 = tpu.iota {dimensions = array<i32: 0>} : vector<16xi32>
        %shift_right_arithmetic3A_299 = arith.constant 3 : i32
        %shift_right_arithmetic3A_300 = vector.broadcast %shift_right_arithmetic3A_299 : i32 to vector<16xi32>
        %shift_right_arithmetic3A_301 = arith.shrsi %iota3A_298, %shift_right_arithmetic3A_300 : vector<16xi32>
        %add3A_302 = arith.constant 2 : i32
        %add3A_303 = vector.broadcast %add3A_302 : i32 to vector<16xi32>
        %add3A_304 = arith.addi %shift_right_arithmetic3A_301, %add3A_303 : vector<16xi32>
        %broadcast_in_dim3A_305 = vector.shape_cast %add3A_304 : vector<16xi32> to vector<16x1xi32>
        %gather3A_306 = vector.shape_cast %broadcast_in_dim3A_305 : vector<16x1xi32> to vector<16xi32>
        %gather3A_307 = tpu.dynamic_gather %exp3A_277[%gather3A_306] in [0] : vector<16xf32>, vector<16xi32> -> vector<16xf32>
        %get3A_308 = arith.index_cast %add3A_265 : i32 to index
        %get3A_309 = arith.constant 16 : index
        %get3A_310 = tpu.vector_load %arg10[%get3A_308, %get3A_309] {strides = array<i32>} : memref<128x80xf32, #tpu.memory_space<vmem>>, vector<16xf32>,
        %mul3A_311 = arith.mulf %get3A_310, %gather3A_307 : vector<16xf32>
        %swap3A_312 = arith.index_cast %add3A_265 : i32 to index
        %swap3A_313 = arith.constant 16 : index
        %swap3A_314 = tpu.vector_load %arg14[%swap3A_312, %swap3A_313] {strides = array<i32>} : memref<128x80xf32, #tpu.memory_space<vmem>>, vector<16xf32>,
        tpu.vector_store %arg14[%swap3A_312, %swap3A_313], %mul3A_311 {strides = array<i32>} : memref<128x80xf32, #tpu.memory_space<vmem>>, vector<16xf32>,
        %iota3A_315 = tpu.iota {dimensions = array<i32: 0>} : vector<16xi32>
        %shift_right_arithmetic3A_316 = arith.constant 3 : i32
        %shift_right_arithmetic3A_317 = vector.broadcast %shift_right_arithmetic3A_316 : i32 to vector<16xi32>
        %shift_right_arithmetic3A_318 = arith.shrsi %iota3A_315, %shift_right_arithmetic3A_317 : vector<16xi32>
        %add3A_319 = arith.constant 4 : i32
        %add3A_320 = vector.broadcast %add3A_319 : i32 to vector<16xi32>
        %add3A_321 = arith.addi %shift_right_arithmetic3A_318, %add3A_320 : vector<16xi32>
        %broadcast_in_dim3A_322 = vector.shape_cast %add3A_321 : vector<16xi32> to vector<16x1xi32>
        %gather3A_323 = vector.shape_cast %broadcast_in_dim3A_322 : vector<16x1xi32> to vector<16xi32>
        %gather3A_324 = tpu.dynamic_gather %exp3A_277[%gather3A_323] in [0] : vector<16xf32>, vector<16xi32> -> vector<16xf32>
        %get3A_325 = arith.index_cast %add3A_265 : i32 to index
        %get3A_326 = arith.constant 32 : index
        %get3A_327 = tpu.vector_load %arg10[%get3A_325, %get3A_326] {strides = array<i32>} : memref<128x80xf32, #tpu.memory_space<vmem>>, vector<16xf32>,
        %mul3A_328 = arith.mulf %get3A_327, %gather3A_324 : vector<16xf32>
        %swap3A_329 = arith.index_cast %add3A_265 : i32 to index
        %swap3A_330 = arith.constant 32 : index
        %swap3A_331 = tpu.vector_load %arg14[%swap3A_329, %swap3A_330] {strides = array<i32>} : memref<128x80xf32, #tpu.memory_space<vmem>>, vector<16xf32>,
        tpu.vector_store %arg14[%swap3A_329, %swap3A_330], %mul3A_328 {strides = array<i32>} : memref<128x80xf32, #tpu.memory_space<vmem>>, vector<16xf32>,
        %iota3A_332 = tpu.iota {dimensions = array<i32: 0>} : vector<16xi32>
        %shift_right_arithmetic3A_333 = arith.constant 3 : i32
        %shift_right_arithmetic3A_334 = vector.broadcast %shift_right_arithmetic3A_333 : i32 to vector<16xi32>
        %shift_right_arithmetic3A_335 = arith.shrsi %iota3A_332, %shift_right_arithmetic3A_334 : vector<16xi32>
        %add3A_336 = arith.constant 6 : i32
        %add3A_337 = vector.broadcast %add3A_336 : i32 to vector<16xi32>
        %add3A_338 = arith.addi %shift_right_arithmetic3A_335, %add3A_337 : vector<16xi32>
        %broadcast_in_dim3A_339 = vector.shape_cast %add3A_338 : vector<16xi32> to vector<16x1xi32>
        %gather3A_340 = vector.shape_cast %broadcast_in_dim3A_339 : vector<16x1xi32> to vector<16xi32>
        %gather3A_341 = tpu.dynamic_gather %exp3A_277[%gather3A_340] in [0] : vector<16xf32>, vector<16xi32> -> vector<16xf32>
        %get3A_342 = arith.index_cast %add3A_265 : i32 to index
        %get3A_343 = arith.constant 48 : index
        %get3A_344 = tpu.vector_load %arg10[%get3A_342, %get3A_343] {strides = array<i32>} : memref<128x80xf32, #tpu.memory_space<vmem>>, vector<16xf32>,
        %mul3A_345 = arith.mulf %get3A_344, %gather3A_341 : vector<16xf32>
        %swap3A_346 = arith.index_cast %add3A_265 : i32 to index
        %swap3A_347 = arith.constant 48 : index
        %swap3A_348 = tpu.vector_load %arg14[%swap3A_346, %swap3A_347] {strides = array<i32>} : memref<128x80xf32, #tpu.memory_space<vmem>>, vector<16xf32>,
        tpu.vector_store %arg14[%swap3A_346, %swap3A_347], %mul3A_345 {strides = array<i32>} : memref<128x80xf32, #tpu.memory_space<vmem>>, vector<16xf32>,
        %mul3A_349 = arith.constant 4 : i32
        %mul3A_350 = arith.muli %scan3A_182, %mul3A_349 : i32
        %add3A_351 = arith.constant 2 : i32
        %add3A_352 = arith.addi %mul3A_350, %add3A_351 : i32
        %get3A_353 = arith.index_cast %add3A_352 : i32 to index
        %get3A_354 = arith.constant 64 : index
        %get3A_355 = tpu.vector_load %arg10[%get3A_353, %get3A_354] {strides = array<i32>} : memref<128x80xf32, #tpu.memory_space<vmem>>, vector<16xf32>,
        %get3A_356 = arith.index_cast %add3A_352 : i32 to index
        %get3A_357 = arith.constant 0 : index
        %get3A_358 = tpu.vector_load %arg12[%get3A_356, %get3A_357] {strides = array<i32>} : memref<128x16xf32, #tpu.memory_space<vmem>>, vector<16xf32>,
        %add3A_359 = arith.addf %get3A_355, %get3A_358 : vector<16xf32>
        %mul3A_360 = arith.constant 2.000000e-01 : f32
        %mul3A_361 = vector.broadcast %mul3A_360 : f32 to vector<16xf32>
        %mul3A_362 = arith.mulf %mul3A_361, %add3A_359 : vector<16xf32>
        %max3A_363 = arith.maximumf %add3A_359, %mul3A_362 : vector<16xf32>
        %exp3A_364 = math.exp %max3A_363 : vector<16xf32>
        %swap3A_365 = arith.index_cast %add3A_352 : i32 to index
        %swap3A_366 = arith.constant 64 : index
        %swap3A_367 = tpu.vector_load %arg14[%swap3A_365, %swap3A_366] {strides = array<i32>} : memref<128x80xf32, #tpu.memory_space<vmem>>, vector<16xf32>,
        tpu.vector_store %arg14[%swap3A_365, %swap3A_366], %exp3A_364 {strides = array<i32>} : memref<128x80xf32, #tpu.memory_space<vmem>>, vector<16xf32>,
        %iota3A_368 = tpu.iota {dimensions = array<i32: 0>} : vector<16xi32>
        %shift_right_arithmetic3A_369 = arith.constant 3 : i32
        %shift_right_arithmetic3A_370 = vector.broadcast %shift_right_arithmetic3A_369 : i32 to vector<16xi32>
        %shift_right_arithmetic3A_371 = arith.shrsi %iota3A_368, %shift_right_arithmetic3A_370 : vector<16xi32>
        %add3A_372 = arith.constant 0 : i32
        %add3A_373 = vector.broadcast %add3A_372 : i32 to vector<16xi32>
        %add3A_374 = arith.addi %shift_right_arithmetic3A_371, %add3A_373 : vector<16xi32>
        %broadcast_in_dim3A_375 = vector.shape_cast %add3A_374 : vector<16xi32> to vector<16x1xi32>
        %gather3A_376 = vector.shape_cast %broadcast_in_dim3A_375 : vector<16x1xi32> to vector<16xi32>
        %gather3A_377 = tpu.dynamic_gather %exp3A_364[%gather3A_376] in [0] : vector<16xf32>, vector<16xi32> -> vector<16xf32>
        %get3A_378 = arith.index_cast %add3A_352 : i32 to index
        %get3A_379 = arith.constant 0 : index
        %get3A_380 = tpu.vector_load %arg10[%get3A_378, %get3A_379] {strides = array<i32>} : memref<128x80xf32, #tpu.memory_space<vmem>>, vector<16xf32>,
        %mul3A_381 = arith.mulf %get3A_380, %gather3A_377 : vector<16xf32>
        %swap3A_382 = arith.index_cast %add3A_352 : i32 to index
        %swap3A_383 = arith.constant 0 : index
        %swap3A_384 = tpu.vector_load %arg14[%swap3A_382, %swap3A_383] {strides = array<i32>} : memref<128x80xf32, #tpu.memory_space<vmem>>, vector<16xf32>,
        tpu.vector_store %arg14[%swap3A_382, %swap3A_383], %mul3A_381 {strides = array<i32>} : memref<128x80xf32, #tpu.memory_space<vmem>>, vector<16xf32>,
        %iota3A_385 = tpu.iota {dimensions = array<i32: 0>} : vector<16xi32>
        %shift_right_arithmetic3A_386 = arith.constant 3 : i32
        %shift_right_arithmetic3A_387 = vector.broadcast %shift_right_arithmetic3A_386 : i32 to vector<16xi32>
        %shift_right_arithmetic3A_388 = arith.shrsi %iota3A_385, %shift_right_arithmetic3A_387 : vector<16xi32>
        %add3A_389 = arith.constant 2 : i32
        %add3A_390 = vector.broadcast %add3A_389 : i32 to vector<16xi32>
        %add3A_391 = arith.addi %shift_right_arithmetic3A_388, %add3A_390 : vector<16xi32>
        %broadcast_in_dim3A_392 = vector.shape_cast %add3A_391 : vector<16xi32> to vector<16x1xi32>
        %gather3A_393 = vector.shape_cast %broadcast_in_dim3A_392 : vector<16x1xi32> to vector<16xi32>
        %gather3A_394 = tpu.dynamic_gather %exp3A_364[%gather3A_393] in [0] : vector<16xf32>, vector<16xi32> -> vector<16xf32>
        %get3A_395 = arith.index_cast %add3A_352 : i32 to index
        %get3A_396 = arith.constant 16 : index
        %get3A_397 = tpu.vector_load %arg10[%get3A_395, %get3A_396] {strides = array<i32>} : memref<128x80xf32, #tpu.memory_space<vmem>>, vector<16xf32>,
        %mul3A_398 = arith.mulf %get3A_397, %gather3A_394 : vector<16xf32>
        %swap3A_399 = arith.index_cast %add3A_352 : i32 to index
        %swap3A_400 = arith.constant 16 : index
        %swap3A_401 = tpu.vector_load %arg14[%swap3A_399, %swap3A_400] {strides = array<i32>} : memref<128x80xf32, #tpu.memory_space<vmem>>, vector<16xf32>,
        tpu.vector_store %arg14[%swap3A_399, %swap3A_400], %mul3A_398 {strides = array<i32>} : memref<128x80xf32, #tpu.memory_space<vmem>>, vector<16xf32>,
        %iota3A_402 = tpu.iota {dimensions = array<i32: 0>} : vector<16xi32>
        %shift_right_arithmetic3A_403 = arith.constant 3 : i32
        %shift_right_arithmetic3A_404 = vector.broadcast %shift_right_arithmetic3A_403 : i32 to vector<16xi32>
        %shift_right_arithmetic3A_405 = arith.shrsi %iota3A_402, %shift_right_arithmetic3A_404 : vector<16xi32>
        %add3A_406 = arith.constant 4 : i32
        %add3A_407 = vector.broadcast %add3A_406 : i32 to vector<16xi32>
        %add3A_408 = arith.addi %shift_right_arithmetic3A_405, %add3A_407 : vector<16xi32>
        %broadcast_in_dim3A_409 = vector.shape_cast %add3A_408 : vector<16xi32> to vector<16x1xi32>
        %gather3A_410 = vector.shape_cast %broadcast_in_dim3A_409 : vector<16x1xi32> to vector<16xi32>
        %gather3A_411 = tpu.dynamic_gather %exp3A_364[%gather3A_410] in [0] : vector<16xf32>, vector<16xi32> -> vector<16xf32>
        %get3A_412 = arith.index_cast %add3A_352 : i32 to index
        %get3A_413 = arith.constant 32 : index
        %get3A_414 = tpu.vector_load %arg10[%get3A_412, %get3A_413] {strides = array<i32>} : memref<128x80xf32, #tpu.memory_space<vmem>>, vector<16xf32>,
        %mul3A_415 = arith.mulf %get3A_414, %gather3A_411 : vector<16xf32>
        %swap3A_416 = arith.index_cast %add3A_352 : i32 to index
        %swap3A_417 = arith.constant 32 : index
        %swap3A_418 = tpu.vector_load %arg14[%swap3A_416, %swap3A_417] {strides = array<i32>} : memref<128x80xf32, #tpu.memory_space<vmem>>, vector<16xf32>,
        tpu.vector_store %arg14[%swap3A_416, %swap3A_417], %mul3A_415 {strides = array<i32>} : memref<128x80xf32, #tpu.memory_space<vmem>>, vector<16xf32>,
        %iota3A_419 = tpu.iota {dimensions = array<i32: 0>} : vector<16xi32>
        %shift_right_arithmetic3A_420 = arith.constant 3 : i32
        %shift_right_arithmetic3A_421 = vector.broadcast %shift_right_arithmetic3A_420 : i32 to vector<16xi32>
        %shift_right_arithmetic3A_422 = arith.shrsi %iota3A_419, %shift_right_arithmetic3A_421 : vector<16xi32>
        %add3A_423 = arith.constant 6 : i32
        %add3A_424 = vector.broadcast %add3A_423 : i32 to vector<16xi32>
        %add3A_425 = arith.addi %shift_right_arithmetic3A_422, %add3A_424 : vector<16xi32>
        %broadcast_in_dim3A_426 = vector.shape_cast %add3A_425 : vector<16xi32> to vector<16x1xi32>
        %gather3A_427 = vector.shape_cast %broadcast_in_dim3A_426 : vector<16x1xi32> to vector<16xi32>
        %gather3A_428 = tpu.dynamic_gather %exp3A_364[%gather3A_427] in [0] : vector<16xf32>, vector<16xi32> -> vector<16xf32>
        %get3A_429 = arith.index_cast %add3A_352 : i32 to index
        %get3A_430 = arith.constant 48 : index
        %get3A_431 = tpu.vector_load %arg10[%get3A_429, %get3A_430] {strides = array<i32>} : memref<128x80xf32, #tpu.memory_space<vmem>>, vector<16xf32>,
        %mul3A_432 = arith.mulf %get3A_431, %gather3A_428 : vector<16xf32>
        %swap3A_433 = arith.index_cast %add3A_352 : i32 to index
        %swap3A_434 = arith.constant 48 : index
        %swap3A_435 = tpu.vector_load %arg14[%swap3A_433, %swap3A_434] {strides = array<i32>} : memref<128x80xf32, #tpu.memory_space<vmem>>, vector<16xf32>,
        tpu.vector_store %arg14[%swap3A_433, %swap3A_434], %mul3A_432 {strides = array<i32>} : memref<128x80xf32, #tpu.memory_space<vmem>>, vector<16xf32>,
        %mul3A_436 = arith.constant 4 : i32
        %mul3A_437 = arith.muli %scan3A_182, %mul3A_436 : i32
        %add3A_438 = arith.constant 3 : i32
        %add3A_439 = arith.addi %mul3A_437, %add3A_438 : i32
        %get3A_440 = arith.index_cast %add3A_439 : i32 to index
        %get3A_441 = arith.constant 64 : index
        %get3A_442 = tpu.vector_load %arg10[%get3A_440, %get3A_441] {strides = array<i32>} : memref<128x80xf32, #tpu.memory_space<vmem>>, vector<16xf32>,
        %get3A_443 = arith.index_cast %add3A_439 : i32 to index
        %get3A_444 = arith.constant 0 : index
        %get3A_445 = tpu.vector_load %arg12[%get3A_443, %get3A_444] {strides = array<i32>} : memref<128x16xf32, #tpu.memory_space<vmem>>, vector<16xf32>,
        %add3A_446 = arith.addf %get3A_442, %get3A_445 : vector<16xf32>
        %mul3A_447 = arith.constant 2.000000e-01 : f32
        %mul3A_448 = vector.broadcast %mul3A_447 : f32 to vector<16xf32>
        %mul3A_449 = arith.mulf %mul3A_448, %add3A_446 : vector<16xf32>
        %max3A_450 = arith.maximumf %add3A_446, %mul3A_449 : vector<16xf32>
        %exp3A_451 = math.exp %max3A_450 : vector<16xf32>
        %swap3A_452 = arith.index_cast %add3A_439 : i32 to index
        %swap3A_453 = arith.constant 64 : index
        %swap3A_454 = tpu.vector_load %arg14[%swap3A_452, %swap3A_453] {strides = array<i32>} : memref<128x80xf32, #tpu.memory_space<vmem>>, vector<16xf32>,
        tpu.vector_store %arg14[%swap3A_452, %swap3A_453], %exp3A_451 {strides = array<i32>} : memref<128x80xf32, #tpu.memory_space<vmem>>, vector<16xf32>,
        %iota3A_455 = tpu.iota {dimensions = array<i32: 0>} : vector<16xi32>
        %shift_right_arithmetic3A_456 = arith.constant 3 : i32
        %shift_right_arithmetic3A_457 = vector.broadcast %shift_right_arithmetic3A_456 : i32 to vector<16xi32>
        %shift_right_arithmetic3A_458 = arith.shrsi %iota3A_455, %shift_right_arithmetic3A_457 : vector<16xi32>
        %add3A_459 = arith.constant 0 : i32
        %add3A_460 = vector.broadcast %add3A_459 : i32 to vector<16xi32>
        %add3A_461 = arith.addi %shift_right_arithmetic3A_458, %add3A_460 : vector<16xi32>
        %broadcast_in_dim3A_462 = vector.shape_cast %add3A_461 : vector<16xi32> to vector<16x1xi32>
        %gather3A_463 = vector.shape_cast %broadcast_in_dim3A_462 : vector<16x1xi32> to vector<16xi32>
        %gather3A_464 = tpu.dynamic_gather %exp3A_451[%gather3A_463] in [0] : vector<16xf32>, vector<16xi32> -> vector<16xf32>
        %get3A_465 = arith.index_cast %add3A_439 : i32 to index
        %get3A_466 = arith.constant 0 : index
        %get3A_467 = tpu.vector_load %arg10[%get3A_465, %get3A_466] {strides = array<i32>} : memref<128x80xf32, #tpu.memory_space<vmem>>, vector<16xf32>,
        %mul3A_468 = arith.mulf %get3A_467, %gather3A_464 : vector<16xf32>
        %swap3A_469 = arith.index_cast %add3A_439 : i32 to index
        %swap3A_470 = arith.constant 0 : index
        %swap3A_471 = tpu.vector_load %arg14[%swap3A_469, %swap3A_470] {strides = array<i32>} : memref<128x80xf32, #tpu.memory_space<vmem>>, vector<16xf32>,
        tpu.vector_store %arg14[%swap3A_469, %swap3A_470], %mul3A_468 {strides = array<i32>} : memref<128x80xf32, #tpu.memory_space<vmem>>, vector<16xf32>,
        %iota3A_472 = tpu.iota {dimensions = array<i32: 0>} : vector<16xi32>
        %shift_right_arithmetic3A_473 = arith.constant 3 : i32
        %shift_right_arithmetic3A_474 = vector.broadcast %shift_right_arithmetic3A_473 : i32 to vector<16xi32>
        %shift_right_arithmetic3A_475 = arith.shrsi %iota3A_472, %shift_right_arithmetic3A_474 : vector<16xi32>
        %add3A_476 = arith.constant 2 : i32
        %add3A_477 = vector.broadcast %add3A_476 : i32 to vector<16xi32>
        %add3A_478 = arith.addi %shift_right_arithmetic3A_475, %add3A_477 : vector<16xi32>
        %broadcast_in_dim3A_479 = vector.shape_cast %add3A_478 : vector<16xi32> to vector<16x1xi32>
        %gather3A_480 = vector.shape_cast %broadcast_in_dim3A_479 : vector<16x1xi32> to vector<16xi32>
        %gather3A_481 = tpu.dynamic_gather %exp3A_451[%gather3A_480] in [0] : vector<16xf32>, vector<16xi32> -> vector<16xf32>
        %get3A_482 = arith.index_cast %add3A_439 : i32 to index
        %get3A_483 = arith.constant 16 : index
        %get3A_484 = tpu.vector_load %arg10[%get3A_482, %get3A_483] {strides = array<i32>} : memref<128x80xf32, #tpu.memory_space<vmem>>, vector<16xf32>,
        %mul3A_485 = arith.mulf %get3A_484, %gather3A_481 : vector<16xf32>
        %swap3A_486 = arith.index_cast %add3A_439 : i32 to index
        %swap3A_487 = arith.constant 16 : index
        %swap3A_488 = tpu.vector_load %arg14[%swap3A_486, %swap3A_487] {strides = array<i32>} : memref<128x80xf32, #tpu.memory_space<vmem>>, vector<16xf32>,
        tpu.vector_store %arg14[%swap3A_486, %swap3A_487], %mul3A_485 {strides = array<i32>} : memref<128x80xf32, #tpu.memory_space<vmem>>, vector<16xf32>,
        %iota3A_489 = tpu.iota {dimensions = array<i32: 0>} : vector<16xi32>
        %shift_right_arithmetic3A_490 = arith.constant 3 : i32
        %shift_right_arithmetic3A_491 = vector.broadcast %shift_right_arithmetic3A_490 : i32 to vector<16xi32>
        %shift_right_arithmetic3A_492 = arith.shrsi %iota3A_489, %shift_right_arithmetic3A_491 : vector<16xi32>
        %add3A_493 = arith.constant 4 : i32
        %add3A_494 = vector.broadcast %add3A_493 : i32 to vector<16xi32>
        %add3A_495 = arith.addi %shift_right_arithmetic3A_492, %add3A_494 : vector<16xi32>
        %broadcast_in_dim3A_496 = vector.shape_cast %add3A_495 : vector<16xi32> to vector<16x1xi32>
        %gather3A_497 = vector.shape_cast %broadcast_in_dim3A_496 : vector<16x1xi32> to vector<16xi32>
        %gather3A_498 = tpu.dynamic_gather %exp3A_451[%gather3A_497] in [0] : vector<16xf32>, vector<16xi32> -> vector<16xf32>
        %get3A_499 = arith.index_cast %add3A_439 : i32 to index
        %get3A_500 = arith.constant 32 : index
        %get3A_501 = tpu.vector_load %arg10[%get3A_499, %get3A_500] {strides = array<i32>} : memref<128x80xf32, #tpu.memory_space<vmem>>, vector<16xf32>,
        %mul3A_502 = arith.mulf %get3A_501, %gather3A_498 : vector<16xf32>
        %swap3A_503 = arith.index_cast %add3A_439 : i32 to index
        %swap3A_504 = arith.constant 32 : index
        %swap3A_505 = tpu.vector_load %arg14[%swap3A_503, %swap3A_504] {strides = array<i32>} : memref<128x80xf32, #tpu.memory_space<vmem>>, vector<16xf32>,
        tpu.vector_store %arg14[%swap3A_503, %swap3A_504], %mul3A_502 {strides = array<i32>} : memref<128x80xf32, #tpu.memory_space<vmem>>, vector<16xf32>,
        %iota3A_506 = tpu.iota {dimensions = array<i32: 0>} : vector<16xi32>
        %shift_right_arithmetic3A_507 = arith.constant 3 : i32
        %shift_right_arithmetic3A_508 = vector.broadcast %shift_right_arithmetic3A_507 : i32 to vector<16xi32>
        %shift_right_arithmetic3A_509 = arith.shrsi %iota3A_506, %shift_right_arithmetic3A_508 : vector<16xi32>
        %add3A_510 = arith.constant 6 : i32
        %add3A_511 = vector.broadcast %add3A_510 : i32 to vector<16xi32>
        %add3A_512 = arith.addi %shift_right_arithmetic3A_509, %add3A_511 : vector<16xi32>
        %broadcast_in_dim3A_513 = vector.shape_cast %add3A_512 : vector<16xi32> to vector<16x1xi32>
        %gather3A_514 = vector.shape_cast %broadcast_in_dim3A_513 : vector<16x1xi32> to vector<16xi32>
        %gather3A_515 = tpu.dynamic_gather %exp3A_451[%gather3A_514] in [0] : vector<16xf32>, vector<16xi32> -> vector<16xf32>
        %get3A_516 = arith.index_cast %add3A_439 : i32 to index
        %get3A_517 = arith.constant 48 : index
        %get3A_518 = tpu.vector_load %arg10[%get3A_516, %get3A_517] {strides = array<i32>} : memref<128x80xf32, #tpu.memory_space<vmem>>, vector<16xf32>,
        %mul3A_519 = arith.mulf %get3A_518, %gather3A_515 : vector<16xf32>
        %swap3A_520 = arith.index_cast %add3A_439 : i32 to index
        %swap3A_521 = arith.constant 48 : index
        %swap3A_522 = tpu.vector_load %arg14[%swap3A_520, %swap3A_521] {strides = array<i32>} : memref<128x80xf32, #tpu.memory_space<vmem>>, vector<16xf32>,
        tpu.vector_store %arg14[%swap3A_520, %swap3A_521], %mul3A_519 {strides = array<i32>} : memref<128x80xf32, #tpu.memory_space<vmem>>, vector<16xf32>,
      }
      %scan3A_169 = arith.constant 32 : i32
      %dma_start3A_170 = arith.constant 0 : i32
      %dma_start3A_171 = tpu.memref_slice %arg8[%add3A_146, %dma_start3A_170] : memref<104x128xi32, #tpu.memory_space<vmem>> -> memref<1x128xi32, #tpu.memory_space<vmem>>
      %dma_start3A_172 = tpu.memref_squeeze %dma_start3A_171 : memref<1x128xi32, #tpu.memory_space<vmem>> -> memref<128xi32, #tpu.memory_space<vmem>>
      %dma_start3A_173 = arith.constant 0 : i32
      %dma_start3A_174 = arith.constant 0 : i32
      %dma_start3A_175 = tpu.memref_slice %arg15[%dma_start3A_173, %dma_start3A_174] : memref<10240x80xf32, #tpu.memory_space<vmem_shared>> -> memref<10240x80xf32, #tpu.memory_space<vmem_shared>>
      tpu.enqueue_indirect_dma source(%arg14 : memref<128x80xf32, #tpu.memory_space<vmem>>) target(%dma_start3A_175 : memref<10240x80xf32, #tpu.memory_space<vmem_shared>>) offsets(%dma_start3A_172 : memref<128xi32, #tpu.memory_space<vmem>>) semaphore(%arg19 : memref<!tpu.dma_semaphore, #tpu.memory_space<semaphore_mem>>) {add = true}
      %add3A_176 = arith.constant 2 : i32
      %add3A_177 = arith.addi %add3A_146, %add3A_176 : i32
      %lt3A_178 = arith.cmpi slt, %add3A_177, %add3A_1 : i32
      %convert_element_type3A_179 = arith.extui %lt3A_178 : i1 to i32
      %cond3A_180 = arith.constant 0 : i32
      %cond3A_181 = arith.cmpi ne, %convert_element_type3A_179, %cond3A_180 : i32
      scf.if %cond3A_181 {
        %add3A_182 = arith.constant 2 : i32
        %add3A_183 = arith.addi %add3A_146, %add3A_182 : i32
        %dma_start3A_184 = arith.constant 0 : i32
        %dma_start3A_185 = tpu.memref_slice %arg7[%add3A_183, %dma_start3A_184] : memref<104x128xi32, #tpu.memory_space<vmem>> -> memref<1x128xi32, #tpu.memory_space<vmem>>
        %dma_start3A_186 = tpu.memref_squeeze %dma_start3A_185 : memref<1x128xi32, #tpu.memory_space<vmem>> -> memref<128xi32, #tpu.memory_space<vmem>>
        %dma_start3A_187 = arith.constant 0 : i32
        %dma_start3A_188 = arith.constant 0 : i32
        %dma_start3A_189 = tpu.memref_slice %arg2[%dma_start3A_187, %dma_start3A_188] : memref<10240x80xf32, #tpu.memory_space<hbm>> -> memref<10240x80xf32, #tpu.memory_space<hbm>>
        tpu.enqueue_indirect_dma source(%dma_start3A_189 : memref<10240x80xf32, #tpu.memory_space<hbm>>) target(%arg10 : memref<128x80xf32, #tpu.memory_space<vmem>>) offsets(%dma_start3A_186 : memref<128xi32, #tpu.memory_space<vmem>>) semaphore(%arg17 : memref<!tpu.dma_semaphore, #tpu.memory_space<semaphore_mem>>)
        %dma_start3A_190 = arith.constant 0 : i32
        %dma_start3A_191 = tpu.memref_slice %arg8[%add3A_183, %dma_start3A_190] : memref<104x128xi32, #tpu.memory_space<vmem>> -> memref<1x128xi32, #tpu.memory_space<vmem>>
        %dma_start3A_192 = tpu.memref_squeeze %dma_start3A_191 : memref<1x128xi32, #tpu.memory_space<vmem>> -> memref<128xi32, #tpu.memory_space<vmem>>
        %dma_start3A_193 = arith.constant 0 : i32
        %dma_start3A_194 = arith.constant 0 : i32
        %dma_start3A_195 = tpu.memref_slice %arg3[%dma_start3A_193, %dma_start3A_194] : memref<10240x16xf32, #tpu.memory_space<hbm>> -> memref<10240x16xf32, #tpu.memory_space<hbm>>
        tpu.enqueue_indirect_dma source(%dma_start3A_195 : memref<10240x16xf32, #tpu.memory_space<hbm>>) target(%arg12 : memref<128x16xf32, #tpu.memory_space<vmem>>) offsets(%dma_start3A_192 : memref<128xi32, #tpu.memory_space<vmem>>) semaphore(%arg17 : memref<!tpu.dma_semaphore, #tpu.memory_space<semaphore_mem>>)
      } else {
      }
    }
    %while3A_82 = arith.constant 1 : i32
    scf.for %while3A_107 = %while3A_80 to %while3A_76 step %while3A_82  : i32 {
      %mul3A_108 = arith.constant 2 : i32
      %mul3A_109 = arith.muli %while3A_107, %mul3A_108 : i32
      %add3A_110 = arith.constant 0 : i32
      %add3A_111 = arith.addi %mul3A_109, %add3A_110 : i32
      %dma_wait3A_112 = arith.constant 0 : i32
      %dma_wait3A_113 = tpu.memref_slice %arg7[%add3A_111, %dma_wait3A_112] : memref<104x128xi32, #tpu.memory_space<vmem>> -> memref<1x128xi32, #tpu.memory_space<vmem>>
      %dma_wait3A_114 = tpu.memref_squeeze %dma_wait3A_113 : memref<1x128xi32, #tpu.memory_space<vmem>> -> memref<128xi32, #tpu.memory_space<vmem>>
      %dma_wait3A_115 = arith.constant 0 : i32
      %dma_wait3A_116 = arith.constant 0 : i32
      %dma_wait3A_117 = tpu.memref_slice %arg2[%dma_wait3A_115, %dma_wait3A_116] : memref<10240x80xf32, #tpu.memory_space<hbm>> -> memref<10240x80xf32, #tpu.memory_space<hbm>>
      tpu.wait_indirect_dma semaphore(%arg16 : memref<!tpu.dma_semaphore, #tpu.memory_space<semaphore_mem>>) src(%dma_wait3A_117 : memref<10240x80xf32, #tpu.memory_space<hbm>>) dst(%arg9 : memref<128x80xf32, #tpu.memory_space<vmem>>)
      %dma_wait3A_118 = arith.constant 0 : i32
      %dma_wait3A_119 = tpu.memref_slice %arg8[%add3A_111, %dma_wait3A_118] : memref<104x128xi32, #tpu.memory_space<vmem>> -> memref<1x128xi32, #tpu.memory_space<vmem>>
      %dma_wait3A_120 = tpu.memref_squeeze %dma_wait3A_119 : memref<1x128xi32, #tpu.memory_space<vmem>> -> memref<128xi32, #tpu.memory_space<vmem>>
      %dma_wait3A_121 = arith.constant 0 : i32
      %dma_wait3A_122 = arith.constant 0 : i32
      %dma_wait3A_123 = tpu.memref_slice %arg3[%dma_wait3A_121, %dma_wait3A_122] : memref<10240x16xf32, #tpu.memory_space<hbm>> -> memref<10240x16xf32, #tpu.memory_space<hbm>>
      tpu.wait_indirect_dma semaphore(%arg16 : memref<!tpu.dma_semaphore, #tpu.memory_space<semaphore_mem>>) src(%dma_wait3A_123 : memref<10240x16xf32, #tpu.memory_space<hbm>>) dst(%arg11 : memref<128x16xf32, #tpu.memory_space<vmem>>)
      %ge3A = arith.constant 1 : i32
      %ge3A_124 = arith.cmpi sge, %while3A_107, %ge3A : i32
      %convert_element_type3A = arith.extui %ge3A_124 : i1 to i32
      %cond3A = arith.constant 0 : i32
      %cond3A_125 = arith.cmpi ne, %convert_element_type3A, %cond3A : i32
      scf.if %cond3A_125 {
        %sub3A_182 = arith.constant 2 : i32
        %sub3A_183 = arith.subi %add3A_111, %sub3A_182 : i32
        %dma_wait3A_184 = arith.constant 0 : i32
        %dma_wait3A_185 = tpu.memref_slice %arg8[%sub3A_183, %dma_wait3A_184] : memref<104x128xi32, #tpu.memory_space<vmem>> -> memref<1x128xi32, #tpu.memory_space<vmem>>
        %dma_wait3A_186 = tpu.memref_squeeze %dma_wait3A_185 : memref<1x128xi32, #tpu.memory_space<vmem>> -> memref<128xi32, #tpu.memory_space<vmem>>
        %dma_wait3A_187 = arith.constant 0 : i32
        %dma_wait3A_188 = arith.constant 0 : i32
        %dma_wait3A_189 = tpu.memref_slice %arg15[%dma_wait3A_187, %dma_wait3A_188] : memref<10240x80xf32, #tpu.memory_space<vmem_shared>> -> memref<10240x80xf32, #tpu.memory_space<vmem_shared>>
        tpu.wait_indirect_dma semaphore(%arg18 : memref<!tpu.dma_semaphore, #tpu.memory_space<semaphore_mem>>) src(%arg13 : memref<128x80xf32, #tpu.memory_space<vmem>>) dst(%dma_wait3A_189 : memref<10240x80xf32, #tpu.memory_space<vmem_shared>>)
      } else {
      }
      %scan3A_126 = arith.constant 0 : i32
      %scan3A_127 = arith.constant 0 : i32
      %scan3A_128 = arith.constant 32 : i32
      %scan3A_129 = arith.addi %scan3A_127, %scan3A_128 : i32
      %scan3A_130 = arith.constant 1 : i32
      scf.for %scan3A_182 = %scan3A_127 to %scan3A_129 step %scan3A_130  : i32 {
        %mul3A_183 = arith.constant 4 : i32
        %mul3A_184 = arith.muli %scan3A_182, %mul3A_183 : i32
        %add3A_185 = arith.constant 0 : i32
        %add3A_186 = arith.addi %mul3A_184, %add3A_185 : i32
        %get3A = arith.index_cast %add3A_186 : i32 to index
        %get3A_187 = arith.constant 64 : index
        %get3A_188 = tpu.vector_load %arg9[%get3A, %get3A_187] {strides = array<i32>} : memref<128x80xf32, #tpu.memory_space<vmem>>, vector<16xf32>,
        %get3A_189 = arith.index_cast %add3A_186 : i32 to index
        %get3A_190 = arith.constant 0 : index
        %get3A_191 = tpu.vector_load %arg11[%get3A_189, %get3A_190] {strides = array<i32>} : memref<128x16xf32, #tpu.memory_space<vmem>>, vector<16xf32>,
        %add3A_192 = arith.addf %get3A_188, %get3A_191 : vector<16xf32>
        %mul3A_193 = arith.constant 2.000000e-01 : f32
        %mul3A_194 = vector.broadcast %mul3A_193 : f32 to vector<16xf32>
        %mul3A_195 = arith.mulf %mul3A_194, %add3A_192 : vector<16xf32>
        %max3A = arith.maximumf %add3A_192, %mul3A_195 : vector<16xf32>
        %exp3A = math.exp %max3A : vector<16xf32>
        %swap3A = arith.index_cast %add3A_186 : i32 to index
        %swap3A_196 = arith.constant 64 : index
        %swap3A_197 = tpu.vector_load %arg13[%swap3A, %swap3A_196] {strides = array<i32>} : memref<128x80xf32, #tpu.memory_space<vmem>>, vector<16xf32>,
        tpu.vector_store %arg13[%swap3A, %swap3A_196], %exp3A {strides = array<i32>} : memref<128x80xf32, #tpu.memory_space<vmem>>, vector<16xf32>,
        %iota3A = tpu.iota {dimensions = array<i32: 0>} : vector<16xi32>
        %shift_right_arithmetic3A = arith.constant 3 : i32
        %shift_right_arithmetic3A_198 = vector.broadcast %shift_right_arithmetic3A : i32 to vector<16xi32>
        %shift_right_arithmetic3A_199 = arith.shrsi %iota3A, %shift_right_arithmetic3A_198 : vector<16xi32>
        %add3A_200 = arith.constant 0 : i32
        %add3A_201 = vector.broadcast %add3A_200 : i32 to vector<16xi32>
        %add3A_202 = arith.addi %shift_right_arithmetic3A_199, %add3A_201 : vector<16xi32>
        %broadcast_in_dim3A = vector.shape_cast %add3A_202 : vector<16xi32> to vector<16x1xi32>
        %gather3A = vector.shape_cast %broadcast_in_dim3A : vector<16x1xi32> to vector<16xi32>
        %gather3A_203 = tpu.dynamic_gather %exp3A[%gather3A] in [0] : vector<16xf32>, vector<16xi32> -> vector<16xf32>
        %get3A_204 = arith.index_cast %add3A_186 : i32 to index
        %get3A_205 = arith.constant 0 : index
        %get3A_206 = tpu.vector_load %arg9[%get3A_204, %get3A_205] {strides = array<i32>} : memref<128x80xf32, #tpu.memory_space<vmem>>, vector<16xf32>,
        %mul3A_207 = arith.mulf %get3A_206, %gather3A_203 : vector<16xf32>
        %swap3A_208 = arith.index_cast %add3A_186 : i32 to index
        %swap3A_209 = arith.constant 0 : index
        %swap3A_210 = tpu.vector_load %arg13[%swap3A_208, %swap3A_209] {strides = array<i32>} : memref<128x80xf32, #tpu.memory_space<vmem>>, vector<16xf32>,
        tpu.vector_store %arg13[%swap3A_208, %swap3A_209], %mul3A_207 {strides = array<i32>} : memref<128x80xf32, #tpu.memory_space<vmem>>, vector<16xf32>,
        %iota3A_211 = tpu.iota {dimensions = array<i32: 0>} : vector<16xi32>
        %shift_right_arithmetic3A_212 = arith.constant 3 : i32
        %shift_right_arithmetic3A_213 = vector.broadcast %shift_right_arithmetic3A_212 : i32 to vector<16xi32>
        %shift_right_arithmetic3A_214 = arith.shrsi %iota3A_211, %shift_right_arithmetic3A_213 : vector<16xi32>
        %add3A_215 = arith.constant 2 : i32
        %add3A_216 = vector.broadcast %add3A_215 : i32 to vector<16xi32>
        %add3A_217 = arith.addi %shift_right_arithmetic3A_214, %add3A_216 : vector<16xi32>
        %broadcast_in_dim3A_218 = vector.shape_cast %add3A_217 : vector<16xi32> to vector<16x1xi32>
        %gather3A_219 = vector.shape_cast %broadcast_in_dim3A_218 : vector<16x1xi32> to vector<16xi32>
        %gather3A_220 = tpu.dynamic_gather %exp3A[%gather3A_219] in [0] : vector<16xf32>, vector<16xi32> -> vector<16xf32>
        %get3A_221 = arith.index_cast %add3A_186 : i32 to index
        %get3A_222 = arith.constant 16 : index
        %get3A_223 = tpu.vector_load %arg9[%get3A_221, %get3A_222] {strides = array<i32>} : memref<128x80xf32, #tpu.memory_space<vmem>>, vector<16xf32>,
        %mul3A_224 = arith.mulf %get3A_223, %gather3A_220 : vector<16xf32>
        %swap3A_225 = arith.index_cast %add3A_186 : i32 to index
        %swap3A_226 = arith.constant 16 : index
        %swap3A_227 = tpu.vector_load %arg13[%swap3A_225, %swap3A_226] {strides = array<i32>} : memref<128x80xf32, #tpu.memory_space<vmem>>, vector<16xf32>,
        tpu.vector_store %arg13[%swap3A_225, %swap3A_226], %mul3A_224 {strides = array<i32>} : memref<128x80xf32, #tpu.memory_space<vmem>>, vector<16xf32>,
        %iota3A_228 = tpu.iota {dimensions = array<i32: 0>} : vector<16xi32>
        %shift_right_arithmetic3A_229 = arith.constant 3 : i32
        %shift_right_arithmetic3A_230 = vector.broadcast %shift_right_arithmetic3A_229 : i32 to vector<16xi32>
        %shift_right_arithmetic3A_231 = arith.shrsi %iota3A_228, %shift_right_arithmetic3A_230 : vector<16xi32>
        %add3A_232 = arith.constant 4 : i32
        %add3A_233 = vector.broadcast %add3A_232 : i32 to vector<16xi32>
        %add3A_234 = arith.addi %shift_right_arithmetic3A_231, %add3A_233 : vector<16xi32>
        %broadcast_in_dim3A_235 = vector.shape_cast %add3A_234 : vector<16xi32> to vector<16x1xi32>
        %gather3A_236 = vector.shape_cast %broadcast_in_dim3A_235 : vector<16x1xi32> to vector<16xi32>
        %gather3A_237 = tpu.dynamic_gather %exp3A[%gather3A_236] in [0] : vector<16xf32>, vector<16xi32> -> vector<16xf32>
        %get3A_238 = arith.index_cast %add3A_186 : i32 to index
        %get3A_239 = arith.constant 32 : index
        %get3A_240 = tpu.vector_load %arg9[%get3A_238, %get3A_239] {strides = array<i32>} : memref<128x80xf32, #tpu.memory_space<vmem>>, vector<16xf32>,
        %mul3A_241 = arith.mulf %get3A_240, %gather3A_237 : vector<16xf32>
        %swap3A_242 = arith.index_cast %add3A_186 : i32 to index
        %swap3A_243 = arith.constant 32 : index
        %swap3A_244 = tpu.vector_load %arg13[%swap3A_242, %swap3A_243] {strides = array<i32>} : memref<128x80xf32, #tpu.memory_space<vmem>>, vector<16xf32>,
        tpu.vector_store %arg13[%swap3A_242, %swap3A_243], %mul3A_241 {strides = array<i32>} : memref<128x80xf32, #tpu.memory_space<vmem>>, vector<16xf32>,
        %iota3A_245 = tpu.iota {dimensions = array<i32: 0>} : vector<16xi32>
        %shift_right_arithmetic3A_246 = arith.constant 3 : i32
        %shift_right_arithmetic3A_247 = vector.broadcast %shift_right_arithmetic3A_246 : i32 to vector<16xi32>
        %shift_right_arithmetic3A_248 = arith.shrsi %iota3A_245, %shift_right_arithmetic3A_247 : vector<16xi32>
        %add3A_249 = arith.constant 6 : i32
        %add3A_250 = vector.broadcast %add3A_249 : i32 to vector<16xi32>
        %add3A_251 = arith.addi %shift_right_arithmetic3A_248, %add3A_250 : vector<16xi32>
        %broadcast_in_dim3A_252 = vector.shape_cast %add3A_251 : vector<16xi32> to vector<16x1xi32>
        %gather3A_253 = vector.shape_cast %broadcast_in_dim3A_252 : vector<16x1xi32> to vector<16xi32>
        %gather3A_254 = tpu.dynamic_gather %exp3A[%gather3A_253] in [0] : vector<16xf32>, vector<16xi32> -> vector<16xf32>
        %get3A_255 = arith.index_cast %add3A_186 : i32 to index
        %get3A_256 = arith.constant 48 : index
        %get3A_257 = tpu.vector_load %arg9[%get3A_255, %get3A_256] {strides = array<i32>} : memref<128x80xf32, #tpu.memory_space<vmem>>, vector<16xf32>,
        %mul3A_258 = arith.mulf %get3A_257, %gather3A_254 : vector<16xf32>
        %swap3A_259 = arith.index_cast %add3A_186 : i32 to index
        %swap3A_260 = arith.constant 48 : index
        %swap3A_261 = tpu.vector_load %arg13[%swap3A_259, %swap3A_260] {strides = array<i32>} : memref<128x80xf32, #tpu.memory_space<vmem>>, vector<16xf32>,
        tpu.vector_store %arg13[%swap3A_259, %swap3A_260], %mul3A_258 {strides = array<i32>} : memref<128x80xf32, #tpu.memory_space<vmem>>, vector<16xf32>,
        %mul3A_262 = arith.constant 4 : i32
        %mul3A_263 = arith.muli %scan3A_182, %mul3A_262 : i32
        %add3A_264 = arith.constant 1 : i32
        %add3A_265 = arith.addi %mul3A_263, %add3A_264 : i32
        %get3A_266 = arith.index_cast %add3A_265 : i32 to index
        %get3A_267 = arith.constant 64 : index
        %get3A_268 = tpu.vector_load %arg9[%get3A_266, %get3A_267] {strides = array<i32>} : memref<128x80xf32, #tpu.memory_space<vmem>>, vector<16xf32>,
        %get3A_269 = arith.index_cast %add3A_265 : i32 to index
        %get3A_270 = arith.constant 0 : index
        %get3A_271 = tpu.vector_load %arg11[%get3A_269, %get3A_270] {strides = array<i32>} : memref<128x16xf32, #tpu.memory_space<vmem>>, vector<16xf32>,
        %add3A_272 = arith.addf %get3A_268, %get3A_271 : vector<16xf32>
        %mul3A_273 = arith.constant 2.000000e-01 : f32
        %mul3A_274 = vector.broadcast %mul3A_273 : f32 to vector<16xf32>
        %mul3A_275 = arith.mulf %mul3A_274, %add3A_272 : vector<16xf32>
        %max3A_276 = arith.maximumf %add3A_272, %mul3A_275 : vector<16xf32>
        %exp3A_277 = math.exp %max3A_276 : vector<16xf32>
        %swap3A_278 = arith.index_cast %add3A_265 : i32 to index
        %swap3A_279 = arith.constant 64 : index
        %swap3A_280 = tpu.vector_load %arg13[%swap3A_278, %swap3A_279] {strides = array<i32>} : memref<128x80xf32, #tpu.memory_space<vmem>>, vector<16xf32>,
        tpu.vector_store %arg13[%swap3A_278, %swap3A_279], %exp3A_277 {strides = array<i32>} : memref<128x80xf32, #tpu.memory_space<vmem>>, vector<16xf32>,
        %iota3A_281 = tpu.iota {dimensions = array<i32: 0>} : vector<16xi32>
        %shift_right_arithmetic3A_282 = arith.constant 3 : i32
        %shift_right_arithmetic3A_283 = vector.broadcast %shift_right_arithmetic3A_282 : i32 to vector<16xi32>
        %shift_right_arithmetic3A_284 = arith.shrsi %iota3A_281, %shift_right_arithmetic3A_283 : vector<16xi32>
        %add3A_285 = arith.constant 0 : i32
        %add3A_286 = vector.broadcast %add3A_285 : i32 to vector<16xi32>
        %add3A_287 = arith.addi %shift_right_arithmetic3A_284, %add3A_286 : vector<16xi32>
        %broadcast_in_dim3A_288 = vector.shape_cast %add3A_287 : vector<16xi32> to vector<16x1xi32>
        %gather3A_289 = vector.shape_cast %broadcast_in_dim3A_288 : vector<16x1xi32> to vector<16xi32>
        %gather3A_290 = tpu.dynamic_gather %exp3A_277[%gather3A_289] in [0] : vector<16xf32>, vector<16xi32> -> vector<16xf32>
        %get3A_291 = arith.index_cast %add3A_265 : i32 to index
        %get3A_292 = arith.constant 0 : index
        %get3A_293 = tpu.vector_load %arg9[%get3A_291, %get3A_292] {strides = array<i32>} : memref<128x80xf32, #tpu.memory_space<vmem>>, vector<16xf32>,
        %mul3A_294 = arith.mulf %get3A_293, %gather3A_290 : vector<16xf32>
        %swap3A_295 = arith.index_cast %add3A_265 : i32 to index
        %swap3A_296 = arith.constant 0 : index
        %swap3A_297 = tpu.vector_load %arg13[%swap3A_295, %swap3A_296] {strides = array<i32>} : memref<128x80xf32, #tpu.memory_space<vmem>>, vector<16xf32>,
        tpu.vector_store %arg13[%swap3A_295, %swap3A_296], %mul3A_294 {strides = array<i32>} : memref<128x80xf32, #tpu.memory_space<vmem>>, vector<16xf32>,
        %iota3A_298 = tpu.iota {dimensions = array<i32: 0>} : vector<16xi32>
        %shift_right_arithmetic3A_299 = arith.constant 3 : i32
        %shift_right_arithmetic3A_300 = vector.broadcast %shift_right_arithmetic3A_299 : i32 to vector<16xi32>
        %shift_right_arithmetic3A_301 = arith.shrsi %iota3A_298, %shift_right_arithmetic3A_300 : vector<16xi32>
        %add3A_302 = arith.constant 2 : i32
        %add3A_303 = vector.broadcast %add3A_302 : i32 to vector<16xi32>
        %add3A_304 = arith.addi %shift_right_arithmetic3A_301, %add3A_303 : vector<16xi32>
        %broadcast_in_dim3A_305 = vector.shape_cast %add3A_304 : vector<16xi32> to vector<16x1xi32>
        %gather3A_306 = vector.shape_cast %broadcast_in_dim3A_305 : vector<16x1xi32> to vector<16xi32>
        %gather3A_307 = tpu.dynamic_gather %exp3A_277[%gather3A_306] in [0] : vector<16xf32>, vector<16xi32> -> vector<16xf32>
        %get3A_308 = arith.index_cast %add3A_265 : i32 to index
        %get3A_309 = arith.constant 16 : index
        %get3A_310 = tpu.vector_load %arg9[%get3A_308, %get3A_309] {strides = array<i32>} : memref<128x80xf32, #tpu.memory_space<vmem>>, vector<16xf32>,
        %mul3A_311 = arith.mulf %get3A_310, %gather3A_307 : vector<16xf32>
        %swap3A_312 = arith.index_cast %add3A_265 : i32 to index
        %swap3A_313 = arith.constant 16 : index
        %swap3A_314 = tpu.vector_load %arg13[%swap3A_312, %swap3A_313] {strides = array<i32>} : memref<128x80xf32, #tpu.memory_space<vmem>>, vector<16xf32>,
        tpu.vector_store %arg13[%swap3A_312, %swap3A_313], %mul3A_311 {strides = array<i32>} : memref<128x80xf32, #tpu.memory_space<vmem>>, vector<16xf32>,
        %iota3A_315 = tpu.iota {dimensions = array<i32: 0>} : vector<16xi32>
        %shift_right_arithmetic3A_316 = arith.constant 3 : i32
        %shift_right_arithmetic3A_317 = vector.broadcast %shift_right_arithmetic3A_316 : i32 to vector<16xi32>
        %shift_right_arithmetic3A_318 = arith.shrsi %iota3A_315, %shift_right_arithmetic3A_317 : vector<16xi32>
        %add3A_319 = arith.constant 4 : i32
        %add3A_320 = vector.broadcast %add3A_319 : i32 to vector<16xi32>
        %add3A_321 = arith.addi %shift_right_arithmetic3A_318, %add3A_320 : vector<16xi32>
        %broadcast_in_dim3A_322 = vector.shape_cast %add3A_321 : vector<16xi32> to vector<16x1xi32>
        %gather3A_323 = vector.shape_cast %broadcast_in_dim3A_322 : vector<16x1xi32> to vector<16xi32>
        %gather3A_324 = tpu.dynamic_gather %exp3A_277[%gather3A_323] in [0] : vector<16xf32>, vector<16xi32> -> vector<16xf32>
        %get3A_325 = arith.index_cast %add3A_265 : i32 to index
        %get3A_326 = arith.constant 32 : index
        %get3A_327 = tpu.vector_load %arg9[%get3A_325, %get3A_326] {strides = array<i32>} : memref<128x80xf32, #tpu.memory_space<vmem>>, vector<16xf32>,
        %mul3A_328 = arith.mulf %get3A_327, %gather3A_324 : vector<16xf32>
        %swap3A_329 = arith.index_cast %add3A_265 : i32 to index
        %swap3A_330 = arith.constant 32 : index
        %swap3A_331 = tpu.vector_load %arg13[%swap3A_329, %swap3A_330] {strides = array<i32>} : memref<128x80xf32, #tpu.memory_space<vmem>>, vector<16xf32>,
        tpu.vector_store %arg13[%swap3A_329, %swap3A_330], %mul3A_328 {strides = array<i32>} : memref<128x80xf32, #tpu.memory_space<vmem>>, vector<16xf32>,
        %iota3A_332 = tpu.iota {dimensions = array<i32: 0>} : vector<16xi32>
        %shift_right_arithmetic3A_333 = arith.constant 3 : i32
        %shift_right_arithmetic3A_334 = vector.broadcast %shift_right_arithmetic3A_333 : i32 to vector<16xi32>
        %shift_right_arithmetic3A_335 = arith.shrsi %iota3A_332, %shift_right_arithmetic3A_334 : vector<16xi32>
        %add3A_336 = arith.constant 6 : i32
        %add3A_337 = vector.broadcast %add3A_336 : i32 to vector<16xi32>
        %add3A_338 = arith.addi %shift_right_arithmetic3A_335, %add3A_337 : vector<16xi32>
        %broadcast_in_dim3A_339 = vector.shape_cast %add3A_338 : vector<16xi32> to vector<16x1xi32>
        %gather3A_340 = vector.shape_cast %broadcast_in_dim3A_339 : vector<16x1xi32> to vector<16xi32>
        %gather3A_341 = tpu.dynamic_gather %exp3A_277[%gather3A_340] in [0] : vector<16xf32>, vector<16xi32> -> vector<16xf32>
        %get3A_342 = arith.index_cast %add3A_265 : i32 to index
        %get3A_343 = arith.constant 48 : index
        %get3A_344 = tpu.vector_load %arg9[%get3A_342, %get3A_343] {strides = array<i32>} : memref<128x80xf32, #tpu.memory_space<vmem>>, vector<16xf32>,
        %mul3A_345 = arith.mulf %get3A_344, %gather3A_341 : vector<16xf32>
        %swap3A_346 = arith.index_cast %add3A_265 : i32 to index
        %swap3A_347 = arith.constant 48 : index
        %swap3A_348 = tpu.vector_load %arg13[%swap3A_346, %swap3A_347] {strides = array<i32>} : memref<128x80xf32, #tpu.memory_space<vmem>>, vector<16xf32>,
        tpu.vector_store %arg13[%swap3A_346, %swap3A_347], %mul3A_345 {strides = array<i32>} : memref<128x80xf32, #tpu.memory_space<vmem>>, vector<16xf32>,
        %mul3A_349 = arith.constant 4 : i32
        %mul3A_350 = arith.muli %scan3A_182, %mul3A_349 : i32
        %add3A_351 = arith.constant 2 : i32
        %add3A_352 = arith.addi %mul3A_350, %add3A_351 : i32
        %get3A_353 = arith.index_cast %add3A_352 : i32 to index
        %get3A_354 = arith.constant 64 : index
        %get3A_355 = tpu.vector_load %arg9[%get3A_353, %get3A_354] {strides = array<i32>} : memref<128x80xf32, #tpu.memory_space<vmem>>, vector<16xf32>,
        %get3A_356 = arith.index_cast %add3A_352 : i32 to index
        %get3A_357 = arith.constant 0 : index
        %get3A_358 = tpu.vector_load %arg11[%get3A_356, %get3A_357] {strides = array<i32>} : memref<128x16xf32, #tpu.memory_space<vmem>>, vector<16xf32>,
        %add3A_359 = arith.addf %get3A_355, %get3A_358 : vector<16xf32>
        %mul3A_360 = arith.constant 2.000000e-01 : f32
        %mul3A_361 = vector.broadcast %mul3A_360 : f32 to vector<16xf32>
        %mul3A_362 = arith.mulf %mul3A_361, %add3A_359 : vector<16xf32>
        %max3A_363 = arith.maximumf %add3A_359, %mul3A_362 : vector<16xf32>
        %exp3A_364 = math.exp %max3A_363 : vector<16xf32>
        %swap3A_365 = arith.index_cast %add3A_352 : i32 to index
        %swap3A_366 = arith.constant 64 : index
        %swap3A_367 = tpu.vector_load %arg13[%swap3A_365, %swap3A_366] {strides = array<i32>} : memref<128x80xf32, #tpu.memory_space<vmem>>, vector<16xf32>,
        tpu.vector_store %arg13[%swap3A_365, %swap3A_366], %exp3A_364 {strides = array<i32>} : memref<128x80xf32, #tpu.memory_space<vmem>>, vector<16xf32>,
        %iota3A_368 = tpu.iota {dimensions = array<i32: 0>} : vector<16xi32>
        %shift_right_arithmetic3A_369 = arith.constant 3 : i32
        %shift_right_arithmetic3A_370 = vector.broadcast %shift_right_arithmetic3A_369 : i32 to vector<16xi32>
        %shift_right_arithmetic3A_371 = arith.shrsi %iota3A_368, %shift_right_arithmetic3A_370 : vector<16xi32>
        %add3A_372 = arith.constant 0 : i32
        %add3A_373 = vector.broadcast %add3A_372 : i32 to vector<16xi32>
        %add3A_374 = arith.addi %shift_right_arithmetic3A_371, %add3A_373 : vector<16xi32>
        %broadcast_in_dim3A_375 = vector.shape_cast %add3A_374 : vector<16xi32> to vector<16x1xi32>
        %gather3A_376 = vector.shape_cast %broadcast_in_dim3A_375 : vector<16x1xi32> to vector<16xi32>
        %gather3A_377 = tpu.dynamic_gather %exp3A_364[%gather3A_376] in [0] : vector<16xf32>, vector<16xi32> -> vector<16xf32>
        %get3A_378 = arith.index_cast %add3A_352 : i32 to index
        %get3A_379 = arith.constant 0 : index
        %get3A_380 = tpu.vector_load %arg9[%get3A_378, %get3A_379] {strides = array<i32>} : memref<128x80xf32, #tpu.memory_space<vmem>>, vector<16xf32>,
        %mul3A_381 = arith.mulf %get3A_380, %gather3A_377 : vector<16xf32>
        %swap3A_382 = arith.index_cast %add3A_352 : i32 to index
        %swap3A_383 = arith.constant 0 : index
        %swap3A_384 = tpu.vector_load %arg13[%swap3A_382, %swap3A_383] {strides = array<i32>} : memref<128x80xf32, #tpu.memory_space<vmem>>, vector<16xf32>,
        tpu.vector_store %arg13[%swap3A_382, %swap3A_383], %mul3A_381 {strides = array<i32>} : memref<128x80xf32, #tpu.memory_space<vmem>>, vector<16xf32>,
        %iota3A_385 = tpu.iota {dimensions = array<i32: 0>} : vector<16xi32>
        %shift_right_arithmetic3A_386 = arith.constant 3 : i32
        %shift_right_arithmetic3A_387 = vector.broadcast %shift_right_arithmetic3A_386 : i32 to vector<16xi32>
        %shift_right_arithmetic3A_388 = arith.shrsi %iota3A_385, %shift_right_arithmetic3A_387 : vector<16xi32>
        %add3A_389 = arith.constant 2 : i32
        %add3A_390 = vector.broadcast %add3A_389 : i32 to vector<16xi32>
        %add3A_391 = arith.addi %shift_right_arithmetic3A_388, %add3A_390 : vector<16xi32>
        %broadcast_in_dim3A_392 = vector.shape_cast %add3A_391 : vector<16xi32> to vector<16x1xi32>
        %gather3A_393 = vector.shape_cast %broadcast_in_dim3A_392 : vector<16x1xi32> to vector<16xi32>
        %gather3A_394 = tpu.dynamic_gather %exp3A_364[%gather3A_393] in [0] : vector<16xf32>, vector<16xi32> -> vector<16xf32>
        %get3A_395 = arith.index_cast %add3A_352 : i32 to index
        %get3A_396 = arith.constant 16 : index
        %get3A_397 = tpu.vector_load %arg9[%get3A_395, %get3A_396] {strides = array<i32>} : memref<128x80xf32, #tpu.memory_space<vmem>>, vector<16xf32>,
        %mul3A_398 = arith.mulf %get3A_397, %gather3A_394 : vector<16xf32>
        %swap3A_399 = arith.index_cast %add3A_352 : i32 to index
        %swap3A_400 = arith.constant 16 : index
        %swap3A_401 = tpu.vector_load %arg13[%swap3A_399, %swap3A_400] {strides = array<i32>} : memref<128x80xf32, #tpu.memory_space<vmem>>, vector<16xf32>,
        tpu.vector_store %arg13[%swap3A_399, %swap3A_400], %mul3A_398 {strides = array<i32>} : memref<128x80xf32, #tpu.memory_space<vmem>>, vector<16xf32>,
        %iota3A_402 = tpu.iota {dimensions = array<i32: 0>} : vector<16xi32>
        %shift_right_arithmetic3A_403 = arith.constant 3 : i32
        %shift_right_arithmetic3A_404 = vector.broadcast %shift_right_arithmetic3A_403 : i32 to vector<16xi32>
        %shift_right_arithmetic3A_405 = arith.shrsi %iota3A_402, %shift_right_arithmetic3A_404 : vector<16xi32>
        %add3A_406 = arith.constant 4 : i32
        %add3A_407 = vector.broadcast %add3A_406 : i32 to vector<16xi32>
        %add3A_408 = arith.addi %shift_right_arithmetic3A_405, %add3A_407 : vector<16xi32>
        %broadcast_in_dim3A_409 = vector.shape_cast %add3A_408 : vector<16xi32> to vector<16x1xi32>
        %gather3A_410 = vector.shape_cast %broadcast_in_dim3A_409 : vector<16x1xi32> to vector<16xi32>
        %gather3A_411 = tpu.dynamic_gather %exp3A_364[%gather3A_410] in [0] : vector<16xf32>, vector<16xi32> -> vector<16xf32>
        %get3A_412 = arith.index_cast %add3A_352 : i32 to index
        %get3A_413 = arith.constant 32 : index
        %get3A_414 = tpu.vector_load %arg9[%get3A_412, %get3A_413] {strides = array<i32>} : memref<128x80xf32, #tpu.memory_space<vmem>>, vector<16xf32>,
        %mul3A_415 = arith.mulf %get3A_414, %gather3A_411 : vector<16xf32>
        %swap3A_416 = arith.index_cast %add3A_352 : i32 to index
        %swap3A_417 = arith.constant 32 : index
        %swap3A_418 = tpu.vector_load %arg13[%swap3A_416, %swap3A_417] {strides = array<i32>} : memref<128x80xf32, #tpu.memory_space<vmem>>, vector<16xf32>,
        tpu.vector_store %arg13[%swap3A_416, %swap3A_417], %mul3A_415 {strides = array<i32>} : memref<128x80xf32, #tpu.memory_space<vmem>>, vector<16xf32>,
        %iota3A_419 = tpu.iota {dimensions = array<i32: 0>} : vector<16xi32>
        %shift_right_arithmetic3A_420 = arith.constant 3 : i32
        %shift_right_arithmetic3A_421 = vector.broadcast %shift_right_arithmetic3A_420 : i32 to vector<16xi32>
        %shift_right_arithmetic3A_422 = arith.shrsi %iota3A_419, %shift_right_arithmetic3A_421 : vector<16xi32>
        %add3A_423 = arith.constant 6 : i32
        %add3A_424 = vector.broadcast %add3A_423 : i32 to vector<16xi32>
        %add3A_425 = arith.addi %shift_right_arithmetic3A_422, %add3A_424 : vector<16xi32>
        %broadcast_in_dim3A_426 = vector.shape_cast %add3A_425 : vector<16xi32> to vector<16x1xi32>
        %gather3A_427 = vector.shape_cast %broadcast_in_dim3A_426 : vector<16x1xi32> to vector<16xi32>
        %gather3A_428 = tpu.dynamic_gather %exp3A_364[%gather3A_427] in [0] : vector<16xf32>, vector<16xi32> -> vector<16xf32>
        %get3A_429 = arith.index_cast %add3A_352 : i32 to index
        %get3A_430 = arith.constant 48 : index
        %get3A_431 = tpu.vector_load %arg9[%get3A_429, %get3A_430] {strides = array<i32>} : memref<128x80xf32, #tpu.memory_space<vmem>>, vector<16xf32>,
        %mul3A_432 = arith.mulf %get3A_431, %gather3A_428 : vector<16xf32>
        %swap3A_433 = arith.index_cast %add3A_352 : i32 to index
        %swap3A_434 = arith.constant 48 : index
        %swap3A_435 = tpu.vector_load %arg13[%swap3A_433, %swap3A_434] {strides = array<i32>} : memref<128x80xf32, #tpu.memory_space<vmem>>, vector<16xf32>,
        tpu.vector_store %arg13[%swap3A_433, %swap3A_434], %mul3A_432 {strides = array<i32>} : memref<128x80xf32, #tpu.memory_space<vmem>>, vector<16xf32>,
        %mul3A_436 = arith.constant 4 : i32
        %mul3A_437 = arith.muli %scan3A_182, %mul3A_436 : i32
        %add3A_438 = arith.constant 3 : i32
        %add3A_439 = arith.addi %mul3A_437, %add3A_438 : i32
        %get3A_440 = arith.index_cast %add3A_439 : i32 to index
        %get3A_441 = arith.constant 64 : index
        %get3A_442 = tpu.vector_load %arg9[%get3A_440, %get3A_441] {strides = array<i32>} : memref<128x80xf32, #tpu.memory_space<vmem>>, vector<16xf32>,
        %get3A_443 = arith.index_cast %add3A_439 : i32 to index
        %get3A_444 = arith.constant 0 : index
        %get3A_445 = tpu.vector_load %arg11[%get3A_443, %get3A_444] {strides = array<i32>} : memref<128x16xf32, #tpu.memory_space<vmem>>, vector<16xf32>,
        %add3A_446 = arith.addf %get3A_442, %get3A_445 : vector<16xf32>
        %mul3A_447 = arith.constant 2.000000e-01 : f32
        %mul3A_448 = vector.broadcast %mul3A_447 : f32 to vector<16xf32>
        %mul3A_449 = arith.mulf %mul3A_448, %add3A_446 : vector<16xf32>
        %max3A_450 = arith.maximumf %add3A_446, %mul3A_449 : vector<16xf32>
        %exp3A_451 = math.exp %max3A_450 : vector<16xf32>
        %swap3A_452 = arith.index_cast %add3A_439 : i32 to index
        %swap3A_453 = arith.constant 64 : index
        %swap3A_454 = tpu.vector_load %arg13[%swap3A_452, %swap3A_453] {strides = array<i32>} : memref<128x80xf32, #tpu.memory_space<vmem>>, vector<16xf32>,
        tpu.vector_store %arg13[%swap3A_452, %swap3A_453], %exp3A_451 {strides = array<i32>} : memref<128x80xf32, #tpu.memory_space<vmem>>, vector<16xf32>,
        %iota3A_455 = tpu.iota {dimensions = array<i32: 0>} : vector<16xi32>
        %shift_right_arithmetic3A_456 = arith.constant 3 : i32
        %shift_right_arithmetic3A_457 = vector.broadcast %shift_right_arithmetic3A_456 : i32 to vector<16xi32>
        %shift_right_arithmetic3A_458 = arith.shrsi %iota3A_455, %shift_right_arithmetic3A_457 : vector<16xi32>
        %add3A_459 = arith.constant 0 : i32
        %add3A_460 = vector.broadcast %add3A_459 : i32 to vector<16xi32>
        %add3A_461 = arith.addi %shift_right_arithmetic3A_458, %add3A_460 : vector<16xi32>
        %broadcast_in_dim3A_462 = vector.shape_cast %add3A_461 : vector<16xi32> to vector<16x1xi32>
        %gather3A_463 = vector.shape_cast %broadcast_in_dim3A_462 : vector<16x1xi32> to vector<16xi32>
        %gather3A_464 = tpu.dynamic_gather %exp3A_451[%gather3A_463] in [0] : vector<16xf32>, vector<16xi32> -> vector<16xf32>
        %get3A_465 = arith.index_cast %add3A_439 : i32 to index
        %get3A_466 = arith.constant 0 : index
        %get3A_467 = tpu.vector_load %arg9[%get3A_465, %get3A_466] {strides = array<i32>} : memref<128x80xf32, #tpu.memory_space<vmem>>, vector<16xf32>,
        %mul3A_468 = arith.mulf %get3A_467, %gather3A_464 : vector<16xf32>
        %swap3A_469 = arith.index_cast %add3A_439 : i32 to index
        %swap3A_470 = arith.constant 0 : index
        %swap3A_471 = tpu.vector_load %arg13[%swap3A_469, %swap3A_470] {strides = array<i32>} : memref<128x80xf32, #tpu.memory_space<vmem>>, vector<16xf32>,
        tpu.vector_store %arg13[%swap3A_469, %swap3A_470], %mul3A_468 {strides = array<i32>} : memref<128x80xf32, #tpu.memory_space<vmem>>, vector<16xf32>,
        %iota3A_472 = tpu.iota {dimensions = array<i32: 0>} : vector<16xi32>
        %shift_right_arithmetic3A_473 = arith.constant 3 : i32
        %shift_right_arithmetic3A_474 = vector.broadcast %shift_right_arithmetic3A_473 : i32 to vector<16xi32>
        %shift_right_arithmetic3A_475 = arith.shrsi %iota3A_472, %shift_right_arithmetic3A_474 : vector<16xi32>
        %add3A_476 = arith.constant 2 : i32
        %add3A_477 = vector.broadcast %add3A_476 : i32 to vector<16xi32>
        %add3A_478 = arith.addi %shift_right_arithmetic3A_475, %add3A_477 : vector<16xi32>
        %broadcast_in_dim3A_479 = vector.shape_cast %add3A_478 : vector<16xi32> to vector<16x1xi32>
        %gather3A_480 = vector.shape_cast %broadcast_in_dim3A_479 : vector<16x1xi32> to vector<16xi32>
        %gather3A_481 = tpu.dynamic_gather %exp3A_451[%gather3A_480] in [0] : vector<16xf32>, vector<16xi32> -> vector<16xf32>
        %get3A_482 = arith.index_cast %add3A_439 : i32 to index
        %get3A_483 = arith.constant 16 : index
        %get3A_484 = tpu.vector_load %arg9[%get3A_482, %get3A_483] {strides = array<i32>} : memref<128x80xf32, #tpu.memory_space<vmem>>, vector<16xf32>,
        %mul3A_485 = arith.mulf %get3A_484, %gather3A_481 : vector<16xf32>
        %swap3A_486 = arith.index_cast %add3A_439 : i32 to index
        %swap3A_487 = arith.constant 16 : index
        %swap3A_488 = tpu.vector_load %arg13[%swap3A_486, %swap3A_487] {strides = array<i32>} : memref<128x80xf32, #tpu.memory_space<vmem>>, vector<16xf32>,
        tpu.vector_store %arg13[%swap3A_486, %swap3A_487], %mul3A_485 {strides = array<i32>} : memref<128x80xf32, #tpu.memory_space<vmem>>, vector<16xf32>,
        %iota3A_489 = tpu.iota {dimensions = array<i32: 0>} : vector<16xi32>
        %shift_right_arithmetic3A_490 = arith.constant 3 : i32
        %shift_right_arithmetic3A_491 = vector.broadcast %shift_right_arithmetic3A_490 : i32 to vector<16xi32>
        %shift_right_arithmetic3A_492 = arith.shrsi %iota3A_489, %shift_right_arithmetic3A_491 : vector<16xi32>
        %add3A_493 = arith.constant 4 : i32
        %add3A_494 = vector.broadcast %add3A_493 : i32 to vector<16xi32>
        %add3A_495 = arith.addi %shift_right_arithmetic3A_492, %add3A_494 : vector<16xi32>
        %broadcast_in_dim3A_496 = vector.shape_cast %add3A_495 : vector<16xi32> to vector<16x1xi32>
        %gather3A_497 = vector.shape_cast %broadcast_in_dim3A_496 : vector<16x1xi32> to vector<16xi32>
        %gather3A_498 = tpu.dynamic_gather %exp3A_451[%gather3A_497] in [0] : vector<16xf32>, vector<16xi32> -> vector<16xf32>
        %get3A_499 = arith.index_cast %add3A_439 : i32 to index
        %get3A_500 = arith.constant 32 : index
        %get3A_501 = tpu.vector_load %arg9[%get3A_499, %get3A_500] {strides = array<i32>} : memref<128x80xf32, #tpu.memory_space<vmem>>, vector<16xf32>,
        %mul3A_502 = arith.mulf %get3A_501, %gather3A_498 : vector<16xf32>
        %swap3A_503 = arith.index_cast %add3A_439 : i32 to index
        %swap3A_504 = arith.constant 32 : index
        %swap3A_505 = tpu.vector_load %arg13[%swap3A_503, %swap3A_504] {strides = array<i32>} : memref<128x80xf32, #tpu.memory_space<vmem>>, vector<16xf32>,
        tpu.vector_store %arg13[%swap3A_503, %swap3A_504], %mul3A_502 {strides = array<i32>} : memref<128x80xf32, #tpu.memory_space<vmem>>, vector<16xf32>,
        %iota3A_506 = tpu.iota {dimensions = array<i32: 0>} : vector<16xi32>
        %shift_right_arithmetic3A_507 = arith.constant 3 : i32
        %shift_right_arithmetic3A_508 = vector.broadcast %shift_right_arithmetic3A_507 : i32 to vector<16xi32>
        %shift_right_arithmetic3A_509 = arith.shrsi %iota3A_506, %shift_right_arithmetic3A_508 : vector<16xi32>
        %add3A_510 = arith.constant 6 : i32
        %add3A_511 = vector.broadcast %add3A_510 : i32 to vector<16xi32>
        %add3A_512 = arith.addi %shift_right_arithmetic3A_509, %add3A_511 : vector<16xi32>
        %broadcast_in_dim3A_513 = vector.shape_cast %add3A_512 : vector<16xi32> to vector<16x1xi32>
        %gather3A_514 = vector.shape_cast %broadcast_in_dim3A_513 : vector<16x1xi32> to vector<16xi32>
        %gather3A_515 = tpu.dynamic_gather %exp3A_451[%gather3A_514] in [0] : vector<16xf32>, vector<16xi32> -> vector<16xf32>
        %get3A_516 = arith.index_cast %add3A_439 : i32 to index
        %get3A_517 = arith.constant 48 : index
        %get3A_518 = tpu.vector_load %arg9[%get3A_516, %get3A_517] {strides = array<i32>} : memref<128x80xf32, #tpu.memory_space<vmem>>, vector<16xf32>,
        %mul3A_519 = arith.mulf %get3A_518, %gather3A_515 : vector<16xf32>
        %swap3A_520 = arith.index_cast %add3A_439 : i32 to index
        %swap3A_521 = arith.constant 48 : index
        %swap3A_522 = tpu.vector_load %arg13[%swap3A_520, %swap3A_521] {strides = array<i32>} : memref<128x80xf32, #tpu.memory_space<vmem>>, vector<16xf32>,
        tpu.vector_store %arg13[%swap3A_520, %swap3A_521], %mul3A_519 {strides = array<i32>} : memref<128x80xf32, #tpu.memory_space<vmem>>, vector<16xf32>,
      }
      %scan3A_131 = arith.constant 32 : i32
      %dma_start3A_132 = arith.constant 0 : i32
      %dma_start3A_133 = tpu.memref_slice %arg8[%add3A_111, %dma_start3A_132] : memref<104x128xi32, #tpu.memory_space<vmem>> -> memref<1x128xi32, #tpu.memory_space<vmem>>
      %dma_start3A_134 = tpu.memref_squeeze %dma_start3A_133 : memref<1x128xi32, #tpu.memory_space<vmem>> -> memref<128xi32, #tpu.memory_space<vmem>>
      %dma_start3A_135 = arith.constant 0 : i32
      %dma_start3A_136 = arith.constant 0 : i32
      %dma_start3A_137 = tpu.memref_slice %arg15[%dma_start3A_135, %dma_start3A_136] : memref<10240x80xf32, #tpu.memory_space<vmem_shared>> -> memref<10240x80xf32, #tpu.memory_space<vmem_shared>>
      tpu.enqueue_indirect_dma source(%arg13 : memref<128x80xf32, #tpu.memory_space<vmem>>) target(%dma_start3A_137 : memref<10240x80xf32, #tpu.memory_space<vmem_shared>>) offsets(%dma_start3A_134 : memref<128xi32, #tpu.memory_space<vmem>>) semaphore(%arg18 : memref<!tpu.dma_semaphore, #tpu.memory_space<semaphore_mem>>) {add = true}
      %add3A_138 = arith.constant 2 : i32
      %add3A_139 = arith.addi %add3A_111, %add3A_138 : i32
      %lt3A = arith.cmpi slt, %add3A_139, %add3A_1 : i32
      %convert_element_type3A_140 = arith.extui %lt3A : i1 to i32
      %cond3A_141 = arith.constant 0 : i32
      %cond3A_142 = arith.cmpi ne, %convert_element_type3A_140, %cond3A_141 : i32
      scf.if %cond3A_142 {
        %add3A_182 = arith.constant 2 : i32
        %add3A_183 = arith.addi %add3A_111, %add3A_182 : i32
        %dma_start3A_184 = arith.constant 0 : i32
        %dma_start3A_185 = tpu.memref_slice %arg7[%add3A_183, %dma_start3A_184] : memref<104x128xi32, #tpu.memory_space<vmem>> -> memref<1x128xi32, #tpu.memory_space<vmem>>
        %dma_start3A_186 = tpu.memref_squeeze %dma_start3A_185 : memref<1x128xi32, #tpu.memory_space<vmem>> -> memref<128xi32, #tpu.memory_space<vmem>>
        %dma_start3A_187 = arith.constant 0 : i32
        %dma_start3A_188 = arith.constant 0 : i32
        %dma_start3A_189 = tpu.memref_slice %arg2[%dma_start3A_187, %dma_start3A_188] : memref<10240x80xf32, #tpu.memory_space<hbm>> -> memref<10240x80xf32, #tpu.memory_space<hbm>>
        tpu.enqueue_indirect_dma source(%dma_start3A_189 : memref<10240x80xf32, #tpu.memory_space<hbm>>) target(%arg9 : memref<128x80xf32, #tpu.memory_space<vmem>>) offsets(%dma_start3A_186 : memref<128xi32, #tpu.memory_space<vmem>>) semaphore(%arg16 : memref<!tpu.dma_semaphore, #tpu.memory_space<semaphore_mem>>)
        %dma_start3A_190 = arith.constant 0 : i32
        %dma_start3A_191 = tpu.memref_slice %arg8[%add3A_183, %dma_start3A_190] : memref<104x128xi32, #tpu.memory_space<vmem>> -> memref<1x128xi32, #tpu.memory_space<vmem>>
        %dma_start3A_192 = tpu.memref_squeeze %dma_start3A_191 : memref<1x128xi32, #tpu.memory_space<vmem>> -> memref<128xi32, #tpu.memory_space<vmem>>
        %dma_start3A_193 = arith.constant 0 : i32
        %dma_start3A_194 = arith.constant 0 : i32
        %dma_start3A_195 = tpu.memref_slice %arg3[%dma_start3A_193, %dma_start3A_194] : memref<10240x16xf32, #tpu.memory_space<hbm>> -> memref<10240x16xf32, #tpu.memory_space<hbm>>
        tpu.enqueue_indirect_dma source(%dma_start3A_195 : memref<10240x16xf32, #tpu.memory_space<hbm>>) target(%arg11 : memref<128x16xf32, #tpu.memory_space<vmem>>) offsets(%dma_start3A_192 : memref<128xi32, #tpu.memory_space<vmem>>) semaphore(%arg16 : memref<!tpu.dma_semaphore, #tpu.memory_space<semaphore_mem>>)
      } else {
      }
      %mul3A_143 = arith.constant 2 : i32
      %mul3A_144 = arith.muli %while3A_107, %mul3A_143 : i32
      %add3A_145 = arith.constant 1 : i32
      %add3A_146 = arith.addi %mul3A_144, %add3A_145 : i32
      %dma_wait3A_147 = arith.constant 0 : i32
      %dma_wait3A_148 = tpu.memref_slice %arg7[%add3A_146, %dma_wait3A_147] : memref<104x128xi32, #tpu.memory_space<vmem>> -> memref<1x128xi32, #tpu.memory_space<vmem>>
      %dma_wait3A_149 = tpu.memref_squeeze %dma_wait3A_148 : memref<1x128xi32, #tpu.memory_space<vmem>> -> memref<128xi32, #tpu.memory_space<vmem>>
      %dma_wait3A_150 = arith.constant 0 : i32
      %dma_wait3A_151 = arith.constant 0 : i32
      %dma_wait3A_152 = tpu.memref_slice %arg2[%dma_wait3A_150, %dma_wait3A_151] : memref<10240x80xf32, #tpu.memory_space<hbm>> -> memref<10240x80xf32, #tpu.memory_space<hbm>>
      tpu.wait_indirect_dma semaphore(%arg17 : memref<!tpu.dma_semaphore, #tpu.memory_space<semaphore_mem>>) src(%dma_wait3A_152 : memref<10240x80xf32, #tpu.memory_space<hbm>>) dst(%arg10 : memref<128x80xf32, #tpu.memory_space<vmem>>)
      %dma_wait3A_153 = arith.constant 0 : i32
      %dma_wait3A_154 = tpu.memref_slice %arg8[%add3A_146, %dma_wait3A_153] : memref<104x128xi32, #tpu.memory_space<vmem>> -> memref<1x128xi32, #tpu.memory_space<vmem>>
      %dma_wait3A_155 = tpu.memref_squeeze %dma_wait3A_154 : memref<1x128xi32, #tpu.memory_space<vmem>> -> memref<128xi32, #tpu.memory_space<vmem>>
      %dma_wait3A_156 = arith.constant 0 : i32
      %dma_wait3A_157 = arith.constant 0 : i32
      %dma_wait3A_158 = tpu.memref_slice %arg3[%dma_wait3A_156, %dma_wait3A_157] : memref<10240x16xf32, #tpu.memory_space<hbm>> -> memref<10240x16xf32, #tpu.memory_space<hbm>>
      tpu.wait_indirect_dma semaphore(%arg17 : memref<!tpu.dma_semaphore, #tpu.memory_space<semaphore_mem>>) src(%dma_wait3A_158 : memref<10240x16xf32, #tpu.memory_space<hbm>>) dst(%arg12 : memref<128x16xf32, #tpu.memory_space<vmem>>)
      %ge3A_159 = arith.constant 1 : i32
      %ge3A_160 = arith.cmpi sge, %while3A_107, %ge3A_159 : i32
      %convert_element_type3A_161 = arith.extui %ge3A_160 : i1 to i32
      %cond3A_162 = arith.constant 0 : i32
      %cond3A_163 = arith.cmpi ne, %convert_element_type3A_161, %cond3A_162 : i32
      scf.if %cond3A_163 {
        %sub3A_182 = arith.constant 2 : i32
        %sub3A_183 = arith.subi %add3A_146, %sub3A_182 : i32
        %dma_wait3A_184 = arith.constant 0 : i32
        %dma_wait3A_185 = tpu.memref_slice %arg8[%sub3A_183, %dma_wait3A_184] : memref<104x128xi32, #tpu.memory_space<vmem>> -> memref<1x128xi32, #tpu.memory_space<vmem>>
        %dma_wait3A_186 = tpu.memref_squeeze %dma_wait3A_185 : memref<1x128xi32, #tpu.memory_space<vmem>> -> memref<128xi32, #tpu.memory_space<vmem>>
        %dma_wait3A_187 = arith.constant 0 : i32
        %dma_wait3A_188 = arith.constant 0 : i32
        %dma_wait3A_189 = tpu.memref_slice %arg15[%dma_wait3A_187, %dma_wait3A_188] : memref<10240x80xf32, #tpu.memory_space<vmem_shared>> -> memref<10240x80xf32, #tpu.memory_space<vmem_shared>>
        tpu.wait_indirect_dma semaphore(%arg19 : memref<!tpu.dma_semaphore, #tpu.memory_space<semaphore_mem>>) src(%arg14 : memref<128x80xf32, #tpu.memory_space<vmem>>) dst(%dma_wait3A_189 : memref<10240x80xf32, #tpu.memory_space<vmem_shared>>)
      } else {
      }
      %scan3A_164 = arith.constant 0 : i32
      %scan3A_165 = arith.constant 0 : i32
      %scan3A_166 = arith.constant 32 : i32
      %scan3A_167 = arith.addi %scan3A_165, %scan3A_166 : i32
      %scan3A_168 = arith.constant 1 : i32
      scf.for %scan3A_182 = %scan3A_165 to %scan3A_167 step %scan3A_168  : i32 {
        %mul3A_183 = arith.constant 4 : i32
        %mul3A_184 = arith.muli %scan3A_182, %mul3A_183 : i32
        %add3A_185 = arith.constant 0 : i32
        %add3A_186 = arith.addi %mul3A_184, %add3A_185 : i32
        %get3A = arith.index_cast %add3A_186 : i32 to index
        %get3A_187 = arith.constant 64 : index
        %get3A_188 = tpu.vector_load %arg10[%get3A, %get3A_187] {strides = array<i32>} : memref<128x80xf32, #tpu.memory_space<vmem>>, vector<16xf32>,
        %get3A_189 = arith.index_cast %add3A_186 : i32 to index
        %get3A_190 = arith.constant 0 : index
        %get3A_191 = tpu.vector_load %arg12[%get3A_189, %get3A_190] {strides = array<i32>} : memref<128x16xf32, #tpu.memory_space<vmem>>, vector<16xf32>,
        %add3A_192 = arith.addf %get3A_188, %get3A_191 : vector<16xf32>
        %mul3A_193 = arith.constant 2.000000e-01 : f32
        %mul3A_194 = vector.broadcast %mul3A_193 : f32 to vector<16xf32>
        %mul3A_195 = arith.mulf %mul3A_194, %add3A_192 : vector<16xf32>
        %max3A = arith.maximumf %add3A_192, %mul3A_195 : vector<16xf32>
        %exp3A = math.exp %max3A : vector<16xf32>
        %swap3A = arith.index_cast %add3A_186 : i32 to index
        %swap3A_196 = arith.constant 64 : index
        %swap3A_197 = tpu.vector_load %arg14[%swap3A, %swap3A_196] {strides = array<i32>} : memref<128x80xf32, #tpu.memory_space<vmem>>, vector<16xf32>,
        tpu.vector_store %arg14[%swap3A, %swap3A_196], %exp3A {strides = array<i32>} : memref<128x80xf32, #tpu.memory_space<vmem>>, vector<16xf32>,
        %iota3A = tpu.iota {dimensions = array<i32: 0>} : vector<16xi32>
        %shift_right_arithmetic3A = arith.constant 3 : i32
        %shift_right_arithmetic3A_198 = vector.broadcast %shift_right_arithmetic3A : i32 to vector<16xi32>
        %shift_right_arithmetic3A_199 = arith.shrsi %iota3A, %shift_right_arithmetic3A_198 : vector<16xi32>
        %add3A_200 = arith.constant 0 : i32
        %add3A_201 = vector.broadcast %add3A_200 : i32 to vector<16xi32>
        %add3A_202 = arith.addi %shift_right_arithmetic3A_199, %add3A_201 : vector<16xi32>
        %broadcast_in_dim3A = vector.shape_cast %add3A_202 : vector<16xi32> to vector<16x1xi32>
        %gather3A = vector.shape_cast %broadcast_in_dim3A : vector<16x1xi32> to vector<16xi32>
        %gather3A_203 = tpu.dynamic_gather %exp3A[%gather3A] in [0] : vector<16xf32>, vector<16xi32> -> vector<16xf32>
        %get3A_204 = arith.index_cast %add3A_186 : i32 to index
        %get3A_205 = arith.constant 0 : index
        %get3A_206 = tpu.vector_load %arg10[%get3A_204, %get3A_205] {strides = array<i32>} : memref<128x80xf32, #tpu.memory_space<vmem>>, vector<16xf32>,
        %mul3A_207 = arith.mulf %get3A_206, %gather3A_203 : vector<16xf32>
        %swap3A_208 = arith.index_cast %add3A_186 : i32 to index
        %swap3A_209 = arith.constant 0 : index
        %swap3A_210 = tpu.vector_load %arg14[%swap3A_208, %swap3A_209] {strides = array<i32>} : memref<128x80xf32, #tpu.memory_space<vmem>>, vector<16xf32>,
        tpu.vector_store %arg14[%swap3A_208, %swap3A_209], %mul3A_207 {strides = array<i32>} : memref<128x80xf32, #tpu.memory_space<vmem>>, vector<16xf32>,
        %iota3A_211 = tpu.iota {dimensions = array<i32: 0>} : vector<16xi32>
        %shift_right_arithmetic3A_212 = arith.constant 3 : i32
        %shift_right_arithmetic3A_213 = vector.broadcast %shift_right_arithmetic3A_212 : i32 to vector<16xi32>
        %shift_right_arithmetic3A_214 = arith.shrsi %iota3A_211, %shift_right_arithmetic3A_213 : vector<16xi32>
        %add3A_215 = arith.constant 2 : i32
        %add3A_216 = vector.broadcast %add3A_215 : i32 to vector<16xi32>
        %add3A_217 = arith.addi %shift_right_arithmetic3A_214, %add3A_216 : vector<16xi32>
        %broadcast_in_dim3A_218 = vector.shape_cast %add3A_217 : vector<16xi32> to vector<16x1xi32>
        %gather3A_219 = vector.shape_cast %broadcast_in_dim3A_218 : vector<16x1xi32> to vector<16xi32>
        %gather3A_220 = tpu.dynamic_gather %exp3A[%gather3A_219] in [0] : vector<16xf32>, vector<16xi32> -> vector<16xf32>
        %get3A_221 = arith.index_cast %add3A_186 : i32 to index
        %get3A_222 = arith.constant 16 : index
        %get3A_223 = tpu.vector_load %arg10[%get3A_221, %get3A_222] {strides = array<i32>} : memref<128x80xf32, #tpu.memory_space<vmem>>, vector<16xf32>,
        %mul3A_224 = arith.mulf %get3A_223, %gather3A_220 : vector<16xf32>
        %swap3A_225 = arith.index_cast %add3A_186 : i32 to index
        %swap3A_226 = arith.constant 16 : index
        %swap3A_227 = tpu.vector_load %arg14[%swap3A_225, %swap3A_226] {strides = array<i32>} : memref<128x80xf32, #tpu.memory_space<vmem>>, vector<16xf32>,
        tpu.vector_store %arg14[%swap3A_225, %swap3A_226], %mul3A_224 {strides = array<i32>} : memref<128x80xf32, #tpu.memory_space<vmem>>, vector<16xf32>,
        %iota3A_228 = tpu.iota {dimensions = array<i32: 0>} : vector<16xi32>
        %shift_right_arithmetic3A_229 = arith.constant 3 : i32
        %shift_right_arithmetic3A_230 = vector.broadcast %shift_right_arithmetic3A_229 : i32 to vector<16xi32>
        %shift_right_arithmetic3A_231 = arith.shrsi %iota3A_228, %shift_right_arithmetic3A_230 : vector<16xi32>
        %add3A_232 = arith.constant 4 : i32
        %add3A_233 = vector.broadcast %add3A_232 : i32 to vector<16xi32>
        %add3A_234 = arith.addi %shift_right_arithmetic3A_231, %add3A_233 : vector<16xi32>
        %broadcast_in_dim3A_235 = vector.shape_cast %add3A_234 : vector<16xi32> to vector<16x1xi32>
        %gather3A_236 = vector.shape_cast %broadcast_in_dim3A_235 : vector<16x1xi32> to vector<16xi32>
        %gather3A_237 = tpu.dynamic_gather %exp3A[%gather3A_236] in [0] : vector<16xf32>, vector<16xi32> -> vector<16xf32>
        %get3A_238 = arith.index_cast %add3A_186 : i32 to index
        %get3A_239 = arith.constant 32 : index
        %get3A_240 = tpu.vector_load %arg10[%get3A_238, %get3A_239] {strides = array<i32>} : memref<128x80xf32, #tpu.memory_space<vmem>>, vector<16xf32>,
        %mul3A_241 = arith.mulf %get3A_240, %gather3A_237 : vector<16xf32>
        %swap3A_242 = arith.index_cast %add3A_186 : i32 to index
        %swap3A_243 = arith.constant 32 : index
        %swap3A_244 = tpu.vector_load %arg14[%swap3A_242, %swap3A_243] {strides = array<i32>} : memref<128x80xf32, #tpu.memory_space<vmem>>, vector<16xf32>,
        tpu.vector_store %arg14[%swap3A_242, %swap3A_243], %mul3A_241 {strides = array<i32>} : memref<128x80xf32, #tpu.memory_space<vmem>>, vector<16xf32>,
        %iota3A_245 = tpu.iota {dimensions = array<i32: 0>} : vector<16xi32>
        %shift_right_arithmetic3A_246 = arith.constant 3 : i32
        %shift_right_arithmetic3A_247 = vector.broadcast %shift_right_arithmetic3A_246 : i32 to vector<16xi32>
        %shift_right_arithmetic3A_248 = arith.shrsi %iota3A_245, %shift_right_arithmetic3A_247 : vector<16xi32>
        %add3A_249 = arith.constant 6 : i32
        %add3A_250 = vector.broadcast %add3A_249 : i32 to vector<16xi32>
        %add3A_251 = arith.addi %shift_right_arithmetic3A_248, %add3A_250 : vector<16xi32>
        %broadcast_in_dim3A_252 = vector.shape_cast %add3A_251 : vector<16xi32> to vector<16x1xi32>
        %gather3A_253 = vector.shape_cast %broadcast_in_dim3A_252 : vector<16x1xi32> to vector<16xi32>
        %gather3A_254 = tpu.dynamic_gather %exp3A[%gather3A_253] in [0] : vector<16xf32>, vector<16xi32> -> vector<16xf32>
        %get3A_255 = arith.index_cast %add3A_186 : i32 to index
        %get3A_256 = arith.constant 48 : index
        %get3A_257 = tpu.vector_load %arg10[%get3A_255, %get3A_256] {strides = array<i32>} : memref<128x80xf32, #tpu.memory_space<vmem>>, vector<16xf32>,
        %mul3A_258 = arith.mulf %get3A_257, %gather3A_254 : vector<16xf32>
        %swap3A_259 = arith.index_cast %add3A_186 : i32 to index
        %swap3A_260 = arith.constant 48 : index
        %swap3A_261 = tpu.vector_load %arg14[%swap3A_259, %swap3A_260] {strides = array<i32>} : memref<128x80xf32, #tpu.memory_space<vmem>>, vector<16xf32>,
        tpu.vector_store %arg14[%swap3A_259, %swap3A_260], %mul3A_258 {strides = array<i32>} : memref<128x80xf32, #tpu.memory_space<vmem>>, vector<16xf32>,
        %mul3A_262 = arith.constant 4 : i32
        %mul3A_263 = arith.muli %scan3A_182, %mul3A_262 : i32
        %add3A_264 = arith.constant 1 : i32
        %add3A_265 = arith.addi %mul3A_263, %add3A_264 : i32
        %get3A_266 = arith.index_cast %add3A_265 : i32 to index
        %get3A_267 = arith.constant 64 : index
        %get3A_268 = tpu.vector_load %arg10[%get3A_266, %get3A_267] {strides = array<i32>} : memref<128x80xf32, #tpu.memory_space<vmem>>, vector<16xf32>,
        %get3A_269 = arith.index_cast %add3A_265 : i32 to index
        %get3A_270 = arith.constant 0 : index
        %get3A_271 = tpu.vector_load %arg12[%get3A_269, %get3A_270] {strides = array<i32>} : memref<128x16xf32, #tpu.memory_space<vmem>>, vector<16xf32>,
        %add3A_272 = arith.addf %get3A_268, %get3A_271 : vector<16xf32>
        %mul3A_273 = arith.constant 2.000000e-01 : f32
        %mul3A_274 = vector.broadcast %mul3A_273 : f32 to vector<16xf32>
        %mul3A_275 = arith.mulf %mul3A_274, %add3A_272 : vector<16xf32>
        %max3A_276 = arith.maximumf %add3A_272, %mul3A_275 : vector<16xf32>
        %exp3A_277 = math.exp %max3A_276 : vector<16xf32>
        %swap3A_278 = arith.index_cast %add3A_265 : i32 to index
        %swap3A_279 = arith.constant 64 : index
        %swap3A_280 = tpu.vector_load %arg14[%swap3A_278, %swap3A_279] {strides = array<i32>} : memref<128x80xf32, #tpu.memory_space<vmem>>, vector<16xf32>,
        tpu.vector_store %arg14[%swap3A_278, %swap3A_279], %exp3A_277 {strides = array<i32>} : memref<128x80xf32, #tpu.memory_space<vmem>>, vector<16xf32>,
        %iota3A_281 = tpu.iota {dimensions = array<i32: 0>} : vector<16xi32>
        %shift_right_arithmetic3A_282 = arith.constant 3 : i32
        %shift_right_arithmetic3A_283 = vector.broadcast %shift_right_arithmetic3A_282 : i32 to vector<16xi32>
        %shift_right_arithmetic3A_284 = arith.shrsi %iota3A_281, %shift_right_arithmetic3A_283 : vector<16xi32>
        %add3A_285 = arith.constant 0 : i32
        %add3A_286 = vector.broadcast %add3A_285 : i32 to vector<16xi32>
        %add3A_287 = arith.addi %shift_right_arithmetic3A_284, %add3A_286 : vector<16xi32>
        %broadcast_in_dim3A_288 = vector.shape_cast %add3A_287 : vector<16xi32> to vector<16x1xi32>
        %gather3A_289 = vector.shape_cast %broadcast_in_dim3A_288 : vector<16x1xi32> to vector<16xi32>
        %gather3A_290 = tpu.dynamic_gather %exp3A_277[%gather3A_289] in [0] : vector<16xf32>, vector<16xi32> -> vector<16xf32>
        %get3A_291 = arith.index_cast %add3A_265 : i32 to index
        %get3A_292 = arith.constant 0 : index
        %get3A_293 = tpu.vector_load %arg10[%get3A_291, %get3A_292] {strides = array<i32>} : memref<128x80xf32, #tpu.memory_space<vmem>>, vector<16xf32>,
        %mul3A_294 = arith.mulf %get3A_293, %gather3A_290 : vector<16xf32>
        %swap3A_295 = arith.index_cast %add3A_265 : i32 to index
        %swap3A_296 = arith.constant 0 : index
        %swap3A_297 = tpu.vector_load %arg14[%swap3A_295, %swap3A_296] {strides = array<i32>} : memref<128x80xf32, #tpu.memory_space<vmem>>, vector<16xf32>,
        tpu.vector_store %arg14[%swap3A_295, %swap3A_296], %mul3A_294 {strides = array<i32>} : memref<128x80xf32, #tpu.memory_space<vmem>>, vector<16xf32>,
        %iota3A_298 = tpu.iota {dimensions = array<i32: 0>} : vector<16xi32>
        %shift_right_arithmetic3A_299 = arith.constant 3 : i32
        %shift_right_arithmetic3A_300 = vector.broadcast %shift_right_arithmetic3A_299 : i32 to vector<16xi32>
        %shift_right_arithmetic3A_301 = arith.shrsi %iota3A_298, %shift_right_arithmetic3A_300 : vector<16xi32>
        %add3A_302 = arith.constant 2 : i32
        %add3A_303 = vector.broadcast %add3A_302 : i32 to vector<16xi32>
        %add3A_304 = arith.addi %shift_right_arithmetic3A_301, %add3A_303 : vector<16xi32>
        %broadcast_in_dim3A_305 = vector.shape_cast %add3A_304 : vector<16xi32> to vector<16x1xi32>
        %gather3A_306 = vector.shape_cast %broadcast_in_dim3A_305 : vector<16x1xi32> to vector<16xi32>
        %gather3A_307 = tpu.dynamic_gather %exp3A_277[%gather3A_306] in [0] : vector<16xf32>, vector<16xi32> -> vector<16xf32>
        %get3A_308 = arith.index_cast %add3A_265 : i32 to index
        %get3A_309 = arith.constant 16 : index
        %get3A_310 = tpu.vector_load %arg10[%get3A_308, %get3A_309] {strides = array<i32>} : memref<128x80xf32, #tpu.memory_space<vmem>>, vector<16xf32>,
        %mul3A_311 = arith.mulf %get3A_310, %gather3A_307 : vector<16xf32>
        %swap3A_312 = arith.index_cast %add3A_265 : i32 to index
        %swap3A_313 = arith.constant 16 : index
        %swap3A_314 = tpu.vector_load %arg14[%swap3A_312, %swap3A_313] {strides = array<i32>} : memref<128x80xf32, #tpu.memory_space<vmem>>, vector<16xf32>,
        tpu.vector_store %arg14[%swap3A_312, %swap3A_313], %mul3A_311 {strides = array<i32>} : memref<128x80xf32, #tpu.memory_space<vmem>>, vector<16xf32>,
        %iota3A_315 = tpu.iota {dimensions = array<i32: 0>} : vector<16xi32>
        %shift_right_arithmetic3A_316 = arith.constant 3 : i32
        %shift_right_arithmetic3A_317 = vector.broadcast %shift_right_arithmetic3A_316 : i32 to vector<16xi32>
        %shift_right_arithmetic3A_318 = arith.shrsi %iota3A_315, %shift_right_arithmetic3A_317 : vector<16xi32>
        %add3A_319 = arith.constant 4 : i32
        %add3A_320 = vector.broadcast %add3A_319 : i32 to vector<16xi32>
        %add3A_321 = arith.addi %shift_right_arithmetic3A_318, %add3A_320 : vector<16xi32>
        %broadcast_in_dim3A_322 = vector.shape_cast %add3A_321 : vector<16xi32> to vector<16x1xi32>
        %gather3A_323 = vector.shape_cast %broadcast_in_dim3A_322 : vector<16x1xi32> to vector<16xi32>
        %gather3A_324 = tpu.dynamic_gather %exp3A_277[%gather3A_323] in [0] : vector<16xf32>, vector<16xi32> -> vector<16xf32>
        %get3A_325 = arith.index_cast %add3A_265 : i32 to index
        %get3A_326 = arith.constant 32 : index
        %get3A_327 = tpu.vector_load %arg10[%get3A_325, %get3A_326] {strides = array<i32>} : memref<128x80xf32, #tpu.memory_space<vmem>>, vector<16xf32>,
        %mul3A_328 = arith.mulf %get3A_327, %gather3A_324 : vector<16xf32>
        %swap3A_329 = arith.index_cast %add3A_265 : i32 to index
        %swap3A_330 = arith.constant 32 : index
        %swap3A_331 = tpu.vector_load %arg14[%swap3A_329, %swap3A_330] {strides = array<i32>} : memref<128x80xf32, #tpu.memory_space<vmem>>, vector<16xf32>,
        tpu.vector_store %arg14[%swap3A_329, %swap3A_330], %mul3A_328 {strides = array<i32>} : memref<128x80xf32, #tpu.memory_space<vmem>>, vector<16xf32>,
        %iota3A_332 = tpu.iota {dimensions = array<i32: 0>} : vector<16xi32>
        %shift_right_arithmetic3A_333 = arith.constant 3 : i32
        %shift_right_arithmetic3A_334 = vector.broadcast %shift_right_arithmetic3A_333 : i32 to vector<16xi32>
        %shift_right_arithmetic3A_335 = arith.shrsi %iota3A_332, %shift_right_arithmetic3A_334 : vector<16xi32>
        %add3A_336 = arith.constant 6 : i32
        %add3A_337 = vector.broadcast %add3A_336 : i32 to vector<16xi32>
        %add3A_338 = arith.addi %shift_right_arithmetic3A_335, %add3A_337 : vector<16xi32>
        %broadcast_in_dim3A_339 = vector.shape_cast %add3A_338 : vector<16xi32> to vector<16x1xi32>
        %gather3A_340 = vector.shape_cast %broadcast_in_dim3A_339 : vector<16x1xi32> to vector<16xi32>
        %gather3A_341 = tpu.dynamic_gather %exp3A_277[%gather3A_340] in [0] : vector<16xf32>, vector<16xi32> -> vector<16xf32>
        %get3A_342 = arith.index_cast %add3A_265 : i32 to index
        %get3A_343 = arith.constant 48 : index
        %get3A_344 = tpu.vector_load %arg10[%get3A_342, %get3A_343] {strides = array<i32>} : memref<128x80xf32, #tpu.memory_space<vmem>>, vector<16xf32>,
        %mul3A_345 = arith.mulf %get3A_344, %gather3A_341 : vector<16xf32>
        %swap3A_346 = arith.index_cast %add3A_265 : i32 to index
        %swap3A_347 = arith.constant 48 : index
        %swap3A_348 = tpu.vector_load %arg14[%swap3A_346, %swap3A_347] {strides = array<i32>} : memref<128x80xf32, #tpu.memory_space<vmem>>, vector<16xf32>,
        tpu.vector_store %arg14[%swap3A_346, %swap3A_347], %mul3A_345 {strides = array<i32>} : memref<128x80xf32, #tpu.memory_space<vmem>>, vector<16xf32>,
        %mul3A_349 = arith.constant 4 : i32
        %mul3A_350 = arith.muli %scan3A_182, %mul3A_349 : i32
        %add3A_351 = arith.constant 2 : i32
        %add3A_352 = arith.addi %mul3A_350, %add3A_351 : i32
        %get3A_353 = arith.index_cast %add3A_352 : i32 to index
        %get3A_354 = arith.constant 64 : index
        %get3A_355 = tpu.vector_load %arg10[%get3A_353, %get3A_354] {strides = array<i32>} : memref<128x80xf32, #tpu.memory_space<vmem>>, vector<16xf32>,
        %get3A_356 = arith.index_cast %add3A_352 : i32 to index
        %get3A_357 = arith.constant 0 : index
        %get3A_358 = tpu.vector_load %arg12[%get3A_356, %get3A_357] {strides = array<i32>} : memref<128x16xf32, #tpu.memory_space<vmem>>, vector<16xf32>,
        %add3A_359 = arith.addf %get3A_355, %get3A_358 : vector<16xf32>
        %mul3A_360 = arith.constant 2.000000e-01 : f32
        %mul3A_361 = vector.broadcast %mul3A_360 : f32 to vector<16xf32>
        %mul3A_362 = arith.mulf %mul3A_361, %add3A_359 : vector<16xf32>
        %max3A_363 = arith.maximumf %add3A_359, %mul3A_362 : vector<16xf32>
        %exp3A_364 = math.exp %max3A_363 : vector<16xf32>
        %swap3A_365 = arith.index_cast %add3A_352 : i32 to index
        %swap3A_366 = arith.constant 64 : index
        %swap3A_367 = tpu.vector_load %arg14[%swap3A_365, %swap3A_366] {strides = array<i32>} : memref<128x80xf32, #tpu.memory_space<vmem>>, vector<16xf32>,
        tpu.vector_store %arg14[%swap3A_365, %swap3A_366], %exp3A_364 {strides = array<i32>} : memref<128x80xf32, #tpu.memory_space<vmem>>, vector<16xf32>,
        %iota3A_368 = tpu.iota {dimensions = array<i32: 0>} : vector<16xi32>
        %shift_right_arithmetic3A_369 = arith.constant 3 : i32
        %shift_right_arithmetic3A_370 = vector.broadcast %shift_right_arithmetic3A_369 : i32 to vector<16xi32>
        %shift_right_arithmetic3A_371 = arith.shrsi %iota3A_368, %shift_right_arithmetic3A_370 : vector<16xi32>
        %add3A_372 = arith.constant 0 : i32
        %add3A_373 = vector.broadcast %add3A_372 : i32 to vector<16xi32>
        %add3A_374 = arith.addi %shift_right_arithmetic3A_371, %add3A_373 : vector<16xi32>
        %broadcast_in_dim3A_375 = vector.shape_cast %add3A_374 : vector<16xi32> to vector<16x1xi32>
        %gather3A_376 = vector.shape_cast %broadcast_in_dim3A_375 : vector<16x1xi32> to vector<16xi32>
        %gather3A_377 = tpu.dynamic_gather %exp3A_364[%gather3A_376] in [0] : vector<16xf32>, vector<16xi32> -> vector<16xf32>
        %get3A_378 = arith.index_cast %add3A_352 : i32 to index
        %get3A_379 = arith.constant 0 : index
        %get3A_380 = tpu.vector_load %arg10[%get3A_378, %get3A_379] {strides = array<i32>} : memref<128x80xf32, #tpu.memory_space<vmem>>, vector<16xf32>,
        %mul3A_381 = arith.mulf %get3A_380, %gather3A_377 : vector<16xf32>
        %swap3A_382 = arith.index_cast %add3A_352 : i32 to index
        %swap3A_383 = arith.constant 0 : index
        %swap3A_384 = tpu.vector_load %arg14[%swap3A_382, %swap3A_383] {strides = array<i32>} : memref<128x80xf32, #tpu.memory_space<vmem>>, vector<16xf32>,
        tpu.vector_store %arg14[%swap3A_382, %swap3A_383], %mul3A_381 {strides = array<i32>} : memref<128x80xf32, #tpu.memory_space<vmem>>, vector<16xf32>,
        %iota3A_385 = tpu.iota {dimensions = array<i32: 0>} : vector<16xi32>
        %shift_right_arithmetic3A_386 = arith.constant 3 : i32
        %shift_right_arithmetic3A_387 = vector.broadcast %shift_right_arithmetic3A_386 : i32 to vector<16xi32>
        %shift_right_arithmetic3A_388 = arith.shrsi %iota3A_385, %shift_right_arithmetic3A_387 : vector<16xi32>
        %add3A_389 = arith.constant 2 : i32
        %add3A_390 = vector.broadcast %add3A_389 : i32 to vector<16xi32>
        %add3A_391 = arith.addi %shift_right_arithmetic3A_388, %add3A_390 : vector<16xi32>
        %broadcast_in_dim3A_392 = vector.shape_cast %add3A_391 : vector<16xi32> to vector<16x1xi32>
        %gather3A_393 = vector.shape_cast %broadcast_in_dim3A_392 : vector<16x1xi32> to vector<16xi32>
        %gather3A_394 = tpu.dynamic_gather %exp3A_364[%gather3A_393] in [0] : vector<16xf32>, vector<16xi32> -> vector<16xf32>
        %get3A_395 = arith.index_cast %add3A_352 : i32 to index
        %get3A_396 = arith.constant 16 : index
        %get3A_397 = tpu.vector_load %arg10[%get3A_395, %get3A_396] {strides = array<i32>} : memref<128x80xf32, #tpu.memory_space<vmem>>, vector<16xf32>,
        %mul3A_398 = arith.mulf %get3A_397, %gather3A_394 : vector<16xf32>
        %swap3A_399 = arith.index_cast %add3A_352 : i32 to index
        %swap3A_400 = arith.constant 16 : index
        %swap3A_401 = tpu.vector_load %arg14[%swap3A_399, %swap3A_400] {strides = array<i32>} : memref<128x80xf32, #tpu.memory_space<vmem>>, vector<16xf32>,
        tpu.vector_store %arg14[%swap3A_399, %swap3A_400], %mul3A_398 {strides = array<i32>} : memref<128x80xf32, #tpu.memory_space<vmem>>, vector<16xf32>,
        %iota3A_402 = tpu.iota {dimensions = array<i32: 0>} : vector<16xi32>
        %shift_right_arithmetic3A_403 = arith.constant 3 : i32
        %shift_right_arithmetic3A_404 = vector.broadcast %shift_right_arithmetic3A_403 : i32 to vector<16xi32>
        %shift_right_arithmetic3A_405 = arith.shrsi %iota3A_402, %shift_right_arithmetic3A_404 : vector<16xi32>
        %add3A_406 = arith.constant 4 : i32
        %add3A_407 = vector.broadcast %add3A_406 : i32 to vector<16xi32>
        %add3A_408 = arith.addi %shift_right_arithmetic3A_405, %add3A_407 : vector<16xi32>
        %broadcast_in_dim3A_409 = vector.shape_cast %add3A_408 : vector<16xi32> to vector<16x1xi32>
        %gather3A_410 = vector.shape_cast %broadcast_in_dim3A_409 : vector<16x1xi32> to vector<16xi32>
        %gather3A_411 = tpu.dynamic_gather %exp3A_364[%gather3A_410] in [0] : vector<16xf32>, vector<16xi32> -> vector<16xf32>
        %get3A_412 = arith.index_cast %add3A_352 : i32 to index
        %get3A_413 = arith.constant 32 : index
        %get3A_414 = tpu.vector_load %arg10[%get3A_412, %get3A_413] {strides = array<i32>} : memref<128x80xf32, #tpu.memory_space<vmem>>, vector<16xf32>,
        %mul3A_415 = arith.mulf %get3A_414, %gather3A_411 : vector<16xf32>
        %swap3A_416 = arith.index_cast %add3A_352 : i32 to index
        %swap3A_417 = arith.constant 32 : index
        %swap3A_418 = tpu.vector_load %arg14[%swap3A_416, %swap3A_417] {strides = array<i32>} : memref<128x80xf32, #tpu.memory_space<vmem>>, vector<16xf32>,
        tpu.vector_store %arg14[%swap3A_416, %swap3A_417], %mul3A_415 {strides = array<i32>} : memref<128x80xf32, #tpu.memory_space<vmem>>, vector<16xf32>,
        %iota3A_419 = tpu.iota {dimensions = array<i32: 0>} : vector<16xi32>
        %shift_right_arithmetic3A_420 = arith.constant 3 : i32
        %shift_right_arithmetic3A_421 = vector.broadcast %shift_right_arithmetic3A_420 : i32 to vector<16xi32>
        %shift_right_arithmetic3A_422 = arith.shrsi %iota3A_419, %shift_right_arithmetic3A_421 : vector<16xi32>
        %add3A_423 = arith.constant 6 : i32
        %add3A_424 = vector.broadcast %add3A_423 : i32 to vector<16xi32>
        %add3A_425 = arith.addi %shift_right_arithmetic3A_422, %add3A_424 : vector<16xi32>
        %broadcast_in_dim3A_426 = vector.shape_cast %add3A_425 : vector<16xi32> to vector<16x1xi32>
        %gather3A_427 = vector.shape_cast %broadcast_in_dim3A_426 : vector<16x1xi32> to vector<16xi32>
        %gather3A_428 = tpu.dynamic_gather %exp3A_364[%gather3A_427] in [0] : vector<16xf32>, vector<16xi32> -> vector<16xf32>
        %get3A_429 = arith.index_cast %add3A_352 : i32 to index
        %get3A_430 = arith.constant 48 : index
        %get3A_431 = tpu.vector_load %arg10[%get3A_429, %get3A_430] {strides = array<i32>} : memref<128x80xf32, #tpu.memory_space<vmem>>, vector<16xf32>,
        %mul3A_432 = arith.mulf %get3A_431, %gather3A_428 : vector<16xf32>
        %swap3A_433 = arith.index_cast %add3A_352 : i32 to index
        %swap3A_434 = arith.constant 48 : index
        %swap3A_435 = tpu.vector_load %arg14[%swap3A_433, %swap3A_434] {strides = array<i32>} : memref<128x80xf32, #tpu.memory_space<vmem>>, vector<16xf32>,
        tpu.vector_store %arg14[%swap3A_433, %swap3A_434], %mul3A_432 {strides = array<i32>} : memref<128x80xf32, #tpu.memory_space<vmem>>, vector<16xf32>,
        %mul3A_436 = arith.constant 4 : i32
        %mul3A_437 = arith.muli %scan3A_182, %mul3A_436 : i32
        %add3A_438 = arith.constant 3 : i32
        %add3A_439 = arith.addi %mul3A_437, %add3A_438 : i32
        %get3A_440 = arith.index_cast %add3A_439 : i32 to index
        %get3A_441 = arith.constant 64 : index
        %get3A_442 = tpu.vector_load %arg10[%get3A_440, %get3A_441] {strides = array<i32>} : memref<128x80xf32, #tpu.memory_space<vmem>>, vector<16xf32>,
        %get3A_443 = arith.index_cast %add3A_439 : i32 to index
        %get3A_444 = arith.constant 0 : index
        %get3A_445 = tpu.vector_load %arg12[%get3A_443, %get3A_444] {strides = array<i32>} : memref<128x16xf32, #tpu.memory_space<vmem>>, vector<16xf32>,
        %add3A_446 = arith.addf %get3A_442, %get3A_445 : vector<16xf32>
        %mul3A_447 = arith.constant 2.000000e-01 : f32
        %mul3A_448 = vector.broadcast %mul3A_447 : f32 to vector<16xf32>
        %mul3A_449 = arith.mulf %mul3A_448, %add3A_446 : vector<16xf32>
        %max3A_450 = arith.maximumf %add3A_446, %mul3A_449 : vector<16xf32>
        %exp3A_451 = math.exp %max3A_450 : vector<16xf32>
        %swap3A_452 = arith.index_cast %add3A_439 : i32 to index
        %swap3A_453 = arith.constant 64 : index
        %swap3A_454 = tpu.vector_load %arg14[%swap3A_452, %swap3A_453] {strides = array<i32>} : memref<128x80xf32, #tpu.memory_space<vmem>>, vector<16xf32>,
        tpu.vector_store %arg14[%swap3A_452, %swap3A_453], %exp3A_451 {strides = array<i32>} : memref<128x80xf32, #tpu.memory_space<vmem>>, vector<16xf32>,
        %iota3A_455 = tpu.iota {dimensions = array<i32: 0>} : vector<16xi32>
        %shift_right_arithmetic3A_456 = arith.constant 3 : i32
        %shift_right_arithmetic3A_457 = vector.broadcast %shift_right_arithmetic3A_456 : i32 to vector<16xi32>
        %shift_right_arithmetic3A_458 = arith.shrsi %iota3A_455, %shift_right_arithmetic3A_457 : vector<16xi32>
        %add3A_459 = arith.constant 0 : i32
        %add3A_460 = vector.broadcast %add3A_459 : i32 to vector<16xi32>
        %add3A_461 = arith.addi %shift_right_arithmetic3A_458, %add3A_460 : vector<16xi32>
        %broadcast_in_dim3A_462 = vector.shape_cast %add3A_461 : vector<16xi32> to vector<16x1xi32>
        %gather3A_463 = vector.shape_cast %broadcast_in_dim3A_462 : vector<16x1xi32> to vector<16xi32>
        %gather3A_464 = tpu.dynamic_gather %exp3A_451[%gather3A_463] in [0] : vector<16xf32>, vector<16xi32> -> vector<16xf32>
        %get3A_465 = arith.index_cast %add3A_439 : i32 to index
        %get3A_466 = arith.constant 0 : index
        %get3A_467 = tpu.vector_load %arg10[%get3A_465, %get3A_466] {strides = array<i32>} : memref<128x80xf32, #tpu.memory_space<vmem>>, vector<16xf32>,
        %mul3A_468 = arith.mulf %get3A_467, %gather3A_464 : vector<16xf32>
        %swap3A_469 = arith.index_cast %add3A_439 : i32 to index
        %swap3A_470 = arith.constant 0 : index
        %swap3A_471 = tpu.vector_load %arg14[%swap3A_469, %swap3A_470] {strides = array<i32>} : memref<128x80xf32, #tpu.memory_space<vmem>>, vector<16xf32>,
        tpu.vector_store %arg14[%swap3A_469, %swap3A_470], %mul3A_468 {strides = array<i32>} : memref<128x80xf32, #tpu.memory_space<vmem>>, vector<16xf32>,
        %iota3A_472 = tpu.iota {dimensions = array<i32: 0>} : vector<16xi32>
        %shift_right_arithmetic3A_473 = arith.constant 3 : i32
        %shift_right_arithmetic3A_474 = vector.broadcast %shift_right_arithmetic3A_473 : i32 to vector<16xi32>
        %shift_right_arithmetic3A_475 = arith.shrsi %iota3A_472, %shift_right_arithmetic3A_474 : vector<16xi32>
        %add3A_476 = arith.constant 2 : i32
        %add3A_477 = vector.broadcast %add3A_476 : i32 to vector<16xi32>
        %add3A_478 = arith.addi %shift_right_arithmetic3A_475, %add3A_477 : vector<16xi32>
        %broadcast_in_dim3A_479 = vector.shape_cast %add3A_478 : vector<16xi32> to vector<16x1xi32>
        %gather3A_480 = vector.shape_cast %broadcast_in_dim3A_479 : vector<16x1xi32> to vector<16xi32>
        %gather3A_481 = tpu.dynamic_gather %exp3A_451[%gather3A_480] in [0] : vector<16xf32>, vector<16xi32> -> vector<16xf32>
        %get3A_482 = arith.index_cast %add3A_439 : i32 to index
        %get3A_483 = arith.constant 16 : index
        %get3A_484 = tpu.vector_load %arg10[%get3A_482, %get3A_483] {strides = array<i32>} : memref<128x80xf32, #tpu.memory_space<vmem>>, vector<16xf32>,
        %mul3A_485 = arith.mulf %get3A_484, %gather3A_481 : vector<16xf32>
        %swap3A_486 = arith.index_cast %add3A_439 : i32 to index
        %swap3A_487 = arith.constant 16 : index
        %swap3A_488 = tpu.vector_load %arg14[%swap3A_486, %swap3A_487] {strides = array<i32>} : memref<128x80xf32, #tpu.memory_space<vmem>>, vector<16xf32>,
        tpu.vector_store %arg14[%swap3A_486, %swap3A_487], %mul3A_485 {strides = array<i32>} : memref<128x80xf32, #tpu.memory_space<vmem>>, vector<16xf32>,
        %iota3A_489 = tpu.iota {dimensions = array<i32: 0>} : vector<16xi32>
        %shift_right_arithmetic3A_490 = arith.constant 3 : i32
        %shift_right_arithmetic3A_491 = vector.broadcast %shift_right_arithmetic3A_490 : i32 to vector<16xi32>
        %shift_right_arithmetic3A_492 = arith.shrsi %iota3A_489, %shift_right_arithmetic3A_491 : vector<16xi32>
        %add3A_493 = arith.constant 4 : i32
        %add3A_494 = vector.broadcast %add3A_493 : i32 to vector<16xi32>
        %add3A_495 = arith.addi %shift_right_arithmetic3A_492, %add3A_494 : vector<16xi32>
        %broadcast_in_dim3A_496 = vector.shape_cast %add3A_495 : vector<16xi32> to vector<16x1xi32>
        %gather3A_497 = vector.shape_cast %broadcast_in_dim3A_496 : vector<16x1xi32> to vector<16xi32>
        %gather3A_498 = tpu.dynamic_gather %exp3A_451[%gather3A_497] in [0] : vector<16xf32>, vector<16xi32> -> vector<16xf32>
        %get3A_499 = arith.index_cast %add3A_439 : i32 to index
        %get3A_500 = arith.constant 32 : index
        %get3A_501 = tpu.vector_load %arg10[%get3A_499, %get3A_500] {strides = array<i32>} : memref<128x80xf32, #tpu.memory_space<vmem>>, vector<16xf32>,
        %mul3A_502 = arith.mulf %get3A_501, %gather3A_498 : vector<16xf32>
        %swap3A_503 = arith.index_cast %add3A_439 : i32 to index
        %swap3A_504 = arith.constant 32 : index
        %swap3A_505 = tpu.vector_load %arg14[%swap3A_503, %swap3A_504] {strides = array<i32>} : memref<128x80xf32, #tpu.memory_space<vmem>>, vector<16xf32>,
        tpu.vector_store %arg14[%swap3A_503, %swap3A_504], %mul3A_502 {strides = array<i32>} : memref<128x80xf32, #tpu.memory_space<vmem>>, vector<16xf32>,
        %iota3A_506 = tpu.iota {dimensions = array<i32: 0>} : vector<16xi32>
        %shift_right_arithmetic3A_507 = arith.constant 3 : i32
        %shift_right_arithmetic3A_508 = vector.broadcast %shift_right_arithmetic3A_507 : i32 to vector<16xi32>
        %shift_right_arithmetic3A_509 = arith.shrsi %iota3A_506, %shift_right_arithmetic3A_508 : vector<16xi32>
        %add3A_510 = arith.constant 6 : i32
        %add3A_511 = vector.broadcast %add3A_510 : i32 to vector<16xi32>
        %add3A_512 = arith.addi %shift_right_arithmetic3A_509, %add3A_511 : vector<16xi32>
        %broadcast_in_dim3A_513 = vector.shape_cast %add3A_512 : vector<16xi32> to vector<16x1xi32>
        %gather3A_514 = vector.shape_cast %broadcast_in_dim3A_513 : vector<16x1xi32> to vector<16xi32>
        %gather3A_515 = tpu.dynamic_gather %exp3A_451[%gather3A_514] in [0] : vector<16xf32>, vector<16xi32> -> vector<16xf32>
        %get3A_516 = arith.index_cast %add3A_439 : i32 to index
        %get3A_517 = arith.constant 48 : index
        %get3A_518 = tpu.vector_load %arg10[%get3A_516, %get3A_517] {strides = array<i32>} : memref<128x80xf32, #tpu.memory_space<vmem>>, vector<16xf32>,
        %mul3A_519 = arith.mulf %get3A_518, %gather3A_515 : vector<16xf32>
        %swap3A_520 = arith.index_cast %add3A_439 : i32 to index
        %swap3A_521 = arith.constant 48 : index
        %swap3A_522 = tpu.vector_load %arg14[%swap3A_520, %swap3A_521] {strides = array<i32>} : memref<128x80xf32, #tpu.memory_space<vmem>>, vector<16xf32>,
        tpu.vector_store %arg14[%swap3A_520, %swap3A_521], %mul3A_519 {strides = array<i32>} : memref<128x80xf32, #tpu.memory_space<vmem>>, vector<16xf32>,
      }
      %scan3A_169 = arith.constant 32 : i32
      %dma_start3A_170 = arith.constant 0 : i32
      %dma_start3A_171 = tpu.memref_slice %arg8[%add3A_146, %dma_start3A_170] : memref<104x128xi32, #tpu.memory_space<vmem>> -> memref<1x128xi32, #tpu.memory_space<vmem>>
      %dma_start3A_172 = tpu.memref_squeeze %dma_start3A_171 : memref<1x128xi32, #tpu.memory_space<vmem>> -> memref<128xi32, #tpu.memory_space<vmem>>
      %dma_start3A_173 = arith.constant 0 : i32
      %dma_start3A_174 = arith.constant 0 : i32
      %dma_start3A_175 = tpu.memref_slice %arg15[%dma_start3A_173, %dma_start3A_174] : memref<10240x80xf32, #tpu.memory_space<vmem_shared>> -> memref<10240x80xf32, #tpu.memory_space<vmem_shared>>
      tpu.enqueue_indirect_dma source(%arg14 : memref<128x80xf32, #tpu.memory_space<vmem>>) target(%dma_start3A_175 : memref<10240x80xf32, #tpu.memory_space<vmem_shared>>) offsets(%dma_start3A_172 : memref<128xi32, #tpu.memory_space<vmem>>) semaphore(%arg19 : memref<!tpu.dma_semaphore, #tpu.memory_space<semaphore_mem>>) {add = true}
      %add3A_176 = arith.constant 2 : i32
      %add3A_177 = arith.addi %add3A_146, %add3A_176 : i32
      %lt3A_178 = arith.cmpi slt, %add3A_177, %add3A_1 : i32
      %convert_element_type3A_179 = arith.extui %lt3A_178 : i1 to i32
      %cond3A_180 = arith.constant 0 : i32
      %cond3A_181 = arith.cmpi ne, %convert_element_type3A_179, %cond3A_180 : i32
      scf.if %cond3A_181 {
        %add3A_182 = arith.constant 2 : i32
        %add3A_183 = arith.addi %add3A_146, %add3A_182 : i32
        %dma_start3A_184 = arith.constant 0 : i32
        %dma_start3A_185 = tpu.memref_slice %arg7[%add3A_183, %dma_start3A_184] : memref<104x128xi32, #tpu.memory_space<vmem>> -> memref<1x128xi32, #tpu.memory_space<vmem>>
        %dma_start3A_186 = tpu.memref_squeeze %dma_start3A_185 : memref<1x128xi32, #tpu.memory_space<vmem>> -> memref<128xi32, #tpu.memory_space<vmem>>
        %dma_start3A_187 = arith.constant 0 : i32
        %dma_start3A_188 = arith.constant 0 : i32
        %dma_start3A_189 = tpu.memref_slice %arg2[%dma_start3A_187, %dma_start3A_188] : memref<10240x80xf32, #tpu.memory_space<hbm>> -> memref<10240x80xf32, #tpu.memory_space<hbm>>
        tpu.enqueue_indirect_dma source(%dma_start3A_189 : memref<10240x80xf32, #tpu.memory_space<hbm>>) target(%arg10 : memref<128x80xf32, #tpu.memory_space<vmem>>) offsets(%dma_start3A_186 : memref<128xi32, #tpu.memory_space<vmem>>) semaphore(%arg17 : memref<!tpu.dma_semaphore, #tpu.memory_space<semaphore_mem>>)
        %dma_start3A_190 = arith.constant 0 : i32
        %dma_start3A_191 = tpu.memref_slice %arg8[%add3A_183, %dma_start3A_190] : memref<104x128xi32, #tpu.memory_space<vmem>> -> memref<1x128xi32, #tpu.memory_space<vmem>>
        %dma_start3A_192 = tpu.memref_squeeze %dma_start3A_191 : memref<1x128xi32, #tpu.memory_space<vmem>> -> memref<128xi32, #tpu.memory_space<vmem>>
        %dma_start3A_193 = arith.constant 0 : i32
        %dma_start3A_194 = arith.constant 0 : i32
        %dma_start3A_195 = tpu.memref_slice %arg3[%dma_start3A_193, %dma_start3A_194] : memref<10240x16xf32, #tpu.memory_space<hbm>> -> memref<10240x16xf32, #tpu.memory_space<hbm>>
        tpu.enqueue_indirect_dma source(%dma_start3A_195 : memref<10240x16xf32, #tpu.memory_space<hbm>>) target(%arg12 : memref<128x16xf32, #tpu.memory_space<vmem>>) offsets(%dma_start3A_192 : memref<128xi32, #tpu.memory_space<vmem>>) semaphore(%arg17 : memref<!tpu.dma_semaphore, #tpu.memory_space<semaphore_mem>>)
      } else {
      }
    }
    %sub3A_83 = arith.constant 2 : i32
    %sub3A_84 = arith.subi %add3A_1, %sub3A_83 : i32
    %add3A_85 = arith.constant 0 : i32
    %add3A_86 = arith.addi %sub3A_84, %add3A_85 : i32
    %dma_wait3A = arith.constant 0 : i32
    %dma_wait3A_87 = tpu.memref_slice %arg8[%add3A_86, %dma_wait3A] : memref<104x128xi32, #tpu.memory_space<vmem>> -> memref<1x128xi32, #tpu.memory_space<vmem>>
    %dma_wait3A_88 = tpu.memref_squeeze %dma_wait3A_87 : memref<1x128xi32, #tpu.memory_space<vmem>> -> memref<128xi32, #tpu.memory_space<vmem>>
    %dma_wait3A_89 = arith.constant 0 : i32
    %dma_wait3A_90 = arith.constant 0 : i32
    %dma_wait3A_91 = tpu.memref_slice %arg15[%dma_wait3A_89, %dma_wait3A_90] : memref<10240x80xf32, #tpu.memory_space<vmem_shared>> -> memref<10240x80xf32, #tpu.memory_space<vmem_shared>>
    tpu.wait_indirect_dma semaphore(%arg18 : memref<!tpu.dma_semaphore, #tpu.memory_space<semaphore_mem>>) src(%arg13 : memref<128x80xf32, #tpu.memory_space<vmem>>) dst(%dma_wait3A_91 : memref<10240x80xf32, #tpu.memory_space<vmem_shared>>)
    %sub3A_92 = arith.constant 2 : i32
    %sub3A_93 = arith.subi %add3A_1, %sub3A_92 : i32
    %add3A_94 = arith.constant 1 : i32
    %add3A_95 = arith.addi %sub3A_93, %add3A_94 : i32
    %dma_wait3A_96 = arith.constant 0 : i32
    %dma_wait3A_97 = tpu.memref_slice %arg8[%add3A_95, %dma_wait3A_96] : memref<104x128xi32, #tpu.memory_space<vmem>> -> memref<1x128xi32, #tpu.memory_space<vmem>>
    %dma_wait3A_98 = tpu.memref_squeeze %dma_wait3A_97 : memref<1x128xi32, #tpu.memory_space<vmem>> -> memref<128xi32, #tpu.memory_space<vmem>>
    %dma_wait3A_99 = arith.constant 0 : i32
    %dma_wait3A_100 = arith.constant 0 : i32
    %dma_wait3A_101 = tpu.memref_slice %arg15[%dma_wait3A_99, %dma_wait3A_100] : memref<10240x80xf32, #tpu.memory_space<vmem_shared>> -> memref<10240x80xf32, #tpu.memory_space<vmem_shared>>
    tpu.wait_indirect_dma semaphore(%arg19 : memref<!tpu.dma_semaphore, #tpu.memory_space<semaphore_mem>>) src(%arg14 : memref<128x80xf32, #tpu.memory_space<vmem>>) dst(%dma_wait3A_101 : memref<10240x80xf32, #tpu.memory_space<vmem_shared>>)
    %barrier3A_102 = arith.constant 0 : index
    tpu.barrier barrier_id(%barrier3A_102)
    %mul3A_103 = arith.constant 640 : i32
    %mul3A_104 = arith.muli %arg1, %mul3A_103 : i32
    %mul3A_105 = arith.constant 640 : i32
    %mul3A_106 = arith.muli %arg1, %mul3A_105 : i32
    "tpu.region"() ({
      %run_scoped3A = tpu.sem_alloc : memref<!tpu.dma_semaphore, #tpu.memory_space<semaphore_mem>>
      %dma_start3A_107 = arith.constant 0 : i32
      %dma_start3A_108 = tpu.memref_slice %arg6[%arg0, %mul3A_106, %dma_start3A_107] : memref<2x10240x80xf32, #tpu.memory_space<hbm>> -> memref<1x640x80xf32, #tpu.memory_space<hbm>>
      %dma_start3A_109 = tpu.memref_squeeze %dma_start3A_108 : memref<1x640x80xf32, #tpu.memory_space<hbm>> -> memref<640x80xf32, #tpu.memory_space<hbm>>
      %dma_start3A_110 = arith.constant 0 : i32
      %dma_start3A_111 = tpu.memref_slice %arg15[%mul3A_104, %dma_start3A_110] : memref<10240x80xf32, #tpu.memory_space<vmem_shared>> -> memref<640x80xf32, #tpu.memory_space<vmem_shared>>
      tpu.enqueue_dma source(%dma_start3A_111 : memref<640x80xf32, #tpu.memory_space<vmem_shared>>) target(%dma_start3A_109 : memref<640x80xf32, #tpu.memory_space<hbm>>) target_semaphore(%run_scoped3A : memref<!tpu.dma_semaphore, #tpu.memory_space<semaphore_mem>>)
      %dma_wait3A_112 = arith.constant 0 : i32
      %dma_wait3A_113 = tpu.memref_slice %arg6[%arg0, %mul3A_106, %dma_wait3A_112] : memref<2x10240x80xf32, #tpu.memory_space<hbm>> -> memref<1x640x80xf32, #tpu.memory_space<hbm>>
      %dma_wait3A_114 = tpu.memref_squeeze %dma_wait3A_113 : memref<1x640x80xf32, #tpu.memory_space<hbm>> -> memref<640x80xf32, #tpu.memory_space<hbm>>
      %dma_wait3A_115 = arith.constant 0 : i32
      %dma_wait3A_116 = tpu.memref_slice %arg15[%mul3A_104, %dma_wait3A_115] : memref<10240x80xf32, #tpu.memory_space<vmem_shared>> -> memref<640x80xf32, #tpu.memory_space<vmem_shared>>
      tpu.wait_dma2 semaphore(%run_scoped3A : memref<!tpu.dma_semaphore, #tpu.memory_space<semaphore_mem>>) src(%dma_wait3A_116 : memref<640x80xf32, #tpu.memory_space<vmem_shared>>) dst(%dma_wait3A_114 : memref<640x80xf32, #tpu.memory_space<hbm>>)
      tpu.yield
    }) : () -> ()
    return
  }
}

#map = affine_map<(d0, d1) -> (0, 0)>
#map1 = affine_map<(d0, d1) -> (0, 0, 0)>
module attributes {stable_mosaic.version = 14 : i64} {
  func.func @edge_kernel(%arg0: i32, %arg1: i32, %arg2: memref<10240x80xf32, #tpu.memory_space<hbm>>, %arg3: memref<10240x16xf32, #tpu.memory_space<hbm>>, %arg4: memref<2608x128xi32, #tpu.memory_space<hbm>>, %arg5: memref<2608x128xi32, #tpu.memory_space<hbm>>, %arg6: memref<2x10240x80xf32, #tpu.memory_space<hbm>>, %arg7: memref<104x128xi32, #tpu.memory_space<vmem>>, %arg8: memref<104x128xi32, #tpu.memory_space<vmem>>, %arg9: memref<128x80xf32, #tpu.memory_space<vmem>>, %arg10: memref<128x80xf32, #tpu.memory_space<vmem>>, %arg11: memref<128x16xf32, #tpu.memory_space<vmem>>, %arg12: memref<128x16xf32, #tpu.memory_space<vmem>>, %arg13: memref<128x80xf32, #tpu.memory_space<vmem>>, %arg14: memref<128x80xf32, #tpu.memory_space<vmem>>, %arg15: memref<10240x80xf32, #tpu.memory_space<vmem_shared>>, %arg16: memref<!tpu.dma_semaphore, #tpu.memory_space<semaphore_mem>>, %arg17: memref<!tpu.dma_semaphore, #tpu.memory_space<semaphore_mem>>, %arg18: memref<!tpu.dma_semaphore, #tpu.memory_space<semaphore_mem>>, %arg19: memref<!tpu.dma_semaphore, #tpu.memory_space<semaphore_mem>>) attributes {dimension_semantics = [#tpu.dimension_semantics<core_parallel>, #tpu.dimension_semantics<subcore_parallel>], iteration_bounds = array<i64: 2, 16>, scalar_prefetch = 0 : i64, scratch_operands = 13 : i64, tpu.core_type = #tpu.core_type<sc_vector_subcore>, window_params = [{transform_indices = #map}, {transform_indices = #map}, {transform_indices = #map}, {transform_indices = #map}, {transform_indices = #map1}]} {
    %mul3A = arith.constant -48 : i32
    %mul3A_0 = arith.muli %arg0, %mul3A : i32
    %add3A = arith.constant 104 : i32
    %add3A_1 = arith.addi %add3A, %mul3A_0 : i32
    %mul3A_2 = arith.constant 1664 : i32
    %mul3A_3 = arith.muli %arg0, %mul3A_2 : i32
    %mul3A_4 = arith.muli %arg1, %add3A_1 : i32
    %add3A_5 = arith.addi %mul3A_3, %mul3A_4 : i32
    "tpu.region"() ({
      %run_scoped3A = tpu.sem_alloc : memref<!tpu.dma_semaphore, #tpu.memory_space<semaphore_mem>>
      %dma_start3A_107 = arith.constant 0 : i32
      %dma_start3A_108 = tpu.memref_slice %arg4[%add3A_5, %dma_start3A_107] : memref<2608x128xi32, #tpu.memory_space<hbm>> -> memref<104x128xi32, #tpu.memory_space<hbm>>
      %dma_start3A_109 = arith.constant 0 : i32
      %dma_start3A_110 = tpu.memref_slice %arg4[%add3A_5, %dma_start3A_109] : memref<2608x128xi32, #tpu.memory_space<hbm>> -> memref<104x128xi32, #tpu.memory_space<hbm>>
      tpu.enqueue_dma source(%dma_start3A_110 : memref<104x128xi32, #tpu.memory_space<hbm>>) target(%arg7 : memref<104x128xi32, #tpu.memory_space<vmem>>) target_semaphore(%run_scoped3A : memref<!tpu.dma_semaphore, #tpu.memory_space<semaphore_mem>>)
      %dma_wait3A_111 = arith.constant 0 : i32
      %dma_wait3A_112 = tpu.memref_slice %arg4[%add3A_5, %dma_wait3A_111] : memref<2608x128xi32, #tpu.memory_space<hbm>> -> memref<104x128xi32, #tpu.memory_space<hbm>>
      %dma_wait3A_113 = arith.constant 0 : i32
      %dma_wait3A_114 = tpu.memref_slice %arg4[%add3A_5, %dma_wait3A_113] : memref<2608x128xi32, #tpu.memory_space<hbm>> -> memref<104x128xi32, #tpu.memory_space<hbm>>
      tpu.wait_dma2 semaphore(%run_scoped3A : memref<!tpu.dma_semaphore, #tpu.memory_space<semaphore_mem>>) src(%dma_wait3A_114 : memref<104x128xi32, #tpu.memory_space<hbm>>) dst(%arg7 : memref<104x128xi32, #tpu.memory_space<vmem>>)
      tpu.yield
    }) : () -> ()
    "tpu.region"() ({
      %run_scoped3A = tpu.sem_alloc : memref<!tpu.dma_semaphore, #tpu.memory_space<semaphore_mem>>
      %dma_start3A_107 = arith.constant 0 : i32
      %dma_start3A_108 = tpu.memref_slice %arg5[%add3A_5, %dma_start3A_107] : memref<2608x128xi32, #tpu.memory_space<hbm>> -> memref<104x128xi32, #tpu.memory_space<hbm>>
      %dma_start3A_109 = arith.constant 0 : i32
      %dma_start3A_110 = tpu.memref_slice %arg5[%add3A_5, %dma_start3A_109] : memref<2608x128xi32, #tpu.memory_space<hbm>> -> memref<104x128xi32, #tpu.memory_space<hbm>>
      tpu.enqueue_dma source(%dma_start3A_110 : memref<104x128xi32, #tpu.memory_space<hbm>>) target(%arg8 : memref<104x128xi32, #tpu.memory_space<vmem>>) target_semaphore(%run_scoped3A : memref<!tpu.dma_semaphore, #tpu.memory_space<semaphore_mem>>)
      %dma_wait3A_111 = arith.constant 0 : i32
      %dma_wait3A_112 = tpu.memref_slice %arg5[%add3A_5, %dma_wait3A_111] : memref<2608x128xi32, #tpu.memory_space<hbm>> -> memref<104x128xi32, #tpu.memory_space<hbm>>
      %dma_wait3A_113 = arith.constant 0 : i32
      %dma_wait3A_114 = tpu.memref_slice %arg5[%add3A_5, %dma_wait3A_113] : memref<2608x128xi32, #tpu.memory_space<hbm>> -> memref<104x128xi32, #tpu.memory_space<hbm>>
      tpu.wait_dma2 semaphore(%run_scoped3A : memref<!tpu.dma_semaphore, #tpu.memory_space<semaphore_mem>>) src(%dma_wait3A_114 : memref<104x128xi32, #tpu.memory_space<hbm>>) dst(%arg8 : memref<104x128xi32, #tpu.memory_space<vmem>>)
      tpu.yield
    }) : () -> ()
    %scan3A = arith.constant 0 : i32
    %scan3A_6 = arith.constant 0 : i32
    %scan3A_7 = arith.constant 128 : i32
    %scan3A_8 = arith.addi %scan3A_6, %scan3A_7 : i32
    %scan3A_9 = arith.constant 1 : i32
    scf.for %scan3A_107 = %scan3A_6 to %scan3A_8 step %scan3A_9  : i32 {
      %broadcast_in_dim3A = arith.constant 0.000000e+00 : f32
      %broadcast_in_dim3A_108 = vector.broadcast %broadcast_in_dim3A : f32 to vector<16xf32>
      %swap3A = arith.index_cast %scan3A_107 : i32 to index
      %swap3A_109 = arith.constant 0 : index
      %swap3A_110 = tpu.vector_load %arg13[%swap3A, %swap3A_109] {strides = array<i32>} : memref<128x80xf32, #tpu.memory_space<vmem>>, vector<16xf32>,
      tpu.vector_store %arg13[%swap3A, %swap3A_109], %broadcast_in_dim3A_108 {strides = array<i32>} : memref<128x80xf32, #tpu.memory_space<vmem>>, vector<16xf32>,
      %broadcast_in_dim3A_111 = arith.constant 0.000000e+00 : f32
      %broadcast_in_dim3A_112 = vector.broadcast %broadcast_in_dim3A_111 : f32 to vector<16xf32>
      %swap3A_113 = arith.index_cast %scan3A_107 : i32 to index
      %swap3A_114 = arith.constant 16 : index
      %swap3A_115 = tpu.vector_load %arg13[%swap3A_113, %swap3A_114] {strides = array<i32>} : memref<128x80xf32, #tpu.memory_space<vmem>>, vector<16xf32>,
      tpu.vector_store %arg13[%swap3A_113, %swap3A_114], %broadcast_in_dim3A_112 {strides = array<i32>} : memref<128x80xf32, #tpu.memory_space<vmem>>, vector<16xf32>,
      %broadcast_in_dim3A_116 = arith.constant 0.000000e+00 : f32
      %broadcast_in_dim3A_117 = vector.broadcast %broadcast_in_dim3A_116 : f32 to vector<16xf32>
      %swap3A_118 = arith.index_cast %scan3A_107 : i32 to index
      %swap3A_119 = arith.constant 32 : index
      %swap3A_120 = tpu.vector_load %arg13[%swap3A_118, %swap3A_119] {strides = array<i32>} : memref<128x80xf32, #tpu.memory_space<vmem>>, vector<16xf32>,
      tpu.vector_store %arg13[%swap3A_118, %swap3A_119], %broadcast_in_dim3A_117 {strides = array<i32>} : memref<128x80xf32, #tpu.memory_space<vmem>>, vector<16xf32>,
      %broadcast_in_dim3A_121 = arith.constant 0.000000e+00 : f32
      %broadcast_in_dim3A_122 = vector.broadcast %broadcast_in_dim3A_121 : f32 to vector<16xf32>
      %swap3A_123 = arith.index_cast %scan3A_107 : i32 to index
      %swap3A_124 = arith.constant 48 : index
      %swap3A_125 = tpu.vector_load %arg13[%swap3A_123, %swap3A_124] {strides = array<i32>} : memref<128x80xf32, #tpu.memory_space<vmem>>, vector<16xf32>,
      tpu.vector_store %arg13[%swap3A_123, %swap3A_124], %broadcast_in_dim3A_122 {strides = array<i32>} : memref<128x80xf32, #tpu.memory_space<vmem>>, vector<16xf32>,
      %broadcast_in_dim3A_126 = arith.constant 0.000000e+00 : f32
      %broadcast_in_dim3A_127 = vector.broadcast %broadcast_in_dim3A_126 : f32 to vector<16xf32>
      %swap3A_128 = arith.index_cast %scan3A_107 : i32 to index
      %swap3A_129 = arith.constant 64 : index
      %swap3A_130 = tpu.vector_load %arg13[%swap3A_128, %swap3A_129] {strides = array<i32>} : memref<128x80xf32, #tpu.memory_space<vmem>>, vector<16xf32>,
      tpu.vector_store %arg13[%swap3A_128, %swap3A_129], %broadcast_in_dim3A_127 {strides = array<i32>} : memref<128x80xf32, #tpu.memory_space<vmem>>, vector<16xf32>,
    }
    %scan3A_10 = arith.constant 128 : i32
    %mul3A_11 = arith.constant 640 : i32
    %mul3A_12 = arith.muli %arg1, %mul3A_11 : i32
    %add3A_13 = arith.constant 0 : i32
    %add3A_14 = arith.addi %mul3A_12, %add3A_13 : i32
    "tpu.region"() ({
      %run_scoped3A = tpu.sem_alloc : memref<!tpu.dma_semaphore, #tpu.memory_space<semaphore_mem>>
      %dma_start3A_107 = arith.constant 0 : i32
      %dma_start3A_108 = tpu.memref_slice %arg15[%add3A_14, %dma_start3A_107] : memref<10240x80xf32, #tpu.memory_space<vmem_shared>> -> memref<128x80xf32, #tpu.memory_space<vmem_shared>>
      %dma_start3A_109 = arith.constant 0 : i32
      %dma_start3A_110 = tpu.memref_slice %arg15[%add3A_14, %dma_start3A_109] : memref<10240x80xf32, #tpu.memory_space<vmem_shared>> -> memref<128x80xf32, #tpu.memory_space<vmem_shared>>
      tpu.enqueue_dma source(%arg13 : memref<128x80xf32, #tpu.memory_space<vmem>>) target(%dma_start3A_110 : memref<128x80xf32, #tpu.memory_space<vmem_shared>>) target_semaphore(%run_scoped3A : memref<!tpu.dma_semaphore, #tpu.memory_space<semaphore_mem>>)
      %dma_wait3A_111 = arith.constant 0 : i32
      %dma_wait3A_112 = tpu.memref_slice %arg15[%add3A_14, %dma_wait3A_111] : memref<10240x80xf32, #tpu.memory_space<vmem_shared>> -> memref<128x80xf32, #tpu.memory_space<vmem_shared>>
      %dma_wait3A_113 = arith.constant 0 : i32
      %dma_wait3A_114 = tpu.memref_slice %arg15[%add3A_14, %dma_wait3A_113] : memref<10240x80xf32, #tpu.memory_space<vmem_shared>> -> memref<128x80xf32, #tpu.memory_space<vmem_shared>>
      tpu.wait_dma2 semaphore(%run_scoped3A : memref<!tpu.dma_semaphore, #tpu.memory_space<semaphore_mem>>) src(%arg13 : memref<128x80xf32, #tpu.memory_space<vmem>>) dst(%dma_wait3A_114 : memref<128x80xf32, #tpu.memory_space<vmem_shared>>)
      tpu.yield
    }) : () -> ()
    %mul3A_15 = arith.constant 640 : i32
    %mul3A_16 = arith.muli %arg1, %mul3A_15 : i32
    %add3A_17 = arith.constant 128 : i32
    %add3A_18 = arith.addi %mul3A_16, %add3A_17 : i32
    "tpu.region"() ({
      %run_scoped3A = tpu.sem_alloc : memref<!tpu.dma_semaphore, #tpu.memory_space<semaphore_mem>>
      %dma_start3A_107 = arith.constant 0 : i32
      %dma_start3A_108 = tpu.memref_slice %arg15[%add3A_18, %dma_start3A_107] : memref<10240x80xf32, #tpu.memory_space<vmem_shared>> -> memref<128x80xf32, #tpu.memory_space<vmem_shared>>
      %dma_start3A_109 = arith.constant 0 : i32
      %dma_start3A_110 = tpu.memref_slice %arg15[%add3A_18, %dma_start3A_109] : memref<10240x80xf32, #tpu.memory_space<vmem_shared>> -> memref<128x80xf32, #tpu.memory_space<vmem_shared>>
      tpu.enqueue_dma source(%arg13 : memref<128x80xf32, #tpu.memory_space<vmem>>) target(%dma_start3A_110 : memref<128x80xf32, #tpu.memory_space<vmem_shared>>) target_semaphore(%run_scoped3A : memref<!tpu.dma_semaphore, #tpu.memory_space<semaphore_mem>>)
      %dma_wait3A_111 = arith.constant 0 : i32
      %dma_wait3A_112 = tpu.memref_slice %arg15[%add3A_18, %dma_wait3A_111] : memref<10240x80xf32, #tpu.memory_space<vmem_shared>> -> memref<128x80xf32, #tpu.memory_space<vmem_shared>>
      %dma_wait3A_113 = arith.constant 0 : i32
      %dma_wait3A_114 = tpu.memref_slice %arg15[%add3A_18, %dma_wait3A_113] : memref<10240x80xf32, #tpu.memory_space<vmem_shared>> -> memref<128x80xf32, #tpu.memory_space<vmem_shared>>
      tpu.wait_dma2 semaphore(%run_scoped3A : memref<!tpu.dma_semaphore, #tpu.memory_space<semaphore_mem>>) src(%arg13 : memref<128x80xf32, #tpu.memory_space<vmem>>) dst(%dma_wait3A_114 : memref<128x80xf32, #tpu.memory_space<vmem_shared>>)
      tpu.yield
    }) : () -> ()
    %mul3A_19 = arith.constant 640 : i32
    %mul3A_20 = arith.muli %arg1, %mul3A_19 : i32
    %add3A_21 = arith.constant 256 : i32
    %add3A_22 = arith.addi %mul3A_20, %add3A_21 : i32
    "tpu.region"() ({
      %run_scoped3A = tpu.sem_alloc : memref<!tpu.dma_semaphore, #tpu.memory_space<semaphore_mem>>
      %dma_start3A_107 = arith.constant 0 : i32
      %dma_start3A_108 = tpu.memref_slice %arg15[%add3A_22, %dma_start3A_107] : memref<10240x80xf32, #tpu.memory_space<vmem_shared>> -> memref<128x80xf32, #tpu.memory_space<vmem_shared>>
      %dma_start3A_109 = arith.constant 0 : i32
      %dma_start3A_110 = tpu.memref_slice %arg15[%add3A_22, %dma_start3A_109] : memref<10240x80xf32, #tpu.memory_space<vmem_shared>> -> memref<128x80xf32, #tpu.memory_space<vmem_shared>>
      tpu.enqueue_dma source(%arg13 : memref<128x80xf32, #tpu.memory_space<vmem>>) target(%dma_start3A_110 : memref<128x80xf32, #tpu.memory_space<vmem_shared>>) target_semaphore(%run_scoped3A : memref<!tpu.dma_semaphore, #tpu.memory_space<semaphore_mem>>)
      %dma_wait3A_111 = arith.constant 0 : i32
      %dma_wait3A_112 = tpu.memref_slice %arg15[%add3A_22, %dma_wait3A_111] : memref<10240x80xf32, #tpu.memory_space<vmem_shared>> -> memref<128x80xf32, #tpu.memory_space<vmem_shared>>
      %dma_wait3A_113 = arith.constant 0 : i32
      %dma_wait3A_114 = tpu.memref_slice %arg15[%add3A_22, %dma_wait3A_113] : memref<10240x80xf32, #tpu.memory_space<vmem_shared>> -> memref<128x80xf32, #tpu.memory_space<vmem_shared>>
      tpu.wait_dma2 semaphore(%run_scoped3A : memref<!tpu.dma_semaphore, #tpu.memory_space<semaphore_mem>>) src(%arg13 : memref<128x80xf32, #tpu.memory_space<vmem>>) dst(%dma_wait3A_114 : memref<128x80xf32, #tpu.memory_space<vmem_shared>>)
      tpu.yield
    }) : () -> ()
    %mul3A_23 = arith.constant 640 : i32
    %mul3A_24 = arith.muli %arg1, %mul3A_23 : i32
    %add3A_25 = arith.constant 384 : i32
    %add3A_26 = arith.addi %mul3A_24, %add3A_25 : i32
    "tpu.region"() ({
      %run_scoped3A = tpu.sem_alloc : memref<!tpu.dma_semaphore, #tpu.memory_space<semaphore_mem>>
      %dma_start3A_107 = arith.constant 0 : i32
      %dma_start3A_108 = tpu.memref_slice %arg15[%add3A_26, %dma_start3A_107] : memref<10240x80xf32, #tpu.memory_space<vmem_shared>> -> memref<128x80xf32, #tpu.memory_space<vmem_shared>>
      %dma_start3A_109 = arith.constant 0 : i32
      %dma_start3A_110 = tpu.memref_slice %arg15[%add3A_26, %dma_start3A_109] : memref<10240x80xf32, #tpu.memory_space<vmem_shared>> -> memref<128x80xf32, #tpu.memory_space<vmem_shared>>
      tpu.enqueue_dma source(%arg13 : memref<128x80xf32, #tpu.memory_space<vmem>>) target(%dma_start3A_110 : memref<128x80xf32, #tpu.memory_space<vmem_shared>>) target_semaphore(%run_scoped3A : memref<!tpu.dma_semaphore, #tpu.memory_space<semaphore_mem>>)
      %dma_wait3A_111 = arith.constant 0 : i32
      %dma_wait3A_112 = tpu.memref_slice %arg15[%add3A_26, %dma_wait3A_111] : memref<10240x80xf32, #tpu.memory_space<vmem_shared>> -> memref<128x80xf32, #tpu.memory_space<vmem_shared>>
      %dma_wait3A_113 = arith.constant 0 : i32
      %dma_wait3A_114 = tpu.memref_slice %arg15[%add3A_26, %dma_wait3A_113] : memref<10240x80xf32, #tpu.memory_space<vmem_shared>> -> memref<128x80xf32, #tpu.memory_space<vmem_shared>>
      tpu.wait_dma2 semaphore(%run_scoped3A : memref<!tpu.dma_semaphore, #tpu.memory_space<semaphore_mem>>) src(%arg13 : memref<128x80xf32, #tpu.memory_space<vmem>>) dst(%dma_wait3A_114 : memref<128x80xf32, #tpu.memory_space<vmem_shared>>)
      tpu.yield
    }) : () -> ()
    %mul3A_27 = arith.constant 640 : i32
    %mul3A_28 = arith.muli %arg1, %mul3A_27 : i32
    %add3A_29 = arith.constant 512 : i32
    %add3A_30 = arith.addi %mul3A_28, %add3A_29 : i32
    "tpu.region"() ({
      %run_scoped3A = tpu.sem_alloc : memref<!tpu.dma_semaphore, #tpu.memory_space<semaphore_mem>>
      %dma_start3A_107 = arith.constant 0 : i32
      %dma_start3A_108 = tpu.memref_slice %arg15[%add3A_30, %dma_start3A_107] : memref<10240x80xf32, #tpu.memory_space<vmem_shared>> -> memref<128x80xf32, #tpu.memory_space<vmem_shared>>
      %dma_start3A_109 = arith.constant 0 : i32
      %dma_start3A_110 = tpu.memref_slice %arg15[%add3A_30, %dma_start3A_109] : memref<10240x80xf32, #tpu.memory_space<vmem_shared>> -> memref<128x80xf32, #tpu.memory_space<vmem_shared>>
      tpu.enqueue_dma source(%arg13 : memref<128x80xf32, #tpu.memory_space<vmem>>) target(%dma_start3A_110 : memref<128x80xf32, #tpu.memory_space<vmem_shared>>) target_semaphore(%run_scoped3A : memref<!tpu.dma_semaphore, #tpu.memory_space<semaphore_mem>>)
      %dma_wait3A_111 = arith.constant 0 : i32
      %dma_wait3A_112 = tpu.memref_slice %arg15[%add3A_30, %dma_wait3A_111] : memref<10240x80xf32, #tpu.memory_space<vmem_shared>> -> memref<128x80xf32, #tpu.memory_space<vmem_shared>>
      %dma_wait3A_113 = arith.constant 0 : i32
      %dma_wait3A_114 = tpu.memref_slice %arg15[%add3A_30, %dma_wait3A_113] : memref<10240x80xf32, #tpu.memory_space<vmem_shared>> -> memref<128x80xf32, #tpu.memory_space<vmem_shared>>
      tpu.wait_dma2 semaphore(%run_scoped3A : memref<!tpu.dma_semaphore, #tpu.memory_space<semaphore_mem>>) src(%arg13 : memref<128x80xf32, #tpu.memory_space<vmem>>) dst(%dma_wait3A_114 : memref<128x80xf32, #tpu.memory_space<vmem_shared>>)
      tpu.yield
    }) : () -> ()
    %dma_start3A = arith.constant 0 : i32
    %dma_start3A_31 = arith.constant 0 : i32
    %dma_start3A_32 = tpu.memref_slice %arg7[%dma_start3A, %dma_start3A_31] : memref<104x128xi32, #tpu.memory_space<vmem>> -> memref<1x128xi32, #tpu.memory_space<vmem>>
    %dma_start3A_33 = tpu.memref_squeeze %dma_start3A_32 : memref<1x128xi32, #tpu.memory_space<vmem>> -> memref<128xi32, #tpu.memory_space<vmem>>
    %dma_start3A_34 = arith.constant 0 : i32
    %dma_start3A_35 = arith.constant 0 : i32
    %dma_start3A_36 = tpu.memref_slice %arg2[%dma_start3A_34, %dma_start3A_35] : memref<10240x80xf32, #tpu.memory_space<hbm>> -> memref<10240x80xf32, #tpu.memory_space<hbm>>
    tpu.enqueue_indirect_dma source(%dma_start3A_36 : memref<10240x80xf32, #tpu.memory_space<hbm>>) target(%arg9 : memref<128x80xf32, #tpu.memory_space<vmem>>) offsets(%dma_start3A_33 : memref<128xi32, #tpu.memory_space<vmem>>) semaphore(%arg16 : memref<!tpu.dma_semaphore, #tpu.memory_space<semaphore_mem>>)
    %dma_start3A_37 = arith.constant 0 : i32
    %dma_start3A_38 = arith.constant 0 : i32
    %dma_start3A_39 = tpu.memref_slice %arg8[%dma_start3A_37, %dma_start3A_38] : memref<104x128xi32, #tpu.memory_space<vmem>> -> memref<1x128xi32, #tpu.memory_space<vmem>>
    %dma_start3A_40 = tpu.memref_squeeze %dma_start3A_39 : memref<1x128xi32, #tpu.memory_space<vmem>> -> memref<128xi32, #tpu.memory_space<vmem>>
    %dma_start3A_41 = arith.constant 0 : i32
    %dma_start3A_42 = arith.constant 0 : i32
    %dma_start3A_43 = tpu.memref_slice %arg3[%dma_start3A_41, %dma_start3A_42] : memref<10240x16xf32, #tpu.memory_space<hbm>> -> memref<10240x16xf32, #tpu.memory_space<hbm>>
    tpu.enqueue_indirect_dma source(%dma_start3A_43 : memref<10240x16xf32, #tpu.memory_space<hbm>>) target(%arg11 : memref<128x16xf32, #tpu.memory_space<vmem>>) offsets(%dma_start3A_40 : memref<128xi32, #tpu.memory_space<vmem>>) semaphore(%arg16 : memref<!tpu.dma_semaphore, #tpu.memory_space<semaphore_mem>>)
    %dma_start3A_44 = arith.constant 1 : i32
    %dma_start3A_45 = arith.constant 0 : i32
    %dma_start3A_46 = tpu.memref_slice %arg7[%dma_start3A_44, %dma_start3A_45] : memref<104x128xi32, #tpu.memory_space<vmem>> -> memref<1x128xi32, #tpu.memory_space<vmem>>
    %dma_start3A_47 = tpu.memref_squeeze %dma_start3A_46 : memref<1x128xi32, #tpu.memory_space<vmem>> -> memref<128xi32, #tpu.memory_space<vmem>>
    %dma_start3A_48 = arith.constant 0 : i32
    %dma_start3A_49 = arith.constant 0 : i32
    %dma_start3A_50 = tpu.memref_slice %arg2[%dma_start3A_48, %dma_start3A_49] : memref<10240x80xf32, #tpu.memory_space<hbm>> -> memref<10240x80xf32, #tpu.memory_space<hbm>>
    tpu.enqueue_indirect_dma source(%dma_start3A_50 : memref<10240x80xf32, #tpu.memory_space<hbm>>) target(%arg10 : memref<128x80xf32, #tpu.memory_space<vmem>>) offsets(%dma_start3A_47 : memref<128xi32, #tpu.memory_space<vmem>>) semaphore(%arg17 : memref<!tpu.dma_semaphore, #tpu.memory_space<semaphore_mem>>)
    %dma_start3A_51 = arith.constant 1 : i32
    %dma_start3A_52 = arith.constant 0 : i32
    %dma_start3A_53 = tpu.memref_slice %arg8[%dma_start3A_51, %dma_start3A_52] : memref<104x128xi32, #tpu.memory_space<vmem>> -> memref<1x128xi32, #tpu.memory_space<vmem>>
    %dma_start3A_54 = tpu.memref_squeeze %dma_start3A_53 : memref<1x128xi32, #tpu.memory_space<vmem>> -> memref<128xi32, #tpu.memory_space<vmem>>
    %dma_start3A_55 = arith.constant 0 : i32
    %dma_start3A_56 = arith.constant 0 : i32
    %dma_start3A_57 = tpu.memref_slice %arg3[%dma_start3A_55, %dma_start3A_56] : memref<10240x16xf32, #tpu.memory_space<hbm>> -> memref<10240x16xf32, #tpu.memory_space<hbm>>
    tpu.enqueue_indirect_dma source(%dma_start3A_57 : memref<10240x16xf32, #tpu.memory_space<hbm>>) target(%arg12 : memref<128x16xf32, #tpu.memory_space<vmem>>) offsets(%dma_start3A_54 : memref<128xi32, #tpu.memory_space<vmem>>) semaphore(%arg17 : memref<!tpu.dma_semaphore, #tpu.memory_space<semaphore_mem>>)
    %barrier3A = arith.constant 0 : index
    tpu.barrier barrier_id(%barrier3A)
    %jit3A = arith.constant 2 : i32
    %div3A = arith.divsi %add3A_1, %jit3A : i32
    %sign3A = arith.constant 0 : i32
    %sign3A_58 = arith.cmpi sgt, %add3A_1, %sign3A : i32
    %sign3A_59 = arith.extui %sign3A_58 : i1 to i32
    %sign3A_60 = arith.constant 0 : i32
    %sign3A_61 = arith.cmpi slt, %add3A_1, %sign3A_60 : i32
    %sign3A_62 = arith.extui %sign3A_61 : i1 to i32
    %sign3A_63 = arith.subi %sign3A_59, %sign3A_62 : i32
    %sign3A_64 = arith.constant 0 : i32
    %sign3A_65 = arith.cmpi sgt, %jit3A, %sign3A_64 : i32
    %sign3A_66 = arith.extui %sign3A_65 : i1 to i32
    %sign3A_67 = arith.constant 0 : i32
    %sign3A_68 = arith.cmpi slt, %jit3A, %sign3A_67 : i32
    %sign3A_69 = arith.extui %sign3A_68 : i1 to i32
    %sign3A_70 = arith.subi %sign3A_66, %sign3A_69 : i32
    %ne3A = arith.cmpi ne, %sign3A_63, %sign3A_70 : i32
    %rem3A = arith.remsi %add3A_1, %jit3A : i32
    %ne3A_71 = arith.constant 0 : i32
    %ne3A_72 = arith.cmpi ne, %rem3A, %ne3A_71 : i32
    %and3A = arith.andi %ne3A, %ne3A_72 : i1
    %sub3A = arith.constant 1 : i32
    %sub3A_73 = arith.subi %div3A, %sub3A : i32
    %select_n3A = arith.select %and3A, %sub3A_73, %div3A : i32
    %while3A = arith.constant 0 : i32
    %while3A_74 = arith.constant 0 : i32
    %while3A_75 = arith.subi %select_n3A, %while3A_74 : i32
    %while3A_76 = arith.addi %while3A_74, %while3A_75 : i32
    %while3A_77 = arith.constant 1 : i32
    %while3A_78 = arith.divsi %while3A_75, %while3A_77 : i32
    %while3A_79 = arith.muli %while3A_78, %while3A_77 : i32
    %while3A_80 = arith.addi %while3A_74, %while3A_79 : i32
    %while3A_81 = arith.constant 1 : i32
    scf.for %while3A_107 = %while3A_74 to %while3A_80 step %while3A_81  : i32 {
      %mul3A_108 = arith.constant 2 : i32
      %mul3A_109 = arith.muli %while3A_107, %mul3A_108 : i32
      %add3A_110 = arith.constant 0 : i32
      %add3A_111 = arith.addi %mul3A_109, %add3A_110 : i32
      %dma_wait3A_112 = arith.constant 0 : i32
      %dma_wait3A_113 = tpu.memref_slice %arg7[%add3A_111, %dma_wait3A_112] : memref<104x128xi32, #tpu.memory_space<vmem>> -> memref<1x128xi32, #tpu.memory_space<vmem>>
      %dma_wait3A_114 = tpu.memref_squeeze %dma_wait3A_113 : memref<1x128xi32, #tpu.memory_space<vmem>> -> memref<128xi32, #tpu.memory_space<vmem>>
      %dma_wait3A_115 = arith.constant 0 : i32
      %dma_wait3A_116 = arith.constant 0 : i32
      %dma_wait3A_117 = tpu.memref_slice %arg2[%dma_wait3A_115, %dma_wait3A_116] : memref<10240x80xf32, #tpu.memory_space<hbm>> -> memref<10240x80xf32, #tpu.memory_space<hbm>>
      tpu.wait_indirect_dma semaphore(%arg16 : memref<!tpu.dma_semaphore, #tpu.memory_space<semaphore_mem>>) src(%dma_wait3A_117 : memref<10240x80xf32, #tpu.memory_space<hbm>>) dst(%arg9 : memref<128x80xf32, #tpu.memory_space<vmem>>)
      %dma_wait3A_118 = arith.constant 0 : i32
      %dma_wait3A_119 = tpu.memref_slice %arg8[%add3A_111, %dma_wait3A_118] : memref<104x128xi32, #tpu.memory_space<vmem>> -> memref<1x128xi32, #tpu.memory_space<vmem>>
      %dma_wait3A_120 = tpu.memref_squeeze %dma_wait3A_119 : memref<1x128xi32, #tpu.memory_space<vmem>> -> memref<128xi32, #tpu.memory_space<vmem>>
      %dma_wait3A_121 = arith.constant 0 : i32
      %dma_wait3A_122 = arith.constant 0 : i32
      %dma_wait3A_123 = tpu.memref_slice %arg3[%dma_wait3A_121, %dma_wait3A_122] : memref<10240x16xf32, #tpu.memory_space<hbm>> -> memref<10240x16xf32, #tpu.memory_space<hbm>>
      tpu.wait_indirect_dma semaphore(%arg16 : memref<!tpu.dma_semaphore, #tpu.memory_space<semaphore_mem>>) src(%dma_wait3A_123 : memref<10240x16xf32, #tpu.memory_space<hbm>>) dst(%arg11 : memref<128x16xf32, #tpu.memory_space<vmem>>)
      %ge3A = arith.constant 1 : i32
      %ge3A_124 = arith.cmpi sge, %while3A_107, %ge3A : i32
      %convert_element_type3A = arith.extui %ge3A_124 : i1 to i32
      %cond3A = arith.constant 0 : i32
      %cond3A_125 = arith.cmpi ne, %convert_element_type3A, %cond3A : i32
      scf.if %cond3A_125 {
        %sub3A_182 = arith.constant 2 : i32
        %sub3A_183 = arith.subi %add3A_111, %sub3A_182 : i32
        %dma_wait3A_184 = arith.constant 0 : i32
        %dma_wait3A_185 = tpu.memref_slice %arg8[%sub3A_183, %dma_wait3A_184] : memref<104x128xi32, #tpu.memory_space<vmem>> -> memref<1x128xi32, #tpu.memory_space<vmem>>
        %dma_wait3A_186 = tpu.memref_squeeze %dma_wait3A_185 : memref<1x128xi32, #tpu.memory_space<vmem>> -> memref<128xi32, #tpu.memory_space<vmem>>
        %dma_wait3A_187 = arith.constant 0 : i32
        %dma_wait3A_188 = arith.constant 0 : i32
        %dma_wait3A_189 = tpu.memref_slice %arg15[%dma_wait3A_187, %dma_wait3A_188] : memref<10240x80xf32, #tpu.memory_space<vmem_shared>> -> memref<10240x80xf32, #tpu.memory_space<vmem_shared>>
        tpu.wait_indirect_dma semaphore(%arg18 : memref<!tpu.dma_semaphore, #tpu.memory_space<semaphore_mem>>) src(%arg13 : memref<128x80xf32, #tpu.memory_space<vmem>>) dst(%dma_wait3A_189 : memref<10240x80xf32, #tpu.memory_space<vmem_shared>>)
      } else {
      }
      %scan3A_126 = arith.constant 0 : i32
      %scan3A_127 = arith.constant 0 : i32
      %scan3A_128 = arith.constant 32 : i32
      %scan3A_129 = arith.addi %scan3A_127, %scan3A_128 : i32
      %scan3A_130 = arith.constant 1 : i32
      scf.for %scan3A_182 = %scan3A_127 to %scan3A_129 step %scan3A_130  : i32 {
        %mul3A_183 = arith.constant 4 : i32
        %mul3A_184 = arith.muli %scan3A_182, %mul3A_183 : i32
        %add3A_185 = arith.constant 0 : i32
        %add3A_186 = arith.addi %mul3A_184, %add3A_185 : i32
        %get3A = arith.index_cast %add3A_186 : i32 to index
        %get3A_187 = arith.constant 64 : index
        %get3A_188 = tpu.vector_load %arg9[%get3A, %get3A_187] {strides = array<i32>} : memref<128x80xf32, #tpu.memory_space<vmem>>, vector<16xf32>,
        %get3A_189 = arith.index_cast %add3A_186 : i32 to index
        %get3A_190 = arith.constant 0 : index
        %get3A_191 = tpu.vector_load %arg11[%get3A_189, %get3A_190] {strides = array<i32>} : memref<128x16xf32, #tpu.memory_space<vmem>>, vector<16xf32>,
        %add3A_192 = arith.addf %get3A_188, %get3A_191 : vector<16xf32>
        %mul3A_193 = arith.constant 2.000000e-01 : f32
        %mul3A_194 = vector.broadcast %mul3A_193 : f32 to vector<16xf32>
        %mul3A_195 = arith.mulf %mul3A_194, %add3A_192 : vector<16xf32>
        %max3A = arith.maximumf %add3A_192, %mul3A_195 : vector<16xf32>
        %exp3A = math.exp %max3A : vector<16xf32>
        %swap3A = arith.index_cast %add3A_186 : i32 to index
        %swap3A_196 = arith.constant 64 : index
        %swap3A_197 = tpu.vector_load %arg13[%swap3A, %swap3A_196] {strides = array<i32>} : memref<128x80xf32, #tpu.memory_space<vmem>>, vector<16xf32>,
        tpu.vector_store %arg13[%swap3A, %swap3A_196], %exp3A {strides = array<i32>} : memref<128x80xf32, #tpu.memory_space<vmem>>, vector<16xf32>,
        %iota3A = tpu.iota {dimensions = array<i32: 0>} : vector<16xi32>
        %shift_right_arithmetic3A = arith.constant 3 : i32
        %shift_right_arithmetic3A_198 = vector.broadcast %shift_right_arithmetic3A : i32 to vector<16xi32>
        %shift_right_arithmetic3A_199 = arith.shrsi %iota3A, %shift_right_arithmetic3A_198 : vector<16xi32>
        %add3A_200 = arith.constant 0 : i32
        %add3A_201 = vector.broadcast %add3A_200 : i32 to vector<16xi32>
        %add3A_202 = arith.addi %shift_right_arithmetic3A_199, %add3A_201 : vector<16xi32>
        %broadcast_in_dim3A = vector.shape_cast %add3A_202 : vector<16xi32> to vector<16x1xi32>
        %gather3A = vector.shape_cast %broadcast_in_dim3A : vector<16x1xi32> to vector<16xi32>
        %gather3A_203 = tpu.dynamic_gather %exp3A[%gather3A] in [0] : vector<16xf32>, vector<16xi32> -> vector<16xf32>
        %get3A_204 = arith.index_cast %add3A_186 : i32 to index
        %get3A_205 = arith.constant 0 : index
        %get3A_206 = tpu.vector_load %arg9[%get3A_204, %get3A_205] {strides = array<i32>} : memref<128x80xf32, #tpu.memory_space<vmem>>, vector<16xf32>,
        %mul3A_207 = arith.mulf %get3A_206, %gather3A_203 : vector<16xf32>
        %swap3A_208 = arith.index_cast %add3A_186 : i32 to index
        %swap3A_209 = arith.constant 0 : index
        %swap3A_210 = tpu.vector_load %arg13[%swap3A_208, %swap3A_209] {strides = array<i32>} : memref<128x80xf32, #tpu.memory_space<vmem>>, vector<16xf32>,
        tpu.vector_store %arg13[%swap3A_208, %swap3A_209], %mul3A_207 {strides = array<i32>} : memref<128x80xf32, #tpu.memory_space<vmem>>, vector<16xf32>,
        %iota3A_211 = tpu.iota {dimensions = array<i32: 0>} : vector<16xi32>
        %shift_right_arithmetic3A_212 = arith.constant 3 : i32
        %shift_right_arithmetic3A_213 = vector.broadcast %shift_right_arithmetic3A_212 : i32 to vector<16xi32>
        %shift_right_arithmetic3A_214 = arith.shrsi %iota3A_211, %shift_right_arithmetic3A_213 : vector<16xi32>
        %add3A_215 = arith.constant 2 : i32
        %add3A_216 = vector.broadcast %add3A_215 : i32 to vector<16xi32>
        %add3A_217 = arith.addi %shift_right_arithmetic3A_214, %add3A_216 : vector<16xi32>
        %broadcast_in_dim3A_218 = vector.shape_cast %add3A_217 : vector<16xi32> to vector<16x1xi32>
        %gather3A_219 = vector.shape_cast %broadcast_in_dim3A_218 : vector<16x1xi32> to vector<16xi32>
        %gather3A_220 = tpu.dynamic_gather %exp3A[%gather3A_219] in [0] : vector<16xf32>, vector<16xi32> -> vector<16xf32>
        %get3A_221 = arith.index_cast %add3A_186 : i32 to index
        %get3A_222 = arith.constant 16 : index
        %get3A_223 = tpu.vector_load %arg9[%get3A_221, %get3A_222] {strides = array<i32>} : memref<128x80xf32, #tpu.memory_space<vmem>>, vector<16xf32>,
        %mul3A_224 = arith.mulf %get3A_223, %gather3A_220 : vector<16xf32>
        %swap3A_225 = arith.index_cast %add3A_186 : i32 to index
        %swap3A_226 = arith.constant 16 : index
        %swap3A_227 = tpu.vector_load %arg13[%swap3A_225, %swap3A_226] {strides = array<i32>} : memref<128x80xf32, #tpu.memory_space<vmem>>, vector<16xf32>,
        tpu.vector_store %arg13[%swap3A_225, %swap3A_226], %mul3A_224 {strides = array<i32>} : memref<128x80xf32, #tpu.memory_space<vmem>>, vector<16xf32>,
        %iota3A_228 = tpu.iota {dimensions = array<i32: 0>} : vector<16xi32>
        %shift_right_arithmetic3A_229 = arith.constant 3 : i32
        %shift_right_arithmetic3A_230 = vector.broadcast %shift_right_arithmetic3A_229 : i32 to vector<16xi32>
        %shift_right_arithmetic3A_231 = arith.shrsi %iota3A_228, %shift_right_arithmetic3A_230 : vector<16xi32>
        %add3A_232 = arith.constant 4 : i32
        %add3A_233 = vector.broadcast %add3A_232 : i32 to vector<16xi32>
        %add3A_234 = arith.addi %shift_right_arithmetic3A_231, %add3A_233 : vector<16xi32>
        %broadcast_in_dim3A_235 = vector.shape_cast %add3A_234 : vector<16xi32> to vector<16x1xi32>
        %gather3A_236 = vector.shape_cast %broadcast_in_dim3A_235 : vector<16x1xi32> to vector<16xi32>
        %gather3A_237 = tpu.dynamic_gather %exp3A[%gather3A_236] in [0] : vector<16xf32>, vector<16xi32> -> vector<16xf32>
        %get3A_238 = arith.index_cast %add3A_186 : i32 to index
        %get3A_239 = arith.constant 32 : index
        %get3A_240 = tpu.vector_load %arg9[%get3A_238, %get3A_239] {strides = array<i32>} : memref<128x80xf32, #tpu.memory_space<vmem>>, vector<16xf32>,
        %mul3A_241 = arith.mulf %get3A_240, %gather3A_237 : vector<16xf32>
        %swap3A_242 = arith.index_cast %add3A_186 : i32 to index
        %swap3A_243 = arith.constant 32 : index
        %swap3A_244 = tpu.vector_load %arg13[%swap3A_242, %swap3A_243] {strides = array<i32>} : memref<128x80xf32, #tpu.memory_space<vmem>>, vector<16xf32>,
        tpu.vector_store %arg13[%swap3A_242, %swap3A_243], %mul3A_241 {strides = array<i32>} : memref<128x80xf32, #tpu.memory_space<vmem>>, vector<16xf32>,
        %iota3A_245 = tpu.iota {dimensions = array<i32: 0>} : vector<16xi32>
        %shift_right_arithmetic3A_246 = arith.constant 3 : i32
        %shift_right_arithmetic3A_247 = vector.broadcast %shift_right_arithmetic3A_246 : i32 to vector<16xi32>
        %shift_right_arithmetic3A_248 = arith.shrsi %iota3A_245, %shift_right_arithmetic3A_247 : vector<16xi32>
        %add3A_249 = arith.constant 6 : i32
        %add3A_250 = vector.broadcast %add3A_249 : i32 to vector<16xi32>
        %add3A_251 = arith.addi %shift_right_arithmetic3A_248, %add3A_250 : vector<16xi32>
        %broadcast_in_dim3A_252 = vector.shape_cast %add3A_251 : vector<16xi32> to vector<16x1xi32>
        %gather3A_253 = vector.shape_cast %broadcast_in_dim3A_252 : vector<16x1xi32> to vector<16xi32>
        %gather3A_254 = tpu.dynamic_gather %exp3A[%gather3A_253] in [0] : vector<16xf32>, vector<16xi32> -> vector<16xf32>
        %get3A_255 = arith.index_cast %add3A_186 : i32 to index
        %get3A_256 = arith.constant 48 : index
        %get3A_257 = tpu.vector_load %arg9[%get3A_255, %get3A_256] {strides = array<i32>} : memref<128x80xf32, #tpu.memory_space<vmem>>, vector<16xf32>,
        %mul3A_258 = arith.mulf %get3A_257, %gather3A_254 : vector<16xf32>
        %swap3A_259 = arith.index_cast %add3A_186 : i32 to index
        %swap3A_260 = arith.constant 48 : index
        %swap3A_261 = tpu.vector_load %arg13[%swap3A_259, %swap3A_260] {strides = array<i32>} : memref<128x80xf32, #tpu.memory_space<vmem>>, vector<16xf32>,
        tpu.vector_store %arg13[%swap3A_259, %swap3A_260], %mul3A_258 {strides = array<i32>} : memref<128x80xf32, #tpu.memory_space<vmem>>, vector<16xf32>,
        %mul3A_262 = arith.constant 4 : i32
        %mul3A_263 = arith.muli %scan3A_182, %mul3A_262 : i32
        %add3A_264 = arith.constant 1 : i32
        %add3A_265 = arith.addi %mul3A_263, %add3A_264 : i32
        %get3A_266 = arith.index_cast %add3A_265 : i32 to index
        %get3A_267 = arith.constant 64 : index
        %get3A_268 = tpu.vector_load %arg9[%get3A_266, %get3A_267] {strides = array<i32>} : memref<128x80xf32, #tpu.memory_space<vmem>>, vector<16xf32>,
        %get3A_269 = arith.index_cast %add3A_265 : i32 to index
        %get3A_270 = arith.constant 0 : index
        %get3A_271 = tpu.vector_load %arg11[%get3A_269, %get3A_270] {strides = array<i32>} : memref<128x16xf32, #tpu.memory_space<vmem>>, vector<16xf32>,
        %add3A_272 = arith.addf %get3A_268, %get3A_271 : vector<16xf32>
        %mul3A_273 = arith.constant 2.000000e-01 : f32
        %mul3A_274 = vector.broadcast %mul3A_273 : f32 to vector<16xf32>
        %mul3A_275 = arith.mulf %mul3A_274, %add3A_272 : vector<16xf32>
        %max3A_276 = arith.maximumf %add3A_272, %mul3A_275 : vector<16xf32>
        %exp3A_277 = math.exp %max3A_276 : vector<16xf32>
        %swap3A_278 = arith.index_cast %add3A_265 : i32 to index
        %swap3A_279 = arith.constant 64 : index
        %swap3A_280 = tpu.vector_load %arg13[%swap3A_278, %swap3A_279] {strides = array<i32>} : memref<128x80xf32, #tpu.memory_space<vmem>>, vector<16xf32>,
        tpu.vector_store %arg13[%swap3A_278, %swap3A_279], %exp3A_277 {strides = array<i32>} : memref<128x80xf32, #tpu.memory_space<vmem>>, vector<16xf32>,
        %iota3A_281 = tpu.iota {dimensions = array<i32: 0>} : vector<16xi32>
        %shift_right_arithmetic3A_282 = arith.constant 3 : i32
        %shift_right_arithmetic3A_283 = vector.broadcast %shift_right_arithmetic3A_282 : i32 to vector<16xi32>
        %shift_right_arithmetic3A_284 = arith.shrsi %iota3A_281, %shift_right_arithmetic3A_283 : vector<16xi32>
        %add3A_285 = arith.constant 0 : i32
        %add3A_286 = vector.broadcast %add3A_285 : i32 to vector<16xi32>
        %add3A_287 = arith.addi %shift_right_arithmetic3A_284, %add3A_286 : vector<16xi32>
        %broadcast_in_dim3A_288 = vector.shape_cast %add3A_287 : vector<16xi32> to vector<16x1xi32>
        %gather3A_289 = vector.shape_cast %broadcast_in_dim3A_288 : vector<16x1xi32> to vector<16xi32>
        %gather3A_290 = tpu.dynamic_gather %exp3A_277[%gather3A_289] in [0] : vector<16xf32>, vector<16xi32> -> vector<16xf32>
        %get3A_291 = arith.index_cast %add3A_265 : i32 to index
        %get3A_292 = arith.constant 0 : index
        %get3A_293 = tpu.vector_load %arg9[%get3A_291, %get3A_292] {strides = array<i32>} : memref<128x80xf32, #tpu.memory_space<vmem>>, vector<16xf32>,
        %mul3A_294 = arith.mulf %get3A_293, %gather3A_290 : vector<16xf32>
        %swap3A_295 = arith.index_cast %add3A_265 : i32 to index
        %swap3A_296 = arith.constant 0 : index
        %swap3A_297 = tpu.vector_load %arg13[%swap3A_295, %swap3A_296] {strides = array<i32>} : memref<128x80xf32, #tpu.memory_space<vmem>>, vector<16xf32>,
        tpu.vector_store %arg13[%swap3A_295, %swap3A_296], %mul3A_294 {strides = array<i32>} : memref<128x80xf32, #tpu.memory_space<vmem>>, vector<16xf32>,
        %iota3A_298 = tpu.iota {dimensions = array<i32: 0>} : vector<16xi32>
        %shift_right_arithmetic3A_299 = arith.constant 3 : i32
        %shift_right_arithmetic3A_300 = vector.broadcast %shift_right_arithmetic3A_299 : i32 to vector<16xi32>
        %shift_right_arithmetic3A_301 = arith.shrsi %iota3A_298, %shift_right_arithmetic3A_300 : vector<16xi32>
        %add3A_302 = arith.constant 2 : i32
        %add3A_303 = vector.broadcast %add3A_302 : i32 to vector<16xi32>
        %add3A_304 = arith.addi %shift_right_arithmetic3A_301, %add3A_303 : vector<16xi32>
        %broadcast_in_dim3A_305 = vector.shape_cast %add3A_304 : vector<16xi32> to vector<16x1xi32>
        %gather3A_306 = vector.shape_cast %broadcast_in_dim3A_305 : vector<16x1xi32> to vector<16xi32>
        %gather3A_307 = tpu.dynamic_gather %exp3A_277[%gather3A_306] in [0] : vector<16xf32>, vector<16xi32> -> vector<16xf32>
        %get3A_308 = arith.index_cast %add3A_265 : i32 to index
        %get3A_309 = arith.constant 16 : index
        %get3A_310 = tpu.vector_load %arg9[%get3A_308, %get3A_309] {strides = array<i32>} : memref<128x80xf32, #tpu.memory_space<vmem>>, vector<16xf32>,
        %mul3A_311 = arith.mulf %get3A_310, %gather3A_307 : vector<16xf32>
        %swap3A_312 = arith.index_cast %add3A_265 : i32 to index
        %swap3A_313 = arith.constant 16 : index
        %swap3A_314 = tpu.vector_load %arg13[%swap3A_312, %swap3A_313] {strides = array<i32>} : memref<128x80xf32, #tpu.memory_space<vmem>>, vector<16xf32>,
        tpu.vector_store %arg13[%swap3A_312, %swap3A_313], %mul3A_311 {strides = array<i32>} : memref<128x80xf32, #tpu.memory_space<vmem>>, vector<16xf32>,
        %iota3A_315 = tpu.iota {dimensions = array<i32: 0>} : vector<16xi32>
        %shift_right_arithmetic3A_316 = arith.constant 3 : i32
        %shift_right_arithmetic3A_317 = vector.broadcast %shift_right_arithmetic3A_316 : i32 to vector<16xi32>
        %shift_right_arithmetic3A_318 = arith.shrsi %iota3A_315, %shift_right_arithmetic3A_317 : vector<16xi32>
        %add3A_319 = arith.constant 4 : i32
        %add3A_320 = vector.broadcast %add3A_319 : i32 to vector<16xi32>
        %add3A_321 = arith.addi %shift_right_arithmetic3A_318, %add3A_320 : vector<16xi32>
        %broadcast_in_dim3A_322 = vector.shape_cast %add3A_321 : vector<16xi32> to vector<16x1xi32>
        %gather3A_323 = vector.shape_cast %broadcast_in_dim3A_322 : vector<16x1xi32> to vector<16xi32>
        %gather3A_324 = tpu.dynamic_gather %exp3A_277[%gather3A_323] in [0] : vector<16xf32>, vector<16xi32> -> vector<16xf32>
        %get3A_325 = arith.index_cast %add3A_265 : i32 to index
        %get3A_326 = arith.constant 32 : index
        %get3A_327 = tpu.vector_load %arg9[%get3A_325, %get3A_326] {strides = array<i32>} : memref<128x80xf32, #tpu.memory_space<vmem>>, vector<16xf32>,
        %mul3A_328 = arith.mulf %get3A_327, %gather3A_324 : vector<16xf32>
        %swap3A_329 = arith.index_cast %add3A_265 : i32 to index
        %swap3A_330 = arith.constant 32 : index
        %swap3A_331 = tpu.vector_load %arg13[%swap3A_329, %swap3A_330] {strides = array<i32>} : memref<128x80xf32, #tpu.memory_space<vmem>>, vector<16xf32>,
        tpu.vector_store %arg13[%swap3A_329, %swap3A_330], %mul3A_328 {strides = array<i32>} : memref<128x80xf32, #tpu.memory_space<vmem>>, vector<16xf32>,
        %iota3A_332 = tpu.iota {dimensions = array<i32: 0>} : vector<16xi32>
        %shift_right_arithmetic3A_333 = arith.constant 3 : i32
        %shift_right_arithmetic3A_334 = vector.broadcast %shift_right_arithmetic3A_333 : i32 to vector<16xi32>
        %shift_right_arithmetic3A_335 = arith.shrsi %iota3A_332, %shift_right_arithmetic3A_334 : vector<16xi32>
        %add3A_336 = arith.constant 6 : i32
        %add3A_337 = vector.broadcast %add3A_336 : i32 to vector<16xi32>
        %add3A_338 = arith.addi %shift_right_arithmetic3A_335, %add3A_337 : vector<16xi32>
        %broadcast_in_dim3A_339 = vector.shape_cast %add3A_338 : vector<16xi32> to vector<16x1xi32>
        %gather3A_340 = vector.shape_cast %broadcast_in_dim3A_339 : vector<16x1xi32> to vector<16xi32>
        %gather3A_341 = tpu.dynamic_gather %exp3A_277[%gather3A_340] in [0] : vector<16xf32>, vector<16xi32> -> vector<16xf32>
        %get3A_342 = arith.index_cast %add3A_265 : i32 to index
        %get3A_343 = arith.constant 48 : index
        %get3A_344 = tpu.vector_load %arg9[%get3A_342, %get3A_343] {strides = array<i32>} : memref<128x80xf32, #tpu.memory_space<vmem>>, vector<16xf32>,
        %mul3A_345 = arith.mulf %get3A_344, %gather3A_341 : vector<16xf32>
        %swap3A_346 = arith.index_cast %add3A_265 : i32 to index
        %swap3A_347 = arith.constant 48 : index
        %swap3A_348 = tpu.vector_load %arg13[%swap3A_346, %swap3A_347] {strides = array<i32>} : memref<128x80xf32, #tpu.memory_space<vmem>>, vector<16xf32>,
        tpu.vector_store %arg13[%swap3A_346, %swap3A_347], %mul3A_345 {strides = array<i32>} : memref<128x80xf32, #tpu.memory_space<vmem>>, vector<16xf32>,
        %mul3A_349 = arith.constant 4 : i32
        %mul3A_350 = arith.muli %scan3A_182, %mul3A_349 : i32
        %add3A_351 = arith.constant 2 : i32
        %add3A_352 = arith.addi %mul3A_350, %add3A_351 : i32
        %get3A_353 = arith.index_cast %add3A_352 : i32 to index
        %get3A_354 = arith.constant 64 : index
        %get3A_355 = tpu.vector_load %arg9[%get3A_353, %get3A_354] {strides = array<i32>} : memref<128x80xf32, #tpu.memory_space<vmem>>, vector<16xf32>,
        %get3A_356 = arith.index_cast %add3A_352 : i32 to index
        %get3A_357 = arith.constant 0 : index
        %get3A_358 = tpu.vector_load %arg11[%get3A_356, %get3A_357] {strides = array<i32>} : memref<128x16xf32, #tpu.memory_space<vmem>>, vector<16xf32>,
        %add3A_359 = arith.addf %get3A_355, %get3A_358 : vector<16xf32>
        %mul3A_360 = arith.constant 2.000000e-01 : f32
        %mul3A_361 = vector.broadcast %mul3A_360 : f32 to vector<16xf32>
        %mul3A_362 = arith.mulf %mul3A_361, %add3A_359 : vector<16xf32>
        %max3A_363 = arith.maximumf %add3A_359, %mul3A_362 : vector<16xf32>
        %exp3A_364 = math.exp %max3A_363 : vector<16xf32>
        %swap3A_365 = arith.index_cast %add3A_352 : i32 to index
        %swap3A_366 = arith.constant 64 : index
        %swap3A_367 = tpu.vector_load %arg13[%swap3A_365, %swap3A_366] {strides = array<i32>} : memref<128x80xf32, #tpu.memory_space<vmem>>, vector<16xf32>,
        tpu.vector_store %arg13[%swap3A_365, %swap3A_366], %exp3A_364 {strides = array<i32>} : memref<128x80xf32, #tpu.memory_space<vmem>>, vector<16xf32>,
        %iota3A_368 = tpu.iota {dimensions = array<i32: 0>} : vector<16xi32>
        %shift_right_arithmetic3A_369 = arith.constant 3 : i32
        %shift_right_arithmetic3A_370 = vector.broadcast %shift_right_arithmetic3A_369 : i32 to vector<16xi32>
        %shift_right_arithmetic3A_371 = arith.shrsi %iota3A_368, %shift_right_arithmetic3A_370 : vector<16xi32>
        %add3A_372 = arith.constant 0 : i32
        %add3A_373 = vector.broadcast %add3A_372 : i32 to vector<16xi32>
        %add3A_374 = arith.addi %shift_right_arithmetic3A_371, %add3A_373 : vector<16xi32>
        %broadcast_in_dim3A_375 = vector.shape_cast %add3A_374 : vector<16xi32> to vector<16x1xi32>
        %gather3A_376 = vector.shape_cast %broadcast_in_dim3A_375 : vector<16x1xi32> to vector<16xi32>
        %gather3A_377 = tpu.dynamic_gather %exp3A_364[%gather3A_376] in [0] : vector<16xf32>, vector<16xi32> -> vector<16xf32>
        %get3A_378 = arith.index_cast %add3A_352 : i32 to index
        %get3A_379 = arith.constant 0 : index
        %get3A_380 = tpu.vector_load %arg9[%get3A_378, %get3A_379] {strides = array<i32>} : memref<128x80xf32, #tpu.memory_space<vmem>>, vector<16xf32>,
        %mul3A_381 = arith.mulf %get3A_380, %gather3A_377 : vector<16xf32>
        %swap3A_382 = arith.index_cast %add3A_352 : i32 to index
        %swap3A_383 = arith.constant 0 : index
        %swap3A_384 = tpu.vector_load %arg13[%swap3A_382, %swap3A_383] {strides = array<i32>} : memref<128x80xf32, #tpu.memory_space<vmem>>, vector<16xf32>,
        tpu.vector_store %arg13[%swap3A_382, %swap3A_383], %mul3A_381 {strides = array<i32>} : memref<128x80xf32, #tpu.memory_space<vmem>>, vector<16xf32>,
        %iota3A_385 = tpu.iota {dimensions = array<i32: 0>} : vector<16xi32>
        %shift_right_arithmetic3A_386 = arith.constant 3 : i32
        %shift_right_arithmetic3A_387 = vector.broadcast %shift_right_arithmetic3A_386 : i32 to vector<16xi32>
        %shift_right_arithmetic3A_388 = arith.shrsi %iota3A_385, %shift_right_arithmetic3A_387 : vector<16xi32>
        %add3A_389 = arith.constant 2 : i32
        %add3A_390 = vector.broadcast %add3A_389 : i32 to vector<16xi32>
        %add3A_391 = arith.addi %shift_right_arithmetic3A_388, %add3A_390 : vector<16xi32>
        %broadcast_in_dim3A_392 = vector.shape_cast %add3A_391 : vector<16xi32> to vector<16x1xi32>
        %gather3A_393 = vector.shape_cast %broadcast_in_dim3A_392 : vector<16x1xi32> to vector<16xi32>
        %gather3A_394 = tpu.dynamic_gather %exp3A_364[%gather3A_393] in [0] : vector<16xf32>, vector<16xi32> -> vector<16xf32>
        %get3A_395 = arith.index_cast %add3A_352 : i32 to index
        %get3A_396 = arith.constant 16 : index
        %get3A_397 = tpu.vector_load %arg9[%get3A_395, %get3A_396] {strides = array<i32>} : memref<128x80xf32, #tpu.memory_space<vmem>>, vector<16xf32>,
        %mul3A_398 = arith.mulf %get3A_397, %gather3A_394 : vector<16xf32>
        %swap3A_399 = arith.index_cast %add3A_352 : i32 to index
        %swap3A_400 = arith.constant 16 : index
        %swap3A_401 = tpu.vector_load %arg13[%swap3A_399, %swap3A_400] {strides = array<i32>} : memref<128x80xf32, #tpu.memory_space<vmem>>, vector<16xf32>,
        tpu.vector_store %arg13[%swap3A_399, %swap3A_400], %mul3A_398 {strides = array<i32>} : memref<128x80xf32, #tpu.memory_space<vmem>>, vector<16xf32>,
        %iota3A_402 = tpu.iota {dimensions = array<i32: 0>} : vector<16xi32>
        %shift_right_arithmetic3A_403 = arith.constant 3 : i32
        %shift_right_arithmetic3A_404 = vector.broadcast %shift_right_arithmetic3A_403 : i32 to vector<16xi32>
        %shift_right_arithmetic3A_405 = arith.shrsi %iota3A_402, %shift_right_arithmetic3A_404 : vector<16xi32>
        %add3A_406 = arith.constant 4 : i32
        %add3A_407 = vector.broadcast %add3A_406 : i32 to vector<16xi32>
        %add3A_408 = arith.addi %shift_right_arithmetic3A_405, %add3A_407 : vector<16xi32>
        %broadcast_in_dim3A_409 = vector.shape_cast %add3A_408 : vector<16xi32> to vector<16x1xi32>
        %gather3A_410 = vector.shape_cast %broadcast_in_dim3A_409 : vector<16x1xi32> to vector<16xi32>
        %gather3A_411 = tpu.dynamic_gather %exp3A_364[%gather3A_410] in [0] : vector<16xf32>, vector<16xi32> -> vector<16xf32>
        %get3A_412 = arith.index_cast %add3A_352 : i32 to index
        %get3A_413 = arith.constant 32 : index
        %get3A_414 = tpu.vector_load %arg9[%get3A_412, %get3A_413] {strides = array<i32>} : memref<128x80xf32, #tpu.memory_space<vmem>>, vector<16xf32>,
        %mul3A_415 = arith.mulf %get3A_414, %gather3A_411 : vector<16xf32>
        %swap3A_416 = arith.index_cast %add3A_352 : i32 to index
        %swap3A_417 = arith.constant 32 : index
        %swap3A_418 = tpu.vector_load %arg13[%swap3A_416, %swap3A_417] {strides = array<i32>} : memref<128x80xf32, #tpu.memory_space<vmem>>, vector<16xf32>,
        tpu.vector_store %arg13[%swap3A_416, %swap3A_417], %mul3A_415 {strides = array<i32>} : memref<128x80xf32, #tpu.memory_space<vmem>>, vector<16xf32>,
        %iota3A_419 = tpu.iota {dimensions = array<i32: 0>} : vector<16xi32>
        %shift_right_arithmetic3A_420 = arith.constant 3 : i32
        %shift_right_arithmetic3A_421 = vector.broadcast %shift_right_arithmetic3A_420 : i32 to vector<16xi32>
        %shift_right_arithmetic3A_422 = arith.shrsi %iota3A_419, %shift_right_arithmetic3A_421 : vector<16xi32>
        %add3A_423 = arith.constant 6 : i32
        %add3A_424 = vector.broadcast %add3A_423 : i32 to vector<16xi32>
        %add3A_425 = arith.addi %shift_right_arithmetic3A_422, %add3A_424 : vector<16xi32>
        %broadcast_in_dim3A_426 = vector.shape_cast %add3A_425 : vector<16xi32> to vector<16x1xi32>
        %gather3A_427 = vector.shape_cast %broadcast_in_dim3A_426 : vector<16x1xi32> to vector<16xi32>
        %gather3A_428 = tpu.dynamic_gather %exp3A_364[%gather3A_427] in [0] : vector<16xf32>, vector<16xi32> -> vector<16xf32>
        %get3A_429 = arith.index_cast %add3A_352 : i32 to index
        %get3A_430 = arith.constant 48 : index
        %get3A_431 = tpu.vector_load %arg9[%get3A_429, %get3A_430] {strides = array<i32>} : memref<128x80xf32, #tpu.memory_space<vmem>>, vector<16xf32>,
        %mul3A_432 = arith.mulf %get3A_431, %gather3A_428 : vector<16xf32>
        %swap3A_433 = arith.index_cast %add3A_352 : i32 to index
        %swap3A_434 = arith.constant 48 : index
        %swap3A_435 = tpu.vector_load %arg13[%swap3A_433, %swap3A_434] {strides = array<i32>} : memref<128x80xf32, #tpu.memory_space<vmem>>, vector<16xf32>,
        tpu.vector_store %arg13[%swap3A_433, %swap3A_434], %mul3A_432 {strides = array<i32>} : memref<128x80xf32, #tpu.memory_space<vmem>>, vector<16xf32>,
        %mul3A_436 = arith.constant 4 : i32
        %mul3A_437 = arith.muli %scan3A_182, %mul3A_436 : i32
        %add3A_438 = arith.constant 3 : i32
        %add3A_439 = arith.addi %mul3A_437, %add3A_438 : i32
        %get3A_440 = arith.index_cast %add3A_439 : i32 to index
        %get3A_441 = arith.constant 64 : index
        %get3A_442 = tpu.vector_load %arg9[%get3A_440, %get3A_441] {strides = array<i32>} : memref<128x80xf32, #tpu.memory_space<vmem>>, vector<16xf32>,
        %get3A_443 = arith.index_cast %add3A_439 : i32 to index
        %get3A_444 = arith.constant 0 : index
        %get3A_445 = tpu.vector_load %arg11[%get3A_443, %get3A_444] {strides = array<i32>} : memref<128x16xf32, #tpu.memory_space<vmem>>, vector<16xf32>,
        %add3A_446 = arith.addf %get3A_442, %get3A_445 : vector<16xf32>
        %mul3A_447 = arith.constant 2.000000e-01 : f32
        %mul3A_448 = vector.broadcast %mul3A_447 : f32 to vector<16xf32>
        %mul3A_449 = arith.mulf %mul3A_448, %add3A_446 : vector<16xf32>
        %max3A_450 = arith.maximumf %add3A_446, %mul3A_449 : vector<16xf32>
        %exp3A_451 = math.exp %max3A_450 : vector<16xf32>
        %swap3A_452 = arith.index_cast %add3A_439 : i32 to index
        %swap3A_453 = arith.constant 64 : index
        %swap3A_454 = tpu.vector_load %arg13[%swap3A_452, %swap3A_453] {strides = array<i32>} : memref<128x80xf32, #tpu.memory_space<vmem>>, vector<16xf32>,
        tpu.vector_store %arg13[%swap3A_452, %swap3A_453], %exp3A_451 {strides = array<i32>} : memref<128x80xf32, #tpu.memory_space<vmem>>, vector<16xf32>,
        %iota3A_455 = tpu.iota {dimensions = array<i32: 0>} : vector<16xi32>
        %shift_right_arithmetic3A_456 = arith.constant 3 : i32
        %shift_right_arithmetic3A_457 = vector.broadcast %shift_right_arithmetic3A_456 : i32 to vector<16xi32>
        %shift_right_arithmetic3A_458 = arith.shrsi %iota3A_455, %shift_right_arithmetic3A_457 : vector<16xi32>
        %add3A_459 = arith.constant 0 : i32
        %add3A_460 = vector.broadcast %add3A_459 : i32 to vector<16xi32>
        %add3A_461 = arith.addi %shift_right_arithmetic3A_458, %add3A_460 : vector<16xi32>
        %broadcast_in_dim3A_462 = vector.shape_cast %add3A_461 : vector<16xi32> to vector<16x1xi32>
        %gather3A_463 = vector.shape_cast %broadcast_in_dim3A_462 : vector<16x1xi32> to vector<16xi32>
        %gather3A_464 = tpu.dynamic_gather %exp3A_451[%gather3A_463] in [0] : vector<16xf32>, vector<16xi32> -> vector<16xf32>
        %get3A_465 = arith.index_cast %add3A_439 : i32 to index
        %get3A_466 = arith.constant 0 : index
        %get3A_467 = tpu.vector_load %arg9[%get3A_465, %get3A_466] {strides = array<i32>} : memref<128x80xf32, #tpu.memory_space<vmem>>, vector<16xf32>,
        %mul3A_468 = arith.mulf %get3A_467, %gather3A_464 : vector<16xf32>
        %swap3A_469 = arith.index_cast %add3A_439 : i32 to index
        %swap3A_470 = arith.constant 0 : index
        %swap3A_471 = tpu.vector_load %arg13[%swap3A_469, %swap3A_470] {strides = array<i32>} : memref<128x80xf32, #tpu.memory_space<vmem>>, vector<16xf32>,
        tpu.vector_store %arg13[%swap3A_469, %swap3A_470], %mul3A_468 {strides = array<i32>} : memref<128x80xf32, #tpu.memory_space<vmem>>, vector<16xf32>,
        %iota3A_472 = tpu.iota {dimensions = array<i32: 0>} : vector<16xi32>
        %shift_right_arithmetic3A_473 = arith.constant 3 : i32
        %shift_right_arithmetic3A_474 = vector.broadcast %shift_right_arithmetic3A_473 : i32 to vector<16xi32>
        %shift_right_arithmetic3A_475 = arith.shrsi %iota3A_472, %shift_right_arithmetic3A_474 : vector<16xi32>
        %add3A_476 = arith.constant 2 : i32
        %add3A_477 = vector.broadcast %add3A_476 : i32 to vector<16xi32>
        %add3A_478 = arith.addi %shift_right_arithmetic3A_475, %add3A_477 : vector<16xi32>
        %broadcast_in_dim3A_479 = vector.shape_cast %add3A_478 : vector<16xi32> to vector<16x1xi32>
        %gather3A_480 = vector.shape_cast %broadcast_in_dim3A_479 : vector<16x1xi32> to vector<16xi32>
        %gather3A_481 = tpu.dynamic_gather %exp3A_451[%gather3A_480] in [0] : vector<16xf32>, vector<16xi32> -> vector<16xf32>
        %get3A_482 = arith.index_cast %add3A_439 : i32 to index
        %get3A_483 = arith.constant 16 : index
        %get3A_484 = tpu.vector_load %arg9[%get3A_482, %get3A_483] {strides = array<i32>} : memref<128x80xf32, #tpu.memory_space<vmem>>, vector<16xf32>,
        %mul3A_485 = arith.mulf %get3A_484, %gather3A_481 : vector<16xf32>
        %swap3A_486 = arith.index_cast %add3A_439 : i32 to index
        %swap3A_487 = arith.constant 16 : index
        %swap3A_488 = tpu.vector_load %arg13[%swap3A_486, %swap3A_487] {strides = array<i32>} : memref<128x80xf32, #tpu.memory_space<vmem>>, vector<16xf32>,
        tpu.vector_store %arg13[%swap3A_486, %swap3A_487], %mul3A_485 {strides = array<i32>} : memref<128x80xf32, #tpu.memory_space<vmem>>, vector<16xf32>,
        %iota3A_489 = tpu.iota {dimensions = array<i32: 0>} : vector<16xi32>
        %shift_right_arithmetic3A_490 = arith.constant 3 : i32
        %shift_right_arithmetic3A_491 = vector.broadcast %shift_right_arithmetic3A_490 : i32 to vector<16xi32>
        %shift_right_arithmetic3A_492 = arith.shrsi %iota3A_489, %shift_right_arithmetic3A_491 : vector<16xi32>
        %add3A_493 = arith.constant 4 : i32
        %add3A_494 = vector.broadcast %add3A_493 : i32 to vector<16xi32>
        %add3A_495 = arith.addi %shift_right_arithmetic3A_492, %add3A_494 : vector<16xi32>
        %broadcast_in_dim3A_496 = vector.shape_cast %add3A_495 : vector<16xi32> to vector<16x1xi32>
        %gather3A_497 = vector.shape_cast %broadcast_in_dim3A_496 : vector<16x1xi32> to vector<16xi32>
        %gather3A_498 = tpu.dynamic_gather %exp3A_451[%gather3A_497] in [0] : vector<16xf32>, vector<16xi32> -> vector<16xf32>
        %get3A_499 = arith.index_cast %add3A_439 : i32 to index
        %get3A_500 = arith.constant 32 : index
        %get3A_501 = tpu.vector_load %arg9[%get3A_499, %get3A_500] {strides = array<i32>} : memref<128x80xf32, #tpu.memory_space<vmem>>, vector<16xf32>,
        %mul3A_502 = arith.mulf %get3A_501, %gather3A_498 : vector<16xf32>
        %swap3A_503 = arith.index_cast %add3A_439 : i32 to index
        %swap3A_504 = arith.constant 32 : index
        %swap3A_505 = tpu.vector_load %arg13[%swap3A_503, %swap3A_504] {strides = array<i32>} : memref<128x80xf32, #tpu.memory_space<vmem>>, vector<16xf32>,
        tpu.vector_store %arg13[%swap3A_503, %swap3A_504], %mul3A_502 {strides = array<i32>} : memref<128x80xf32, #tpu.memory_space<vmem>>, vector<16xf32>,
        %iota3A_506 = tpu.iota {dimensions = array<i32: 0>} : vector<16xi32>
        %shift_right_arithmetic3A_507 = arith.constant 3 : i32
        %shift_right_arithmetic3A_508 = vector.broadcast %shift_right_arithmetic3A_507 : i32 to vector<16xi32>
        %shift_right_arithmetic3A_509 = arith.shrsi %iota3A_506, %shift_right_arithmetic3A_508 : vector<16xi32>
        %add3A_510 = arith.constant 6 : i32
        %add3A_511 = vector.broadcast %add3A_510 : i32 to vector<16xi32>
        %add3A_512 = arith.addi %shift_right_arithmetic3A_509, %add3A_511 : vector<16xi32>
        %broadcast_in_dim3A_513 = vector.shape_cast %add3A_512 : vector<16xi32> to vector<16x1xi32>
        %gather3A_514 = vector.shape_cast %broadcast_in_dim3A_513 : vector<16x1xi32> to vector<16xi32>
        %gather3A_515 = tpu.dynamic_gather %exp3A_451[%gather3A_514] in [0] : vector<16xf32>, vector<16xi32> -> vector<16xf32>
        %get3A_516 = arith.index_cast %add3A_439 : i32 to index
        %get3A_517 = arith.constant 48 : index
        %get3A_518 = tpu.vector_load %arg9[%get3A_516, %get3A_517] {strides = array<i32>} : memref<128x80xf32, #tpu.memory_space<vmem>>, vector<16xf32>,
        %mul3A_519 = arith.mulf %get3A_518, %gather3A_515 : vector<16xf32>
        %swap3A_520 = arith.index_cast %add3A_439 : i32 to index
        %swap3A_521 = arith.constant 48 : index
        %swap3A_522 = tpu.vector_load %arg13[%swap3A_520, %swap3A_521] {strides = array<i32>} : memref<128x80xf32, #tpu.memory_space<vmem>>, vector<16xf32>,
        tpu.vector_store %arg13[%swap3A_520, %swap3A_521], %mul3A_519 {strides = array<i32>} : memref<128x80xf32, #tpu.memory_space<vmem>>, vector<16xf32>,
      }
      %scan3A_131 = arith.constant 32 : i32
      %dma_start3A_132 = arith.constant 0 : i32
      %dma_start3A_133 = tpu.memref_slice %arg8[%add3A_111, %dma_start3A_132] : memref<104x128xi32, #tpu.memory_space<vmem>> -> memref<1x128xi32, #tpu.memory_space<vmem>>
      %dma_start3A_134 = tpu.memref_squeeze %dma_start3A_133 : memref<1x128xi32, #tpu.memory_space<vmem>> -> memref<128xi32, #tpu.memory_space<vmem>>
      %dma_start3A_135 = arith.constant 0 : i32
      %dma_start3A_136 = arith.constant 0 : i32
      %dma_start3A_137 = tpu.memref_slice %arg15[%dma_start3A_135, %dma_start3A_136] : memref<10240x80xf32, #tpu.memory_space<vmem_shared>> -> memref<10240x80xf32, #tpu.memory_space<vmem_shared>>
      tpu.enqueue_indirect_dma source(%arg13 : memref<128x80xf32, #tpu.memory_space<vmem>>) target(%dma_start3A_137 : memref<10240x80xf32, #tpu.memory_space<vmem_shared>>) offsets(%dma_start3A_134 : memref<128xi32, #tpu.memory_space<vmem>>) semaphore(%arg18 : memref<!tpu.dma_semaphore, #tpu.memory_space<semaphore_mem>>) {add = true}
      %add3A_138 = arith.constant 2 : i32
      %add3A_139 = arith.addi %add3A_111, %add3A_138 : i32
      %lt3A = arith.cmpi slt, %add3A_139, %add3A_1 : i32
      %convert_element_type3A_140 = arith.extui %lt3A : i1 to i32
      %cond3A_141 = arith.constant 0 : i32
      %cond3A_142 = arith.cmpi ne, %convert_element_type3A_140, %cond3A_141 : i32
      scf.if %cond3A_142 {
        %add3A_182 = arith.constant 2 : i32
        %add3A_183 = arith.addi %add3A_111, %add3A_182 : i32
        %dma_start3A_184 = arith.constant 0 : i32
        %dma_start3A_185 = tpu.memref_slice %arg7[%add3A_183, %dma_start3A_184] : memref<104x128xi32, #tpu.memory_space<vmem>> -> memref<1x128xi32, #tpu.memory_space<vmem>>
        %dma_start3A_186 = tpu.memref_squeeze %dma_start3A_185 : memref<1x128xi32, #tpu.memory_space<vmem>> -> memref<128xi32, #tpu.memory_space<vmem>>
        %dma_start3A_187 = arith.constant 0 : i32
        %dma_start3A_188 = arith.constant 0 : i32
        %dma_start3A_189 = tpu.memref_slice %arg2[%dma_start3A_187, %dma_start3A_188] : memref<10240x80xf32, #tpu.memory_space<hbm>> -> memref<10240x80xf32, #tpu.memory_space<hbm>>
        tpu.enqueue_indirect_dma source(%dma_start3A_189 : memref<10240x80xf32, #tpu.memory_space<hbm>>) target(%arg9 : memref<128x80xf32, #tpu.memory_space<vmem>>) offsets(%dma_start3A_186 : memref<128xi32, #tpu.memory_space<vmem>>) semaphore(%arg16 : memref<!tpu.dma_semaphore, #tpu.memory_space<semaphore_mem>>)
        %dma_start3A_190 = arith.constant 0 : i32
        %dma_start3A_191 = tpu.memref_slice %arg8[%add3A_183, %dma_start3A_190] : memref<104x128xi32, #tpu.memory_space<vmem>> -> memref<1x128xi32, #tpu.memory_space<vmem>>
        %dma_start3A_192 = tpu.memref_squeeze %dma_start3A_191 : memref<1x128xi32, #tpu.memory_space<vmem>> -> memref<128xi32, #tpu.memory_space<vmem>>
        %dma_start3A_193 = arith.constant 0 : i32
        %dma_start3A_194 = arith.constant 0 : i32
        %dma_start3A_195 = tpu.memref_slice %arg3[%dma_start3A_193, %dma_start3A_194] : memref<10240x16xf32, #tpu.memory_space<hbm>> -> memref<10240x16xf32, #tpu.memory_space<hbm>>
        tpu.enqueue_indirect_dma source(%dma_start3A_195 : memref<10240x16xf32, #tpu.memory_space<hbm>>) target(%arg11 : memref<128x16xf32, #tpu.memory_space<vmem>>) offsets(%dma_start3A_192 : memref<128xi32, #tpu.memory_space<vmem>>) semaphore(%arg16 : memref<!tpu.dma_semaphore, #tpu.memory_space<semaphore_mem>>)
      } else {
      }
      %mul3A_143 = arith.constant 2 : i32
      %mul3A_144 = arith.muli %while3A_107, %mul3A_143 : i32
      %add3A_145 = arith.constant 1 : i32
      %add3A_146 = arith.addi %mul3A_144, %add3A_145 : i32
      %dma_wait3A_147 = arith.constant 0 : i32
      %dma_wait3A_148 = tpu.memref_slice %arg7[%add3A_146, %dma_wait3A_147] : memref<104x128xi32, #tpu.memory_space<vmem>> -> memref<1x128xi32, #tpu.memory_space<vmem>>
      %dma_wait3A_149 = tpu.memref_squeeze %dma_wait3A_148 : memref<1x128xi32, #tpu.memory_space<vmem>> -> memref<128xi32, #tpu.memory_space<vmem>>
      %dma_wait3A_150 = arith.constant 0 : i32
      %dma_wait3A_151 = arith.constant 0 : i32
      %dma_wait3A_152 = tpu.memref_slice %arg2[%dma_wait3A_150, %dma_wait3A_151] : memref<10240x80xf32, #tpu.memory_space<hbm>> -> memref<10240x80xf32, #tpu.memory_space<hbm>>
      tpu.wait_indirect_dma semaphore(%arg17 : memref<!tpu.dma_semaphore, #tpu.memory_space<semaphore_mem>>) src(%dma_wait3A_152 : memref<10240x80xf32, #tpu.memory_space<hbm>>) dst(%arg10 : memref<128x80xf32, #tpu.memory_space<vmem>>)
      %dma_wait3A_153 = arith.constant 0 : i32
      %dma_wait3A_154 = tpu.memref_slice %arg8[%add3A_146, %dma_wait3A_153] : memref<104x128xi32, #tpu.memory_space<vmem>> -> memref<1x128xi32, #tpu.memory_space<vmem>>
      %dma_wait3A_155 = tpu.memref_squeeze %dma_wait3A_154 : memref<1x128xi32, #tpu.memory_space<vmem>> -> memref<128xi32, #tpu.memory_space<vmem>>
      %dma_wait3A_156 = arith.constant 0 : i32
      %dma_wait3A_157 = arith.constant 0 : i32
      %dma_wait3A_158 = tpu.memref_slice %arg3[%dma_wait3A_156, %dma_wait3A_157] : memref<10240x16xf32, #tpu.memory_space<hbm>> -> memref<10240x16xf32, #tpu.memory_space<hbm>>
      tpu.wait_indirect_dma semaphore(%arg17 : memref<!tpu.dma_semaphore, #tpu.memory_space<semaphore_mem>>) src(%dma_wait3A_158 : memref<10240x16xf32, #tpu.memory_space<hbm>>) dst(%arg12 : memref<128x16xf32, #tpu.memory_space<vmem>>)
      %ge3A_159 = arith.constant 1 : i32
      %ge3A_160 = arith.cmpi sge, %while3A_107, %ge3A_159 : i32
      %convert_element_type3A_161 = arith.extui %ge3A_160 : i1 to i32
      %cond3A_162 = arith.constant 0 : i32
      %cond3A_163 = arith.cmpi ne, %convert_element_type3A_161, %cond3A_162 : i32
      scf.if %cond3A_163 {
        %sub3A_182 = arith.constant 2 : i32
        %sub3A_183 = arith.subi %add3A_146, %sub3A_182 : i32
        %dma_wait3A_184 = arith.constant 0 : i32
        %dma_wait3A_185 = tpu.memref_slice %arg8[%sub3A_183, %dma_wait3A_184] : memref<104x128xi32, #tpu.memory_space<vmem>> -> memref<1x128xi32, #tpu.memory_space<vmem>>
        %dma_wait3A_186 = tpu.memref_squeeze %dma_wait3A_185 : memref<1x128xi32, #tpu.memory_space<vmem>> -> memref<128xi32, #tpu.memory_space<vmem>>
        %dma_wait3A_187 = arith.constant 0 : i32
        %dma_wait3A_188 = arith.constant 0 : i32
        %dma_wait3A_189 = tpu.memref_slice %arg15[%dma_wait3A_187, %dma_wait3A_188] : memref<10240x80xf32, #tpu.memory_space<vmem_shared>> -> memref<10240x80xf32, #tpu.memory_space<vmem_shared>>
        tpu.wait_indirect_dma semaphore(%arg19 : memref<!tpu.dma_semaphore, #tpu.memory_space<semaphore_mem>>) src(%arg14 : memref<128x80xf32, #tpu.memory_space<vmem>>) dst(%dma_wait3A_189 : memref<10240x80xf32, #tpu.memory_space<vmem_shared>>)
      } else {
      }
      %scan3A_164 = arith.constant 0 : i32
      %scan3A_165 = arith.constant 0 : i32
      %scan3A_166 = arith.constant 32 : i32
      %scan3A_167 = arith.addi %scan3A_165, %scan3A_166 : i32
      %scan3A_168 = arith.constant 1 : i32
      scf.for %scan3A_182 = %scan3A_165 to %scan3A_167 step %scan3A_168  : i32 {
        %mul3A_183 = arith.constant 4 : i32
        %mul3A_184 = arith.muli %scan3A_182, %mul3A_183 : i32
        %add3A_185 = arith.constant 0 : i32
        %add3A_186 = arith.addi %mul3A_184, %add3A_185 : i32
        %get3A = arith.index_cast %add3A_186 : i32 to index
        %get3A_187 = arith.constant 64 : index
        %get3A_188 = tpu.vector_load %arg10[%get3A, %get3A_187] {strides = array<i32>} : memref<128x80xf32, #tpu.memory_space<vmem>>, vector<16xf32>,
        %get3A_189 = arith.index_cast %add3A_186 : i32 to index
        %get3A_190 = arith.constant 0 : index
        %get3A_191 = tpu.vector_load %arg12[%get3A_189, %get3A_190] {strides = array<i32>} : memref<128x16xf32, #tpu.memory_space<vmem>>, vector<16xf32>,
        %add3A_192 = arith.addf %get3A_188, %get3A_191 : vector<16xf32>
        %mul3A_193 = arith.constant 2.000000e-01 : f32
        %mul3A_194 = vector.broadcast %mul3A_193 : f32 to vector<16xf32>
        %mul3A_195 = arith.mulf %mul3A_194, %add3A_192 : vector<16xf32>
        %max3A = arith.maximumf %add3A_192, %mul3A_195 : vector<16xf32>
        %exp3A = math.exp %max3A : vector<16xf32>
        %swap3A = arith.index_cast %add3A_186 : i32 to index
        %swap3A_196 = arith.constant 64 : index
        %swap3A_197 = tpu.vector_load %arg14[%swap3A, %swap3A_196] {strides = array<i32>} : memref<128x80xf32, #tpu.memory_space<vmem>>, vector<16xf32>,
        tpu.vector_store %arg14[%swap3A, %swap3A_196], %exp3A {strides = array<i32>} : memref<128x80xf32, #tpu.memory_space<vmem>>, vector<16xf32>,
        %iota3A = tpu.iota {dimensions = array<i32: 0>} : vector<16xi32>
        %shift_right_arithmetic3A = arith.constant 3 : i32
        %shift_right_arithmetic3A_198 = vector.broadcast %shift_right_arithmetic3A : i32 to vector<16xi32>
        %shift_right_arithmetic3A_199 = arith.shrsi %iota3A, %shift_right_arithmetic3A_198 : vector<16xi32>
        %add3A_200 = arith.constant 0 : i32
        %add3A_201 = vector.broadcast %add3A_200 : i32 to vector<16xi32>
        %add3A_202 = arith.addi %shift_right_arithmetic3A_199, %add3A_201 : vector<16xi32>
        %broadcast_in_dim3A = vector.shape_cast %add3A_202 : vector<16xi32> to vector<16x1xi32>
        %gather3A = vector.shape_cast %broadcast_in_dim3A : vector<16x1xi32> to vector<16xi32>
        %gather3A_203 = tpu.dynamic_gather %exp3A[%gather3A] in [0] : vector<16xf32>, vector<16xi32> -> vector<16xf32>
        %get3A_204 = arith.index_cast %add3A_186 : i32 to index
        %get3A_205 = arith.constant 0 : index
        %get3A_206 = tpu.vector_load %arg10[%get3A_204, %get3A_205] {strides = array<i32>} : memref<128x80xf32, #tpu.memory_space<vmem>>, vector<16xf32>,
        %mul3A_207 = arith.mulf %get3A_206, %gather3A_203 : vector<16xf32>
        %swap3A_208 = arith.index_cast %add3A_186 : i32 to index
        %swap3A_209 = arith.constant 0 : index
        %swap3A_210 = tpu.vector_load %arg14[%swap3A_208, %swap3A_209] {strides = array<i32>} : memref<128x80xf32, #tpu.memory_space<vmem>>, vector<16xf32>,
        tpu.vector_store %arg14[%swap3A_208, %swap3A_209], %mul3A_207 {strides = array<i32>} : memref<128x80xf32, #tpu.memory_space<vmem>>, vector<16xf32>,
        %iota3A_211 = tpu.iota {dimensions = array<i32: 0>} : vector<16xi32>
        %shift_right_arithmetic3A_212 = arith.constant 3 : i32
        %shift_right_arithmetic3A_213 = vector.broadcast %shift_right_arithmetic3A_212 : i32 to vector<16xi32>
        %shift_right_arithmetic3A_214 = arith.shrsi %iota3A_211, %shift_right_arithmetic3A_213 : vector<16xi32>
        %add3A_215 = arith.constant 2 : i32
        %add3A_216 = vector.broadcast %add3A_215 : i32 to vector<16xi32>
        %add3A_217 = arith.addi %shift_right_arithmetic3A_214, %add3A_216 : vector<16xi32>
        %broadcast_in_dim3A_218 = vector.shape_cast %add3A_217 : vector<16xi32> to vector<16x1xi32>
        %gather3A_219 = vector.shape_cast %broadcast_in_dim3A_218 : vector<16x1xi32> to vector<16xi32>
        %gather3A_220 = tpu.dynamic_gather %exp3A[%gather3A_219] in [0] : vector<16xf32>, vector<16xi32> -> vector<16xf32>
        %get3A_221 = arith.index_cast %add3A_186 : i32 to index
        %get3A_222 = arith.constant 16 : index
        %get3A_223 = tpu.vector_load %arg10[%get3A_221, %get3A_222] {strides = array<i32>} : memref<128x80xf32, #tpu.memory_space<vmem>>, vector<16xf32>,
        %mul3A_224 = arith.mulf %get3A_223, %gather3A_220 : vector<16xf32>
        %swap3A_225 = arith.index_cast %add3A_186 : i32 to index
        %swap3A_226 = arith.constant 16 : index
        %swap3A_227 = tpu.vector_load %arg14[%swap3A_225, %swap3A_226] {strides = array<i32>} : memref<128x80xf32, #tpu.memory_space<vmem>>, vector<16xf32>,
        tpu.vector_store %arg14[%swap3A_225, %swap3A_226], %mul3A_224 {strides = array<i32>} : memref<128x80xf32, #tpu.memory_space<vmem>>, vector<16xf32>,
        %iota3A_228 = tpu.iota {dimensions = array<i32: 0>} : vector<16xi32>
        %shift_right_arithmetic3A_229 = arith.constant 3 : i32
        %shift_right_arithmetic3A_230 = vector.broadcast %shift_right_arithmetic3A_229 : i32 to vector<16xi32>
        %shift_right_arithmetic3A_231 = arith.shrsi %iota3A_228, %shift_right_arithmetic3A_230 : vector<16xi32>
        %add3A_232 = arith.constant 4 : i32
        %add3A_233 = vector.broadcast %add3A_232 : i32 to vector<16xi32>
        %add3A_234 = arith.addi %shift_right_arithmetic3A_231, %add3A_233 : vector<16xi32>
        %broadcast_in_dim3A_235 = vector.shape_cast %add3A_234 : vector<16xi32> to vector<16x1xi32>
        %gather3A_236 = vector.shape_cast %broadcast_in_dim3A_235 : vector<16x1xi32> to vector<16xi32>
        %gather3A_237 = tpu.dynamic_gather %exp3A[%gather3A_236] in [0] : vector<16xf32>, vector<16xi32> -> vector<16xf32>
        %get3A_238 = arith.index_cast %add3A_186 : i32 to index
        %get3A_239 = arith.constant 32 : index
        %get3A_240 = tpu.vector_load %arg10[%get3A_238, %get3A_239] {strides = array<i32>} : memref<128x80xf32, #tpu.memory_space<vmem>>, vector<16xf32>,
        %mul3A_241 = arith.mulf %get3A_240, %gather3A_237 : vector<16xf32>
        %swap3A_242 = arith.index_cast %add3A_186 : i32 to index
        %swap3A_243 = arith.constant 32 : index
        %swap3A_244 = tpu.vector_load %arg14[%swap3A_242, %swap3A_243] {strides = array<i32>} : memref<128x80xf32, #tpu.memory_space<vmem>>, vector<16xf32>,
        tpu.vector_store %arg14[%swap3A_242, %swap3A_243], %mul3A_241 {strides = array<i32>} : memref<128x80xf32, #tpu.memory_space<vmem>>, vector<16xf32>,
        %iota3A_245 = tpu.iota {dimensions = array<i32: 0>} : vector<16xi32>
        %shift_right_arithmetic3A_246 = arith.constant 3 : i32
        %shift_right_arithmetic3A_247 = vector.broadcast %shift_right_arithmetic3A_246 : i32 to vector<16xi32>
        %shift_right_arithmetic3A_248 = arith.shrsi %iota3A_245, %shift_right_arithmetic3A_247 : vector<16xi32>
        %add3A_249 = arith.constant 6 : i32
        %add3A_250 = vector.broadcast %add3A_249 : i32 to vector<16xi32>
        %add3A_251 = arith.addi %shift_right_arithmetic3A_248, %add3A_250 : vector<16xi32>
        %broadcast_in_dim3A_252 = vector.shape_cast %add3A_251 : vector<16xi32> to vector<16x1xi32>
        %gather3A_253 = vector.shape_cast %broadcast_in_dim3A_252 : vector<16x1xi32> to vector<16xi32>
        %gather3A_254 = tpu.dynamic_gather %exp3A[%gather3A_253] in [0] : vector<16xf32>, vector<16xi32> -> vector<16xf32>
        %get3A_255 = arith.index_cast %add3A_186 : i32 to index
        %get3A_256 = arith.constant 48 : index
        %get3A_257 = tpu.vector_load %arg10[%get3A_255, %get3A_256] {strides = array<i32>} : memref<128x80xf32, #tpu.memory_space<vmem>>, vector<16xf32>,
        %mul3A_258 = arith.mulf %get3A_257, %gather3A_254 : vector<16xf32>
        %swap3A_259 = arith.index_cast %add3A_186 : i32 to index
        %swap3A_260 = arith.constant 48 : index
        %swap3A_261 = tpu.vector_load %arg14[%swap3A_259, %swap3A_260] {strides = array<i32>} : memref<128x80xf32, #tpu.memory_space<vmem>>, vector<16xf32>,
        tpu.vector_store %arg14[%swap3A_259, %swap3A_260], %mul3A_258 {strides = array<i32>} : memref<128x80xf32, #tpu.memory_space<vmem>>, vector<16xf32>,
        %mul3A_262 = arith.constant 4 : i32
        %mul3A_263 = arith.muli %scan3A_182, %mul3A_262 : i32
        %add3A_264 = arith.constant 1 : i32
        %add3A_265 = arith.addi %mul3A_263, %add3A_264 : i32
        %get3A_266 = arith.index_cast %add3A_265 : i32 to index
        %get3A_267 = arith.constant 64 : index
        %get3A_268 = tpu.vector_load %arg10[%get3A_266, %get3A_267] {strides = array<i32>} : memref<128x80xf32, #tpu.memory_space<vmem>>, vector<16xf32>,
        %get3A_269 = arith.index_cast %add3A_265 : i32 to index
        %get3A_270 = arith.constant 0 : index
        %get3A_271 = tpu.vector_load %arg12[%get3A_269, %get3A_270] {strides = array<i32>} : memref<128x16xf32, #tpu.memory_space<vmem>>, vector<16xf32>,
        %add3A_272 = arith.addf %get3A_268, %get3A_271 : vector<16xf32>
        %mul3A_273 = arith.constant 2.000000e-01 : f32
        %mul3A_274 = vector.broadcast %mul3A_273 : f32 to vector<16xf32>
        %mul3A_275 = arith.mulf %mul3A_274, %add3A_272 : vector<16xf32>
        %max3A_276 = arith.maximumf %add3A_272, %mul3A_275 : vector<16xf32>
        %exp3A_277 = math.exp %max3A_276 : vector<16xf32>
        %swap3A_278 = arith.index_cast %add3A_265 : i32 to index
        %swap3A_279 = arith.constant 64 : index
        %swap3A_280 = tpu.vector_load %arg14[%swap3A_278, %swap3A_279] {strides = array<i32>} : memref<128x80xf32, #tpu.memory_space<vmem>>, vector<16xf32>,
        tpu.vector_store %arg14[%swap3A_278, %swap3A_279], %exp3A_277 {strides = array<i32>} : memref<128x80xf32, #tpu.memory_space<vmem>>, vector<16xf32>,
        %iota3A_281 = tpu.iota {dimensions = array<i32: 0>} : vector<16xi32>
        %shift_right_arithmetic3A_282 = arith.constant 3 : i32
        %shift_right_arithmetic3A_283 = vector.broadcast %shift_right_arithmetic3A_282 : i32 to vector<16xi32>
        %shift_right_arithmetic3A_284 = arith.shrsi %iota3A_281, %shift_right_arithmetic3A_283 : vector<16xi32>
        %add3A_285 = arith.constant 0 : i32
        %add3A_286 = vector.broadcast %add3A_285 : i32 to vector<16xi32>
        %add3A_287 = arith.addi %shift_right_arithmetic3A_284, %add3A_286 : vector<16xi32>
        %broadcast_in_dim3A_288 = vector.shape_cast %add3A_287 : vector<16xi32> to vector<16x1xi32>
        %gather3A_289 = vector.shape_cast %broadcast_in_dim3A_288 : vector<16x1xi32> to vector<16xi32>
        %gather3A_290 = tpu.dynamic_gather %exp3A_277[%gather3A_289] in [0] : vector<16xf32>, vector<16xi32> -> vector<16xf32>
        %get3A_291 = arith.index_cast %add3A_265 : i32 to index
        %get3A_292 = arith.constant 0 : index
        %get3A_293 = tpu.vector_load %arg10[%get3A_291, %get3A_292] {strides = array<i32>} : memref<128x80xf32, #tpu.memory_space<vmem>>, vector<16xf32>,
        %mul3A_294 = arith.mulf %get3A_293, %gather3A_290 : vector<16xf32>
        %swap3A_295 = arith.index_cast %add3A_265 : i32 to index
        %swap3A_296 = arith.constant 0 : index
        %swap3A_297 = tpu.vector_load %arg14[%swap3A_295, %swap3A_296] {strides = array<i32>} : memref<128x80xf32, #tpu.memory_space<vmem>>, vector<16xf32>,
        tpu.vector_store %arg14[%swap3A_295, %swap3A_296], %mul3A_294 {strides = array<i32>} : memref<128x80xf32, #tpu.memory_space<vmem>>, vector<16xf32>,
        %iota3A_298 = tpu.iota {dimensions = array<i32: 0>} : vector<16xi32>
        %shift_right_arithmetic3A_299 = arith.constant 3 : i32
        %shift_right_arithmetic3A_300 = vector.broadcast %shift_right_arithmetic3A_299 : i32 to vector<16xi32>
        %shift_right_arithmetic3A_301 = arith.shrsi %iota3A_298, %shift_right_arithmetic3A_300 : vector<16xi32>
        %add3A_302 = arith.constant 2 : i32
        %add3A_303 = vector.broadcast %add3A_302 : i32 to vector<16xi32>
        %add3A_304 = arith.addi %shift_right_arithmetic3A_301, %add3A_303 : vector<16xi32>
        %broadcast_in_dim3A_305 = vector.shape_cast %add3A_304 : vector<16xi32> to vector<16x1xi32>
        %gather3A_306 = vector.shape_cast %broadcast_in_dim3A_305 : vector<16x1xi32> to vector<16xi32>
        %gather3A_307 = tpu.dynamic_gather %exp3A_277[%gather3A_306] in [0] : vector<16xf32>, vector<16xi32> -> vector<16xf32>
        %get3A_308 = arith.index_cast %add3A_265 : i32 to index
        %get3A_309 = arith.constant 16 : index
        %get3A_310 = tpu.vector_load %arg10[%get3A_308, %get3A_309] {strides = array<i32>} : memref<128x80xf32, #tpu.memory_space<vmem>>, vector<16xf32>,
        %mul3A_311 = arith.mulf %get3A_310, %gather3A_307 : vector<16xf32>
        %swap3A_312 = arith.index_cast %add3A_265 : i32 to index
        %swap3A_313 = arith.constant 16 : index
        %swap3A_314 = tpu.vector_load %arg14[%swap3A_312, %swap3A_313] {strides = array<i32>} : memref<128x80xf32, #tpu.memory_space<vmem>>, vector<16xf32>,
        tpu.vector_store %arg14[%swap3A_312, %swap3A_313], %mul3A_311 {strides = array<i32>} : memref<128x80xf32, #tpu.memory_space<vmem>>, vector<16xf32>,
        %iota3A_315 = tpu.iota {dimensions = array<i32: 0>} : vector<16xi32>
        %shift_right_arithmetic3A_316 = arith.constant 3 : i32
        %shift_right_arithmetic3A_317 = vector.broadcast %shift_right_arithmetic3A_316 : i32 to vector<16xi32>
        %shift_right_arithmetic3A_318 = arith.shrsi %iota3A_315, %shift_right_arithmetic3A_317 : vector<16xi32>
        %add3A_319 = arith.constant 4 : i32
        %add3A_320 = vector.broadcast %add3A_319 : i32 to vector<16xi32>
        %add3A_321 = arith.addi %shift_right_arithmetic3A_318, %add3A_320 : vector<16xi32>
        %broadcast_in_dim3A_322 = vector.shape_cast %add3A_321 : vector<16xi32> to vector<16x1xi32>
        %gather3A_323 = vector.shape_cast %broadcast_in_dim3A_322 : vector<16x1xi32> to vector<16xi32>
        %gather3A_324 = tpu.dynamic_gather %exp3A_277[%gather3A_323] in [0] : vector<16xf32>, vector<16xi32> -> vector<16xf32>
        %get3A_325 = arith.index_cast %add3A_265 : i32 to index
        %get3A_326 = arith.constant 32 : index
        %get3A_327 = tpu.vector_load %arg10[%get3A_325, %get3A_326] {strides = array<i32>} : memref<128x80xf32, #tpu.memory_space<vmem>>, vector<16xf32>,
        %mul3A_328 = arith.mulf %get3A_327, %gather3A_324 : vector<16xf32>
        %swap3A_329 = arith.index_cast %add3A_265 : i32 to index
        %swap3A_330 = arith.constant 32 : index
        %swap3A_331 = tpu.vector_load %arg14[%swap3A_329, %swap3A_330] {strides = array<i32>} : memref<128x80xf32, #tpu.memory_space<vmem>>, vector<16xf32>,
        tpu.vector_store %arg14[%swap3A_329, %swap3A_330], %mul3A_328 {strides = array<i32>} : memref<128x80xf32, #tpu.memory_space<vmem>>, vector<16xf32>,
        %iota3A_332 = tpu.iota {dimensions = array<i32: 0>} : vector<16xi32>
        %shift_right_arithmetic3A_333 = arith.constant 3 : i32
        %shift_right_arithmetic3A_334 = vector.broadcast %shift_right_arithmetic3A_333 : i32 to vector<16xi32>
        %shift_right_arithmetic3A_335 = arith.shrsi %iota3A_332, %shift_right_arithmetic3A_334 : vector<16xi32>
        %add3A_336 = arith.constant 6 : i32
        %add3A_337 = vector.broadcast %add3A_336 : i32 to vector<16xi32>
        %add3A_338 = arith.addi %shift_right_arithmetic3A_335, %add3A_337 : vector<16xi32>
        %broadcast_in_dim3A_339 = vector.shape_cast %add3A_338 : vector<16xi32> to vector<16x1xi32>
        %gather3A_340 = vector.shape_cast %broadcast_in_dim3A_339 : vector<16x1xi32> to vector<16xi32>
        %gather3A_341 = tpu.dynamic_gather %exp3A_277[%gather3A_340] in [0] : vector<16xf32>, vector<16xi32> -> vector<16xf32>
        %get3A_342 = arith.index_cast %add3A_265 : i32 to index
        %get3A_343 = arith.constant 48 : index
        %get3A_344 = tpu.vector_load %arg10[%get3A_342, %get3A_343] {strides = array<i32>} : memref<128x80xf32, #tpu.memory_space<vmem>>, vector<16xf32>,
        %mul3A_345 = arith.mulf %get3A_344, %gather3A_341 : vector<16xf32>
        %swap3A_346 = arith.index_cast %add3A_265 : i32 to index
        %swap3A_347 = arith.constant 48 : index
        %swap3A_348 = tpu.vector_load %arg14[%swap3A_346, %swap3A_347] {strides = array<i32>} : memref<128x80xf32, #tpu.memory_space<vmem>>, vector<16xf32>,
        tpu.vector_store %arg14[%swap3A_346, %swap3A_347], %mul3A_345 {strides = array<i32>} : memref<128x80xf32, #tpu.memory_space<vmem>>, vector<16xf32>,
        %mul3A_349 = arith.constant 4 : i32
        %mul3A_350 = arith.muli %scan3A_182, %mul3A_349 : i32
        %add3A_351 = arith.constant 2 : i32
        %add3A_352 = arith.addi %mul3A_350, %add3A_351 : i32
        %get3A_353 = arith.index_cast %add3A_352 : i32 to index
        %get3A_354 = arith.constant 64 : index
        %get3A_355 = tpu.vector_load %arg10[%get3A_353, %get3A_354] {strides = array<i32>} : memref<128x80xf32, #tpu.memory_space<vmem>>, vector<16xf32>,
        %get3A_356 = arith.index_cast %add3A_352 : i32 to index
        %get3A_357 = arith.constant 0 : index
        %get3A_358 = tpu.vector_load %arg12[%get3A_356, %get3A_357] {strides = array<i32>} : memref<128x16xf32, #tpu.memory_space<vmem>>, vector<16xf32>,
        %add3A_359 = arith.addf %get3A_355, %get3A_358 : vector<16xf32>
        %mul3A_360 = arith.constant 2.000000e-01 : f32
        %mul3A_361 = vector.broadcast %mul3A_360 : f32 to vector<16xf32>
        %mul3A_362 = arith.mulf %mul3A_361, %add3A_359 : vector<16xf32>
        %max3A_363 = arith.maximumf %add3A_359, %mul3A_362 : vector<16xf32>
        %exp3A_364 = math.exp %max3A_363 : vector<16xf32>
        %swap3A_365 = arith.index_cast %add3A_352 : i32 to index
        %swap3A_366 = arith.constant 64 : index
        %swap3A_367 = tpu.vector_load %arg14[%swap3A_365, %swap3A_366] {strides = array<i32>} : memref<128x80xf32, #tpu.memory_space<vmem>>, vector<16xf32>,
        tpu.vector_store %arg14[%swap3A_365, %swap3A_366], %exp3A_364 {strides = array<i32>} : memref<128x80xf32, #tpu.memory_space<vmem>>, vector<16xf32>,
        %iota3A_368 = tpu.iota {dimensions = array<i32: 0>} : vector<16xi32>
        %shift_right_arithmetic3A_369 = arith.constant 3 : i32
        %shift_right_arithmetic3A_370 = vector.broadcast %shift_right_arithmetic3A_369 : i32 to vector<16xi32>
        %shift_right_arithmetic3A_371 = arith.shrsi %iota3A_368, %shift_right_arithmetic3A_370 : vector<16xi32>
        %add3A_372 = arith.constant 0 : i32
        %add3A_373 = vector.broadcast %add3A_372 : i32 to vector<16xi32>
        %add3A_374 = arith.addi %shift_right_arithmetic3A_371, %add3A_373 : vector<16xi32>
        %broadcast_in_dim3A_375 = vector.shape_cast %add3A_374 : vector<16xi32> to vector<16x1xi32>
        %gather3A_376 = vector.shape_cast %broadcast_in_dim3A_375 : vector<16x1xi32> to vector<16xi32>
        %gather3A_377 = tpu.dynamic_gather %exp3A_364[%gather3A_376] in [0] : vector<16xf32>, vector<16xi32> -> vector<16xf32>
        %get3A_378 = arith.index_cast %add3A_352 : i32 to index
        %get3A_379 = arith.constant 0 : index
        %get3A_380 = tpu.vector_load %arg10[%get3A_378, %get3A_379] {strides = array<i32>} : memref<128x80xf32, #tpu.memory_space<vmem>>, vector<16xf32>,
        %mul3A_381 = arith.mulf %get3A_380, %gather3A_377 : vector<16xf32>
        %swap3A_382 = arith.index_cast %add3A_352 : i32 to index
        %swap3A_383 = arith.constant 0 : index
        %swap3A_384 = tpu.vector_load %arg14[%swap3A_382, %swap3A_383] {strides = array<i32>} : memref<128x80xf32, #tpu.memory_space<vmem>>, vector<16xf32>,
        tpu.vector_store %arg14[%swap3A_382, %swap3A_383], %mul3A_381 {strides = array<i32>} : memref<128x80xf32, #tpu.memory_space<vmem>>, vector<16xf32>,
        %iota3A_385 = tpu.iota {dimensions = array<i32: 0>} : vector<16xi32>
        %shift_right_arithmetic3A_386 = arith.constant 3 : i32
        %shift_right_arithmetic3A_387 = vector.broadcast %shift_right_arithmetic3A_386 : i32 to vector<16xi32>
        %shift_right_arithmetic3A_388 = arith.shrsi %iota3A_385, %shift_right_arithmetic3A_387 : vector<16xi32>
        %add3A_389 = arith.constant 2 : i32
        %add3A_390 = vector.broadcast %add3A_389 : i32 to vector<16xi32>
        %add3A_391 = arith.addi %shift_right_arithmetic3A_388, %add3A_390 : vector<16xi32>
        %broadcast_in_dim3A_392 = vector.shape_cast %add3A_391 : vector<16xi32> to vector<16x1xi32>
        %gather3A_393 = vector.shape_cast %broadcast_in_dim3A_392 : vector<16x1xi32> to vector<16xi32>
        %gather3A_394 = tpu.dynamic_gather %exp3A_364[%gather3A_393] in [0] : vector<16xf32>, vector<16xi32> -> vector<16xf32>
        %get3A_395 = arith.index_cast %add3A_352 : i32 to index
        %get3A_396 = arith.constant 16 : index
        %get3A_397 = tpu.vector_load %arg10[%get3A_395, %get3A_396] {strides = array<i32>} : memref<128x80xf32, #tpu.memory_space<vmem>>, vector<16xf32>,
        %mul3A_398 = arith.mulf %get3A_397, %gather3A_394 : vector<16xf32>
        %swap3A_399 = arith.index_cast %add3A_352 : i32 to index
        %swap3A_400 = arith.constant 16 : index
        %swap3A_401 = tpu.vector_load %arg14[%swap3A_399, %swap3A_400] {strides = array<i32>} : memref<128x80xf32, #tpu.memory_space<vmem>>, vector<16xf32>,
        tpu.vector_store %arg14[%swap3A_399, %swap3A_400], %mul3A_398 {strides = array<i32>} : memref<128x80xf32, #tpu.memory_space<vmem>>, vector<16xf32>,
        %iota3A_402 = tpu.iota {dimensions = array<i32: 0>} : vector<16xi32>
        %shift_right_arithmetic3A_403 = arith.constant 3 : i32
        %shift_right_arithmetic3A_404 = vector.broadcast %shift_right_arithmetic3A_403 : i32 to vector<16xi32>
        %shift_right_arithmetic3A_405 = arith.shrsi %iota3A_402, %shift_right_arithmetic3A_404 : vector<16xi32>
        %add3A_406 = arith.constant 4 : i32
        %add3A_407 = vector.broadcast %add3A_406 : i32 to vector<16xi32>
        %add3A_408 = arith.addi %shift_right_arithmetic3A_405, %add3A_407 : vector<16xi32>
        %broadcast_in_dim3A_409 = vector.shape_cast %add3A_408 : vector<16xi32> to vector<16x1xi32>
        %gather3A_410 = vector.shape_cast %broadcast_in_dim3A_409 : vector<16x1xi32> to vector<16xi32>
        %gather3A_411 = tpu.dynamic_gather %exp3A_364[%gather3A_410] in [0] : vector<16xf32>, vector<16xi32> -> vector<16xf32>
        %get3A_412 = arith.index_cast %add3A_352 : i32 to index
        %get3A_413 = arith.constant 32 : index
        %get3A_414 = tpu.vector_load %arg10[%get3A_412, %get3A_413] {strides = array<i32>} : memref<128x80xf32, #tpu.memory_space<vmem>>, vector<16xf32>,
        %mul3A_415 = arith.mulf %get3A_414, %gather3A_411 : vector<16xf32>
        %swap3A_416 = arith.index_cast %add3A_352 : i32 to index
        %swap3A_417 = arith.constant 32 : index
        %swap3A_418 = tpu.vector_load %arg14[%swap3A_416, %swap3A_417] {strides = array<i32>} : memref<128x80xf32, #tpu.memory_space<vmem>>, vector<16xf32>,
        tpu.vector_store %arg14[%swap3A_416, %swap3A_417], %mul3A_415 {strides = array<i32>} : memref<128x80xf32, #tpu.memory_space<vmem>>, vector<16xf32>,
        %iota3A_419 = tpu.iota {dimensions = array<i32: 0>} : vector<16xi32>
        %shift_right_arithmetic3A_420 = arith.constant 3 : i32
        %shift_right_arithmetic3A_421 = vector.broadcast %shift_right_arithmetic3A_420 : i32 to vector<16xi32>
        %shift_right_arithmetic3A_422 = arith.shrsi %iota3A_419, %shift_right_arithmetic3A_421 : vector<16xi32>
        %add3A_423 = arith.constant 6 : i32
        %add3A_424 = vector.broadcast %add3A_423 : i32 to vector<16xi32>
        %add3A_425 = arith.addi %shift_right_arithmetic3A_422, %add3A_424 : vector<16xi32>
        %broadcast_in_dim3A_426 = vector.shape_cast %add3A_425 : vector<16xi32> to vector<16x1xi32>
        %gather3A_427 = vector.shape_cast %broadcast_in_dim3A_426 : vector<16x1xi32> to vector<16xi32>
        %gather3A_428 = tpu.dynamic_gather %exp3A_364[%gather3A_427] in [0] : vector<16xf32>, vector<16xi32> -> vector<16xf32>
        %get3A_429 = arith.index_cast %add3A_352 : i32 to index
        %get3A_430 = arith.constant 48 : index
        %get3A_431 = tpu.vector_load %arg10[%get3A_429, %get3A_430] {strides = array<i32>} : memref<128x80xf32, #tpu.memory_space<vmem>>, vector<16xf32>,
        %mul3A_432 = arith.mulf %get3A_431, %gather3A_428 : vector<16xf32>
        %swap3A_433 = arith.index_cast %add3A_352 : i32 to index
        %swap3A_434 = arith.constant 48 : index
        %swap3A_435 = tpu.vector_load %arg14[%swap3A_433, %swap3A_434] {strides = array<i32>} : memref<128x80xf32, #tpu.memory_space<vmem>>, vector<16xf32>,
        tpu.vector_store %arg14[%swap3A_433, %swap3A_434], %mul3A_432 {strides = array<i32>} : memref<128x80xf32, #tpu.memory_space<vmem>>, vector<16xf32>,
        %mul3A_436 = arith.constant 4 : i32
        %mul3A_437 = arith.muli %scan3A_182, %mul3A_436 : i32
        %add3A_438 = arith.constant 3 : i32
        %add3A_439 = arith.addi %mul3A_437, %add3A_438 : i32
        %get3A_440 = arith.index_cast %add3A_439 : i32 to index
        %get3A_441 = arith.constant 64 : index
        %get3A_442 = tpu.vector_load %arg10[%get3A_440, %get3A_441] {strides = array<i32>} : memref<128x80xf32, #tpu.memory_space<vmem>>, vector<16xf32>,
        %get3A_443 = arith.index_cast %add3A_439 : i32 to index
        %get3A_444 = arith.constant 0 : index
        %get3A_445 = tpu.vector_load %arg12[%get3A_443, %get3A_444] {strides = array<i32>} : memref<128x16xf32, #tpu.memory_space<vmem>>, vector<16xf32>,
        %add3A_446 = arith.addf %get3A_442, %get3A_445 : vector<16xf32>
        %mul3A_447 = arith.constant 2.000000e-01 : f32
        %mul3A_448 = vector.broadcast %mul3A_447 : f32 to vector<16xf32>
        %mul3A_449 = arith.mulf %mul3A_448, %add3A_446 : vector<16xf32>
        %max3A_450 = arith.maximumf %add3A_446, %mul3A_449 : vector<16xf32>
        %exp3A_451 = math.exp %max3A_450 : vector<16xf32>
        %swap3A_452 = arith.index_cast %add3A_439 : i32 to index
        %swap3A_453 = arith.constant 64 : index
        %swap3A_454 = tpu.vector_load %arg14[%swap3A_452, %swap3A_453] {strides = array<i32>} : memref<128x80xf32, #tpu.memory_space<vmem>>, vector<16xf32>,
        tpu.vector_store %arg14[%swap3A_452, %swap3A_453], %exp3A_451 {strides = array<i32>} : memref<128x80xf32, #tpu.memory_space<vmem>>, vector<16xf32>,
        %iota3A_455 = tpu.iota {dimensions = array<i32: 0>} : vector<16xi32>
        %shift_right_arithmetic3A_456 = arith.constant 3 : i32
        %shift_right_arithmetic3A_457 = vector.broadcast %shift_right_arithmetic3A_456 : i32 to vector<16xi32>
        %shift_right_arithmetic3A_458 = arith.shrsi %iota3A_455, %shift_right_arithmetic3A_457 : vector<16xi32>
        %add3A_459 = arith.constant 0 : i32
        %add3A_460 = vector.broadcast %add3A_459 : i32 to vector<16xi32>
        %add3A_461 = arith.addi %shift_right_arithmetic3A_458, %add3A_460 : vector<16xi32>
        %broadcast_in_dim3A_462 = vector.shape_cast %add3A_461 : vector<16xi32> to vector<16x1xi32>
        %gather3A_463 = vector.shape_cast %broadcast_in_dim3A_462 : vector<16x1xi32> to vector<16xi32>
        %gather3A_464 = tpu.dynamic_gather %exp3A_451[%gather3A_463] in [0] : vector<16xf32>, vector<16xi32> -> vector<16xf32>
        %get3A_465 = arith.index_cast %add3A_439 : i32 to index
        %get3A_466 = arith.constant 0 : index
        %get3A_467 = tpu.vector_load %arg10[%get3A_465, %get3A_466] {strides = array<i32>} : memref<128x80xf32, #tpu.memory_space<vmem>>, vector<16xf32>,
        %mul3A_468 = arith.mulf %get3A_467, %gather3A_464 : vector<16xf32>
        %swap3A_469 = arith.index_cast %add3A_439 : i32 to index
        %swap3A_470 = arith.constant 0 : index
        %swap3A_471 = tpu.vector_load %arg14[%swap3A_469, %swap3A_470] {strides = array<i32>} : memref<128x80xf32, #tpu.memory_space<vmem>>, vector<16xf32>,
        tpu.vector_store %arg14[%swap3A_469, %swap3A_470], %mul3A_468 {strides = array<i32>} : memref<128x80xf32, #tpu.memory_space<vmem>>, vector<16xf32>,
        %iota3A_472 = tpu.iota {dimensions = array<i32: 0>} : vector<16xi32>
        %shift_right_arithmetic3A_473 = arith.constant 3 : i32
        %shift_right_arithmetic3A_474 = vector.broadcast %shift_right_arithmetic3A_473 : i32 to vector<16xi32>
        %shift_right_arithmetic3A_475 = arith.shrsi %iota3A_472, %shift_right_arithmetic3A_474 : vector<16xi32>
        %add3A_476 = arith.constant 2 : i32
        %add3A_477 = vector.broadcast %add3A_476 : i32 to vector<16xi32>
        %add3A_478 = arith.addi %shift_right_arithmetic3A_475, %add3A_477 : vector<16xi32>
        %broadcast_in_dim3A_479 = vector.shape_cast %add3A_478 : vector<16xi32> to vector<16x1xi32>
        %gather3A_480 = vector.shape_cast %broadcast_in_dim3A_479 : vector<16x1xi32> to vector<16xi32>
        %gather3A_481 = tpu.dynamic_gather %exp3A_451[%gather3A_480] in [0] : vector<16xf32>, vector<16xi32> -> vector<16xf32>
        %get3A_482 = arith.index_cast %add3A_439 : i32 to index
        %get3A_483 = arith.constant 16 : index
        %get3A_484 = tpu.vector_load %arg10[%get3A_482, %get3A_483] {strides = array<i32>} : memref<128x80xf32, #tpu.memory_space<vmem>>, vector<16xf32>,
        %mul3A_485 = arith.mulf %get3A_484, %gather3A_481 : vector<16xf32>
        %swap3A_486 = arith.index_cast %add3A_439 : i32 to index
        %swap3A_487 = arith.constant 16 : index
        %swap3A_488 = tpu.vector_load %arg14[%swap3A_486, %swap3A_487] {strides = array<i32>} : memref<128x80xf32, #tpu.memory_space<vmem>>, vector<16xf32>,
        tpu.vector_store %arg14[%swap3A_486, %swap3A_487], %mul3A_485 {strides = array<i32>} : memref<128x80xf32, #tpu.memory_space<vmem>>, vector<16xf32>,
        %iota3A_489 = tpu.iota {dimensions = array<i32: 0>} : vector<16xi32>
        %shift_right_arithmetic3A_490 = arith.constant 3 : i32
        %shift_right_arithmetic3A_491 = vector.broadcast %shift_right_arithmetic3A_490 : i32 to vector<16xi32>
        %shift_right_arithmetic3A_492 = arith.shrsi %iota3A_489, %shift_right_arithmetic3A_491 : vector<16xi32>
        %add3A_493 = arith.constant 4 : i32
        %add3A_494 = vector.broadcast %add3A_493 : i32 to vector<16xi32>
        %add3A_495 = arith.addi %shift_right_arithmetic3A_492, %add3A_494 : vector<16xi32>
        %broadcast_in_dim3A_496 = vector.shape_cast %add3A_495 : vector<16xi32> to vector<16x1xi32>
        %gather3A_497 = vector.shape_cast %broadcast_in_dim3A_496 : vector<16x1xi32> to vector<16xi32>
        %gather3A_498 = tpu.dynamic_gather %exp3A_451[%gather3A_497] in [0] : vector<16xf32>, vector<16xi32> -> vector<16xf32>
        %get3A_499 = arith.index_cast %add3A_439 : i32 to index
        %get3A_500 = arith.constant 32 : index
        %get3A_501 = tpu.vector_load %arg10[%get3A_499, %get3A_500] {strides = array<i32>} : memref<128x80xf32, #tpu.memory_space<vmem>>, vector<16xf32>,
        %mul3A_502 = arith.mulf %get3A_501, %gather3A_498 : vector<16xf32>
        %swap3A_503 = arith.index_cast %add3A_439 : i32 to index
        %swap3A_504 = arith.constant 32 : index
        %swap3A_505 = tpu.vector_load %arg14[%swap3A_503, %swap3A_504] {strides = array<i32>} : memref<128x80xf32, #tpu.memory_space<vmem>>, vector<16xf32>,
        tpu.vector_store %arg14[%swap3A_503, %swap3A_504], %mul3A_502 {strides = array<i32>} : memref<128x80xf32, #tpu.memory_space<vmem>>, vector<16xf32>,
        %iota3A_506 = tpu.iota {dimensions = array<i32: 0>} : vector<16xi32>
        %shift_right_arithmetic3A_507 = arith.constant 3 : i32
        %shift_right_arithmetic3A_508 = vector.broadcast %shift_right_arithmetic3A_507 : i32 to vector<16xi32>
        %shift_right_arithmetic3A_509 = arith.shrsi %iota3A_506, %shift_right_arithmetic3A_508 : vector<16xi32>
        %add3A_510 = arith.constant 6 : i32
        %add3A_511 = vector.broadcast %add3A_510 : i32 to vector<16xi32>
        %add3A_512 = arith.addi %shift_right_arithmetic3A_509, %add3A_511 : vector<16xi32>
        %broadcast_in_dim3A_513 = vector.shape_cast %add3A_512 : vector<16xi32> to vector<16x1xi32>
        %gather3A_514 = vector.shape_cast %broadcast_in_dim3A_513 : vector<16x1xi32> to vector<16xi32>
        %gather3A_515 = tpu.dynamic_gather %exp3A_451[%gather3A_514] in [0] : vector<16xf32>, vector<16xi32> -> vector<16xf32>
        %get3A_516 = arith.index_cast %add3A_439 : i32 to index
        %get3A_517 = arith.constant 48 : index
        %get3A_518 = tpu.vector_load %arg10[%get3A_516, %get3A_517] {strides = array<i32>} : memref<128x80xf32, #tpu.memory_space<vmem>>, vector<16xf32>,
        %mul3A_519 = arith.mulf %get3A_518, %gather3A_515 : vector<16xf32>
        %swap3A_520 = arith.index_cast %add3A_439 : i32 to index
        %swap3A_521 = arith.constant 48 : index
        %swap3A_522 = tpu.vector_load %arg14[%swap3A_520, %swap3A_521] {strides = array<i32>} : memref<128x80xf32, #tpu.memory_space<vmem>>, vector<16xf32>,
        tpu.vector_store %arg14[%swap3A_520, %swap3A_521], %mul3A_519 {strides = array<i32>} : memref<128x80xf32, #tpu.memory_space<vmem>>, vector<16xf32>,
      }
      %scan3A_169 = arith.constant 32 : i32
      %dma_start3A_170 = arith.constant 0 : i32
      %dma_start3A_171 = tpu.memref_slice %arg8[%add3A_146, %dma_start3A_170] : memref<104x128xi32, #tpu.memory_space<vmem>> -> memref<1x128xi32, #tpu.memory_space<vmem>>
      %dma_start3A_172 = tpu.memref_squeeze %dma_start3A_171 : memref<1x128xi32, #tpu.memory_space<vmem>> -> memref<128xi32, #tpu.memory_space<vmem>>
      %dma_start3A_173 = arith.constant 0 : i32
      %dma_start3A_174 = arith.constant 0 : i32
      %dma_start3A_175 = tpu.memref_slice %arg15[%dma_start3A_173, %dma_start3A_174] : memref<10240x80xf32, #tpu.memory_space<vmem_shared>> -> memref<10240x80xf32, #tpu.memory_space<vmem_shared>>
      tpu.enqueue_indirect_dma source(%arg14 : memref<128x80xf32, #tpu.memory_space<vmem>>) target(%dma_start3A_175 : memref<10240x80xf32, #tpu.memory_space<vmem_shared>>) offsets(%dma_start3A_172 : memref<128xi32, #tpu.memory_space<vmem>>) semaphore(%arg19 : memref<!tpu.dma_semaphore, #tpu.memory_space<semaphore_mem>>) {add = true}
      %add3A_176 = arith.constant 2 : i32
      %add3A_177 = arith.addi %add3A_146, %add3A_176 : i32
      %lt3A_178 = arith.cmpi slt, %add3A_177, %add3A_1 : i32
      %convert_element_type3A_179 = arith.extui %lt3A_178 : i1 to i32
      %cond3A_180 = arith.constant 0 : i32
      %cond3A_181 = arith.cmpi ne, %convert_element_type3A_179, %cond3A_180 : i32
      scf.if %cond3A_181 {
        %add3A_182 = arith.constant 2 : i32
        %add3A_183 = arith.addi %add3A_146, %add3A_182 : i32
        %dma_start3A_184 = arith.constant 0 : i32
        %dma_start3A_185 = tpu.memref_slice %arg7[%add3A_183, %dma_start3A_184] : memref<104x128xi32, #tpu.memory_space<vmem>> -> memref<1x128xi32, #tpu.memory_space<vmem>>
        %dma_start3A_186 = tpu.memref_squeeze %dma_start3A_185 : memref<1x128xi32, #tpu.memory_space<vmem>> -> memref<128xi32, #tpu.memory_space<vmem>>
        %dma_start3A_187 = arith.constant 0 : i32
        %dma_start3A_188 = arith.constant 0 : i32
        %dma_start3A_189 = tpu.memref_slice %arg2[%dma_start3A_187, %dma_start3A_188] : memref<10240x80xf32, #tpu.memory_space<hbm>> -> memref<10240x80xf32, #tpu.memory_space<hbm>>
        tpu.enqueue_indirect_dma source(%dma_start3A_189 : memref<10240x80xf32, #tpu.memory_space<hbm>>) target(%arg10 : memref<128x80xf32, #tpu.memory_space<vmem>>) offsets(%dma_start3A_186 : memref<128xi32, #tpu.memory_space<vmem>>) semaphore(%arg17 : memref<!tpu.dma_semaphore, #tpu.memory_space<semaphore_mem>>)
        %dma_start3A_190 = arith.constant 0 : i32
        %dma_start3A_191 = tpu.memref_slice %arg8[%add3A_183, %dma_start3A_190] : memref<104x128xi32, #tpu.memory_space<vmem>> -> memref<1x128xi32, #tpu.memory_space<vmem>>
        %dma_start3A_192 = tpu.memref_squeeze %dma_start3A_191 : memref<1x128xi32, #tpu.memory_space<vmem>> -> memref<128xi32, #tpu.memory_space<vmem>>
        %dma_start3A_193 = arith.constant 0 : i32
        %dma_start3A_194 = arith.constant 0 : i32
        %dma_start3A_195 = tpu.memref_slice %arg3[%dma_start3A_193, %dma_start3A_194] : memref<10240x16xf32, #tpu.memory_space<hbm>> -> memref<10240x16xf32, #tpu.memory_space<hbm>>
        tpu.enqueue_indirect_dma source(%dma_start3A_195 : memref<10240x16xf32, #tpu.memory_space<hbm>>) target(%arg12 : memref<128x16xf32, #tpu.memory_space<vmem>>) offsets(%dma_start3A_192 : memref<128xi32, #tpu.memory_space<vmem>>) semaphore(%arg17 : memref<!tpu.dma_semaphore, #tpu.memory_space<semaphore_mem>>)
      } else {
      }
    }
    %while3A_82 = arith.constant 1 : i32
    scf.for %while3A_107 = %while3A_80 to %while3A_76 step %while3A_82  : i32 {
      %mul3A_108 = arith.constant 2 : i32
      %mul3A_109 = arith.muli %while3A_107, %mul3A_108 : i32
      %add3A_110 = arith.constant 0 : i32
      %add3A_111 = arith.addi %mul3A_109, %add3A_110 : i32
      %dma_wait3A_112 = arith.constant 0 : i32
      %dma_wait3A_113 = tpu.memref_slice %arg7[%add3A_111, %dma_wait3A_112] : memref<104x128xi32, #tpu.memory_space<vmem>> -> memref<1x128xi32, #tpu.memory_space<vmem>>
      %dma_wait3A_114 = tpu.memref_squeeze %dma_wait3A_113 : memref<1x128xi32, #tpu.memory_space<vmem>> -> memref<128xi32, #tpu.memory_space<vmem>>
      %dma_wait3A_115 = arith.constant 0 : i32
      %dma_wait3A_116 = arith.constant 0 : i32
      %dma_wait3A_117 = tpu.memref_slice %arg2[%dma_wait3A_115, %dma_wait3A_116] : memref<10240x80xf32, #tpu.memory_space<hbm>> -> memref<10240x80xf32, #tpu.memory_space<hbm>>
      tpu.wait_indirect_dma semaphore(%arg16 : memref<!tpu.dma_semaphore, #tpu.memory_space<semaphore_mem>>) src(%dma_wait3A_117 : memref<10240x80xf32, #tpu.memory_space<hbm>>) dst(%arg9 : memref<128x80xf32, #tpu.memory_space<vmem>>)
      %dma_wait3A_118 = arith.constant 0 : i32
      %dma_wait3A_119 = tpu.memref_slice %arg8[%add3A_111, %dma_wait3A_118] : memref<104x128xi32, #tpu.memory_space<vmem>> -> memref<1x128xi32, #tpu.memory_space<vmem>>
      %dma_wait3A_120 = tpu.memref_squeeze %dma_wait3A_119 : memref<1x128xi32, #tpu.memory_space<vmem>> -> memref<128xi32, #tpu.memory_space<vmem>>
      %dma_wait3A_121 = arith.constant 0 : i32
      %dma_wait3A_122 = arith.constant 0 : i32
      %dma_wait3A_123 = tpu.memref_slice %arg3[%dma_wait3A_121, %dma_wait3A_122] : memref<10240x16xf32, #tpu.memory_space<hbm>> -> memref<10240x16xf32, #tpu.memory_space<hbm>>
      tpu.wait_indirect_dma semaphore(%arg16 : memref<!tpu.dma_semaphore, #tpu.memory_space<semaphore_mem>>) src(%dma_wait3A_123 : memref<10240x16xf32, #tpu.memory_space<hbm>>) dst(%arg11 : memref<128x16xf32, #tpu.memory_space<vmem>>)
      %ge3A = arith.constant 1 : i32
      %ge3A_124 = arith.cmpi sge, %while3A_107, %ge3A : i32
      %convert_element_type3A = arith.extui %ge3A_124 : i1 to i32
      %cond3A = arith.constant 0 : i32
      %cond3A_125 = arith.cmpi ne, %convert_element_type3A, %cond3A : i32
      scf.if %cond3A_125 {
        %sub3A_182 = arith.constant 2 : i32
        %sub3A_183 = arith.subi %add3A_111, %sub3A_182 : i32
        %dma_wait3A_184 = arith.constant 0 : i32
        %dma_wait3A_185 = tpu.memref_slice %arg8[%sub3A_183, %dma_wait3A_184] : memref<104x128xi32, #tpu.memory_space<vmem>> -> memref<1x128xi32, #tpu.memory_space<vmem>>
        %dma_wait3A_186 = tpu.memref_squeeze %dma_wait3A_185 : memref<1x128xi32, #tpu.memory_space<vmem>> -> memref<128xi32, #tpu.memory_space<vmem>>
        %dma_wait3A_187 = arith.constant 0 : i32
        %dma_wait3A_188 = arith.constant 0 : i32
        %dma_wait3A_189 = tpu.memref_slice %arg15[%dma_wait3A_187, %dma_wait3A_188] : memref<10240x80xf32, #tpu.memory_space<vmem_shared>> -> memref<10240x80xf32, #tpu.memory_space<vmem_shared>>
        tpu.wait_indirect_dma semaphore(%arg18 : memref<!tpu.dma_semaphore, #tpu.memory_space<semaphore_mem>>) src(%arg13 : memref<128x80xf32, #tpu.memory_space<vmem>>) dst(%dma_wait3A_189 : memref<10240x80xf32, #tpu.memory_space<vmem_shared>>)
      } else {
      }
      %scan3A_126 = arith.constant 0 : i32
      %scan3A_127 = arith.constant 0 : i32
      %scan3A_128 = arith.constant 32 : i32
      %scan3A_129 = arith.addi %scan3A_127, %scan3A_128 : i32
      %scan3A_130 = arith.constant 1 : i32
      scf.for %scan3A_182 = %scan3A_127 to %scan3A_129 step %scan3A_130  : i32 {
        %mul3A_183 = arith.constant 4 : i32
        %mul3A_184 = arith.muli %scan3A_182, %mul3A_183 : i32
        %add3A_185 = arith.constant 0 : i32
        %add3A_186 = arith.addi %mul3A_184, %add3A_185 : i32
        %get3A = arith.index_cast %add3A_186 : i32 to index
        %get3A_187 = arith.constant 64 : index
        %get3A_188 = tpu.vector_load %arg9[%get3A, %get3A_187] {strides = array<i32>} : memref<128x80xf32, #tpu.memory_space<vmem>>, vector<16xf32>,
        %get3A_189 = arith.index_cast %add3A_186 : i32 to index
        %get3A_190 = arith.constant 0 : index
        %get3A_191 = tpu.vector_load %arg11[%get3A_189, %get3A_190] {strides = array<i32>} : memref<128x16xf32, #tpu.memory_space<vmem>>, vector<16xf32>,
        %add3A_192 = arith.addf %get3A_188, %get3A_191 : vector<16xf32>
        %mul3A_193 = arith.constant 2.000000e-01 : f32
        %mul3A_194 = vector.broadcast %mul3A_193 : f32 to vector<16xf32>
        %mul3A_195 = arith.mulf %mul3A_194, %add3A_192 : vector<16xf32>
        %max3A = arith.maximumf %add3A_192, %mul3A_195 : vector<16xf32>
        %exp3A = math.exp %max3A : vector<16xf32>
        %swap3A = arith.index_cast %add3A_186 : i32 to index
        %swap3A_196 = arith.constant 64 : index
        %swap3A_197 = tpu.vector_load %arg13[%swap3A, %swap3A_196] {strides = array<i32>} : memref<128x80xf32, #tpu.memory_space<vmem>>, vector<16xf32>,
        tpu.vector_store %arg13[%swap3A, %swap3A_196], %exp3A {strides = array<i32>} : memref<128x80xf32, #tpu.memory_space<vmem>>, vector<16xf32>,
        %iota3A = tpu.iota {dimensions = array<i32: 0>} : vector<16xi32>
        %shift_right_arithmetic3A = arith.constant 3 : i32
        %shift_right_arithmetic3A_198 = vector.broadcast %shift_right_arithmetic3A : i32 to vector<16xi32>
        %shift_right_arithmetic3A_199 = arith.shrsi %iota3A, %shift_right_arithmetic3A_198 : vector<16xi32>
        %add3A_200 = arith.constant 0 : i32
        %add3A_201 = vector.broadcast %add3A_200 : i32 to vector<16xi32>
        %add3A_202 = arith.addi %shift_right_arithmetic3A_199, %add3A_201 : vector<16xi32>
        %broadcast_in_dim3A = vector.shape_cast %add3A_202 : vector<16xi32> to vector<16x1xi32>
        %gather3A = vector.shape_cast %broadcast_in_dim3A : vector<16x1xi32> to vector<16xi32>
        %gather3A_203 = tpu.dynamic_gather %exp3A[%gather3A] in [0] : vector<16xf32>, vector<16xi32> -> vector<16xf32>
        %get3A_204 = arith.index_cast %add3A_186 : i32 to index
        %get3A_205 = arith.constant 0 : index
        %get3A_206 = tpu.vector_load %arg9[%get3A_204, %get3A_205] {strides = array<i32>} : memref<128x80xf32, #tpu.memory_space<vmem>>, vector<16xf32>,
        %mul3A_207 = arith.mulf %get3A_206, %gather3A_203 : vector<16xf32>
        %swap3A_208 = arith.index_cast %add3A_186 : i32 to index
        %swap3A_209 = arith.constant 0 : index
        %swap3A_210 = tpu.vector_load %arg13[%swap3A_208, %swap3A_209] {strides = array<i32>} : memref<128x80xf32, #tpu.memory_space<vmem>>, vector<16xf32>,
        tpu.vector_store %arg13[%swap3A_208, %swap3A_209], %mul3A_207 {strides = array<i32>} : memref<128x80xf32, #tpu.memory_space<vmem>>, vector<16xf32>,
        %iota3A_211 = tpu.iota {dimensions = array<i32: 0>} : vector<16xi32>
        %shift_right_arithmetic3A_212 = arith.constant 3 : i32
        %shift_right_arithmetic3A_213 = vector.broadcast %shift_right_arithmetic3A_212 : i32 to vector<16xi32>
        %shift_right_arithmetic3A_214 = arith.shrsi %iota3A_211, %shift_right_arithmetic3A_213 : vector<16xi32>
        %add3A_215 = arith.constant 2 : i32
        %add3A_216 = vector.broadcast %add3A_215 : i32 to vector<16xi32>
        %add3A_217 = arith.addi %shift_right_arithmetic3A_214, %add3A_216 : vector<16xi32>
        %broadcast_in_dim3A_218 = vector.shape_cast %add3A_217 : vector<16xi32> to vector<16x1xi32>
        %gather3A_219 = vector.shape_cast %broadcast_in_dim3A_218 : vector<16x1xi32> to vector<16xi32>
        %gather3A_220 = tpu.dynamic_gather %exp3A[%gather3A_219] in [0] : vector<16xf32>, vector<16xi32> -> vector<16xf32>
        %get3A_221 = arith.index_cast %add3A_186 : i32 to index
        %get3A_222 = arith.constant 16 : index
        %get3A_223 = tpu.vector_load %arg9[%get3A_221, %get3A_222] {strides = array<i32>} : memref<128x80xf32, #tpu.memory_space<vmem>>, vector<16xf32>,
        %mul3A_224 = arith.mulf %get3A_223, %gather3A_220 : vector<16xf32>
        %swap3A_225 = arith.index_cast %add3A_186 : i32 to index
        %swap3A_226 = arith.constant 16 : index
        %swap3A_227 = tpu.vector_load %arg13[%swap3A_225, %swap3A_226] {strides = array<i32>} : memref<128x80xf32, #tpu.memory_space<vmem>>, vector<16xf32>,
        tpu.vector_store %arg13[%swap3A_225, %swap3A_226], %mul3A_224 {strides = array<i32>} : memref<128x80xf32, #tpu.memory_space<vmem>>, vector<16xf32>,
        %iota3A_228 = tpu.iota {dimensions = array<i32: 0>} : vector<16xi32>
        %shift_right_arithmetic3A_229 = arith.constant 3 : i32
        %shift_right_arithmetic3A_230 = vector.broadcast %shift_right_arithmetic3A_229 : i32 to vector<16xi32>
        %shift_right_arithmetic3A_231 = arith.shrsi %iota3A_228, %shift_right_arithmetic3A_230 : vector<16xi32>
        %add3A_232 = arith.constant 4 : i32
        %add3A_233 = vector.broadcast %add3A_232 : i32 to vector<16xi32>
        %add3A_234 = arith.addi %shift_right_arithmetic3A_231, %add3A_233 : vector<16xi32>
        %broadcast_in_dim3A_235 = vector.shape_cast %add3A_234 : vector<16xi32> to vector<16x1xi32>
        %gather3A_236 = vector.shape_cast %broadcast_in_dim3A_235 : vector<16x1xi32> to vector<16xi32>
        %gather3A_237 = tpu.dynamic_gather %exp3A[%gather3A_236] in [0] : vector<16xf32>, vector<16xi32> -> vector<16xf32>
        %get3A_238 = arith.index_cast %add3A_186 : i32 to index
        %get3A_239 = arith.constant 32 : index
        %get3A_240 = tpu.vector_load %arg9[%get3A_238, %get3A_239] {strides = array<i32>} : memref<128x80xf32, #tpu.memory_space<vmem>>, vector<16xf32>,
        %mul3A_241 = arith.mulf %get3A_240, %gather3A_237 : vector<16xf32>
        %swap3A_242 = arith.index_cast %add3A_186 : i32 to index
        %swap3A_243 = arith.constant 32 : index
        %swap3A_244 = tpu.vector_load %arg13[%swap3A_242, %swap3A_243] {strides = array<i32>} : memref<128x80xf32, #tpu.memory_space<vmem>>, vector<16xf32>,
        tpu.vector_store %arg13[%swap3A_242, %swap3A_243], %mul3A_241 {strides = array<i32>} : memref<128x80xf32, #tpu.memory_space<vmem>>, vector<16xf32>,
        %iota3A_245 = tpu.iota {dimensions = array<i32: 0>} : vector<16xi32>
        %shift_right_arithmetic3A_246 = arith.constant 3 : i32
        %shift_right_arithmetic3A_247 = vector.broadcast %shift_right_arithmetic3A_246 : i32 to vector<16xi32>
        %shift_right_arithmetic3A_248 = arith.shrsi %iota3A_245, %shift_right_arithmetic3A_247 : vector<16xi32>
        %add3A_249 = arith.constant 6 : i32
        %add3A_250 = vector.broadcast %add3A_249 : i32 to vector<16xi32>
        %add3A_251 = arith.addi %shift_right_arithmetic3A_248, %add3A_250 : vector<16xi32>
        %broadcast_in_dim3A_252 = vector.shape_cast %add3A_251 : vector<16xi32> to vector<16x1xi32>
        %gather3A_253 = vector.shape_cast %broadcast_in_dim3A_252 : vector<16x1xi32> to vector<16xi32>
        %gather3A_254 = tpu.dynamic_gather %exp3A[%gather3A_253] in [0] : vector<16xf32>, vector<16xi32> -> vector<16xf32>
        %get3A_255 = arith.index_cast %add3A_186 : i32 to index
        %get3A_256 = arith.constant 48 : index
        %get3A_257 = tpu.vector_load %arg9[%get3A_255, %get3A_256] {strides = array<i32>} : memref<128x80xf32, #tpu.memory_space<vmem>>, vector<16xf32>,
        %mul3A_258 = arith.mulf %get3A_257, %gather3A_254 : vector<16xf32>
        %swap3A_259 = arith.index_cast %add3A_186 : i32 to index
        %swap3A_260 = arith.constant 48 : index
        %swap3A_261 = tpu.vector_load %arg13[%swap3A_259, %swap3A_260] {strides = array<i32>} : memref<128x80xf32, #tpu.memory_space<vmem>>, vector<16xf32>,
        tpu.vector_store %arg13[%swap3A_259, %swap3A_260], %mul3A_258 {strides = array<i32>} : memref<128x80xf32, #tpu.memory_space<vmem>>, vector<16xf32>,
        %mul3A_262 = arith.constant 4 : i32
        %mul3A_263 = arith.muli %scan3A_182, %mul3A_262 : i32
        %add3A_264 = arith.constant 1 : i32
        %add3A_265 = arith.addi %mul3A_263, %add3A_264 : i32
        %get3A_266 = arith.index_cast %add3A_265 : i32 to index
        %get3A_267 = arith.constant 64 : index
        %get3A_268 = tpu.vector_load %arg9[%get3A_266, %get3A_267] {strides = array<i32>} : memref<128x80xf32, #tpu.memory_space<vmem>>, vector<16xf32>,
        %get3A_269 = arith.index_cast %add3A_265 : i32 to index
        %get3A_270 = arith.constant 0 : index
        %get3A_271 = tpu.vector_load %arg11[%get3A_269, %get3A_270] {strides = array<i32>} : memref<128x16xf32, #tpu.memory_space<vmem>>, vector<16xf32>,
        %add3A_272 = arith.addf %get3A_268, %get3A_271 : vector<16xf32>
        %mul3A_273 = arith.constant 2.000000e-01 : f32
        %mul3A_274 = vector.broadcast %mul3A_273 : f32 to vector<16xf32>
        %mul3A_275 = arith.mulf %mul3A_274, %add3A_272 : vector<16xf32>
        %max3A_276 = arith.maximumf %add3A_272, %mul3A_275 : vector<16xf32>
        %exp3A_277 = math.exp %max3A_276 : vector<16xf32>
        %swap3A_278 = arith.index_cast %add3A_265 : i32 to index
        %swap3A_279 = arith.constant 64 : index
        %swap3A_280 = tpu.vector_load %arg13[%swap3A_278, %swap3A_279] {strides = array<i32>} : memref<128x80xf32, #tpu.memory_space<vmem>>, vector<16xf32>,
        tpu.vector_store %arg13[%swap3A_278, %swap3A_279], %exp3A_277 {strides = array<i32>} : memref<128x80xf32, #tpu.memory_space<vmem>>, vector<16xf32>,
        %iota3A_281 = tpu.iota {dimensions = array<i32: 0>} : vector<16xi32>
        %shift_right_arithmetic3A_282 = arith.constant 3 : i32
        %shift_right_arithmetic3A_283 = vector.broadcast %shift_right_arithmetic3A_282 : i32 to vector<16xi32>
        %shift_right_arithmetic3A_284 = arith.shrsi %iota3A_281, %shift_right_arithmetic3A_283 : vector<16xi32>
        %add3A_285 = arith.constant 0 : i32
        %add3A_286 = vector.broadcast %add3A_285 : i32 to vector<16xi32>
        %add3A_287 = arith.addi %shift_right_arithmetic3A_284, %add3A_286 : vector<16xi32>
        %broadcast_in_dim3A_288 = vector.shape_cast %add3A_287 : vector<16xi32> to vector<16x1xi32>
        %gather3A_289 = vector.shape_cast %broadcast_in_dim3A_288 : vector<16x1xi32> to vector<16xi32>
        %gather3A_290 = tpu.dynamic_gather %exp3A_277[%gather3A_289] in [0] : vector<16xf32>, vector<16xi32> -> vector<16xf32>
        %get3A_291 = arith.index_cast %add3A_265 : i32 to index
        %get3A_292 = arith.constant 0 : index
        %get3A_293 = tpu.vector_load %arg9[%get3A_291, %get3A_292] {strides = array<i32>} : memref<128x80xf32, #tpu.memory_space<vmem>>, vector<16xf32>,
        %mul3A_294 = arith.mulf %get3A_293, %gather3A_290 : vector<16xf32>
        %swap3A_295 = arith.index_cast %add3A_265 : i32 to index
        %swap3A_296 = arith.constant 0 : index
        %swap3A_297 = tpu.vector_load %arg13[%swap3A_295, %swap3A_296] {strides = array<i32>} : memref<128x80xf32, #tpu.memory_space<vmem>>, vector<16xf32>,
        tpu.vector_store %arg13[%swap3A_295, %swap3A_296], %mul3A_294 {strides = array<i32>} : memref<128x80xf32, #tpu.memory_space<vmem>>, vector<16xf32>,
        %iota3A_298 = tpu.iota {dimensions = array<i32: 0>} : vector<16xi32>
        %shift_right_arithmetic3A_299 = arith.constant 3 : i32
        %shift_right_arithmetic3A_300 = vector.broadcast %shift_right_arithmetic3A_299 : i32 to vector<16xi32>
        %shift_right_arithmetic3A_301 = arith.shrsi %iota3A_298, %shift_right_arithmetic3A_300 : vector<16xi32>
        %add3A_302 = arith.constant 2 : i32
        %add3A_303 = vector.broadcast %add3A_302 : i32 to vector<16xi32>
        %add3A_304 = arith.addi %shift_right_arithmetic3A_301, %add3A_303 : vector<16xi32>
        %broadcast_in_dim3A_305 = vector.shape_cast %add3A_304 : vector<16xi32> to vector<16x1xi32>
        %gather3A_306 = vector.shape_cast %broadcast_in_dim3A_305 : vector<16x1xi32> to vector<16xi32>
        %gather3A_307 = tpu.dynamic_gather %exp3A_277[%gather3A_306] in [0] : vector<16xf32>, vector<16xi32> -> vector<16xf32>
        %get3A_308 = arith.index_cast %add3A_265 : i32 to index
        %get3A_309 = arith.constant 16 : index
        %get3A_310 = tpu.vector_load %arg9[%get3A_308, %get3A_309] {strides = array<i32>} : memref<128x80xf32, #tpu.memory_space<vmem>>, vector<16xf32>,
        %mul3A_311 = arith.mulf %get3A_310, %gather3A_307 : vector<16xf32>
        %swap3A_312 = arith.index_cast %add3A_265 : i32 to index
        %swap3A_313 = arith.constant 16 : index
        %swap3A_314 = tpu.vector_load %arg13[%swap3A_312, %swap3A_313] {strides = array<i32>} : memref<128x80xf32, #tpu.memory_space<vmem>>, vector<16xf32>,
        tpu.vector_store %arg13[%swap3A_312, %swap3A_313], %mul3A_311 {strides = array<i32>} : memref<128x80xf32, #tpu.memory_space<vmem>>, vector<16xf32>,
        %iota3A_315 = tpu.iota {dimensions = array<i32: 0>} : vector<16xi32>
        %shift_right_arithmetic3A_316 = arith.constant 3 : i32
        %shift_right_arithmetic3A_317 = vector.broadcast %shift_right_arithmetic3A_316 : i32 to vector<16xi32>
        %shift_right_arithmetic3A_318 = arith.shrsi %iota3A_315, %shift_right_arithmetic3A_317 : vector<16xi32>
        %add3A_319 = arith.constant 4 : i32
        %add3A_320 = vector.broadcast %add3A_319 : i32 to vector<16xi32>
        %add3A_321 = arith.addi %shift_right_arithmetic3A_318, %add3A_320 : vector<16xi32>
        %broadcast_in_dim3A_322 = vector.shape_cast %add3A_321 : vector<16xi32> to vector<16x1xi32>
        %gather3A_323 = vector.shape_cast %broadcast_in_dim3A_322 : vector<16x1xi32> to vector<16xi32>
        %gather3A_324 = tpu.dynamic_gather %exp3A_277[%gather3A_323] in [0] : vector<16xf32>, vector<16xi32> -> vector<16xf32>
        %get3A_325 = arith.index_cast %add3A_265 : i32 to index
        %get3A_326 = arith.constant 32 : index
        %get3A_327 = tpu.vector_load %arg9[%get3A_325, %get3A_326] {strides = array<i32>} : memref<128x80xf32, #tpu.memory_space<vmem>>, vector<16xf32>,
        %mul3A_328 = arith.mulf %get3A_327, %gather3A_324 : vector<16xf32>
        %swap3A_329 = arith.index_cast %add3A_265 : i32 to index
        %swap3A_330 = arith.constant 32 : index
        %swap3A_331 = tpu.vector_load %arg13[%swap3A_329, %swap3A_330] {strides = array<i32>} : memref<128x80xf32, #tpu.memory_space<vmem>>, vector<16xf32>,
        tpu.vector_store %arg13[%swap3A_329, %swap3A_330], %mul3A_328 {strides = array<i32>} : memref<128x80xf32, #tpu.memory_space<vmem>>, vector<16xf32>,
        %iota3A_332 = tpu.iota {dimensions = array<i32: 0>} : vector<16xi32>
        %shift_right_arithmetic3A_333 = arith.constant 3 : i32
        %shift_right_arithmetic3A_334 = vector.broadcast %shift_right_arithmetic3A_333 : i32 to vector<16xi32>
        %shift_right_arithmetic3A_335 = arith.shrsi %iota3A_332, %shift_right_arithmetic3A_334 : vector<16xi32>
        %add3A_336 = arith.constant 6 : i32
        %add3A_337 = vector.broadcast %add3A_336 : i32 to vector<16xi32>
        %add3A_338 = arith.addi %shift_right_arithmetic3A_335, %add3A_337 : vector<16xi32>
        %broadcast_in_dim3A_339 = vector.shape_cast %add3A_338 : vector<16xi32> to vector<16x1xi32>
        %gather3A_340 = vector.shape_cast %broadcast_in_dim3A_339 : vector<16x1xi32> to vector<16xi32>
        %gather3A_341 = tpu.dynamic_gather %exp3A_277[%gather3A_340] in [0] : vector<16xf32>, vector<16xi32> -> vector<16xf32>
        %get3A_342 = arith.index_cast %add3A_265 : i32 to index
        %get3A_343 = arith.constant 48 : index
        %get3A_344 = tpu.vector_load %arg9[%get3A_342, %get3A_343] {strides = array<i32>} : memref<128x80xf32, #tpu.memory_space<vmem>>, vector<16xf32>,
        %mul3A_345 = arith.mulf %get3A_344, %gather3A_341 : vector<16xf32>
        %swap3A_346 = arith.index_cast %add3A_265 : i32 to index
        %swap3A_347 = arith.constant 48 : index
        %swap3A_348 = tpu.vector_load %arg13[%swap3A_346, %swap3A_347] {strides = array<i32>} : memref<128x80xf32, #tpu.memory_space<vmem>>, vector<16xf32>,
        tpu.vector_store %arg13[%swap3A_346, %swap3A_347], %mul3A_345 {strides = array<i32>} : memref<128x80xf32, #tpu.memory_space<vmem>>, vector<16xf32>,
        %mul3A_349 = arith.constant 4 : i32
        %mul3A_350 = arith.muli %scan3A_182, %mul3A_349 : i32
        %add3A_351 = arith.constant 2 : i32
        %add3A_352 = arith.addi %mul3A_350, %add3A_351 : i32
        %get3A_353 = arith.index_cast %add3A_352 : i32 to index
        %get3A_354 = arith.constant 64 : index
        %get3A_355 = tpu.vector_load %arg9[%get3A_353, %get3A_354] {strides = array<i32>} : memref<128x80xf32, #tpu.memory_space<vmem>>, vector<16xf32>,
        %get3A_356 = arith.index_cast %add3A_352 : i32 to index
        %get3A_357 = arith.constant 0 : index
        %get3A_358 = tpu.vector_load %arg11[%get3A_356, %get3A_357] {strides = array<i32>} : memref<128x16xf32, #tpu.memory_space<vmem>>, vector<16xf32>,
        %add3A_359 = arith.addf %get3A_355, %get3A_358 : vector<16xf32>
        %mul3A_360 = arith.constant 2.000000e-01 : f32
        %mul3A_361 = vector.broadcast %mul3A_360 : f32 to vector<16xf32>
        %mul3A_362 = arith.mulf %mul3A_361, %add3A_359 : vector<16xf32>
        %max3A_363 = arith.maximumf %add3A_359, %mul3A_362 : vector<16xf32>
        %exp3A_364 = math.exp %max3A_363 : vector<16xf32>
        %swap3A_365 = arith.index_cast %add3A_352 : i32 to index
        %swap3A_366 = arith.constant 64 : index
        %swap3A_367 = tpu.vector_load %arg13[%swap3A_365, %swap3A_366] {strides = array<i32>} : memref<128x80xf32, #tpu.memory_space<vmem>>, vector<16xf32>,
        tpu.vector_store %arg13[%swap3A_365, %swap3A_366], %exp3A_364 {strides = array<i32>} : memref<128x80xf32, #tpu.memory_space<vmem>>, vector<16xf32>,
        %iota3A_368 = tpu.iota {dimensions = array<i32: 0>} : vector<16xi32>
        %shift_right_arithmetic3A_369 = arith.constant 3 : i32
        %shift_right_arithmetic3A_370 = vector.broadcast %shift_right_arithmetic3A_369 : i32 to vector<16xi32>
        %shift_right_arithmetic3A_371 = arith.shrsi %iota3A_368, %shift_right_arithmetic3A_370 : vector<16xi32>
        %add3A_372 = arith.constant 0 : i32
        %add3A_373 = vector.broadcast %add3A_372 : i32 to vector<16xi32>
        %add3A_374 = arith.addi %shift_right_arithmetic3A_371, %add3A_373 : vector<16xi32>
        %broadcast_in_dim3A_375 = vector.shape_cast %add3A_374 : vector<16xi32> to vector<16x1xi32>
        %gather3A_376 = vector.shape_cast %broadcast_in_dim3A_375 : vector<16x1xi32> to vector<16xi32>
        %gather3A_377 = tpu.dynamic_gather %exp3A_364[%gather3A_376] in [0] : vector<16xf32>, vector<16xi32> -> vector<16xf32>
        %get3A_378 = arith.index_cast %add3A_352 : i32 to index
        %get3A_379 = arith.constant 0 : index
        %get3A_380 = tpu.vector_load %arg9[%get3A_378, %get3A_379] {strides = array<i32>} : memref<128x80xf32, #tpu.memory_space<vmem>>, vector<16xf32>,
        %mul3A_381 = arith.mulf %get3A_380, %gather3A_377 : vector<16xf32>
        %swap3A_382 = arith.index_cast %add3A_352 : i32 to index
        %swap3A_383 = arith.constant 0 : index
        %swap3A_384 = tpu.vector_load %arg13[%swap3A_382, %swap3A_383] {strides = array<i32>} : memref<128x80xf32, #tpu.memory_space<vmem>>, vector<16xf32>,
        tpu.vector_store %arg13[%swap3A_382, %swap3A_383], %mul3A_381 {strides = array<i32>} : memref<128x80xf32, #tpu.memory_space<vmem>>, vector<16xf32>,
        %iota3A_385 = tpu.iota {dimensions = array<i32: 0>} : vector<16xi32>
        %shift_right_arithmetic3A_386 = arith.constant 3 : i32
        %shift_right_arithmetic3A_387 = vector.broadcast %shift_right_arithmetic3A_386 : i32 to vector<16xi32>
        %shift_right_arithmetic3A_388 = arith.shrsi %iota3A_385, %shift_right_arithmetic3A_387 : vector<16xi32>
        %add3A_389 = arith.constant 2 : i32
        %add3A_390 = vector.broadcast %add3A_389 : i32 to vector<16xi32>
        %add3A_391 = arith.addi %shift_right_arithmetic3A_388, %add3A_390 : vector<16xi32>
        %broadcast_in_dim3A_392 = vector.shape_cast %add3A_391 : vector<16xi32> to vector<16x1xi32>
        %gather3A_393 = vector.shape_cast %broadcast_in_dim3A_392 : vector<16x1xi32> to vector<16xi32>
        %gather3A_394 = tpu.dynamic_gather %exp3A_364[%gather3A_393] in [0] : vector<16xf32>, vector<16xi32> -> vector<16xf32>
        %get3A_395 = arith.index_cast %add3A_352 : i32 to index
        %get3A_396 = arith.constant 16 : index
        %get3A_397 = tpu.vector_load %arg9[%get3A_395, %get3A_396] {strides = array<i32>} : memref<128x80xf32, #tpu.memory_space<vmem>>, vector<16xf32>,
        %mul3A_398 = arith.mulf %get3A_397, %gather3A_394 : vector<16xf32>
        %swap3A_399 = arith.index_cast %add3A_352 : i32 to index
        %swap3A_400 = arith.constant 16 : index
        %swap3A_401 = tpu.vector_load %arg13[%swap3A_399, %swap3A_400] {strides = array<i32>} : memref<128x80xf32, #tpu.memory_space<vmem>>, vector<16xf32>,
        tpu.vector_store %arg13[%swap3A_399, %swap3A_400], %mul3A_398 {strides = array<i32>} : memref<128x80xf32, #tpu.memory_space<vmem>>, vector<16xf32>,
        %iota3A_402 = tpu.iota {dimensions = array<i32: 0>} : vector<16xi32>
        %shift_right_arithmetic3A_403 = arith.constant 3 : i32
        %shift_right_arithmetic3A_404 = vector.broadcast %shift_right_arithmetic3A_403 : i32 to vector<16xi32>
        %shift_right_arithmetic3A_405 = arith.shrsi %iota3A_402, %shift_right_arithmetic3A_404 : vector<16xi32>
        %add3A_406 = arith.constant 4 : i32
        %add3A_407 = vector.broadcast %add3A_406 : i32 to vector<16xi32>
        %add3A_408 = arith.addi %shift_right_arithmetic3A_405, %add3A_407 : vector<16xi32>
        %broadcast_in_dim3A_409 = vector.shape_cast %add3A_408 : vector<16xi32> to vector<16x1xi32>
        %gather3A_410 = vector.shape_cast %broadcast_in_dim3A_409 : vector<16x1xi32> to vector<16xi32>
        %gather3A_411 = tpu.dynamic_gather %exp3A_364[%gather3A_410] in [0] : vector<16xf32>, vector<16xi32> -> vector<16xf32>
        %get3A_412 = arith.index_cast %add3A_352 : i32 to index
        %get3A_413 = arith.constant 32 : index
        %get3A_414 = tpu.vector_load %arg9[%get3A_412, %get3A_413] {strides = array<i32>} : memref<128x80xf32, #tpu.memory_space<vmem>>, vector<16xf32>,
        %mul3A_415 = arith.mulf %get3A_414, %gather3A_411 : vector<16xf32>
        %swap3A_416 = arith.index_cast %add3A_352 : i32 to index
        %swap3A_417 = arith.constant 32 : index
        %swap3A_418 = tpu.vector_load %arg13[%swap3A_416, %swap3A_417] {strides = array<i32>} : memref<128x80xf32, #tpu.memory_space<vmem>>, vector<16xf32>,
        tpu.vector_store %arg13[%swap3A_416, %swap3A_417], %mul3A_415 {strides = array<i32>} : memref<128x80xf32, #tpu.memory_space<vmem>>, vector<16xf32>,
        %iota3A_419 = tpu.iota {dimensions = array<i32: 0>} : vector<16xi32>
        %shift_right_arithmetic3A_420 = arith.constant 3 : i32
        %shift_right_arithmetic3A_421 = vector.broadcast %shift_right_arithmetic3A_420 : i32 to vector<16xi32>
        %shift_right_arithmetic3A_422 = arith.shrsi %iota3A_419, %shift_right_arithmetic3A_421 : vector<16xi32>
        %add3A_423 = arith.constant 6 : i32
        %add3A_424 = vector.broadcast %add3A_423 : i32 to vector<16xi32>
        %add3A_425 = arith.addi %shift_right_arithmetic3A_422, %add3A_424 : vector<16xi32>
        %broadcast_in_dim3A_426 = vector.shape_cast %add3A_425 : vector<16xi32> to vector<16x1xi32>
        %gather3A_427 = vector.shape_cast %broadcast_in_dim3A_426 : vector<16x1xi32> to vector<16xi32>
        %gather3A_428 = tpu.dynamic_gather %exp3A_364[%gather3A_427] in [0] : vector<16xf32>, vector<16xi32> -> vector<16xf32>
        %get3A_429 = arith.index_cast %add3A_352 : i32 to index
        %get3A_430 = arith.constant 48 : index
        %get3A_431 = tpu.vector_load %arg9[%get3A_429, %get3A_430] {strides = array<i32>} : memref<128x80xf32, #tpu.memory_space<vmem>>, vector<16xf32>,
        %mul3A_432 = arith.mulf %get3A_431, %gather3A_428 : vector<16xf32>
        %swap3A_433 = arith.index_cast %add3A_352 : i32 to index
        %swap3A_434 = arith.constant 48 : index
        %swap3A_435 = tpu.vector_load %arg13[%swap3A_433, %swap3A_434] {strides = array<i32>} : memref<128x80xf32, #tpu.memory_space<vmem>>, vector<16xf32>,
        tpu.vector_store %arg13[%swap3A_433, %swap3A_434], %mul3A_432 {strides = array<i32>} : memref<128x80xf32, #tpu.memory_space<vmem>>, vector<16xf32>,
        %mul3A_436 = arith.constant 4 : i32
        %mul3A_437 = arith.muli %scan3A_182, %mul3A_436 : i32
        %add3A_438 = arith.constant 3 : i32
        %add3A_439 = arith.addi %mul3A_437, %add3A_438 : i32
        %get3A_440 = arith.index_cast %add3A_439 : i32 to index
        %get3A_441 = arith.constant 64 : index
        %get3A_442 = tpu.vector_load %arg9[%get3A_440, %get3A_441] {strides = array<i32>} : memref<128x80xf32, #tpu.memory_space<vmem>>, vector<16xf32>,
        %get3A_443 = arith.index_cast %add3A_439 : i32 to index
        %get3A_444 = arith.constant 0 : index
        %get3A_445 = tpu.vector_load %arg11[%get3A_443, %get3A_444] {strides = array<i32>} : memref<128x16xf32, #tpu.memory_space<vmem>>, vector<16xf32>,
        %add3A_446 = arith.addf %get3A_442, %get3A_445 : vector<16xf32>
        %mul3A_447 = arith.constant 2.000000e-01 : f32
        %mul3A_448 = vector.broadcast %mul3A_447 : f32 to vector<16xf32>
        %mul3A_449 = arith.mulf %mul3A_448, %add3A_446 : vector<16xf32>
        %max3A_450 = arith.maximumf %add3A_446, %mul3A_449 : vector<16xf32>
        %exp3A_451 = math.exp %max3A_450 : vector<16xf32>
        %swap3A_452 = arith.index_cast %add3A_439 : i32 to index
        %swap3A_453 = arith.constant 64 : index
        %swap3A_454 = tpu.vector_load %arg13[%swap3A_452, %swap3A_453] {strides = array<i32>} : memref<128x80xf32, #tpu.memory_space<vmem>>, vector<16xf32>,
        tpu.vector_store %arg13[%swap3A_452, %swap3A_453], %exp3A_451 {strides = array<i32>} : memref<128x80xf32, #tpu.memory_space<vmem>>, vector<16xf32>,
        %iota3A_455 = tpu.iota {dimensions = array<i32: 0>} : vector<16xi32>
        %shift_right_arithmetic3A_456 = arith.constant 3 : i32
        %shift_right_arithmetic3A_457 = vector.broadcast %shift_right_arithmetic3A_456 : i32 to vector<16xi32>
        %shift_right_arithmetic3A_458 = arith.shrsi %iota3A_455, %shift_right_arithmetic3A_457 : vector<16xi32>
        %add3A_459 = arith.constant 0 : i32
        %add3A_460 = vector.broadcast %add3A_459 : i32 to vector<16xi32>
        %add3A_461 = arith.addi %shift_right_arithmetic3A_458, %add3A_460 : vector<16xi32>
        %broadcast_in_dim3A_462 = vector.shape_cast %add3A_461 : vector<16xi32> to vector<16x1xi32>
        %gather3A_463 = vector.shape_cast %broadcast_in_dim3A_462 : vector<16x1xi32> to vector<16xi32>
        %gather3A_464 = tpu.dynamic_gather %exp3A_451[%gather3A_463] in [0] : vector<16xf32>, vector<16xi32> -> vector<16xf32>
        %get3A_465 = arith.index_cast %add3A_439 : i32 to index
        %get3A_466 = arith.constant 0 : index
        %get3A_467 = tpu.vector_load %arg9[%get3A_465, %get3A_466] {strides = array<i32>} : memref<128x80xf32, #tpu.memory_space<vmem>>, vector<16xf32>,
        %mul3A_468 = arith.mulf %get3A_467, %gather3A_464 : vector<16xf32>
        %swap3A_469 = arith.index_cast %add3A_439 : i32 to index
        %swap3A_470 = arith.constant 0 : index
        %swap3A_471 = tpu.vector_load %arg13[%swap3A_469, %swap3A_470] {strides = array<i32>} : memref<128x80xf32, #tpu.memory_space<vmem>>, vector<16xf32>,
        tpu.vector_store %arg13[%swap3A_469, %swap3A_470], %mul3A_468 {strides = array<i32>} : memref<128x80xf32, #tpu.memory_space<vmem>>, vector<16xf32>,
        %iota3A_472 = tpu.iota {dimensions = array<i32: 0>} : vector<16xi32>
        %shift_right_arithmetic3A_473 = arith.constant 3 : i32
        %shift_right_arithmetic3A_474 = vector.broadcast %shift_right_arithmetic3A_473 : i32 to vector<16xi32>
        %shift_right_arithmetic3A_475 = arith.shrsi %iota3A_472, %shift_right_arithmetic3A_474 : vector<16xi32>
        %add3A_476 = arith.constant 2 : i32
        %add3A_477 = vector.broadcast %add3A_476 : i32 to vector<16xi32>
        %add3A_478 = arith.addi %shift_right_arithmetic3A_475, %add3A_477 : vector<16xi32>
        %broadcast_in_dim3A_479 = vector.shape_cast %add3A_478 : vector<16xi32> to vector<16x1xi32>
        %gather3A_480 = vector.shape_cast %broadcast_in_dim3A_479 : vector<16x1xi32> to vector<16xi32>
        %gather3A_481 = tpu.dynamic_gather %exp3A_451[%gather3A_480] in [0] : vector<16xf32>, vector<16xi32> -> vector<16xf32>
        %get3A_482 = arith.index_cast %add3A_439 : i32 to index
        %get3A_483 = arith.constant 16 : index
        %get3A_484 = tpu.vector_load %arg9[%get3A_482, %get3A_483] {strides = array<i32>} : memref<128x80xf32, #tpu.memory_space<vmem>>, vector<16xf32>,
        %mul3A_485 = arith.mulf %get3A_484, %gather3A_481 : vector<16xf32>
        %swap3A_486 = arith.index_cast %add3A_439 : i32 to index
        %swap3A_487 = arith.constant 16 : index
        %swap3A_488 = tpu.vector_load %arg13[%swap3A_486, %swap3A_487] {strides = array<i32>} : memref<128x80xf32, #tpu.memory_space<vmem>>, vector<16xf32>,
        tpu.vector_store %arg13[%swap3A_486, %swap3A_487], %mul3A_485 {strides = array<i32>} : memref<128x80xf32, #tpu.memory_space<vmem>>, vector<16xf32>,
        %iota3A_489 = tpu.iota {dimensions = array<i32: 0>} : vector<16xi32>
        %shift_right_arithmetic3A_490 = arith.constant 3 : i32
        %shift_right_arithmetic3A_491 = vector.broadcast %shift_right_arithmetic3A_490 : i32 to vector<16xi32>
        %shift_right_arithmetic3A_492 = arith.shrsi %iota3A_489, %shift_right_arithmetic3A_491 : vector<16xi32>
        %add3A_493 = arith.constant 4 : i32
        %add3A_494 = vector.broadcast %add3A_493 : i32 to vector<16xi32>
        %add3A_495 = arith.addi %shift_right_arithmetic3A_492, %add3A_494 : vector<16xi32>
        %broadcast_in_dim3A_496 = vector.shape_cast %add3A_495 : vector<16xi32> to vector<16x1xi32>
        %gather3A_497 = vector.shape_cast %broadcast_in_dim3A_496 : vector<16x1xi32> to vector<16xi32>
        %gather3A_498 = tpu.dynamic_gather %exp3A_451[%gather3A_497] in [0] : vector<16xf32>, vector<16xi32> -> vector<16xf32>
        %get3A_499 = arith.index_cast %add3A_439 : i32 to index
        %get3A_500 = arith.constant 32 : index
        %get3A_501 = tpu.vector_load %arg9[%get3A_499, %get3A_500] {strides = array<i32>} : memref<128x80xf32, #tpu.memory_space<vmem>>, vector<16xf32>,
        %mul3A_502 = arith.mulf %get3A_501, %gather3A_498 : vector<16xf32>
        %swap3A_503 = arith.index_cast %add3A_439 : i32 to index
        %swap3A_504 = arith.constant 32 : index
        %swap3A_505 = tpu.vector_load %arg13[%swap3A_503, %swap3A_504] {strides = array<i32>} : memref<128x80xf32, #tpu.memory_space<vmem>>, vector<16xf32>,
        tpu.vector_store %arg13[%swap3A_503, %swap3A_504], %mul3A_502 {strides = array<i32>} : memref<128x80xf32, #tpu.memory_space<vmem>>, vector<16xf32>,
        %iota3A_506 = tpu.iota {dimensions = array<i32: 0>} : vector<16xi32>
        %shift_right_arithmetic3A_507 = arith.constant 3 : i32
        %shift_right_arithmetic3A_508 = vector.broadcast %shift_right_arithmetic3A_507 : i32 to vector<16xi32>
        %shift_right_arithmetic3A_509 = arith.shrsi %iota3A_506, %shift_right_arithmetic3A_508 : vector<16xi32>
        %add3A_510 = arith.constant 6 : i32
        %add3A_511 = vector.broadcast %add3A_510 : i32 to vector<16xi32>
        %add3A_512 = arith.addi %shift_right_arithmetic3A_509, %add3A_511 : vector<16xi32>
        %broadcast_in_dim3A_513 = vector.shape_cast %add3A_512 : vector<16xi32> to vector<16x1xi32>
        %gather3A_514 = vector.shape_cast %broadcast_in_dim3A_513 : vector<16x1xi32> to vector<16xi32>
        %gather3A_515 = tpu.dynamic_gather %exp3A_451[%gather3A_514] in [0] : vector<16xf32>, vector<16xi32> -> vector<16xf32>
        %get3A_516 = arith.index_cast %add3A_439 : i32 to index
        %get3A_517 = arith.constant 48 : index
        %get3A_518 = tpu.vector_load %arg9[%get3A_516, %get3A_517] {strides = array<i32>} : memref<128x80xf32, #tpu.memory_space<vmem>>, vector<16xf32>,
        %mul3A_519 = arith.mulf %get3A_518, %gather3A_515 : vector<16xf32>
        %swap3A_520 = arith.index_cast %add3A_439 : i32 to index
        %swap3A_521 = arith.constant 48 : index
        %swap3A_522 = tpu.vector_load %arg13[%swap3A_520, %swap3A_521] {strides = array<i32>} : memref<128x80xf32, #tpu.memory_space<vmem>>, vector<16xf32>,
        tpu.vector_store %arg13[%swap3A_520, %swap3A_521], %mul3A_519 {strides = array<i32>} : memref<128x80xf32, #tpu.memory_space<vmem>>, vector<16xf32>,
      }
      %scan3A_131 = arith.constant 32 : i32
      %dma_start3A_132 = arith.constant 0 : i32
      %dma_start3A_133 = tpu.memref_slice %arg8[%add3A_111, %dma_start3A_132] : memref<104x128xi32, #tpu.memory_space<vmem>> -> memref<1x128xi32, #tpu.memory_space<vmem>>
      %dma_start3A_134 = tpu.memref_squeeze %dma_start3A_133 : memref<1x128xi32, #tpu.memory_space<vmem>> -> memref<128xi32, #tpu.memory_space<vmem>>
      %dma_start3A_135 = arith.constant 0 : i32
      %dma_start3A_136 = arith.constant 0 : i32
      %dma_start3A_137 = tpu.memref_slice %arg15[%dma_start3A_135, %dma_start3A_136] : memref<10240x80xf32, #tpu.memory_space<vmem_shared>> -> memref<10240x80xf32, #tpu.memory_space<vmem_shared>>
      tpu.enqueue_indirect_dma source(%arg13 : memref<128x80xf32, #tpu.memory_space<vmem>>) target(%dma_start3A_137 : memref<10240x80xf32, #tpu.memory_space<vmem_shared>>) offsets(%dma_start3A_134 : memref<128xi32, #tpu.memory_space<vmem>>) semaphore(%arg18 : memref<!tpu.dma_semaphore, #tpu.memory_space<semaphore_mem>>) {add = true}
      %add3A_138 = arith.constant 2 : i32
      %add3A_139 = arith.addi %add3A_111, %add3A_138 : i32
      %lt3A = arith.cmpi slt, %add3A_139, %add3A_1 : i32
      %convert_element_type3A_140 = arith.extui %lt3A : i1 to i32
      %cond3A_141 = arith.constant 0 : i32
      %cond3A_142 = arith.cmpi ne, %convert_element_type3A_140, %cond3A_141 : i32
      scf.if %cond3A_142 {
        %add3A_182 = arith.constant 2 : i32
        %add3A_183 = arith.addi %add3A_111, %add3A_182 : i32
        %dma_start3A_184 = arith.constant 0 : i32
        %dma_start3A_185 = tpu.memref_slice %arg7[%add3A_183, %dma_start3A_184] : memref<104x128xi32, #tpu.memory_space<vmem>> -> memref<1x128xi32, #tpu.memory_space<vmem>>
        %dma_start3A_186 = tpu.memref_squeeze %dma_start3A_185 : memref<1x128xi32, #tpu.memory_space<vmem>> -> memref<128xi32, #tpu.memory_space<vmem>>
        %dma_start3A_187 = arith.constant 0 : i32
        %dma_start3A_188 = arith.constant 0 : i32
        %dma_start3A_189 = tpu.memref_slice %arg2[%dma_start3A_187, %dma_start3A_188] : memref<10240x80xf32, #tpu.memory_space<hbm>> -> memref<10240x80xf32, #tpu.memory_space<hbm>>
        tpu.enqueue_indirect_dma source(%dma_start3A_189 : memref<10240x80xf32, #tpu.memory_space<hbm>>) target(%arg9 : memref<128x80xf32, #tpu.memory_space<vmem>>) offsets(%dma_start3A_186 : memref<128xi32, #tpu.memory_space<vmem>>) semaphore(%arg16 : memref<!tpu.dma_semaphore, #tpu.memory_space<semaphore_mem>>)
        %dma_start3A_190 = arith.constant 0 : i32
        %dma_start3A_191 = tpu.memref_slice %arg8[%add3A_183, %dma_start3A_190] : memref<104x128xi32, #tpu.memory_space<vmem>> -> memref<1x128xi32, #tpu.memory_space<vmem>>
        %dma_start3A_192 = tpu.memref_squeeze %dma_start3A_191 : memref<1x128xi32, #tpu.memory_space<vmem>> -> memref<128xi32, #tpu.memory_space<vmem>>
        %dma_start3A_193 = arith.constant 0 : i32
        %dma_start3A_194 = arith.constant 0 : i32
        %dma_start3A_195 = tpu.memref_slice %arg3[%dma_start3A_193, %dma_start3A_194] : memref<10240x16xf32, #tpu.memory_space<hbm>> -> memref<10240x16xf32, #tpu.memory_space<hbm>>
        tpu.enqueue_indirect_dma source(%dma_start3A_195 : memref<10240x16xf32, #tpu.memory_space<hbm>>) target(%arg11 : memref<128x16xf32, #tpu.memory_space<vmem>>) offsets(%dma_start3A_192 : memref<128xi32, #tpu.memory_space<vmem>>) semaphore(%arg16 : memref<!tpu.dma_semaphore, #tpu.memory_space<semaphore_mem>>)
      } else {
      }
      %mul3A_143 = arith.constant 2 : i32
      %mul3A_144 = arith.muli %while3A_107, %mul3A_143 : i32
      %add3A_145 = arith.constant 1 : i32
      %add3A_146 = arith.addi %mul3A_144, %add3A_145 : i32
      %dma_wait3A_147 = arith.constant 0 : i32
      %dma_wait3A_148 = tpu.memref_slice %arg7[%add3A_146, %dma_wait3A_147] : memref<104x128xi32, #tpu.memory_space<vmem>> -> memref<1x128xi32, #tpu.memory_space<vmem>>
      %dma_wait3A_149 = tpu.memref_squeeze %dma_wait3A_148 : memref<1x128xi32, #tpu.memory_space<vmem>> -> memref<128xi32, #tpu.memory_space<vmem>>
      %dma_wait3A_150 = arith.constant 0 : i32
      %dma_wait3A_151 = arith.constant 0 : i32
      %dma_wait3A_152 = tpu.memref_slice %arg2[%dma_wait3A_150, %dma_wait3A_151] : memref<10240x80xf32, #tpu.memory_space<hbm>> -> memref<10240x80xf32, #tpu.memory_space<hbm>>
      tpu.wait_indirect_dma semaphore(%arg17 : memref<!tpu.dma_semaphore, #tpu.memory_space<semaphore_mem>>) src(%dma_wait3A_152 : memref<10240x80xf32, #tpu.memory_space<hbm>>) dst(%arg10 : memref<128x80xf32, #tpu.memory_space<vmem>>)
      %dma_wait3A_153 = arith.constant 0 : i32
      %dma_wait3A_154 = tpu.memref_slice %arg8[%add3A_146, %dma_wait3A_153] : memref<104x128xi32, #tpu.memory_space<vmem>> -> memref<1x128xi32, #tpu.memory_space<vmem>>
      %dma_wait3A_155 = tpu.memref_squeeze %dma_wait3A_154 : memref<1x128xi32, #tpu.memory_space<vmem>> -> memref<128xi32, #tpu.memory_space<vmem>>
      %dma_wait3A_156 = arith.constant 0 : i32
      %dma_wait3A_157 = arith.constant 0 : i32
      %dma_wait3A_158 = tpu.memref_slice %arg3[%dma_wait3A_156, %dma_wait3A_157] : memref<10240x16xf32, #tpu.memory_space<hbm>> -> memref<10240x16xf32, #tpu.memory_space<hbm>>
      tpu.wait_indirect_dma semaphore(%arg17 : memref<!tpu.dma_semaphore, #tpu.memory_space<semaphore_mem>>) src(%dma_wait3A_158 : memref<10240x16xf32, #tpu.memory_space<hbm>>) dst(%arg12 : memref<128x16xf32, #tpu.memory_space<vmem>>)
      %ge3A_159 = arith.constant 1 : i32
      %ge3A_160 = arith.cmpi sge, %while3A_107, %ge3A_159 : i32
      %convert_element_type3A_161 = arith.extui %ge3A_160 : i1 to i32
      %cond3A_162 = arith.constant 0 : i32
      %cond3A_163 = arith.cmpi ne, %convert_element_type3A_161, %cond3A_162 : i32
      scf.if %cond3A_163 {
        %sub3A_182 = arith.constant 2 : i32
        %sub3A_183 = arith.subi %add3A_146, %sub3A_182 : i32
        %dma_wait3A_184 = arith.constant 0 : i32
        %dma_wait3A_185 = tpu.memref_slice %arg8[%sub3A_183, %dma_wait3A_184] : memref<104x128xi32, #tpu.memory_space<vmem>> -> memref<1x128xi32, #tpu.memory_space<vmem>>
        %dma_wait3A_186 = tpu.memref_squeeze %dma_wait3A_185 : memref<1x128xi32, #tpu.memory_space<vmem>> -> memref<128xi32, #tpu.memory_space<vmem>>
        %dma_wait3A_187 = arith.constant 0 : i32
        %dma_wait3A_188 = arith.constant 0 : i32
        %dma_wait3A_189 = tpu.memref_slice %arg15[%dma_wait3A_187, %dma_wait3A_188] : memref<10240x80xf32, #tpu.memory_space<vmem_shared>> -> memref<10240x80xf32, #tpu.memory_space<vmem_shared>>
        tpu.wait_indirect_dma semaphore(%arg19 : memref<!tpu.dma_semaphore, #tpu.memory_space<semaphore_mem>>) src(%arg14 : memref<128x80xf32, #tpu.memory_space<vmem>>) dst(%dma_wait3A_189 : memref<10240x80xf32, #tpu.memory_space<vmem_shared>>)
      } else {
      }
      %scan3A_164 = arith.constant 0 : i32
      %scan3A_165 = arith.constant 0 : i32
      %scan3A_166 = arith.constant 32 : i32
      %scan3A_167 = arith.addi %scan3A_165, %scan3A_166 : i32
      %scan3A_168 = arith.constant 1 : i32
      scf.for %scan3A_182 = %scan3A_165 to %scan3A_167 step %scan3A_168  : i32 {
        %mul3A_183 = arith.constant 4 : i32
        %mul3A_184 = arith.muli %scan3A_182, %mul3A_183 : i32
        %add3A_185 = arith.constant 0 : i32
        %add3A_186 = arith.addi %mul3A_184, %add3A_185 : i32
        %get3A = arith.index_cast %add3A_186 : i32 to index
        %get3A_187 = arith.constant 64 : index
        %get3A_188 = tpu.vector_load %arg10[%get3A, %get3A_187] {strides = array<i32>} : memref<128x80xf32, #tpu.memory_space<vmem>>, vector<16xf32>,
        %get3A_189 = arith.index_cast %add3A_186 : i32 to index
        %get3A_190 = arith.constant 0 : index
        %get3A_191 = tpu.vector_load %arg12[%get3A_189, %get3A_190] {strides = array<i32>} : memref<128x16xf32, #tpu.memory_space<vmem>>, vector<16xf32>,
        %add3A_192 = arith.addf %get3A_188, %get3A_191 : vector<16xf32>
        %mul3A_193 = arith.constant 2.000000e-01 : f32
        %mul3A_194 = vector.broadcast %mul3A_193 : f32 to vector<16xf32>
        %mul3A_195 = arith.mulf %mul3A_194, %add3A_192 : vector<16xf32>
        %max3A = arith.maximumf %add3A_192, %mul3A_195 : vector<16xf32>
        %exp3A = math.exp %max3A : vector<16xf32>
        %swap3A = arith.index_cast %add3A_186 : i32 to index
        %swap3A_196 = arith.constant 64 : index
        %swap3A_197 = tpu.vector_load %arg14[%swap3A, %swap3A_196] {strides = array<i32>} : memref<128x80xf32, #tpu.memory_space<vmem>>, vector<16xf32>,
        tpu.vector_store %arg14[%swap3A, %swap3A_196], %exp3A {strides = array<i32>} : memref<128x80xf32, #tpu.memory_space<vmem>>, vector<16xf32>,
        %iota3A = tpu.iota {dimensions = array<i32: 0>} : vector<16xi32>
        %shift_right_arithmetic3A = arith.constant 3 : i32
        %shift_right_arithmetic3A_198 = vector.broadcast %shift_right_arithmetic3A : i32 to vector<16xi32>
        %shift_right_arithmetic3A_199 = arith.shrsi %iota3A, %shift_right_arithmetic3A_198 : vector<16xi32>
        %add3A_200 = arith.constant 0 : i32
        %add3A_201 = vector.broadcast %add3A_200 : i32 to vector<16xi32>
        %add3A_202 = arith.addi %shift_right_arithmetic3A_199, %add3A_201 : vector<16xi32>
        %broadcast_in_dim3A = vector.shape_cast %add3A_202 : vector<16xi32> to vector<16x1xi32>
        %gather3A = vector.shape_cast %broadcast_in_dim3A : vector<16x1xi32> to vector<16xi32>
        %gather3A_203 = tpu.dynamic_gather %exp3A[%gather3A] in [0] : vector<16xf32>, vector<16xi32> -> vector<16xf32>
        %get3A_204 = arith.index_cast %add3A_186 : i32 to index
        %get3A_205 = arith.constant 0 : index
        %get3A_206 = tpu.vector_load %arg10[%get3A_204, %get3A_205] {strides = array<i32>} : memref<128x80xf32, #tpu.memory_space<vmem>>, vector<16xf32>,
        %mul3A_207 = arith.mulf %get3A_206, %gather3A_203 : vector<16xf32>
        %swap3A_208 = arith.index_cast %add3A_186 : i32 to index
        %swap3A_209 = arith.constant 0 : index
        %swap3A_210 = tpu.vector_load %arg14[%swap3A_208, %swap3A_209] {strides = array<i32>} : memref<128x80xf32, #tpu.memory_space<vmem>>, vector<16xf32>,
        tpu.vector_store %arg14[%swap3A_208, %swap3A_209], %mul3A_207 {strides = array<i32>} : memref<128x80xf32, #tpu.memory_space<vmem>>, vector<16xf32>,
        %iota3A_211 = tpu.iota {dimensions = array<i32: 0>} : vector<16xi32>
        %shift_right_arithmetic3A_212 = arith.constant 3 : i32
        %shift_right_arithmetic3A_213 = vector.broadcast %shift_right_arithmetic3A_212 : i32 to vector<16xi32>
        %shift_right_arithmetic3A_214 = arith.shrsi %iota3A_211, %shift_right_arithmetic3A_213 : vector<16xi32>
        %add3A_215 = arith.constant 2 : i32
        %add3A_216 = vector.broadcast %add3A_215 : i32 to vector<16xi32>
        %add3A_217 = arith.addi %shift_right_arithmetic3A_214, %add3A_216 : vector<16xi32>
        %broadcast_in_dim3A_218 = vector.shape_cast %add3A_217 : vector<16xi32> to vector<16x1xi32>
        %gather3A_219 = vector.shape_cast %broadcast_in_dim3A_218 : vector<16x1xi32> to vector<16xi32>
        %gather3A_220 = tpu.dynamic_gather %exp3A[%gather3A_219] in [0] : vector<16xf32>, vector<16xi32> -> vector<16xf32>
        %get3A_221 = arith.index_cast %add3A_186 : i32 to index
        %get3A_222 = arith.constant 16 : index
        %get3A_223 = tpu.vector_load %arg10[%get3A_221, %get3A_222] {strides = array<i32>} : memref<128x80xf32, #tpu.memory_space<vmem>>, vector<16xf32>,
        %mul3A_224 = arith.mulf %get3A_223, %gather3A_220 : vector<16xf32>
        %swap3A_225 = arith.index_cast %add3A_186 : i32 to index
        %swap3A_226 = arith.constant 16 : index
        %swap3A_227 = tpu.vector_load %arg14[%swap3A_225, %swap3A_226] {strides = array<i32>} : memref<128x80xf32, #tpu.memory_space<vmem>>, vector<16xf32>,
        tpu.vector_store %arg14[%swap3A_225, %swap3A_226], %mul3A_224 {strides = array<i32>} : memref<128x80xf32, #tpu.memory_space<vmem>>, vector<16xf32>,
        %iota3A_228 = tpu.iota {dimensions = array<i32: 0>} : vector<16xi32>
        %shift_right_arithmetic3A_229 = arith.constant 3 : i32
        %shift_right_arithmetic3A_230 = vector.broadcast %shift_right_arithmetic3A_229 : i32 to vector<16xi32>
        %shift_right_arithmetic3A_231 = arith.shrsi %iota3A_228, %shift_right_arithmetic3A_230 : vector<16xi32>
        %add3A_232 = arith.constant 4 : i32
        %add3A_233 = vector.broadcast %add3A_232 : i32 to vector<16xi32>
        %add3A_234 = arith.addi %shift_right_arithmetic3A_231, %add3A_233 : vector<16xi32>
        %broadcast_in_dim3A_235 = vector.shape_cast %add3A_234 : vector<16xi32> to vector<16x1xi32>
        %gather3A_236 = vector.shape_cast %broadcast_in_dim3A_235 : vector<16x1xi32> to vector<16xi32>
        %gather3A_237 = tpu.dynamic_gather %exp3A[%gather3A_236] in [0] : vector<16xf32>, vector<16xi32> -> vector<16xf32>
        %get3A_238 = arith.index_cast %add3A_186 : i32 to index
        %get3A_239 = arith.constant 32 : index
        %get3A_240 = tpu.vector_load %arg10[%get3A_238, %get3A_239] {strides = array<i32>} : memref<128x80xf32, #tpu.memory_space<vmem>>, vector<16xf32>,
        %mul3A_241 = arith.mulf %get3A_240, %gather3A_237 : vector<16xf32>
        %swap3A_242 = arith.index_cast %add3A_186 : i32 to index
        %swap3A_243 = arith.constant 32 : index
        %swap3A_244 = tpu.vector_load %arg14[%swap3A_242, %swap3A_243] {strides = array<i32>} : memref<128x80xf32, #tpu.memory_space<vmem>>, vector<16xf32>,
        tpu.vector_store %arg14[%swap3A_242, %swap3A_243], %mul3A_241 {strides = array<i32>} : memref<128x80xf32, #tpu.memory_space<vmem>>, vector<16xf32>,
        %iota3A_245 = tpu.iota {dimensions = array<i32: 0>} : vector<16xi32>
        %shift_right_arithmetic3A_246 = arith.constant 3 : i32
        %shift_right_arithmetic3A_247 = vector.broadcast %shift_right_arithmetic3A_246 : i32 to vector<16xi32>
        %shift_right_arithmetic3A_248 = arith.shrsi %iota3A_245, %shift_right_arithmetic3A_247 : vector<16xi32>
        %add3A_249 = arith.constant 6 : i32
        %add3A_250 = vector.broadcast %add3A_249 : i32 to vector<16xi32>
        %add3A_251 = arith.addi %shift_right_arithmetic3A_248, %add3A_250 : vector<16xi32>
        %broadcast_in_dim3A_252 = vector.shape_cast %add3A_251 : vector<16xi32> to vector<16x1xi32>
        %gather3A_253 = vector.shape_cast %broadcast_in_dim3A_252 : vector<16x1xi32> to vector<16xi32>
        %gather3A_254 = tpu.dynamic_gather %exp3A[%gather3A_253] in [0] : vector<16xf32>, vector<16xi32> -> vector<16xf32>
        %get3A_255 = arith.index_cast %add3A_186 : i32 to index
        %get3A_256 = arith.constant 48 : index
        %get3A_257 = tpu.vector_load %arg10[%get3A_255, %get3A_256] {strides = array<i32>} : memref<128x80xf32, #tpu.memory_space<vmem>>, vector<16xf32>,
        %mul3A_258 = arith.mulf %get3A_257, %gather3A_254 : vector<16xf32>
        %swap3A_259 = arith.index_cast %add3A_186 : i32 to index
        %swap3A_260 = arith.constant 48 : index
        %swap3A_261 = tpu.vector_load %arg14[%swap3A_259, %swap3A_260] {strides = array<i32>} : memref<128x80xf32, #tpu.memory_space<vmem>>, vector<16xf32>,
        tpu.vector_store %arg14[%swap3A_259, %swap3A_260], %mul3A_258 {strides = array<i32>} : memref<128x80xf32, #tpu.memory_space<vmem>>, vector<16xf32>,
        %mul3A_262 = arith.constant 4 : i32
        %mul3A_263 = arith.muli %scan3A_182, %mul3A_262 : i32
        %add3A_264 = arith.constant 1 : i32
        %add3A_265 = arith.addi %mul3A_263, %add3A_264 : i32
        %get3A_266 = arith.index_cast %add3A_265 : i32 to index
        %get3A_267 = arith.constant 64 : index
        %get3A_268 = tpu.vector_load %arg10[%get3A_266, %get3A_267] {strides = array<i32>} : memref<128x80xf32, #tpu.memory_space<vmem>>, vector<16xf32>,
        %get3A_269 = arith.index_cast %add3A_265 : i32 to index
        %get3A_270 = arith.constant 0 : index
        %get3A_271 = tpu.vector_load %arg12[%get3A_269, %get3A_270] {strides = array<i32>} : memref<128x16xf32, #tpu.memory_space<vmem>>, vector<16xf32>,
        %add3A_272 = arith.addf %get3A_268, %get3A_271 : vector<16xf32>
        %mul3A_273 = arith.constant 2.000000e-01 : f32
        %mul3A_274 = vector.broadcast %mul3A_273 : f32 to vector<16xf32>
        %mul3A_275 = arith.mulf %mul3A_274, %add3A_272 : vector<16xf32>
        %max3A_276 = arith.maximumf %add3A_272, %mul3A_275 : vector<16xf32>
        %exp3A_277 = math.exp %max3A_276 : vector<16xf32>
        %swap3A_278 = arith.index_cast %add3A_265 : i32 to index
        %swap3A_279 = arith.constant 64 : index
        %swap3A_280 = tpu.vector_load %arg14[%swap3A_278, %swap3A_279] {strides = array<i32>} : memref<128x80xf32, #tpu.memory_space<vmem>>, vector<16xf32>,
        tpu.vector_store %arg14[%swap3A_278, %swap3A_279], %exp3A_277 {strides = array<i32>} : memref<128x80xf32, #tpu.memory_space<vmem>>, vector<16xf32>,
        %iota3A_281 = tpu.iota {dimensions = array<i32: 0>} : vector<16xi32>
        %shift_right_arithmetic3A_282 = arith.constant 3 : i32
        %shift_right_arithmetic3A_283 = vector.broadcast %shift_right_arithmetic3A_282 : i32 to vector<16xi32>
        %shift_right_arithmetic3A_284 = arith.shrsi %iota3A_281, %shift_right_arithmetic3A_283 : vector<16xi32>
        %add3A_285 = arith.constant 0 : i32
        %add3A_286 = vector.broadcast %add3A_285 : i32 to vector<16xi32>
        %add3A_287 = arith.addi %shift_right_arithmetic3A_284, %add3A_286 : vector<16xi32>
        %broadcast_in_dim3A_288 = vector.shape_cast %add3A_287 : vector<16xi32> to vector<16x1xi32>
        %gather3A_289 = vector.shape_cast %broadcast_in_dim3A_288 : vector<16x1xi32> to vector<16xi32>
        %gather3A_290 = tpu.dynamic_gather %exp3A_277[%gather3A_289] in [0] : vector<16xf32>, vector<16xi32> -> vector<16xf32>
        %get3A_291 = arith.index_cast %add3A_265 : i32 to index
        %get3A_292 = arith.constant 0 : index
        %get3A_293 = tpu.vector_load %arg10[%get3A_291, %get3A_292] {strides = array<i32>} : memref<128x80xf32, #tpu.memory_space<vmem>>, vector<16xf32>,
        %mul3A_294 = arith.mulf %get3A_293, %gather3A_290 : vector<16xf32>
        %swap3A_295 = arith.index_cast %add3A_265 : i32 to index
        %swap3A_296 = arith.constant 0 : index
        %swap3A_297 = tpu.vector_load %arg14[%swap3A_295, %swap3A_296] {strides = array<i32>} : memref<128x80xf32, #tpu.memory_space<vmem>>, vector<16xf32>,
        tpu.vector_store %arg14[%swap3A_295, %swap3A_296], %mul3A_294 {strides = array<i32>} : memref<128x80xf32, #tpu.memory_space<vmem>>, vector<16xf32>,
        %iota3A_298 = tpu.iota {dimensions = array<i32: 0>} : vector<16xi32>
        %shift_right_arithmetic3A_299 = arith.constant 3 : i32
        %shift_right_arithmetic3A_300 = vector.broadcast %shift_right_arithmetic3A_299 : i32 to vector<16xi32>
        %shift_right_arithmetic3A_301 = arith.shrsi %iota3A_298, %shift_right_arithmetic3A_300 : vector<16xi32>
        %add3A_302 = arith.constant 2 : i32
        %add3A_303 = vector.broadcast %add3A_302 : i32 to vector<16xi32>
        %add3A_304 = arith.addi %shift_right_arithmetic3A_301, %add3A_303 : vector<16xi32>
        %broadcast_in_dim3A_305 = vector.shape_cast %add3A_304 : vector<16xi32> to vector<16x1xi32>
        %gather3A_306 = vector.shape_cast %broadcast_in_dim3A_305 : vector<16x1xi32> to vector<16xi32>
        %gather3A_307 = tpu.dynamic_gather %exp3A_277[%gather3A_306] in [0] : vector<16xf32>, vector<16xi32> -> vector<16xf32>
        %get3A_308 = arith.index_cast %add3A_265 : i32 to index
        %get3A_309 = arith.constant 16 : index
        %get3A_310 = tpu.vector_load %arg10[%get3A_308, %get3A_309] {strides = array<i32>} : memref<128x80xf32, #tpu.memory_space<vmem>>, vector<16xf32>,
        %mul3A_311 = arith.mulf %get3A_310, %gather3A_307 : vector<16xf32>
        %swap3A_312 = arith.index_cast %add3A_265 : i32 to index
        %swap3A_313 = arith.constant 16 : index
        %swap3A_314 = tpu.vector_load %arg14[%swap3A_312, %swap3A_313] {strides = array<i32>} : memref<128x80xf32, #tpu.memory_space<vmem>>, vector<16xf32>,
        tpu.vector_store %arg14[%swap3A_312, %swap3A_313], %mul3A_311 {strides = array<i32>} : memref<128x80xf32, #tpu.memory_space<vmem>>, vector<16xf32>,
        %iota3A_315 = tpu.iota {dimensions = array<i32: 0>} : vector<16xi32>
        %shift_right_arithmetic3A_316 = arith.constant 3 : i32
        %shift_right_arithmetic3A_317 = vector.broadcast %shift_right_arithmetic3A_316 : i32 to vector<16xi32>
        %shift_right_arithmetic3A_318 = arith.shrsi %iota3A_315, %shift_right_arithmetic3A_317 : vector<16xi32>
        %add3A_319 = arith.constant 4 : i32
        %add3A_320 = vector.broadcast %add3A_319 : i32 to vector<16xi32>
        %add3A_321 = arith.addi %shift_right_arithmetic3A_318, %add3A_320 : vector<16xi32>
        %broadcast_in_dim3A_322 = vector.shape_cast %add3A_321 : vector<16xi32> to vector<16x1xi32>
        %gather3A_323 = vector.shape_cast %broadcast_in_dim3A_322 : vector<16x1xi32> to vector<16xi32>
        %gather3A_324 = tpu.dynamic_gather %exp3A_277[%gather3A_323] in [0] : vector<16xf32>, vector<16xi32> -> vector<16xf32>
        %get3A_325 = arith.index_cast %add3A_265 : i32 to index
        %get3A_326 = arith.constant 32 : index
        %get3A_327 = tpu.vector_load %arg10[%get3A_325, %get3A_326] {strides = array<i32>} : memref<128x80xf32, #tpu.memory_space<vmem>>, vector<16xf32>,
        %mul3A_328 = arith.mulf %get3A_327, %gather3A_324 : vector<16xf32>
        %swap3A_329 = arith.index_cast %add3A_265 : i32 to index
        %swap3A_330 = arith.constant 32 : index
        %swap3A_331 = tpu.vector_load %arg14[%swap3A_329, %swap3A_330] {strides = array<i32>} : memref<128x80xf32, #tpu.memory_space<vmem>>, vector<16xf32>,
        tpu.vector_store %arg14[%swap3A_329, %swap3A_330], %mul3A_328 {strides = array<i32>} : memref<128x80xf32, #tpu.memory_space<vmem>>, vector<16xf32>,
        %iota3A_332 = tpu.iota {dimensions = array<i32: 0>} : vector<16xi32>
        %shift_right_arithmetic3A_333 = arith.constant 3 : i32
        %shift_right_arithmetic3A_334 = vector.broadcast %shift_right_arithmetic3A_333 : i32 to vector<16xi32>
        %shift_right_arithmetic3A_335 = arith.shrsi %iota3A_332, %shift_right_arithmetic3A_334 : vector<16xi32>
        %add3A_336 = arith.constant 6 : i32
        %add3A_337 = vector.broadcast %add3A_336 : i32 to vector<16xi32>
        %add3A_338 = arith.addi %shift_right_arithmetic3A_335, %add3A_337 : vector<16xi32>
        %broadcast_in_dim3A_339 = vector.shape_cast %add3A_338 : vector<16xi32> to vector<16x1xi32>
        %gather3A_340 = vector.shape_cast %broadcast_in_dim3A_339 : vector<16x1xi32> to vector<16xi32>
        %gather3A_341 = tpu.dynamic_gather %exp3A_277[%gather3A_340] in [0] : vector<16xf32>, vector<16xi32> -> vector<16xf32>
        %get3A_342 = arith.index_cast %add3A_265 : i32 to index
        %get3A_343 = arith.constant 48 : index
        %get3A_344 = tpu.vector_load %arg10[%get3A_342, %get3A_343] {strides = array<i32>} : memref<128x80xf32, #tpu.memory_space<vmem>>, vector<16xf32>,
        %mul3A_345 = arith.mulf %get3A_344, %gather3A_341 : vector<16xf32>
        %swap3A_346 = arith.index_cast %add3A_265 : i32 to index
        %swap3A_347 = arith.constant 48 : index
        %swap3A_348 = tpu.vector_load %arg14[%swap3A_346, %swap3A_347] {strides = array<i32>} : memref<128x80xf32, #tpu.memory_space<vmem>>, vector<16xf32>,
        tpu.vector_store %arg14[%swap3A_346, %swap3A_347], %mul3A_345 {strides = array<i32>} : memref<128x80xf32, #tpu.memory_space<vmem>>, vector<16xf32>,
        %mul3A_349 = arith.constant 4 : i32
        %mul3A_350 = arith.muli %scan3A_182, %mul3A_349 : i32
        %add3A_351 = arith.constant 2 : i32
        %add3A_352 = arith.addi %mul3A_350, %add3A_351 : i32
        %get3A_353 = arith.index_cast %add3A_352 : i32 to index
        %get3A_354 = arith.constant 64 : index
        %get3A_355 = tpu.vector_load %arg10[%get3A_353, %get3A_354] {strides = array<i32>} : memref<128x80xf32, #tpu.memory_space<vmem>>, vector<16xf32>,
        %get3A_356 = arith.index_cast %add3A_352 : i32 to index
        %get3A_357 = arith.constant 0 : index
        %get3A_358 = tpu.vector_load %arg12[%get3A_356, %get3A_357] {strides = array<i32>} : memref<128x16xf32, #tpu.memory_space<vmem>>, vector<16xf32>,
        %add3A_359 = arith.addf %get3A_355, %get3A_358 : vector<16xf32>
        %mul3A_360 = arith.constant 2.000000e-01 : f32
        %mul3A_361 = vector.broadcast %mul3A_360 : f32 to vector<16xf32>
        %mul3A_362 = arith.mulf %mul3A_361, %add3A_359 : vector<16xf32>
        %max3A_363 = arith.maximumf %add3A_359, %mul3A_362 : vector<16xf32>
        %exp3A_364 = math.exp %max3A_363 : vector<16xf32>
        %swap3A_365 = arith.index_cast %add3A_352 : i32 to index
        %swap3A_366 = arith.constant 64 : index
        %swap3A_367 = tpu.vector_load %arg14[%swap3A_365, %swap3A_366] {strides = array<i32>} : memref<128x80xf32, #tpu.memory_space<vmem>>, vector<16xf32>,
        tpu.vector_store %arg14[%swap3A_365, %swap3A_366], %exp3A_364 {strides = array<i32>} : memref<128x80xf32, #tpu.memory_space<vmem>>, vector<16xf32>,
        %iota3A_368 = tpu.iota {dimensions = array<i32: 0>} : vector<16xi32>
        %shift_right_arithmetic3A_369 = arith.constant 3 : i32
        %shift_right_arithmetic3A_370 = vector.broadcast %shift_right_arithmetic3A_369 : i32 to vector<16xi32>
        %shift_right_arithmetic3A_371 = arith.shrsi %iota3A_368, %shift_right_arithmetic3A_370 : vector<16xi32>
        %add3A_372 = arith.constant 0 : i32
        %add3A_373 = vector.broadcast %add3A_372 : i32 to vector<16xi32>
        %add3A_374 = arith.addi %shift_right_arithmetic3A_371, %add3A_373 : vector<16xi32>
        %broadcast_in_dim3A_375 = vector.shape_cast %add3A_374 : vector<16xi32> to vector<16x1xi32>
        %gather3A_376 = vector.shape_cast %broadcast_in_dim3A_375 : vector<16x1xi32> to vector<16xi32>
        %gather3A_377 = tpu.dynamic_gather %exp3A_364[%gather3A_376] in [0] : vector<16xf32>, vector<16xi32> -> vector<16xf32>
        %get3A_378 = arith.index_cast %add3A_352 : i32 to index
        %get3A_379 = arith.constant 0 : index
        %get3A_380 = tpu.vector_load %arg10[%get3A_378, %get3A_379] {strides = array<i32>} : memref<128x80xf32, #tpu.memory_space<vmem>>, vector<16xf32>,
        %mul3A_381 = arith.mulf %get3A_380, %gather3A_377 : vector<16xf32>
        %swap3A_382 = arith.index_cast %add3A_352 : i32 to index
        %swap3A_383 = arith.constant 0 : index
        %swap3A_384 = tpu.vector_load %arg14[%swap3A_382, %swap3A_383] {strides = array<i32>} : memref<128x80xf32, #tpu.memory_space<vmem>>, vector<16xf32>,
        tpu.vector_store %arg14[%swap3A_382, %swap3A_383], %mul3A_381 {strides = array<i32>} : memref<128x80xf32, #tpu.memory_space<vmem>>, vector<16xf32>,
        %iota3A_385 = tpu.iota {dimensions = array<i32: 0>} : vector<16xi32>
        %shift_right_arithmetic3A_386 = arith.constant 3 : i32
        %shift_right_arithmetic3A_387 = vector.broadcast %shift_right_arithmetic3A_386 : i32 to vector<16xi32>
        %shift_right_arithmetic3A_388 = arith.shrsi %iota3A_385, %shift_right_arithmetic3A_387 : vector<16xi32>
        %add3A_389 = arith.constant 2 : i32
        %add3A_390 = vector.broadcast %add3A_389 : i32 to vector<16xi32>
        %add3A_391 = arith.addi %shift_right_arithmetic3A_388, %add3A_390 : vector<16xi32>
        %broadcast_in_dim3A_392 = vector.shape_cast %add3A_391 : vector<16xi32> to vector<16x1xi32>
        %gather3A_393 = vector.shape_cast %broadcast_in_dim3A_392 : vector<16x1xi32> to vector<16xi32>
        %gather3A_394 = tpu.dynamic_gather %exp3A_364[%gather3A_393] in [0] : vector<16xf32>, vector<16xi32> -> vector<16xf32>
        %get3A_395 = arith.index_cast %add3A_352 : i32 to index
        %get3A_396 = arith.constant 16 : index
        %get3A_397 = tpu.vector_load %arg10[%get3A_395, %get3A_396] {strides = array<i32>} : memref<128x80xf32, #tpu.memory_space<vmem>>, vector<16xf32>,
        %mul3A_398 = arith.mulf %get3A_397, %gather3A_394 : vector<16xf32>
        %swap3A_399 = arith.index_cast %add3A_352 : i32 to index
        %swap3A_400 = arith.constant 16 : index
        %swap3A_401 = tpu.vector_load %arg14[%swap3A_399, %swap3A_400] {strides = array<i32>} : memref<128x80xf32, #tpu.memory_space<vmem>>, vector<16xf32>,
        tpu.vector_store %arg14[%swap3A_399, %swap3A_400], %mul3A_398 {strides = array<i32>} : memref<128x80xf32, #tpu.memory_space<vmem>>, vector<16xf32>,
        %iota3A_402 = tpu.iota {dimensions = array<i32: 0>} : vector<16xi32>
        %shift_right_arithmetic3A_403 = arith.constant 3 : i32
        %shift_right_arithmetic3A_404 = vector.broadcast %shift_right_arithmetic3A_403 : i32 to vector<16xi32>
        %shift_right_arithmetic3A_405 = arith.shrsi %iota3A_402, %shift_right_arithmetic3A_404 : vector<16xi32>
        %add3A_406 = arith.constant 4 : i32
        %add3A_407 = vector.broadcast %add3A_406 : i32 to vector<16xi32>
        %add3A_408 = arith.addi %shift_right_arithmetic3A_405, %add3A_407 : vector<16xi32>
        %broadcast_in_dim3A_409 = vector.shape_cast %add3A_408 : vector<16xi32> to vector<16x1xi32>
        %gather3A_410 = vector.shape_cast %broadcast_in_dim3A_409 : vector<16x1xi32> to vector<16xi32>
        %gather3A_411 = tpu.dynamic_gather %exp3A_364[%gather3A_410] in [0] : vector<16xf32>, vector<16xi32> -> vector<16xf32>
        %get3A_412 = arith.index_cast %add3A_352 : i32 to index
        %get3A_413 = arith.constant 32 : index
        %get3A_414 = tpu.vector_load %arg10[%get3A_412, %get3A_413] {strides = array<i32>} : memref<128x80xf32, #tpu.memory_space<vmem>>, vector<16xf32>,
        %mul3A_415 = arith.mulf %get3A_414, %gather3A_411 : vector<16xf32>
        %swap3A_416 = arith.index_cast %add3A_352 : i32 to index
        %swap3A_417 = arith.constant 32 : index
        %swap3A_418 = tpu.vector_load %arg14[%swap3A_416, %swap3A_417] {strides = array<i32>} : memref<128x80xf32, #tpu.memory_space<vmem>>, vector<16xf32>,
        tpu.vector_store %arg14[%swap3A_416, %swap3A_417], %mul3A_415 {strides = array<i32>} : memref<128x80xf32, #tpu.memory_space<vmem>>, vector<16xf32>,
        %iota3A_419 = tpu.iota {dimensions = array<i32: 0>} : vector<16xi32>
        %shift_right_arithmetic3A_420 = arith.constant 3 : i32
        %shift_right_arithmetic3A_421 = vector.broadcast %shift_right_arithmetic3A_420 : i32 to vector<16xi32>
        %shift_right_arithmetic3A_422 = arith.shrsi %iota3A_419, %shift_right_arithmetic3A_421 : vector<16xi32>
        %add3A_423 = arith.constant 6 : i32
        %add3A_424 = vector.broadcast %add3A_423 : i32 to vector<16xi32>
        %add3A_425 = arith.addi %shift_right_arithmetic3A_422, %add3A_424 : vector<16xi32>
        %broadcast_in_dim3A_426 = vector.shape_cast %add3A_425 : vector<16xi32> to vector<16x1xi32>
        %gather3A_427 = vector.shape_cast %broadcast_in_dim3A_426 : vector<16x1xi32> to vector<16xi32>
        %gather3A_428 = tpu.dynamic_gather %exp3A_364[%gather3A_427] in [0] : vector<16xf32>, vector<16xi32> -> vector<16xf32>
        %get3A_429 = arith.index_cast %add3A_352 : i32 to index
        %get3A_430 = arith.constant 48 : index
        %get3A_431 = tpu.vector_load %arg10[%get3A_429, %get3A_430] {strides = array<i32>} : memref<128x80xf32, #tpu.memory_space<vmem>>, vector<16xf32>,
        %mul3A_432 = arith.mulf %get3A_431, %gather3A_428 : vector<16xf32>
        %swap3A_433 = arith.index_cast %add3A_352 : i32 to index
        %swap3A_434 = arith.constant 48 : index
        %swap3A_435 = tpu.vector_load %arg14[%swap3A_433, %swap3A_434] {strides = array<i32>} : memref<128x80xf32, #tpu.memory_space<vmem>>, vector<16xf32>,
        tpu.vector_store %arg14[%swap3A_433, %swap3A_434], %mul3A_432 {strides = array<i32>} : memref<128x80xf32, #tpu.memory_space<vmem>>, vector<16xf32>,
        %mul3A_436 = arith.constant 4 : i32
        %mul3A_437 = arith.muli %scan3A_182, %mul3A_436 : i32
        %add3A_438 = arith.constant 3 : i32
        %add3A_439 = arith.addi %mul3A_437, %add3A_438 : i32
        %get3A_440 = arith.index_cast %add3A_439 : i32 to index
        %get3A_441 = arith.constant 64 : index
        %get3A_442 = tpu.vector_load %arg10[%get3A_440, %get3A_441] {strides = array<i32>} : memref<128x80xf32, #tpu.memory_space<vmem>>, vector<16xf32>,
        %get3A_443 = arith.index_cast %add3A_439 : i32 to index
        %get3A_444 = arith.constant 0 : index
        %get3A_445 = tpu.vector_load %arg12[%get3A_443, %get3A_444] {strides = array<i32>} : memref<128x16xf32, #tpu.memory_space<vmem>>, vector<16xf32>,
        %add3A_446 = arith.addf %get3A_442, %get3A_445 : vector<16xf32>
        %mul3A_447 = arith.constant 2.000000e-01 : f32
        %mul3A_448 = vector.broadcast %mul3A_447 : f32 to vector<16xf32>
        %mul3A_449 = arith.mulf %mul3A_448, %add3A_446 : vector<16xf32>
        %max3A_450 = arith.maximumf %add3A_446, %mul3A_449 : vector<16xf32>
        %exp3A_451 = math.exp %max3A_450 : vector<16xf32>
        %swap3A_452 = arith.index_cast %add3A_439 : i32 to index
        %swap3A_453 = arith.constant 64 : index
        %swap3A_454 = tpu.vector_load %arg14[%swap3A_452, %swap3A_453] {strides = array<i32>} : memref<128x80xf32, #tpu.memory_space<vmem>>, vector<16xf32>,
        tpu.vector_store %arg14[%swap3A_452, %swap3A_453], %exp3A_451 {strides = array<i32>} : memref<128x80xf32, #tpu.memory_space<vmem>>, vector<16xf32>,
        %iota3A_455 = tpu.iota {dimensions = array<i32: 0>} : vector<16xi32>
        %shift_right_arithmetic3A_456 = arith.constant 3 : i32
        %shift_right_arithmetic3A_457 = vector.broadcast %shift_right_arithmetic3A_456 : i32 to vector<16xi32>
        %shift_right_arithmetic3A_458 = arith.shrsi %iota3A_455, %shift_right_arithmetic3A_457 : vector<16xi32>
        %add3A_459 = arith.constant 0 : i32
        %add3A_460 = vector.broadcast %add3A_459 : i32 to vector<16xi32>
        %add3A_461 = arith.addi %shift_right_arithmetic3A_458, %add3A_460 : vector<16xi32>
        %broadcast_in_dim3A_462 = vector.shape_cast %add3A_461 : vector<16xi32> to vector<16x1xi32>
        %gather3A_463 = vector.shape_cast %broadcast_in_dim3A_462 : vector<16x1xi32> to vector<16xi32>
        %gather3A_464 = tpu.dynamic_gather %exp3A_451[%gather3A_463] in [0] : vector<16xf32>, vector<16xi32> -> vector<16xf32>
        %get3A_465 = arith.index_cast %add3A_439 : i32 to index
        %get3A_466 = arith.constant 0 : index
        %get3A_467 = tpu.vector_load %arg10[%get3A_465, %get3A_466] {strides = array<i32>} : memref<128x80xf32, #tpu.memory_space<vmem>>, vector<16xf32>,
        %mul3A_468 = arith.mulf %get3A_467, %gather3A_464 : vector<16xf32>
        %swap3A_469 = arith.index_cast %add3A_439 : i32 to index
        %swap3A_470 = arith.constant 0 : index
        %swap3A_471 = tpu.vector_load %arg14[%swap3A_469, %swap3A_470] {strides = array<i32>} : memref<128x80xf32, #tpu.memory_space<vmem>>, vector<16xf32>,
        tpu.vector_store %arg14[%swap3A_469, %swap3A_470], %mul3A_468 {strides = array<i32>} : memref<128x80xf32, #tpu.memory_space<vmem>>, vector<16xf32>,
        %iota3A_472 = tpu.iota {dimensions = array<i32: 0>} : vector<16xi32>
        %shift_right_arithmetic3A_473 = arith.constant 3 : i32
        %shift_right_arithmetic3A_474 = vector.broadcast %shift_right_arithmetic3A_473 : i32 to vector<16xi32>
        %shift_right_arithmetic3A_475 = arith.shrsi %iota3A_472, %shift_right_arithmetic3A_474 : vector<16xi32>
        %add3A_476 = arith.constant 2 : i32
        %add3A_477 = vector.broadcast %add3A_476 : i32 to vector<16xi32>
        %add3A_478 = arith.addi %shift_right_arithmetic3A_475, %add3A_477 : vector<16xi32>
        %broadcast_in_dim3A_479 = vector.shape_cast %add3A_478 : vector<16xi32> to vector<16x1xi32>
        %gather3A_480 = vector.shape_cast %broadcast_in_dim3A_479 : vector<16x1xi32> to vector<16xi32>
        %gather3A_481 = tpu.dynamic_gather %exp3A_451[%gather3A_480] in [0] : vector<16xf32>, vector<16xi32> -> vector<16xf32>
        %get3A_482 = arith.index_cast %add3A_439 : i32 to index
        %get3A_483 = arith.constant 16 : index
        %get3A_484 = tpu.vector_load %arg10[%get3A_482, %get3A_483] {strides = array<i32>} : memref<128x80xf32, #tpu.memory_space<vmem>>, vector<16xf32>,
        %mul3A_485 = arith.mulf %get3A_484, %gather3A_481 : vector<16xf32>
        %swap3A_486 = arith.index_cast %add3A_439 : i32 to index
        %swap3A_487 = arith.constant 16 : index
        %swap3A_488 = tpu.vector_load %arg14[%swap3A_486, %swap3A_487] {strides = array<i32>} : memref<128x80xf32, #tpu.memory_space<vmem>>, vector<16xf32>,
        tpu.vector_store %arg14[%swap3A_486, %swap3A_487], %mul3A_485 {strides = array<i32>} : memref<128x80xf32, #tpu.memory_space<vmem>>, vector<16xf32>,
        %iota3A_489 = tpu.iota {dimensions = array<i32: 0>} : vector<16xi32>
        %shift_right_arithmetic3A_490 = arith.constant 3 : i32
        %shift_right_arithmetic3A_491 = vector.broadcast %shift_right_arithmetic3A_490 : i32 to vector<16xi32>
        %shift_right_arithmetic3A_492 = arith.shrsi %iota3A_489, %shift_right_arithmetic3A_491 : vector<16xi32>
        %add3A_493 = arith.constant 4 : i32
        %add3A_494 = vector.broadcast %add3A_493 : i32 to vector<16xi32>
        %add3A_495 = arith.addi %shift_right_arithmetic3A_492, %add3A_494 : vector<16xi32>
        %broadcast_in_dim3A_496 = vector.shape_cast %add3A_495 : vector<16xi32> to vector<16x1xi32>
        %gather3A_497 = vector.shape_cast %broadcast_in_dim3A_496 : vector<16x1xi32> to vector<16xi32>
        %gather3A_498 = tpu.dynamic_gather %exp3A_451[%gather3A_497] in [0] : vector<16xf32>, vector<16xi32> -> vector<16xf32>
        %get3A_499 = arith.index_cast %add3A_439 : i32 to index
        %get3A_500 = arith.constant 32 : index
        %get3A_501 = tpu.vector_load %arg10[%get3A_499, %get3A_500] {strides = array<i32>} : memref<128x80xf32, #tpu.memory_space<vmem>>, vector<16xf32>,
        %mul3A_502 = arith.mulf %get3A_501, %gather3A_498 : vector<16xf32>
        %swap3A_503 = arith.index_cast %add3A_439 : i32 to index
        %swap3A_504 = arith.constant 32 : index
        %swap3A_505 = tpu.vector_load %arg14[%swap3A_503, %swap3A_504] {strides = array<i32>} : memref<128x80xf32, #tpu.memory_space<vmem>>, vector<16xf32>,
        tpu.vector_store %arg14[%swap3A_503, %swap3A_504], %mul3A_502 {strides = array<i32>} : memref<128x80xf32, #tpu.memory_space<vmem>>, vector<16xf32>,
        %iota3A_506 = tpu.iota {dimensions = array<i32: 0>} : vector<16xi32>
        %shift_right_arithmetic3A_507 = arith.constant 3 : i32
        %shift_right_arithmetic3A_508 = vector.broadcast %shift_right_arithmetic3A_507 : i32 to vector<16xi32>
        %shift_right_arithmetic3A_509 = arith.shrsi %iota3A_506, %shift_right_arithmetic3A_508 : vector<16xi32>
        %add3A_510 = arith.constant 6 : i32
        %add3A_511 = vector.broadcast %add3A_510 : i32 to vector<16xi32>
        %add3A_512 = arith.addi %shift_right_arithmetic3A_509, %add3A_511 : vector<16xi32>
        %broadcast_in_dim3A_513 = vector.shape_cast %add3A_512 : vector<16xi32> to vector<16x1xi32>
        %gather3A_514 = vector.shape_cast %broadcast_in_dim3A_513 : vector<16x1xi32> to vector<16xi32>
        %gather3A_515 = tpu.dynamic_gather %exp3A_451[%gather3A_514] in [0] : vector<16xf32>, vector<16xi32> -> vector<16xf32>
        %get3A_516 = arith.index_cast %add3A_439 : i32 to index
        %get3A_517 = arith.constant 48 : index
        %get3A_518 = tpu.vector_load %arg10[%get3A_516, %get3A_517] {strides = array<i32>} : memref<128x80xf32, #tpu.memory_space<vmem>>, vector<16xf32>,
        %mul3A_519 = arith.mulf %get3A_518, %gather3A_515 : vector<16xf32>
        %swap3A_520 = arith.index_cast %add3A_439 : i32 to index
        %swap3A_521 = arith.constant 48 : index
        %swap3A_522 = tpu.vector_load %arg14[%swap3A_520, %swap3A_521] {strides = array<i32>} : memref<128x80xf32, #tpu.memory_space<vmem>>, vector<16xf32>,
        tpu.vector_store %arg14[%swap3A_520, %swap3A_521], %mul3A_519 {strides = array<i32>} : memref<128x80xf32, #tpu.memory_space<vmem>>, vector<16xf32>,
      }
      %scan3A_169 = arith.constant 32 : i32
      %dma_start3A_170 = arith.constant 0 : i32
      %dma_start3A_171 = tpu.memref_slice %arg8[%add3A_146, %dma_start3A_170] : memref<104x128xi32, #tpu.memory_space<vmem>> -> memref<1x128xi32, #tpu.memory_space<vmem>>
      %dma_start3A_172 = tpu.memref_squeeze %dma_start3A_171 : memref<1x128xi32, #tpu.memory_space<vmem>> -> memref<128xi32, #tpu.memory_space<vmem>>
      %dma_start3A_173 = arith.constant 0 : i32
      %dma_start3A_174 = arith.constant 0 : i32
      %dma_start3A_175 = tpu.memref_slice %arg15[%dma_start3A_173, %dma_start3A_174] : memref<10240x80xf32, #tpu.memory_space<vmem_shared>> -> memref<10240x80xf32, #tpu.memory_space<vmem_shared>>
      tpu.enqueue_indirect_dma source(%arg14 : memref<128x80xf32, #tpu.memory_space<vmem>>) target(%dma_start3A_175 : memref<10240x80xf32, #tpu.memory_space<vmem_shared>>) offsets(%dma_start3A_172 : memref<128xi32, #tpu.memory_space<vmem>>) semaphore(%arg19 : memref<!tpu.dma_semaphore, #tpu.memory_space<semaphore_mem>>) {add = true}
      %add3A_176 = arith.constant 2 : i32
      %add3A_177 = arith.addi %add3A_146, %add3A_176 : i32
      %lt3A_178 = arith.cmpi slt, %add3A_177, %add3A_1 : i32
      %convert_element_type3A_179 = arith.extui %lt3A_178 : i1 to i32
      %cond3A_180 = arith.constant 0 : i32
      %cond3A_181 = arith.cmpi ne, %convert_element_type3A_179, %cond3A_180 : i32
      scf.if %cond3A_181 {
        %add3A_182 = arith.constant 2 : i32
        %add3A_183 = arith.addi %add3A_146, %add3A_182 : i32
        %dma_start3A_184 = arith.constant 0 : i32
        %dma_start3A_185 = tpu.memref_slice %arg7[%add3A_183, %dma_start3A_184] : memref<104x128xi32, #tpu.memory_space<vmem>> -> memref<1x128xi32, #tpu.memory_space<vmem>>
        %dma_start3A_186 = tpu.memref_squeeze %dma_start3A_185 : memref<1x128xi32, #tpu.memory_space<vmem>> -> memref<128xi32, #tpu.memory_space<vmem>>
        %dma_start3A_187 = arith.constant 0 : i32
        %dma_start3A_188 = arith.constant 0 : i32
        %dma_start3A_189 = tpu.memref_slice %arg2[%dma_start3A_187, %dma_start3A_188] : memref<10240x80xf32, #tpu.memory_space<hbm>> -> memref<10240x80xf32, #tpu.memory_space<hbm>>
        tpu.enqueue_indirect_dma source(%dma_start3A_189 : memref<10240x80xf32, #tpu.memory_space<hbm>>) target(%arg10 : memref<128x80xf32, #tpu.memory_space<vmem>>) offsets(%dma_start3A_186 : memref<128xi32, #tpu.memory_space<vmem>>) semaphore(%arg17 : memref<!tpu.dma_semaphore, #tpu.memory_space<semaphore_mem>>)
        %dma_start3A_190 = arith.constant 0 : i32
        %dma_start3A_191 = tpu.memref_slice %arg8[%add3A_183, %dma_start3A_190] : memref<104x128xi32, #tpu.memory_space<vmem>> -> memref<1x128xi32, #tpu.memory_space<vmem>>
        %dma_start3A_192 = tpu.memref_squeeze %dma_start3A_191 : memref<1x128xi32, #tpu.memory_space<vmem>> -> memref<128xi32, #tpu.memory_space<vmem>>
        %dma_start3A_193 = arith.constant 0 : i32
        %dma_start3A_194 = arith.constant 0 : i32
        %dma_start3A_195 = tpu.memref_slice %arg3[%dma_start3A_193, %dma_start3A_194] : memref<10240x16xf32, #tpu.memory_space<hbm>> -> memref<10240x16xf32, #tpu.memory_space<hbm>>
        tpu.enqueue_indirect_dma source(%dma_start3A_195 : memref<10240x16xf32, #tpu.memory_space<hbm>>) target(%arg12 : memref<128x16xf32, #tpu.memory_space<vmem>>) offsets(%dma_start3A_192 : memref<128xi32, #tpu.memory_space<vmem>>) semaphore(%arg17 : memref<!tpu.dma_semaphore, #tpu.memory_space<semaphore_mem>>)
      } else {
      }
    }
    %sub3A_83 = arith.constant 2 : i32
    %sub3A_84 = arith.subi %add3A_1, %sub3A_83 : i32
    %add3A_85 = arith.constant 0 : i32
    %add3A_86 = arith.addi %sub3A_84, %add3A_85 : i32
    %dma_wait3A = arith.constant 0 : i32
    %dma_wait3A_87 = tpu.memref_slice %arg8[%add3A_86, %dma_wait3A] : memref<104x128xi32, #tpu.memory_space<vmem>> -> memref<1x128xi32, #tpu.memory_space<vmem>>
    %dma_wait3A_88 = tpu.memref_squeeze %dma_wait3A_87 : memref<1x128xi32, #tpu.memory_space<vmem>> -> memref<128xi32, #tpu.memory_space<vmem>>
    %dma_wait3A_89 = arith.constant 0 : i32
    %dma_wait3A_90 = arith.constant 0 : i32
    %dma_wait3A_91 = tpu.memref_slice %arg15[%dma_wait3A_89, %dma_wait3A_90] : memref<10240x80xf32, #tpu.memory_space<vmem_shared>> -> memref<10240x80xf32, #tpu.memory_space<vmem_shared>>
    tpu.wait_indirect_dma semaphore(%arg18 : memref<!tpu.dma_semaphore, #tpu.memory_space<semaphore_mem>>) src(%arg13 : memref<128x80xf32, #tpu.memory_space<vmem>>) dst(%dma_wait3A_91 : memref<10240x80xf32, #tpu.memory_space<vmem_shared>>)
    %sub3A_92 = arith.constant 2 : i32
    %sub3A_93 = arith.subi %add3A_1, %sub3A_92 : i32
    %add3A_94 = arith.constant 1 : i32
    %add3A_95 = arith.addi %sub3A_93, %add3A_94 : i32
    %dma_wait3A_96 = arith.constant 0 : i32
    %dma_wait3A_97 = tpu.memref_slice %arg8[%add3A_95, %dma_wait3A_96] : memref<104x128xi32, #tpu.memory_space<vmem>> -> memref<1x128xi32, #tpu.memory_space<vmem>>
    %dma_wait3A_98 = tpu.memref_squeeze %dma_wait3A_97 : memref<1x128xi32, #tpu.memory_space<vmem>> -> memref<128xi32, #tpu.memory_space<vmem>>
    %dma_wait3A_99 = arith.constant 0 : i32
    %dma_wait3A_100 = arith.constant 0 : i32
    %dma_wait3A_101 = tpu.memref_slice %arg15[%dma_wait3A_99, %dma_wait3A_100] : memref<10240x80xf32, #tpu.memory_space<vmem_shared>> -> memref<10240x80xf32, #tpu.memory_space<vmem_shared>>
    tpu.wait_indirect_dma semaphore(%arg19 : memref<!tpu.dma_semaphore, #tpu.memory_space<semaphore_mem>>) src(%arg14 : memref<128x80xf32, #tpu.memory_space<vmem>>) dst(%dma_wait3A_101 : memref<10240x80xf32, #tpu.memory_space<vmem_shared>>)
    %barrier3A_102 = arith.constant 0 : index
    tpu.barrier barrier_id(%barrier3A_102)
    %mul3A_103 = arith.constant 640 : i32
    %mul3A_104 = arith.muli %arg1, %mul3A_103 : i32
    %mul3A_105 = arith.constant 640 : i32
    %mul3A_106 = arith.muli %arg1, %mul3A_105 : i32
    "tpu.region"() ({
      %run_scoped3A = tpu.sem_alloc : memref<!tpu.dma_semaphore, #tpu.memory_space<semaphore_mem>>
      %dma_start3A_107 = arith.constant 0 : i32
      %dma_start3A_108 = tpu.memref_slice %arg6[%arg0, %mul3A_106, %dma_start3A_107] : memref<2x10240x80xf32, #tpu.memory_space<hbm>> -> memref<1x640x80xf32, #tpu.memory_space<hbm>>
      %dma_start3A_109 = tpu.memref_squeeze %dma_start3A_108 : memref<1x640x80xf32, #tpu.memory_space<hbm>> -> memref<640x80xf32, #tpu.memory_space<hbm>>
      %dma_start3A_110 = arith.constant 0 : i32
      %dma_start3A_111 = tpu.memref_slice %arg15[%mul3A_104, %dma_start3A_110] : memref<10240x80xf32, #tpu.memory_space<vmem_shared>> -> memref<640x80xf32, #tpu.memory_space<vmem_shared>>
      tpu.enqueue_dma source(%dma_start3A_111 : memref<640x80xf32, #tpu.memory_space<vmem_shared>>) target(%dma_start3A_109 : memref<640x80xf32, #tpu.memory_space<hbm>>) target_semaphore(%run_scoped3A : memref<!tpu.dma_semaphore, #tpu.memory_space<semaphore_mem>>)
      %dma_wait3A_112 = arith.constant 0 : i32
      %dma_wait3A_113 = tpu.memref_slice %arg6[%arg0, %mul3A_106, %dma_wait3A_112] : memref<2x10240x80xf32, #tpu.memory_space<hbm>> -> memref<1x640x80xf32, #tpu.memory_space<hbm>>
      %dma_wait3A_114 = tpu.memref_squeeze %dma_wait3A_113 : memref<1x640x80xf32, #tpu.memory_space<hbm>> -> memref<640x80xf32, #tpu.memory_space<hbm>>
      %dma_wait3A_115 = arith.constant 0 : i32
      %dma_wait3A_116 = tpu.memref_slice %arg15[%mul3A_104, %dma_wait3A_115] : memref<10240x80xf32, #tpu.memory_space<vmem_shared>> -> memref<640x80xf32, #tpu.memory_space<vmem_shared>>
      tpu.wait_dma2 semaphore(%run_scoped3A : memref<!tpu.dma_semaphore, #tpu.memory_space<semaphore_mem>>) src(%dma_wait3A_116 : memref<640x80xf32, #tpu.memory_space<vmem_shared>>) dst(%dma_wait3A_114 : memref<640x80xf32, #tpu.memory_space<hbm>>)
      tpu.yield
    }) : () -> ()
    return
  }
}

module attributes {stable_mosaic.version = 14 : i64} {
  func.func @_tc_a_body(%arg0: i32, %arg1: memref<512x128xf32, #tpu.memory_space<vmem>>, %arg2: memref<128x64xf32, #tpu.memory_space<vmem>>, %arg3: memref<64x8xf32, #tpu.memory_space<vmem>>, %arg4: memref<64x8xf32, #tpu.memory_space<vmem>>, %arg5: memref<512x80xf32, #tpu.memory_space<vmem>>, %arg6: memref<512x16xf32, #tpu.memory_space<vmem>>) attributes {dimension_semantics = [#tpu.dimension_semantics<arbitrary>], iteration_bounds = array<i64: 20>, scalar_prefetch = 0 : i64, scratch_operands = 0 : i64, tpu.core_type = #tpu.core_type<tc>, window_params = [{transform_indices = @transform_0, window_bounds = array<i64: 512, 128>}, {pipeline_mode = #tpu.pipeline_mode<synchronous>, transform_indices = @transform_1, window_bounds = array<i64: 128, 64>}, {pipeline_mode = #tpu.pipeline_mode<synchronous>, transform_indices = @transform_2, window_bounds = array<i64: 64, 8>}, {pipeline_mode = #tpu.pipeline_mode<synchronous>, transform_indices = @transform_3, window_bounds = array<i64: 64, 8>}, {transform_indices = @transform_4, window_bounds = array<i64: 512, 80>}, {transform_indices = @transform_5, window_bounds = array<i64: 512, 16>}]} {
    %get3A = arith.constant 0 : index
    %get3A_0 = arith.constant 0 : index
    %get3A_1 = vector.load %arg1[%get3A, %get3A_0] : memref<512x128xf32, #tpu.memory_space<vmem>>, vector<512x128xf32>
    %get3A_2 = arith.constant 0 : index
    %get3A_3 = arith.constant 0 : index
    %get3A_4 = vector.load %arg2[%get3A_2, %get3A_3] : memref<128x64xf32, #tpu.memory_space<vmem>>, vector<128x64xf32>
    %dot_general3A = arith.constant dense<0.000000e+00> : vector<512x64xf32>
    %dot_general3A_5 = tpu.matmul %get3A_1, %get3A_4, %dot_general3A {dimension_numbers = #tpu.dot_dimension_numbers<[1], [0], [0], [1], [0, 0, 1, 1], [], []>, transpose_lhs_hint = false} : vector<512x128xf32>, vector<128x64xf32>, vector<512x64xf32> -> vector<512x64xf32>
    %get3A_6 = arith.constant 0 : index
    %get3A_7 = arith.constant 0 : index
    %get3A_8 = vector.load %arg3[%get3A_6, %get3A_7] : memref<64x8xf32, #tpu.memory_space<vmem>>, vector<64x8xf32>
    %dot_general3A_9 = arith.constant dense<0.000000e+00> : vector<512x8xf32>
    %dot_general3A_10 = tpu.matmul %dot_general3A_5, %get3A_8, %dot_general3A_9 {dimension_numbers = #tpu.dot_dimension_numbers<[1], [0], [0], [1], [0, 0, 1, 1], [], []>, transpose_lhs_hint = false} : vector<512x64xf32>, vector<64x8xf32>, vector<512x8xf32> -> vector<512x8xf32>
    %get3A_11 = arith.constant 0 : index
    %get3A_12 = arith.constant 0 : index
    %get3A_13 = vector.load %arg4[%get3A_11, %get3A_12] : memref<64x8xf32, #tpu.memory_space<vmem>>, vector<64x8xf32>
    %dot_general3A_14 = arith.constant dense<0.000000e+00> : vector<512x8xf32>
    %dot_general3A_15 = tpu.matmul %dot_general3A_5, %get3A_13, %dot_general3A_14 {dimension_numbers = #tpu.dot_dimension_numbers<[1], [0], [0], [1], [0, 0, 1, 1], [], []>, transpose_lhs_hint = false} : vector<512x64xf32>, vector<64x8xf32>, vector<512x8xf32> -> vector<512x8xf32>
    %broadcast_in_dim3A = arith.constant 0.000000e+00 : f32
    %broadcast_in_dim3A_16 = vector.broadcast %broadcast_in_dim3A : f32 to vector<512x8xf32>
    %concatenate3A = tpu.concatenate %dot_general3A_5, %dot_general3A_10, %broadcast_in_dim3A_16 in 1 : vector<512x64xf32>, vector<512x8xf32>, vector<512x8xf32> -> vector<512x80xf32>
    %swap3A = arith.constant 0 : index
    %swap3A_17 = arith.constant 0 : index
    %swap3A_18 = vector.load %arg5[%swap3A, %swap3A_17] : memref<512x80xf32, #tpu.memory_space<vmem>>, vector<512x80xf32>
    tpu.vector_store %arg5[%swap3A, %swap3A_17], %concatenate3A {strides = array<i32>} : memref<512x80xf32, #tpu.memory_space<vmem>>, vector<512x80xf32>,
    %concatenate3A_19 = tpu.concatenate %dot_general3A_15, %broadcast_in_dim3A_16 in 1 : vector<512x8xf32>, vector<512x8xf32> -> vector<512x16xf32>
    %swap3A_20 = arith.constant 0 : index
    %swap3A_21 = arith.constant 0 : index
    %swap3A_22 = vector.load %arg6[%swap3A_20, %swap3A_21] : memref<512x16xf32, #tpu.memory_space<vmem>>, vector<512x16xf32>
    tpu.vector_store %arg6[%swap3A_20, %swap3A_21], %concatenate3A_19 {strides = array<i32>} : memref<512x16xf32, #tpu.memory_space<vmem>>, vector<512x16xf32>,
    return
  }
  func.func @transform_0(%arg0: i32) -> (i32, i32) {
    %c0_i32 = arith.constant 0 : i32
    %c0_i32_0 = arith.constant 0 : i32
    return %arg0, %c0_i32 : i32, i32
  }
  func.func @transform_1(%arg0: i32) -> (i32, i32) {
    %c0_i32 = arith.constant 0 : i32
    %c0_i32_0 = arith.constant 0 : i32
    %c0_i32_1 = arith.constant 0 : i32
    return %c0_i32, %c0_i32_0 : i32, i32
  }
  func.func @transform_2(%arg0: i32) -> (i32, i32) {
    %c0_i32 = arith.constant 0 : i32
    %c0_i32_0 = arith.constant 0 : i32
    %c0_i32_1 = arith.constant 0 : i32
    return %c0_i32, %c0_i32_0 : i32, i32
  }
  func.func @transform_3(%arg0: i32) -> (i32, i32) {
    %c0_i32 = arith.constant 0 : i32
    %c0_i32_0 = arith.constant 0 : i32
    %c0_i32_1 = arith.constant 0 : i32
    return %c0_i32, %c0_i32_0 : i32, i32
  }
  func.func @transform_4(%arg0: i32) -> (i32, i32) {
    %c0_i32 = arith.constant 0 : i32
    %c0_i32_0 = arith.constant 0 : i32
    return %arg0, %c0_i32 : i32, i32
  }
  func.func @transform_5(%arg0: i32) -> (i32, i32) {
    %c0_i32 = arith.constant 0 : i32
    %c0_i32_0 = arith.constant 0 : i32
    return %arg0, %c0_i32 : i32, i32
  }
}

module attributes {stable_mosaic.version = 14 : i64} {
  func.func @_tc_b_body(%arg0: i32, %arg1: memref<2x512x80xf32, #tpu.memory_space<vmem>>, %arg2: memref<64x40xf32, #tpu.memory_space<vmem>>, %arg3: memref<8x64xf32, #tpu.memory_space<vmem>>, %arg4: memref<1x64xf32, #tpu.memory_space<vmem>>, %arg5: memref<40x16xf32, #tpu.memory_space<vmem>>, %arg6: memref<40x16xf32, #tpu.memory_space<vmem>>, %arg7: memref<512x80xf32, #tpu.memory_space<vmem>>, %arg8: memref<512x16xf32, #tpu.memory_space<vmem>>) attributes {dimension_semantics = [#tpu.dimension_semantics<arbitrary>], iteration_bounds = array<i64: 20>, scalar_prefetch = 0 : i64, scratch_operands = 0 : i64, tpu.core_type = #tpu.core_type<tc>, window_params = [{transform_indices = @transform_0, window_bounds = array<i64: 2, 512, 80>}, {pipeline_mode = #tpu.pipeline_mode<synchronous>, transform_indices = @transform_1, window_bounds = array<i64: 64, 40>}, {pipeline_mode = #tpu.pipeline_mode<synchronous>, transform_indices = @transform_2, window_bounds = array<i64: 8, 64>}, {pipeline_mode = #tpu.pipeline_mode<synchronous>, transform_indices = @transform_3, window_bounds = array<i64: 1, 64>}, {pipeline_mode = #tpu.pipeline_mode<synchronous>, transform_indices = @transform_4, window_bounds = array<i64: 40, 16>}, {pipeline_mode = #tpu.pipeline_mode<synchronous>, transform_indices = @transform_5, window_bounds = array<i64: 40, 16>}, {transform_indices = @transform_6, window_bounds = array<i64: 512, 80>}, {transform_indices = @transform_7, window_bounds = array<i64: 512, 16>}]} {
    %get3A = arith.constant 0 : index
    %get3A_0 = arith.constant 0 : index
    %get3A_1 = arith.constant 0 : index
    %get3A_2 = vector.load %arg1[%get3A, %get3A_0, %get3A_1] : memref<2x512x80xf32, #tpu.memory_space<vmem>>, vector<1x512x80xf32>
    %get3A_3 = vector.shape_cast %get3A_2 : vector<1x512x80xf32> to vector<512x80xf32>
    %get3A_4 = arith.constant 1 : index
    %get3A_5 = arith.constant 0 : index
    %get3A_6 = arith.constant 0 : index
    %get3A_7 = vector.load %arg1[%get3A_4, %get3A_5, %get3A_6] : memref<2x512x80xf32, #tpu.memory_space<vmem>>, vector<1x512x80xf32>
    %get3A_8 = vector.shape_cast %get3A_7 : vector<1x512x80xf32> to vector<512x80xf32>
    %add3A = arith.addf %get3A_3, %get3A_8 : vector<512x80xf32>
    %slice3A = vector.extract_strided_slice %add3A {offsets = [0, 64], sizes = [512, 8], strides = [1, 1]} : vector<512x80xf32> to vector<512x8xf32>
    %gt3A = arith.constant 0.000000e+00 : f32
    %gt3A_9 = vector.broadcast %gt3A : f32 to vector<512x8xf32>
    %gt3A_10 = arith.cmpf ogt, %slice3A, %gt3A_9 : vector<512x8xf32>
    %jit3A = arith.constant 1.000000e+00 : f32
    %broadcast_in_dim3A = vector.broadcast %jit3A : f32 to vector<512x8xf32>
    %select_n3A = arith.select %gt3A_10, %slice3A, %broadcast_in_dim3A : vector<512x8xi1>, vector<512x8xf32>
    %div3A = arith.constant 1.000000e+00 : f32
    %div3A_11 = vector.broadcast %div3A : f32 to vector<512x8xf32>
    %div3A_12 = arith.divf %div3A_11, %select_n3A : vector<512x8xf32>
    %get3A_13 = arith.constant 0 : index
    %get3A_14 = arith.constant 0 : index
    %get3A_15 = vector.load %arg3[%get3A_13, %get3A_14] : memref<8x64xf32, #tpu.memory_space<vmem>>, vector<8x64xf32>
    %dot_general3A = arith.constant dense<0.000000e+00> : vector<512x64xf32>
    %dot_general3A_16 = tpu.matmul %div3A_12, %get3A_15, %dot_general3A {dimension_numbers = #tpu.dot_dimension_numbers<[1], [0], [0], [1], [0, 0, 1, 1], [], []>, transpose_lhs_hint = false} : vector<512x8xf32>, vector<8x64xf32>, vector<512x64xf32> -> vector<512x64xf32>
    %slice3A_17 = vector.extract_strided_slice %add3A {offsets = [0, 0], sizes = [512, 64], strides = [1, 1]} : vector<512x80xf32> to vector<512x64xf32>
    %mul3A = arith.mulf %slice3A_17, %dot_general3A_16 : vector<512x64xf32>
    %get3A_18 = arith.constant 0 : index
    %get3A_19 = arith.constant 0 : index
    %get3A_20 = vector.load %arg4[%get3A_18, %get3A_19] : memref<1x64xf32, #tpu.memory_space<vmem>>, vector<1x64xf32>
    %add3A_21 = vector.broadcast %get3A_20 : vector<1x64xf32> to vector<512x64xf32>
    %add3A_22 = arith.addf %mul3A, %add3A_21 : vector<512x64xf32>
    %gt3A_23 = arith.constant 0.000000e+00 : f32
    %gt3A_24 = vector.broadcast %gt3A_23 : f32 to vector<512x64xf32>
    %gt3A_25 = arith.cmpf ogt, %add3A_22, %gt3A_24 : vector<512x64xf32>
    %exp3A = math.exp %add3A_22 : vector<512x64xf32>
    %sub3A = arith.constant 1.000000e+00 : f32
    %sub3A_26 = vector.broadcast %sub3A : f32 to vector<512x64xf32>
    %sub3A_27 = arith.subf %exp3A, %sub3A_26 : vector<512x64xf32>
    %select_n3A_28 = arith.select %gt3A_25, %add3A_22, %sub3A_27 : vector<512x64xi1>, vector<512x64xf32>
    %gt3A_29 = arith.constant 0.000000e+00 : f32
    %gt3A_30 = vector.broadcast %gt3A_29 : f32 to vector<512x64xf32>
    %gt3A_31 = arith.cmpf ogt, %select_n3A_28, %gt3A_30 : vector<512x64xf32>
    %exp3A_32 = math.exp %select_n3A_28 : vector<512x64xf32>
    %sub3A_33 = arith.constant 1.000000e+00 : f32
    %sub3A_34 = vector.broadcast %sub3A_33 : f32 to vector<512x64xf32>
    %sub3A_35 = arith.subf %exp3A_32, %sub3A_34 : vector<512x64xf32>
    %select_n3A_36 = arith.select %gt3A_31, %select_n3A_28, %sub3A_35 : vector<512x64xi1>, vector<512x64xf32>
    %get3A_37 = arith.constant 0 : index
    %get3A_38 = arith.constant 0 : index
    %get3A_39 = vector.load %arg2[%get3A_37, %get3A_38] : memref<64x40xf32, #tpu.memory_space<vmem>>, vector<64x40xf32>
    %dot_general3A_40 = arith.constant dense<0.000000e+00> : vector<512x40xf32>
    %dot_general3A_41 = tpu.matmul %select_n3A_36, %get3A_39, %dot_general3A_40 {dimension_numbers = #tpu.dot_dimension_numbers<[1], [0], [0], [1], [0, 0, 1, 1], [], []>, transpose_lhs_hint = false} : vector<512x64xf32>, vector<64x40xf32>, vector<512x40xf32> -> vector<512x40xf32>
    %get3A_42 = arith.constant 0 : index
    %get3A_43 = arith.constant 0 : index
    %get3A_44 = vector.load %arg5[%get3A_42, %get3A_43] : memref<40x16xf32, #tpu.memory_space<vmem>>, vector<40x16xf32>
    %dot_general3A_45 = arith.constant dense<0.000000e+00> : vector<512x16xf32>
    %dot_general3A_46 = tpu.matmul %dot_general3A_41, %get3A_44, %dot_general3A_45 {dimension_numbers = #tpu.dot_dimension_numbers<[1], [0], [0], [1], [0, 0, 1, 1], [], []>, transpose_lhs_hint = false} : vector<512x40xf32>, vector<40x16xf32>, vector<512x16xf32> -> vector<512x16xf32>
    %get3A_47 = arith.constant 0 : index
    %get3A_48 = arith.constant 0 : index
    %get3A_49 = vector.load %arg6[%get3A_47, %get3A_48] : memref<40x16xf32, #tpu.memory_space<vmem>>, vector<40x16xf32>
    %dot_general3A_50 = arith.constant dense<0.000000e+00> : vector<512x16xf32>
    %dot_general3A_51 = tpu.matmul %dot_general3A_41, %get3A_49, %dot_general3A_50 {dimension_numbers = #tpu.dot_dimension_numbers<[1], [0], [0], [1], [0, 0, 1, 1], [], []>, transpose_lhs_hint = false} : vector<512x40xf32>, vector<40x16xf32>, vector<512x16xf32> -> vector<512x16xf32>
    %broadcast_in_dim3A_52 = arith.constant 0.000000e+00 : f32
    %broadcast_in_dim3A_53 = vector.broadcast %broadcast_in_dim3A_52 : f32 to vector<512x24xf32>
    %concatenate3A = tpu.concatenate %dot_general3A_41, %broadcast_in_dim3A_53, %dot_general3A_46 in 1 : vector<512x40xf32>, vector<512x24xf32>, vector<512x16xf32> -> vector<512x80xf32>
    %swap3A = arith.constant 0 : index
    %swap3A_54 = arith.constant 0 : index
    %swap3A_55 = vector.load %arg7[%swap3A, %swap3A_54] : memref<512x80xf32, #tpu.memory_space<vmem>>, vector<512x80xf32>
    tpu.vector_store %arg7[%swap3A, %swap3A_54], %concatenate3A {strides = array<i32>} : memref<512x80xf32, #tpu.memory_space<vmem>>, vector<512x80xf32>,
    %swap3A_56 = arith.constant 0 : index
    %swap3A_57 = arith.constant 0 : index
    %swap3A_58 = vector.load %arg8[%swap3A_56, %swap3A_57] : memref<512x16xf32, #tpu.memory_space<vmem>>, vector<512x16xf32>
    tpu.vector_store %arg8[%swap3A_56, %swap3A_57], %dot_general3A_51 {strides = array<i32>} : memref<512x16xf32, #tpu.memory_space<vmem>>, vector<512x16xf32>,
    return
  }
  func.func @transform_0(%arg0: i32) -> (i32, i32, i32) {
    %c0_i32 = arith.constant 0 : i32
    %c0_i32_0 = arith.constant 0 : i32
    %c0_i32_1 = arith.constant 0 : i32
    return %c0_i32, %arg0, %c0_i32_0 : i32, i32, i32
  }
  func.func @transform_1(%arg0: i32) -> (i32, i32) {
    %c0_i32 = arith.constant 0 : i32
    %c0_i32_0 = arith.constant 0 : i32
    %c0_i32_1 = arith.constant 0 : i32
    return %c0_i32, %c0_i32_0 : i32, i32
  }
  func.func @transform_2(%arg0: i32) -> (i32, i32) {
    %c0_i32 = arith.constant 0 : i32
    %c0_i32_0 = arith.constant 0 : i32
    %c0_i32_1 = arith.constant 0 : i32
    return %c0_i32, %c0_i32_0 : i32, i32
  }
  func.func @transform_3(%arg0: i32) -> (i32, i32) {
    %c0_i32 = arith.constant 0 : i32
    %c0_i32_0 = arith.constant 0 : i32
    %c0_i32_1 = arith.constant 0 : i32
    return %c0_i32, %c0_i32_0 : i32, i32
  }
  func.func @transform_4(%arg0: i32) -> (i32, i32) {
    %c0_i32 = arith.constant 0 : i32
    %c0_i32_0 = arith.constant 0 : i32
    %c0_i32_1 = arith.constant 0 : i32
    return %c0_i32, %c0_i32_0 : i32, i32
  }
  func.func @transform_5(%arg0: i32) -> (i32, i32) {
    %c0_i32 = arith.constant 0 : i32
    %c0_i32_0 = arith.constant 0 : i32
    %c0_i32_1 = arith.constant 0 : i32
    return %c0_i32, %c0_i32_0 : i32, i32
  }
  func.func @transform_6(%arg0: i32) -> (i32, i32) {
    %c0_i32 = arith.constant 0 : i32
    %c0_i32_0 = arith.constant 0 : i32
    return %arg0, %c0_i32 : i32, i32
  }
  func.func @transform_7(%arg0: i32) -> (i32, i32) {
    %c0_i32 = arith.constant 0 : i32
    %c0_i32_0 = arith.constant 0 : i32
    return %arg0, %c0_i32 : i32, i32
  }
}

module attributes {stable_mosaic.version = 14 : i64} {
  func.func @_tc_c_body(%arg0: i32, %arg1: memref<2x512x80xf32, #tpu.memory_space<vmem>>, %arg2: memref<1x40xf32, #tpu.memory_space<vmem>>, %arg3: memref<512x40xf32, #tpu.memory_space<vmem>>) attributes {dimension_semantics = [#tpu.dimension_semantics<arbitrary>], iteration_bounds = array<i64: 20>, scalar_prefetch = 0 : i64, scratch_operands = 0 : i64, tpu.core_type = #tpu.core_type<tc>, window_params = [{transform_indices = @transform_0, window_bounds = array<i64: 2, 512, 80>}, {pipeline_mode = #tpu.pipeline_mode<synchronous>, transform_indices = @transform_1, window_bounds = array<i64: 1, 40>}, {transform_indices = @transform_2, window_bounds = array<i64: 512, 40>}]} {
    %get3A = arith.constant 0 : index
    %get3A_0 = arith.constant 0 : index
    %get3A_1 = arith.constant 0 : index
    %get3A_2 = vector.load %arg1[%get3A, %get3A_0, %get3A_1] : memref<2x512x80xf32, #tpu.memory_space<vmem>>, vector<1x512x80xf32>
    %get3A_3 = vector.shape_cast %get3A_2 : vector<1x512x80xf32> to vector<512x80xf32>
    %get3A_4 = arith.constant 1 : index
    %get3A_5 = arith.constant 0 : index
    %get3A_6 = arith.constant 0 : index
    %get3A_7 = vector.load %arg1[%get3A_4, %get3A_5, %get3A_6] : memref<2x512x80xf32, #tpu.memory_space<vmem>>, vector<1x512x80xf32>
    %get3A_8 = vector.shape_cast %get3A_7 : vector<1x512x80xf32> to vector<512x80xf32>
    %add3A = arith.addf %get3A_3, %get3A_8 : vector<512x80xf32>
    %slice3A = vector.extract_strided_slice %add3A {offsets = [0, 64], sizes = [512, 1], strides = [1, 1]} : vector<512x80xf32> to vector<512x1xf32>
    %gt3A = arith.constant 0.000000e+00 : f32
    %gt3A_9 = vector.broadcast %gt3A : f32 to vector<512x1xf32>
    %gt3A_10 = arith.cmpf ogt, %slice3A, %gt3A_9 : vector<512x1xf32>
    %jit3A = arith.constant 1.000000e+00 : f32
    %broadcast_in_dim3A = vector.broadcast %jit3A : f32 to vector<512x1xf32>
    %select_n3A = arith.select %gt3A_10, %slice3A, %broadcast_in_dim3A : vector<512x1xi1>, vector<512x1xf32>
    %div3A = arith.constant 1.000000e+00 : f32
    %div3A_11 = vector.broadcast %div3A : f32 to vector<512x1xf32>
    %div3A_12 = arith.divf %div3A_11, %select_n3A : vector<512x1xf32>
    %slice3A_13 = vector.extract_strided_slice %add3A {offsets = [0, 0], sizes = [512, 40], strides = [1, 1]} : vector<512x80xf32> to vector<512x40xf32>
    %mul3A = vector.broadcast %div3A_12 : vector<512x1xf32> to vector<512x40xf32>
    %mul3A_14 = arith.mulf %slice3A_13, %mul3A : vector<512x40xf32>
    %get3A_15 = arith.constant 0 : index
    %get3A_16 = arith.constant 0 : index
    %get3A_17 = vector.load %arg2[%get3A_15, %get3A_16] : memref<1x40xf32, #tpu.memory_space<vmem>>, vector<1x40xf32>
    %add3A_18 = vector.broadcast %get3A_17 : vector<1x40xf32> to vector<512x40xf32>
    %add3A_19 = arith.addf %mul3A_14, %add3A_18 : vector<512x40xf32>
    %swap3A = arith.constant 0 : index
    %swap3A_20 = arith.constant 0 : index
    %swap3A_21 = vector.load %arg3[%swap3A, %swap3A_20] : memref<512x40xf32, #tpu.memory_space<vmem>>, vector<512x40xf32>
    tpu.vector_store %arg3[%swap3A, %swap3A_20], %add3A_19 {strides = array<i32>} : memref<512x40xf32, #tpu.memory_space<vmem>>, vector<512x40xf32>,
    return
  }
  func.func @transform_0(%arg0: i32) -> (i32, i32, i32) {
    %c0_i32 = arith.constant 0 : i32
    %c0_i32_0 = arith.constant 0 : i32
    %c0_i32_1 = arith.constant 0 : i32
    return %c0_i32, %arg0, %c0_i32_0 : i32, i32, i32
  }
  func.func @transform_1(%arg0: i32) -> (i32, i32) {
    %c0_i32 = arith.constant 0 : i32
    %c0_i32_0 = arith.constant 0 : i32
    %c0_i32_1 = arith.constant 0 : i32
    return %c0_i32, %c0_i32_0 : i32, i32
  }
  func.func @transform_2(%arg0: i32) -> (i32, i32) {
    %c0_i32 = arith.constant 0 : i32
    %c0_i32_0 = arith.constant 0 : i32
    return %arg0, %c0_i32 : i32, i32
  }
}

</mosaic_0001>

<sc_bundles>
// kernel: kernel.10.cloned.1.call-start
scs
__scs_entry_jumppad:
0x0: {  	(pc) =	sbr.rel $0x88, $3  }
0x1: {  	(tag) =	ssettag $0x0;
	lr =	simm.s32 $0x1  }
0x2: {  	[smem:$0x3F97] =	sst lr;
	_ =	strace $0xD0000000  }
0x3: {  	_ = 	snop  }
0x4: {  	_ = 	snop  }
0x5: {  	_ = 	snop  }
0x6: {  	_ = 	snop  }
0x7: {  	_ = 	snop  }
__scs_overlays_trampoline_lowered:
0x8: {  	[smem:$0x3FA6] =	sst s0  }
0x9: {  	[smem:$0x3FA7] =	sst s1  }
0xa: {  	[smem:$0x3FA8] =	sst s2  }
0xb: {  	[smem:$0x3FA9] =	sst s3  }
0xc: {  	[smem:$0x3FAA] =	sst s4  }
0xd: {  	[smem:$0x3FAB] =	sst s5  }
0xe: {  	[smem:$0x3FAC] =	sst s6  }
0xf: {  	[smem:$0x3FAD] =	sst s7  }
0x10: {  	[smem:$0x3FAE] =	sst s8  }
0x11: {  	[smem:$0x3FAF] =	sst s9;
	s0 =	simm.s32 @!p0 $0x0  }
0x12: {  	s1 =	sld [smem:$0x3F95];
	s0 =	simm.s32 @p0 $0x1  }
0x13: {  	[smem:$0x3FB0] =	sst s0;
	s0 =	simm.s32 @!p1 $0x0  }
0x14: {  	s2 =	sld [smem:$0x3F94];
	s0 =	simm.s32 @p1 $0x1  }
0x15: {  	[smem:$0x3FB1] =	sst s0;
	s0 =	simm.s32 @!p2 $0x0  }
0x16: {  	s3 =	sld [smem:$0x3FDB];
	s0 =	simm.s32 @p2 $0x1  }
0x17: {  	s4 =	simm.s32 $0x1BF5;
	[smem:$0x3FB3] =	sst s0  }
0x18: {  	s0 =	sld [smem:$0x3F96];
	_ =	swait.ge [sflag:s4], $0x0  }
0x19: {  	s7 =	sld [smem:$0x3F97]  }
0x1a: {  	s8 =	sadd.s32 $0xFFFFE003, lr  }
0x1b: {  	s9 =	sadd.s32 $0xFFFFFEF7, lr;
	s5 =	simm.s32 $0xFFFFFFFF;
	p2 =	slt.u32 s8, $0xFFFFF086  }
0x1c: {  	p1 =	slt.u32 s9, $0xF7A;
	s5 =	simm.s32 @!p2 $0x0  }
0x1d: {  	s5 =	simm.s32 @p1 $0x1;
	p0 =	seq.s32 s7, s2  }
0x1e: {  	s7 =	smul.u32 @!p0 $0xF7A, s2;
	p2 =	seq.s32 @!p0 s5, $0x0  }
0x1f: {  	s9 =	smul.u32 $0xF7A, s1;
	s8 =	simm.s32 @!p0 $0x1BF5;
	p2 =	por !p2, p0  }
0x20: {  	[sflag:s8] =	ssyncset.s32 @!p0 $0xFFFFF086;
	s6 =	sadd.s32 @!p0 s3, s7;
	s7 =	simm.s32 @!p0 $0x108  }
0x21: {  	s3 =	sadd.s32 s3, s9;
	s6 =	sadd.s32 @!p0 $0x88, s6;
	s7 =	simm.s32 @p2 $0x1082  }
0x22: {  	[simem:s7], [sflag:s8] =	dma.local @!p0 [hbm:s6], $0xF7A  }
0x23: {  	s9 =	sor.u32 $0xD0000000, s2;
	s6 =	simm.s32 $0x108;
	_ =	swait.ge @!p0 [sflag:s8], $0x0  }
0x24: {  	s3 =	sadd.s32 $0x88, s3;
	s6 =	simm.s32 @!p1 $0x1082;
	[sflag:s4] =	ssyncset.s32 $0xFFFFF086  }
0x25: {  	[simem:s6], [sflag:s4] =	dma.local [hbm:s3], $0xF7A  }
0x26: {  	[smem:$0x3F97] =	sst s1;
	(tag) =	ssettag s2;
	_ =	strace s9  }
0x27: {  	s1 =	sld [smem:$0x3FA7]  }
0x28: {  	s2 =	sld [smem:$0x3FA8]  }
0x29: {  	s4 =	sld [smem:$0x3FAA]  }
0x2a: {  	p0 =	seq.s32 s5, $0x0;
	s5 =	sld [smem:$0x3FAB]  }
0x2b: {  	s6 =	sld [smem:$0x3FAC]  }
0x2c: {  	s7 =	sld [smem:$0x3FAD]  }
0x2d: {  	s3 =	simm.s32 $0x108;
	s8 =	sld [smem:$0x3FAE]  }
0x2e: {  	s3 =	simm.s32 @!p0 $0x1082;
	s9 =	sld [smem:$0x3FAF]  }
0x2f: {  	lr =	sadd.s32 s0, s3;
	s0 =	sld [smem:$0x3FA6]  }
0x30: {  	s3 =	sld [smem:$0x3FA9]  }
0x31: {  	[smem:$0x3FB2] =	sst s10  }
0x32: {  	s10 =	sld [smem:$0x3FB0];
	_ =	sdelay $0x3  }
0x33: {  	p0 =	seq.s32 s10, $0x1;
	s10 =	sld [smem:$0x3FB2];
	_ =	sdelay $0x3  }
0x34: {  	[smem:$0x3FB2] =	sst s10  }
0x35: {  	s10 =	sld [smem:$0x3FB1];
	_ =	sdelay $0x3  }
0x36: {  	p1 =	seq.s32 s10, $0x1;
	s10 =	sld [smem:$0x3FB2];
	_ =	sdelay $0x3  }
0x37: {  	[smem:$0x3FB2] =	sst s10  }
0x38: {  	s10 =	sld [smem:$0x3FB3]  }
0x39: {  	_ = 	snop;
	(pc) =	sbr.ind lr, $3  }
0x3a: {  	_ = 	snop  }
0x3b: {  	_ = 	snop  }
0x3c: {  	p2 =	seq.s32 s10, $0x1;
	s10 =	sld [smem:$0x3FB2]  }
0x3d: {  	_ =	shalt  }
0x3e: {  	_ =	shalt  }
0x3f: {  	_ =	shalt  }
0x40: {  	_ =	shalt  }
0x41: {  	_ =	shalt  }
0x42: {  	_ =	shalt  }
0x43: {  	_ =	shalt  }
0x44: {  	_ =	shalt  }
0x45: {  	_ =	shalt  }
0x46: {  	_ =	shalt  }
0x47: {  	_ =	shalt  }
0x48: {  	_ =	shalt  }
0x49: {  	_ =	shalt  }
0x4a: {  	_ =	shalt  }
0x4b: {  	_ =	shalt  }
0x4c: {  	_ =	shalt  }
0x4d: {  	_ =	shalt  }
0x4e: {  	_ =	shalt  }
0x4f: {  	_ =	shalt  }
0x50: {  	_ =	shalt  }
0x51: {  	_ =	shalt  }
0x52: {  	_ =	shalt  }
0x53: {  	_ =	shalt  }
0x54: {  	_ =	shalt  }
0x55: {  	_ =	shalt  }
0x56: {  	_ =	shalt  }
0x57: {  	_ =	shalt  }
0x58: {  	_ =	shalt  }
0x59: {  	_ =	shalt  }
0x5a: {  	_ =	shalt  }
0x5b: {  	_ =	shalt  }
0x5c: {  	_ =	shalt  }
0x5d: {  	_ =	shalt  }
0x5e: {  	_ =	shalt  }
0x5f: {  	_ =	shalt  }
0x60: {  	_ =	shalt  }
0x61: {  	_ =	shalt  }
0x62: {  	_ =	shalt  }
0x63: {  	_ =	shalt  }
0x64: {  	_ =	shalt  }
0x65: {  	_ =	shalt  }
0x66: {  	_ =	shalt  }
0x67: {  	_ =	shalt  }
0x68: {  	_ =	shalt  }
0x69: {  	_ =	shalt  }
0x6a: {  	_ =	shalt  }
0x6b: {  	_ =	shalt  }
0x6c: {  	_ =	shalt  }
0x6d: {  	_ =	shalt  }
0x6e: {  	_ =	shalt  }
0x6f: {  	_ =	shalt  }
0x70: {  	_ =	shalt  }
0x71: {  	_ =	shalt  }
0x72: {  	_ =	shalt  }
0x73: {  	_ =	shalt  }
0x74: {  	_ =	shalt  }
0x75: {  	_ =	shalt  }
0x76: {  	_ =	shalt  }
0x77: {  	_ =	shalt  }
0x78: {  	_ =	shalt  }
0x79: {  	_ =	shalt  }
0x7a: {  	_ =	shalt  }
0x7b: {  	_ =	shalt  }
0x7c: {  	_ =	shalt  }
0x7d: {  	_ =	shalt  }
0x7e: {  	_ =	shalt  }
0x7f: {  	_ =	shalt  }
0x80: {  	_ =	shalt  }
0x81: {  	_ =	shalt  }
0x82: {  	_ =	shalt  }
0x83: {  	_ =	shalt  }
0x84: {  	_ =	shalt  }
0x85: {  	_ =	shalt  }
0x86: {  	_ =	shalt  }
0x87: {  	_ =	shalt  }
.Lfunc_end0:
.L_simem_size_0:
called_computation.1_lowered:
.L_overlay_start_0:
0x88: {  	s2 =	sld [smem:$0x3FD9]  }
0x89: {  	s3 =	sld [smem:$0x3FFE];
	_ =	sdelay $0x1  }
0x8a: {  	s1 =	srdreg.scid  }
0x8b: {  	s0 =	sand.u32 $0x1, s1  }
0x8c: {  	s17 =	sshll.u32 s0, $0xA;
	s2 =	sadd.s32 s3, s2  }
0x8d: {  	s2 =	sadd.s32 s2, s17  }
0x8e: {  	[smem:$0x3FBE] =	sst s2  }
0x8f: {  	_ = 	snop  }
0x90: {  	s2 =	sld [smem:$0x3FD0];
	(tm) =	ssettm $0x1  }
0x91: {  	s18 =	sld [smem:$0x3FFB];
	_ =	sdelay $0x3  }
0x92: {  	_ =	strace s18  }
0x93: {  	s3 =	sld [smem:$0x3FFC];
	_ =	sdelay $0x3  }
0x94: {  	_ =	strace s3  }
0x95: {  	s3 =	sld [smem:$0x3FFD];
	_ =	sdelay $0x3  }
0x96: {  	_ =	strace s3  }
0x97: {  	_ =	strace $0x8FFFFFFF  }
0x98: {  	s19 =	sld [smem:$0x3FDB];
	_ =	sdelay $0x1  }
0x99: {  	s4 =	simm.s32 $_scs_section_size  }
0x9a: {  	s5 =	simm.s32 $_size__tile_overlayer_lowered;
	s6 =	simm.s32 $_tile_overlayer_lowered  }
0x9b: {  	s22 =	simm.s32 $0x1BFF;
	s21 =	sshll.u32 s6, $0x1;
	s3 =	sadd.s32 s4, s19  }
0x9c: {  	s7 =	simm.s32 $0x0;
	s20 =	sshll.u32 s5, $0x1;
	s5 =	sadd.s32 s21, s3  }
0x9d: {  	[timem:s7], [sflag:s22] =	dma.local [hbm:s5], s20  }
0x9e: {  	_ =	swait.ge [sflag:s22], s20  }
0x9f: {  	s4 =	ssub.s32 $0x0, s20;
	[sflag:s22] =	ssyncset.done $0x0  }
0xa0: {  	[sflag:s22] =	ssyncadd.s32 s4;
	_ =	sdelay $0x1  }
0xa1: {  	s23 =	simm.s32 $0x1B8B  }
0xa2: {  	_ =	swait.ge [sflag:s23], $0x1  }
0xa3: {  	[sflag:s23] =	ssyncset.done $0x0  }
0xa4: {  	s25 =	simm.s32 $0x1B8E;
	s24 =	sld [smem:$0x3FFE];
	[sflag:s23] =	ssyncadd.s32 $0xFFFFFFFF  }
0xa5: {  	s26 =	simm.s32 $execute0_lowered;
	[smem:$0x3FD2] =	sst s25  }
0xa6: {  	s5 =	sshll.u32 s26, $0x1;
	_ =	strace $0x80000049;
	[dreg:$0x1] =	wrdreg $0xFFFFFFFF  }
0xa7: {  	s28 =	simm.s32 $_size_execute0_lowered;
	s3 =	sadd.s32 s3, s5;
	[dreg:$0x0] =	wrdreg $0x0  }
0xa8: {  	s5 =	sshll.u32 s28, $0x1;
	[dreg:$0x2] =	wrdreg s3  }
0xa9: {  	[dreg:$0x3] =	wrdreg s5  }
0xaa: {  	[dreg:$0x4] =	wrdreg $0xC0  }
0xab: {  	_ =	task [dreg:s7], $0x5FFFF  }
0xac: {  	[dreg:$0x1] =	wrdreg $0xFFFFFFFF  }
0xad: {  	[dreg:$0x0] =	wrdreg $0x60  }
0xae: {  	[dreg:$0x2] =	wrdreg s24  }
0xaf: {  	[dreg:$0x3] =	wrdreg s2  }
0xb0: {  	[dreg:$0x4] =	wrdreg $0x118000  }
0xb1: {  	[dreg:$0x5] =	wrdreg $0x9  }
0xb2: {  	_ =	task.clear_ibuf [dreg:s7], $0x6FFFF;
	_ =	strace $0x90000049  }
0xb3: {  	s29 =	simm.s32 $0x9;
	_ =	strace $0x8000004B  }
0xb4: {  	_ =	swait.ge [sflag:s29], $0x1  }
0xb5: {  	[sflag:s29] =	ssyncadd.s32 $0xFFFFFFFF  }
0xb6: {  	_ =	strace $0x9000004B  }
0xb7: {  	_ =	sfence  }
0xb8: {  	s30 =	sld [smem:$0x0];
	_ =	sdelay $0x2  }
0xb9: {  	s31 =	sshll.u32 s1, $0xD;
	s1 =	sshrl.u32 s1, $0x2  }
0xba: {  	s3 =	sand.u32 $0x4000, s31;
	s1 =	sadd.s32 s1, s30  }
0xbb: {  	s0 =	sor.u32 s3, s0;
	s1 =	sshll.u32 s1, $0x11  }
0xbc: {  	s0 =	sor.u32 s1, s0  }
0xbd: {  	s0 =	sadd.s32 $0x8F2B, s0  }
0xbe: {  	[sflag:s0] =	ssyncadd.remote.s32 $0x1  }
0xbf: {  	_ =	sfence.sel $0xFFFF  }
0xc0: {  	[dreg:$0x0] =	wrdreg $0xFFFFFFFF;
	(pc) =	sbr.abs _section_cstart, $3  }
0xc1: {  	[dreg:$0x1] =	wrdreg $0xFFFFFFFF  }
0xc2: {  	_ =	task.clear_ibuf [dreg:s7], $0x2FFFF;
	_ =	strace $0x9FFFFFFF  }
0xc3: {  	(tm) =	ssettm $0x7FFFFFFF  }
tec
execute0_lowered:
.L_overlay_start_1:
0x0: {  	(tag) =	ssettag $0x1  }
0x1: {  	s1 =	rddreg [dreg:$0x0]  }
0x2: {  	s0 =	srdreg.scid;
	s7 =	rddreg [dreg:$0x1]  }
0x3: {  	s2 =	rddreg [dreg:$0x2];
	s4 =	stileid.u32  }
0x4: {  	s8 =	simm.s32 $0x0;
	s17 =	simm.s32 $0x5;
	s18 =	simm.s32 $0x3400  }
0x5: {  	s19 =	simm.s32 $0xC800;
	s20 =	simm.s32 $0x80;
	s9 =	smul.u32 $0xC800, s4  }
0x6: {  	s28 =	simm.s32 $0x2;
	s0 =	sand.u32 $0x1, s0;
	s11 =	smul.u32 $0x32000, s4  }
0x7: {  	s29 =	simm.s32 $0xF000;
	s30 =	simm.s32 $0x3;
	s3 =	smul.u32 $0xFFFFFFD0, s0  }
0x8: {  	s31 =	simm.s32 $0x4;
	[smem:$0x7FF] =	sst s8;
	s5 =	smul.u32 $0x680, s0  }
0x9: {  	_ =	strace $0x8000004A;
	s10 =	smul.u32 $0xC8000, s0;
	s0 =	ssub.s32 $0x2, s0  }
0xa: {  	s26 =	sshrl.u32 s0, $0x1;
	s11 =	sshrl.u32 s11, $0x2;
	s3 =	sadd.s32 $0x68, s3  }
0xb: {  	s10 =	sadd.s32 s9, s10;
	s0 =	ssub.s32 s0, s26;
	s6 =	smul.u32 s4, s3  }
0xc: {  	s13 =	sadd.s32 s11, s2;
	s9 =	sadd.s32 s9, s2;
	s26 =	simm.s32 $0x1  }
0xd: {  	s10 =	sshrl.u32 s10, $0x3;
	s11 =	sadd.s32 $0x5000, s13;
	s25 =	sadd.s32 s5, s6  }
0xe: {  	s14 =	sshrl.u32 s3, $0x1;
	s16 =	smax.u32 s0, $0x1;
	s8 =	sshll.u32 s25, $0x4  }
0xf: {  	s5 =	sadd.s32 $0x1200, s1;
	s6 =	sadd.s32 $0x1A200, s1;
	s8 =	sand.u32 $0x1FFFFF80, s8  }
0x10: {  	v1 =	vlaneseq.u32;
	s12 =	sadd.s32 s8, s1;
	s1 =	sadd.s32 s10, s1;
	s7 =	sadd.s32 s7, s8  }
0x11: {  	v0 =	vimm.f32 $0.0e+00;
	v1 =	vshrl.u32 v1, $0x3;
	s10 =	sadd.s32 $0x2800, s13;
	s8 =	sadd.s32 $0x1F200, s12;
	s12 =	sadd.s32 $0x7800, s13  }
0x12: {  	v2 =	vor.u32 $0x2, v1;
	v3 =	vor.u32 $0x4, v1;
	v4 =	vor.u32 $0x6, v1;
	s13 =	sadd.s32 $0xA000, s13;
	s15 =	sadd.s32 $0x29600, s1;
	s1 =	simm.s32 $0x0  }
.LBB2_1:
0x13: {  	s0 =	simm.s32 $0x0  }
0x14: {  	[tilespmem:s0], [sflag:$0x5] =	stream.linear.gather [hbm4b:s7+s0], $0x3400, $0x38;
	[tilespmem:$0x1E000] =	vst v63  }
0x15: {  	_ =	swait.ge [sflag:s17], $0x3400  }
0x16: {  	[sflag:s17] =	ssyncset.done $0x0  }
0x17: {  	[sflag:s17] =	ssyncadd.s32 $0xFFFFCC00  }
0x18: {  	[tilespmem:s18], [sflag:$0x5] =	stream.linear.gather [hbm4b:s8+s0], $0x3400, $0x38;
	[tilespmem:$0x1E000] =	vst v63  }
0x19: {  	_ =	swait.ge [sflag:s17], $0x3400  }
0x1a: {  	[sflag:s17] =	ssyncset.done $0x0  }
0x1b: {  	s21 =	simm.s32 $0x140;
	s0 =	simm.s32 $0x0;
	[sflag:s17] =	ssyncadd.s32 $0xFFFFCC00  }
.LBB2_2:
0x1c: {  	p0 =	sne.s32 s21, $0x9EC0;
	[tilespmem:s0+$0xC840] =	vst v0;
	s22 =	smov.u32 s21;
	s21 =	sadd.s32 $0x140, s21  }
.Ltmp0:
0x1d: {  	[tilespmem:s0+$0xC830] =	vst v0;
	(pc) =	sbr.rel @p0 .LBB2_2-.Ltmp0, $4  }
0x1e: {  	[tilespmem:s0+$0xC820] =	vst v0  }
0x1f: {  	[tilespmem:s0+$0xC800] =	vst v0  }
0x20: {  	[tilespmem:s0+$0xC810] =	vst v0  }
0x21: {  	s0 =	sshra.s32 s22, $0x2  }
0x22: {  	[tilespmem:s0+$0xC840] =	vst v0  }
0x23: {  	[tilespmem:s0+$0xC830] =	vst v0  }
0x24: {  	[tilespmem:s0+$0xC820] =	vst v0  }
0x25: {  	[tilespmem:s0+$0xC800] =	vst v0  }
0x26: {  	[tilespmem:s0+$0xC810] =	vst v0  }
0x27: {  	[spmem:s9] =	stream.linear.scatter [tilespmem:s19], [sflag:$0x5], $0x2800, $0x38;
	[tilespmem:$0x1E000] =	vst v63  }
0x28: {  	_ =	swait.ge [sflag:s17], $0x2800  }
0x29: {  	[sflag:s17] =	ssyncset.done $0x0  }
0x2a: {  	[sflag:s17] =	ssyncadd.s32 $0xFFFFD800  }
0x2b: {  	[spmem:s10] =	stream.linear.scatter [tilespmem:s19], [sflag:$0x5], $0x2800, $0x38;
	[tilespmem:$0x1E000] =	vst v63  }
0x2c: {  	_ =	swait.ge [sflag:s17], $0x2800  }
0x2d: {  	[sflag:s17] =	ssyncset.done $0x0  }
0x2e: {  	[sflag:s17] =	ssyncadd.s32 $0xFFFFD800  }
0x2f: {  	[spmem:s11] =	stream.linear.scatter [tilespmem:s19], [sflag:$0x5], $0x2800, $0x38;
	[tilespmem:$0x1E000] =	vst v63  }
0x30: {  	_ =	swait.ge [sflag:s17], $0x2800  }
0x31: {  	[sflag:s17] =	ssyncset.done $0x0  }
0x32: {  	[sflag:s17] =	ssyncadd.s32 $0xFFFFD800  }
0x33: {  	[spmem:s12] =	stream.linear.scatter [tilespmem:s19], [sflag:$0x5], $0x2800, $0x38;
	[tilespmem:$0x1E000] =	vst v63  }
0x34: {  	_ =	swait.ge [sflag:s17], $0x2800  }
0x35: {  	[sflag:s17] =	ssyncset.done $0x0  }
0x36: {  	[sflag:s17] =	ssyncadd.s32 $0xFFFFD800  }
0x37: {  	[spmem:s13] =	stream.linear.scatter [tilespmem:s19], [sflag:$0x5], $0x2800, $0x38;
	[tilespmem:$0x1E000] =	vst v63  }
0x38: {  	_ =	swait.ge [sflag:s17], $0x2800  }
0x39: {  	[sflag:s17] =	ssyncset.done $0x0  }
0x3a: {  	s21 =	simm.s32 $0x0;
	s22 =	simm.s32 $0x6800;
	[sflag:s17] =	ssyncadd.s32 $0xFFFFD800  }
0x3b: {  	[tilespmem:s22], [sflag:$0x1] =	stream.indirect.gather [hbm4b:s5+s20], $0x50, s21, s20, $0xb8;
	[tilespmem:$0x1E000] =	vst v63  }
0x3c: {  	s23 =	simm.s32 $0xB800  }
0x3d: {  	[tilespmem:s23], [sflag:$0x1] =	stream.indirect.gather [hbm4b:s6+s20], $0x10, s18, s20, $0xb8;
	[tilespmem:$0x1E000] =	vst v63  }
0x3e: {  	s24 =	simm.s32 $0x9000  }
0x3f: {  	[tilespmem:s24], [sflag:$0x2] =	stream.indirect.gather [hbm4b:s5+s20], $0x50, s20, s20, $0xb8;
	[tilespmem:$0x1E000] =	vst v63  }
0x40: {  	s25 =	simm.s32 $0x3480;
	s4 =	simm.s32 $0xC000  }
0x41: {  	[tilespmem:s4], [sflag:$0x2] =	stream.indirect.gather [hbm4b:s6+s20], $0x10, s25, s20, $0xb8;
	[tilespmem:$0x1E000] =	vst v63  }
0x42: {  	[bflag:$0x0] =	sbarrier.arrive $0xFFFF  }
.LBB2_4:
0x43: {  	_ =	swait.ge [sflag:s26], $0x2800  }
0x44: {  	[sflag:s26] =	ssyncset.done $0x0  }
0x45: {  	[sflag:s26] =	ssyncadd.s32 $0xFFFFD800  }
0x46: {  	_ =	swait.ge [sflag:s26], $0x800  }
0x47: {  	p0 =	seq.s32 s21, $0x0;
	[sflag:s26] =	ssyncset.done $0x0  }
0x48: {  	s0 =	simm.s32 @!p0 $0x3;
	[sflag:s26] =	ssyncadd.s32 $0xFFFFF800  }
0x49: {  	_ =	swait.ge @!p0 [sflag:s0], $0x2800  }
0x4a: {  	[sflag:s0] =	ssyncset.done @!p0 $0x0  }
0x4b: {  	s24 =	simm.s32 $0x0;
	[sflag:s0] =	ssyncadd.s32 @!p0 $0xFFFFD800  }
0x4c: {  	s23 =	simm.s32 $0xB820;
	v5 =	vld [tilespmem:s24+$0x6840]  }
0x4d: {  	v6 =	vld [tilespmem:s23+$0xFFFFFFE0];
	_ =	sdelay $0x4  }
0x4e: {  	v5 =	vadd.f32 v6, v5;
	_ =	sdelay $0x1  }
0x4f: {  	v6 =	vmul.f32 $2.000000030e-01, v5;
	_ =	sdelay $0x1  }
0x50: {  	v5 =	vmax.f32 v5, v6  }
0x51: {  	v5 =	vmul.f32 $1.442695020e+00, v5;
	_ =	sdelay $0x1  }
0x52: {  	(erf) = vpow2.f32 v5;
	_ =	sdelay $0x6  }
0x53: {  	v5 =	vld [tilespmem:s24+$0x6810]  }
0x54: {  	v6 =	vld [tilespmem:s24+$0x6800]  }
0x55: {  	v7 =	vld [tilespmem:s24+$0x6830];
	v8 =	vpop (erf)  }
0x56: {  	v9 =	vld [tilespmem:s24+$0x6820];
	v10 =	vperm.xlane v8, v2  }
0x57: {  	v11 =	vperm.xlane v8, v1  }
0x58: {  	v12 =	vperm.xlane v8, v4;
	v5 =	vmul.f32 v5, v10  }
0x59: {  	v53 =	vperm.xlane v8, v3;
	[tilespmem:s24+$0xC840] =	vst v8;
	v6 =	vmul.f32 v6, v11  }
0x5a: {  	v7 =	vmul.f32 v7, v12;
	[tilespmem:s24+$0xC810] =	vst v5  }
0x5b: {  	v5 =	vmul.f32 v9, v53;
	[tilespmem:s24+$0xC800] =	vst v6  }
0x5c: {  	[tilespmem:s24+$0xC830] =	vst v7  }
0x5d: {  	[tilespmem:s24+$0xC820] =	vst v5;
	v5 =	vld [tilespmem:s24+$0x6890]  }
0x5e: {  	v6 =	vld [tilespmem:s23+$0xFFFFFFF0];
	_ =	sdelay $0x4  }
0x5f: {  	v5 =	vadd.f32 v6, v5;
	_ =	sdelay $0x1  }
0x60: {  	v6 =	vmul.f32 $2.000000030e-01, v5;
	_ =	sdelay $0x1  }
0x61: {  	v5 =	vmax.f32 v5, v6  }
0x62: {  	v5 =	vmul.f32 $1.442695020e+00, v5;
	_ =	sdelay $0x1  }
0x63: {  	(erf) = vpow2.f32 v5;
	_ =	sdelay $0x6  }
0x64: {  	v5 =	vld [tilespmem:s24+$0x6850]  }
0x65: {  	v6 =	vld [tilespmem:s24+$0x6870]  }
0x66: {  	v7 =	vld [tilespmem:s24+$0x6880];
	v54 =	vpop (erf)  }
0x67: {  	v55 =	vld [tilespmem:s24+$0x6860];
	v56 =	vperm.xlane v54, v1  }
0x68: {  	v57 =	vperm.xlane v54, v3  }
0x69: {  	v58 =	vperm.xlane v54, v4;
	v5 =	vmul.f32 v5, v56  }
0x6a: {  	[tilespmem:s24+$0xC890] =	vst v54;
	v8 =	vperm.xlane v54, v2;
	v6 =	vmul.f32 v6, v57  }
0x6b: {  	v7 =	vmul.f32 v7, v58;
	[tilespmem:s24+$0xC850] =	vst v5  }
0x6c: {  	v5 =	vmul.f32 v55, v8;
	[tilespmem:s24+$0xC870] =	vst v6  }
0x6d: {  	[tilespmem:s24+$0xC880] =	vst v7  }
0x6e: {  	[tilespmem:s24+$0xC860] =	vst v5;
	v5 =	vld [tilespmem:s24+$0x68E0]  }
0x6f: {  	v6 =	vld [tilespmem:s23+$0x0];
	_ =	sdelay $0x4  }
0x70: {  	v5 =	vadd.f32 v6, v5;
	_ =	sdelay $0x1  }
0x71: {  	v6 =	vmul.f32 $2.000000030e-01, v5;
	_ =	sdelay $0x1  }
0x72: {  	v5 =	vmax.f32 v5, v6  }
0x73: {  	v5 =	vmul.f32 $1.442695020e+00, v5;
	_ =	sdelay $0x1  }
0x74: {  	(erf) = vpow2.f32 v5;
	_ =	sdelay $0x6  }
0x75: {  	v5 =	vld [tilespmem:s24+$0x68A0]  }
0x76: {  	v6 =	vld [tilespmem:s24+$0x68D0]  }
0x77: {  	v7 =	vld [tilespmem:s24+$0x68B0];
	v59 =	vpop (erf)  }
0x78: {  	v60 =	vld [tilespmem:s24+$0x68C0];
	v61 =	vperm.xlane v59, v1  }
0x79: {  	v62 =	vperm.xlane v59, v4  }
0x7a: {  	v63 =	vperm.xlane v59, v2;
	v5 =	vmul.f32 v5, v61  }
0x7b: {  	[tilespmem:s24+$0xC8E0] =	vst v59;
	v8 =	vperm.xlane v59, v3;
	v6 =	vmul.f32 v6, v62  }
0x7c: {  	v7 =	vmul.f32 v7, v63;
	[tilespmem:s24+$0xC8A0] =	vst v5  }
0x7d: {  	v5 =	vmul.f32 v60, v8;
	[tilespmem:s24+$0xC8D0] =	vst v6  }
0x7e: {  	[tilespmem:s24+$0xC8B0] =	vst v7  }
0x7f: {  	[tilespmem:s24+$0xC8C0] =	vst v5;
	v5 =	vld [tilespmem:s24+$0x6930]  }
0x80: {  	v6 =	vld [tilespmem:s23+$0x10];
	_ =	sdelay $0x4  }
0x81: {  	v5 =	vadd.f32 v6, v5;
	_ =	sdelay $0x1  }
0x82: {  	v6 =	vmul.f32 $2.000000030e-01, v5;
	_ =	sdelay $0x1  }
0x83: {  	v5 =	vmax.f32 v5, v6  }
0x84: {  	v5 =	vmul.f32 $1.442695020e+00, v5;
	_ =	sdelay $0x1  }
0x85: {  	s22 =	sshll.u32 s21, $0x1;
	s25 =	simm.s32 $0x500;
	(erf) = vpow2.f32 v5  }
.LBB2_5:
0x86: {  	_ =	sdelay $0x1  }
0x87: {  	p1 =	sne.s32 s25, $0x9B00  }
0x88: {  	s23 =	sadd.s32 $0x40, s23;
	s0 =	smov.u32 s25;
	s25 =	sadd.s32 $0x500, s25  }
0x89: {  	v5 =	vld [tilespmem:s24+$0x6920]  }
0x8a: {  	v6 =	vld [tilespmem:s24+$0x6900]  }
0x8b: {  	v7 =	vld [tilespmem:s24+$0x68F0]  }
0x8c: {  	v8 =	vld [tilespmem:s24+$0x6910]  }
0x8d: {  	v9 =	vpop (erf)  }
0x8e: {  	[tilespmem:s24+$0xC930] =	vst v9;
	v10 =	vperm.xlane v9, v1;
	v11 =	vperm.xlane v9, v2  }
0x8f: {  	v12 =	vperm.xlane v9, v3;
	v9 =	vperm.xlane v9, v4  }
0x90: {  	v7 =	vmul.f32 v7, v10;
	v6 =	vmul.f32 v6, v11  }
0x91: {  	v8 =	vmul.f32 v8, v12;
	v5 =	vmul.f32 v5, v9  }
0x92: {  	[tilespmem:s24+$0xC8F0] =	vst v7  }
0x93: {  	[tilespmem:s24+$0xC900] =	vst v6  }
0x94: {  	s0 =	sshra.s32 s0, $0x2;
	[tilespmem:s24+$0xC920] =	vst v5  }
0x95: {  	v5 =	vld [tilespmem:s0+$0x6840];
	[tilespmem:s24+$0xC910] =	vst v8;
	s24 =	smov.u32 s0  }
0x96: {  	v6 =	vld [tilespmem:s23+$0xFFFFFFE0];
	_ =	sdelay $0x4  }
0x97: {  	v5 =	vadd.f32 v6, v5;
	_ =	sdelay $0x1  }
0x98: {  	v6 =	vmul.f32 $2.000000030e-01, v5;
	_ =	sdelay $0x1  }
0x99: {  	v5 =	vmax.f32 v5, v6  }
0x9a: {  	v5 =	vmul.f32 $1.442695020e+00, v5;
	_ =	sdelay $0x1  }
0x9b: {  	(erf) = vpow2.f32 v5;
	_ =	sdelay $0x4  }
0x9c: {  	v5 =	vld [tilespmem:s24+$0x6830]  }
0x9d: {  	v6 =	vld [tilespmem:s24+$0x6810]  }
0x9e: {  	v7 =	vld [tilespmem:s24+$0x6800]  }
0x9f: {  	v8 =	vld [tilespmem:s24+$0x6820]  }
0xa0: {  	v9 =	vpop (erf)  }
0xa1: {  	v10 =	vperm.xlane v9, v1;
	v11 =	vperm.xlane v9, v2  }
0xa2: {  	v12 =	vperm.xlane v9, v3;
	v13 =	vperm.xlane v9, v4  }
0xa3: {  	v7 =	vmul.f32 v7, v10;
	v6 =	vmul.f32 v6, v11  }
0xa4: {  	v5 =	vmul.f32 v5, v13;
	[tilespmem:s24+$0xC840] =	vst v9;
	v8 =	vmul.f32 v8, v12  }
0xa5: {  	[tilespmem:s24+$0xC810] =	vst v6  }
0xa6: {  	[tilespmem:s24+$0xC800] =	vst v7  }
0xa7: {  	[tilespmem:s24+$0xC830] =	vst v5  }
0xa8: {  	[tilespmem:s24+$0xC820] =	vst v8;
	v5 =	vld [tilespmem:s24+$0x6890]  }
0xa9: {  	v6 =	vld [tilespmem:s23+$0xFFFFFFF0];
	_ =	sdelay $0x4  }
0xaa: {  	v5 =	vadd.f32 v6, v5;
	_ =	sdelay $0x1  }
0xab: {  	v6 =	vmul.f32 $2.000000030e-01, v5;
	_ =	sdelay $0x1  }
0xac: {  	v5 =	vmax.f32 v5, v6  }
0xad: {  	v5 =	vmul.f32 $1.442695020e+00, v5;
	_ =	sdelay $0x1  }
0xae: {  	(erf) = vpow2.f32 v5;
	_ =	sdelay $0x4  }
0xaf: {  	v5 =	vld [tilespmem:s24+$0x6880]  }
0xb0: {  	v6 =	vld [tilespmem:s24+$0x6860]  }
0xb1: {  	v7 =	vld [tilespmem:s24+$0x6850]  }
0xb2: {  	v8 =	vld [tilespmem:s24+$0x6870]  }
0xb3: {  	v9 =	vpop (erf)  }
0xb4: {  	[tilespmem:s24+$0xC890] =	vst v9;
	v10 =	vperm.xlane v9, v1;
	v11 =	vperm.xlane v9, v2  }
0xb5: {  	v12 =	vperm.xlane v9, v3;
	v9 =	vperm.xlane v9, v4  }
0xb6: {  	v7 =	vmul.f32 v7, v10;
	v6 =	vmul.f32 v6, v11  }
0xb7: {  	v5 =	vmul.f32 v5, v9;
	v8 =	vmul.f32 v8, v12  }
0xb8: {  	[tilespmem:s24+$0xC850] =	vst v7  }
0xb9: {  	[tilespmem:s24+$0xC870] =	vst v8  }
0xba: {  	[tilespmem:s24+$0xC880] =	vst v5  }
0xbb: {  	[tilespmem:s24+$0xC860] =	vst v6;
	v5 =	vld [tilespmem:s24+$0x68E0]  }
0xbc: {  	v6 =	vld [tilespmem:s23+$0x0];
	_ =	sdelay $0x4  }
0xbd: {  	v5 =	vadd.f32 v6, v5;
	_ =	sdelay $0x1  }
0xbe: {  	v6 =	vmul.f32 $2.000000030e-01, v5;
	_ =	sdelay $0x1  }
0xbf: {  	v5 =	vmax.f32 v5, v6  }
0xc0: {  	v5 =	vmul.f32 $1.442695020e+00, v5;
	_ =	sdelay $0x1  }
0xc1: {  	(erf) = vpow2.f32 v5;
	_ =	sdelay $0x4  }
0xc2: {  	v5 =	vld [tilespmem:s24+$0x68D0]  }
0xc3: {  	v6 =	vld [tilespmem:s24+$0x68B0]  }
0xc4: {  	v7 =	vld [tilespmem:s24+$0x68A0]  }
0xc5: {  	v8 =	vld [tilespmem:s24+$0x68C0]  }
0xc6: {  	v9 =	vpop (erf)  }
0xc7: {  	[tilespmem:s24+$0xC8E0] =	vst v9;
	v10 =	vperm.xlane v9, v1;
	v11 =	vperm.xlane v9, v2  }
0xc8: {  	v12 =	vperm.xlane v9, v3;
	v9 =	vperm.xlane v9, v4  }
0xc9: {  	v7 =	vmul.f32 v7, v10;
	v6 =	vmul.f32 v6, v11  }
0xca: {  	v5 =	vmul.f32 v5, v9;
	v8 =	vmul.f32 v8, v12  }
0xcb: {  	[tilespmem:s24+$0xC8A0] =	vst v7  }
0xcc: {  	[tilespmem:s24+$0xC8D0] =	vst v5  }
0xcd: {  	[tilespmem:s24+$0xC8B0] =	vst v6  }
0xce: {  	[tilespmem:s24+$0xC8C0] =	vst v8;
	v5 =	vld [tilespmem:s24+$0x6930]  }
0xcf: {  	v6 =	vld [tilespmem:s23+$0x10];
	_ =	sdelay $0x4  }
0xd0: {  	v5 =	vadd.f32 v6, v5;
	_ =	sdelay $0x1  }
0xd1: {  	v6 =	vmul.f32 $2.000000030e-01, v5  }
.Ltmp1:
0xd2: {  	(pc) =	sbr.rel @p1 .LBB2_5-.Ltmp1, $3  }
0xd3: {  	v5 =	vmax.f32 v5, v6  }
0xd4: {  	v5 =	vmul.f32 $1.442695020e+00, v5;
	_ =	sdelay $0x1  }
0xd5: {  	(erf) = vpow2.f32 v5  }
0xd6: {  	_ =	sdelay $0x5  }
0xd7: {  	v5 =	vld [tilespmem:s24+$0x68F0]  }
0xd8: {  	v6 =	vld [tilespmem:s24+$0x6900]  }
0xd9: {  	v7 =	vld [tilespmem:s24+$0x6920];
	v8 =	vpop (erf)  }
0xda: {  	v9 =	vld [tilespmem:s24+$0x6910];
	v10 =	vperm.xlane v8, v1  }
0xdb: {  	v11 =	vperm.xlane v8, v2  }
0xdc: {  	v12 =	vperm.xlane v8, v4;
	v5 =	vmul.f32 v5, v10  }
0xdd: {  	[tilespmem:s24+$0xC930] =	vst v8;
	v8 =	vperm.xlane v8, v3;
	v6 =	vmul.f32 v6, v11  }
0xde: {  	v7 =	vmul.f32 v7, v12;
	[tilespmem:s24+$0xC8F0] =	vst v5  }
0xdf: {  	s0 =	sshll.u32 s21, $0xA;
	v5 =	vmul.f32 v9, v8;
	[tilespmem:s24+$0xC900] =	vst v6  }
0xe0: {  	s23 =	sshra.s32 s0, $0x2;
	[tilespmem:s24+$0xC920] =	vst v7  }
0xe1: {  	s0 =	sadd.s32 $0x3400, s23;
	[tilespmem:s24+$0xC910] =	vst v5  }
0xe2: {  	[spmem:s2] =	stream.indirect.scatter.add.f32 [tilespmem:s19], [sflag:$0x3], $0x50, s0, s20, $0xb8;
	[tilespmem:$0x1E000] =	vst v63  }
0xe3: {  	s0 =	sadd.s32 $0x2, s22  }
0xe4: {  	p1 =	sge.s32 s0, s3  }
0xe5: {  	s0 =	sshll.u32 @!p1 s0, $0x7;
	s24 =	simm.s32 @!p1 $0x80;
	s25 =	simm.s32 @!p1 $0x6800  }
0xe6: {  	[tilespmem:s25], [sflag:$0x1] =	stream.indirect.gather @!p1 [hbm4b:s5+s24], $0x50, s0, s24, $0xb8;
	[tilespmem:$0x1E000] =	vst v63  }
0xe7: {  	s0 =	sadd.s32 @!p1 $0x3400, s0;
	s25 =	simm.s32 @!p1 $0xB800  }
0xe8: {  	[tilespmem:s25], [sflag:$0x1] =	stream.indirect.gather @!p1 [hbm4b:s6+s24], $0x10, s0, s24, $0xb8;
	[tilespmem:$0x1E000] =	vst v63  }
0xe9: {  	_ =	swait.ge [sflag:s28], $0x2800  }
0xea: {  	[sflag:s28] =	ssyncset.done $0x0  }
0xeb: {  	[sflag:s28] =	ssyncadd.s32 $0xFFFFD800  }
0xec: {  	_ =	swait.ge [sflag:s28], $0x800  }
0xed: {  	[sflag:s28] =	ssyncset.done $0x0  }
0xee: {  	s0 =	simm.s32 @!p0 $0x4;
	[sflag:s28] =	ssyncadd.s32 $0xFFFFF800  }
0xef: {  	_ =	swait.ge @!p0 [sflag:s0], $0x2800  }
0xf0: {  	[sflag:s0] =	ssyncset.done @!p0 $0x0  }
0xf1: {  	s24 =	simm.s32 $0x0;
	[sflag:s0] =	ssyncadd.s32 @!p0 $0xFFFFD800  }
0xf2: {  	s25 =	simm.s32 $0xC020;
	v5 =	vld [tilespmem:s24+$0x9040]  }
0xf3: {  	v6 =	vld [tilespmem:s25+$0xFFFFFFE0];
	_ =	sdelay $0x4  }
0xf4: {  	v5 =	vadd.f32 v6, v5;
	_ =	sdelay $0x1  }
0xf5: {  	v6 =	vmul.f32 $2.000000030e-01, v5;
	_ =	sdelay $0x1  }
0xf6: {  	v5 =	vmax.f32 v5, v6  }
0xf7: {  	v5 =	vmul.f32 $1.442695020e+00, v5;
	_ =	sdelay $0x1  }
0xf8: {  	(erf) = vpow2.f32 v5;
	_ =	sdelay $0x6  }
0xf9: {  	v5 =	vld [tilespmem:s24+$0x9010]  }
0xfa: {  	v6 =	vld [tilespmem:s24+$0x9000]  }
0xfb: {  	v7 =	vld [tilespmem:s24+$0x9030];
	v48 =	vpop (erf)  }
0xfc: {  	v49 =	vld [tilespmem:s24+$0x9020];
	v50 =	vperm.xlane v48, v2  }
0xfd: {  	v51 =	vperm.xlane v48, v1  }
0xfe: {  	v52 =	vperm.xlane v48, v4;
	v5 =	vmul.f32 v5, v50  }
0xff: {  	v53 =	vperm.xlane v48, v3;
	[tilespmem:s24+$0xF040] =	vst v48;
	v6 =	vmul.f32 v6, v51  }
0x100: {  	v7 =	vmul.f32 v7, v52;
	[tilespmem:s24+$0xF010] =	vst v5  }
0x101: {  	v5 =	vmul.f32 v49, v53;
	[tilespmem:s24+$0xF000] =	vst v6  }
0x102: {  	[tilespmem:s24+$0xF030] =	vst v7  }
0x103: {  	[tilespmem:s24+$0xF020] =	vst v5;
	v5 =	vld [tilespmem:s24+$0x9090]  }
0x104: {  	v6 =	vld [tilespmem:s25+$0xFFFFFFF0];
	_ =	sdelay $0x4  }
0x105: {  	v5 =	vadd.f32 v6, v5;
	_ =	sdelay $0x1  }
0x106: {  	v6 =	vmul.f32 $2.000000030e-01, v5;
	_ =	sdelay $0x1  }
0x107: {  	v5 =	vmax.f32 v5, v6  }
0x108: {  	v5 =	vmul.f32 $1.442695020e+00, v5;
	_ =	sdelay $0x1  }
0x109: {  	(erf) = vpow2.f32 v5;
	_ =	sdelay $0x6  }
0x10a: {  	v5 =	vld [tilespmem:s24+$0x9050]  }
0x10b: {  	v6 =	vld [tilespmem:s24+$0x9070]  }
0x10c: {  	v7 =	vld [tilespmem:s24+$0x9080];
	v54 =	vpop (erf)  }
0x10d: {  	v55 =	vld [tilespmem:s24+$0x9060];
	v56 =	vperm.xlane v54, v1  }
0x10e: {  	v57 =	vperm.xlane v54, v3  }
0x10f: {  	v58 =	vperm.xlane v54, v4;
	v5 =	vmul.f32 v5, v56  }
0x110: {  	[tilespmem:s24+$0xF090] =	vst v54;
	v8 =	vperm.xlane v54, v2;
	v6 =	vmul.f32 v6, v57  }
0x111: {  	v7 =	vmul.f32 v7, v58;
	[tilespmem:s24+$0xF050] =	vst v5  }
0x112: {  	v5 =	vmul.f32 v55, v8;
	[tilespmem:s24+$0xF070] =	vst v6  }
0x113: {  	[tilespmem:s24+$0xF080] =	vst v7  }
0x114: {  	[tilespmem:s24+$0xF060] =	vst v5;
	v5 =	vld [tilespmem:s24+$0x90E0]  }
0x115: {  	v6 =	vld [tilespmem:s25+$0x0];
	_ =	sdelay $0x4  }
0x116: {  	v5 =	vadd.f32 v6, v5;
	_ =	sdelay $0x1  }
0x117: {  	v6 =	vmul.f32 $2.000000030e-01, v5;
	_ =	sdelay $0x1  }
0x118: {  	v5 =	vmax.f32 v5, v6  }
0x119: {  	v5 =	vmul.f32 $1.442695020e+00, v5;
	_ =	sdelay $0x1  }
0x11a: {  	(erf) = vpow2.f32 v5;
	_ =	sdelay $0x6  }
0x11b: {  	v5 =	vld [tilespmem:s24+$0x90A0]  }
0x11c: {  	v6 =	vld [tilespmem:s24+$0x90D0]  }
0x11d: {  	v7 =	vld [tilespmem:s24+$0x90B0];
	v59 =	vpop (erf)  }
0x11e: {  	v60 =	vld [tilespmem:s24+$0x90C0];
	v61 =	vperm.xlane v59, v1  }
0x11f: {  	v62 =	vperm.xlane v59, v4  }
0x120: {  	v63 =	vperm.xlane v59, v2;
	v5 =	vmul.f32 v5, v61  }
0x121: {  	[tilespmem:s24+$0xF0E0] =	vst v59;
	v8 =	vperm.xlane v59, v3;
	v6 =	vmul.f32 v6, v62  }
0x122: {  	v7 =	vmul.f32 v7, v63;
	[tilespmem:s24+$0xF0A0] =	vst v5  }
0x123: {  	v5 =	vmul.f32 v60, v8;
	[tilespmem:s24+$0xF0D0] =	vst v6  }
0x124: {  	[tilespmem:s24+$0xF0B0] =	vst v7  }
0x125: {  	[tilespmem:s24+$0xF0C0] =	vst v5;
	v5 =	vld [tilespmem:s24+$0x9130]  }
0x126: {  	v6 =	vld [tilespmem:s25+$0x10];
	_ =	sdelay $0x4  }
0x127: {  	v5 =	vadd.f32 v6, v5;
	_ =	sdelay $0x1  }
0x128: {  	v6 =	vmul.f32 $2.000000030e-01, v5;
	_ =	sdelay $0x1  }
0x129: {  	v5 =	vmax.f32 v5, v6  }
0x12a: {  	v5 =	vmul.f32 $1.442695020e+00, v5;
	_ =	sdelay $0x1  }
0x12b: {  	s0 =	simm.s32 $0x500;
	(erf) = vpow2.f32 v5  }
.LBB2_7:
0x12c: {  	_ =	sdelay $0x1  }
0x12d: {  	p0 =	sne.s32 s0, $0x9B00  }
0x12e: {  	s25 =	sadd.s32 $0x40, s25;
	s4 =	smov.u32 s0;
	s0 =	sadd.s32 $0x500, s0  }
0x12f: {  	v5 =	vld [tilespmem:s24+$0x9120]  }
0x130: {  	v6 =	vld [tilespmem:s24+$0x9100]  }
0x131: {  	v7 =	vld [tilespmem:s24+$0x90F0]  }
0x132: {  	v8 =	vld [tilespmem:s24+$0x9110]  }
0x133: {  	v9 =	vpop (erf)  }
0x134: {  	[tilespmem:s24+$0xF130] =	vst v9;
	v10 =	vperm.xlane v9, v1;
	v11 =	vperm.xlane v9, v2  }
0x135: {  	v12 =	vperm.xlane v9, v3;
	v9 =	vperm.xlane v9, v4  }
0x136: {  	v7 =	vmul.f32 v7, v10;
	v6 =	vmul.f32 v6, v11  }
0x137: {  	v8 =	vmul.f32 v8, v12;
	v5 =	vmul.f32 v5, v9  }
0x138: {  	[tilespmem:s24+$0xF0F0] =	vst v7  }
0x139: {  	[tilespmem:s24+$0xF100] =	vst v6  }
0x13a: {  	s4 =	sshra.s32 s4, $0x2;
	[tilespmem:s24+$0xF120] =	vst v5  }
0x13b: {  	v5 =	vld [tilespmem:s4+$0x9040];
	[tilespmem:s24+$0xF110] =	vst v8;
	s24 =	smov.u32 s4  }
0x13c: {  	v6 =	vld [tilespmem:s25+$0xFFFFFFE0];
	_ =	sdelay $0x4  }
0x13d: {  	v5 =	vadd.f32 v6, v5;
	_ =	sdelay $0x1  }
0x13e: {  	v6 =	vmul.f32 $2.000000030e-01, v5;
	_ =	sdelay $0x1  }
0x13f: {  	v5 =	vmax.f32 v5, v6  }
0x140: {  	v5 =	vmul.f32 $1.442695020e+00, v5;
	_ =	sdelay $0x1  }
0x141: {  	(erf) = vpow2.f32 v5;
	_ =	sdelay $0x4  }
0x142: {  	v5 =	vld [tilespmem:s24+$0x9030]  }
0x143: {  	v6 =	vld [tilespmem:s24+$0x9010]  }
0x144: {  	v7 =	vld [tilespmem:s24+$0x9000]  }
0x145: {  	v8 =	vld [tilespmem:s24+$0x9020]  }
0x146: {  	v9 =	vpop (erf)  }
0x147: {  	v10 =	vperm.xlane v9, v1;
	v11 =	vperm.xlane v9, v2  }
0x148: {  	v12 =	vperm.xlane v9, v3;
	v13 =	vperm.xlane v9, v4  }
0x149: {  	v7 =	vmul.f32 v7, v10;
	v6 =	vmul.f32 v6, v11  }
0x14a: {  	v5 =	vmul.f32 v5, v13;
	[tilespmem:s24+$0xF040] =	vst v9;
	v8 =	vmul.f32 v8, v12  }
0x14b: {  	[tilespmem:s24+$0xF010] =	vst v6  }
0x14c: {  	[tilespmem:s24+$0xF000] =	vst v7  }
0x14d: {  	[tilespmem:s24+$0xF030] =	vst v5  }
0x14e: {  	[tilespmem:s24+$0xF020] =	vst v8;
	v5 =	vld [tilespmem:s24+$0x9090]  }
0x14f: {  	v6 =	vld [tilespmem:s25+$0xFFFFFFF0];
	_ =	sdelay $0x4  }
0x150: {  	v5 =	vadd.f32 v6, v5;
	_ =	sdelay $0x1  }
0x151: {  	v6 =	vmul.f32 $2.000000030e-01, v5;
	_ =	sdelay $0x1  }
0x152: {  	v5 =	vmax.f32 v5, v6  }
0x153: {  	v5 =	vmul.f32 $1.442695020e+00, v5;
	_ =	sdelay $0x1  }
0x154: {  	(erf) = vpow2.f32 v5;
	_ =	sdelay $0x4  }
0x155: {  	v5 =	vld [tilespmem:s24+$0x9080]  }
0x156: {  	v6 =	vld [tilespmem:s24+$0x9060]  }
0x157: {  	v7 =	vld [tilespmem:s24+$0x9050]  }
0x158: {  	v8 =	vld [tilespmem:s24+$0x9070]  }
0x159: {  	v9 =	vpop (erf)  }
0x15a: {  	[tilespmem:s24+$0xF090] =	vst v9;
	v10 =	vperm.xlane v9, v1;
	v11 =	vperm.xlane v9, v2  }
0x15b: {  	v12 =	vperm.xlane v9, v3;
	v9 =	vperm.xlane v9, v4  }
0x15c: {  	v7 =	vmul.f32 v7, v10;
	v6 =	vmul.f32 v6, v11  }
0x15d: {  	v5 =	vmul.f32 v5, v9;
	v8 =	vmul.f32 v8, v12  }
0x15e: {  	[tilespmem:s24+$0xF050] =	vst v7  }
0x15f: {  	[tilespmem:s24+$0xF070] =	vst v8  }
0x160: {  	[tilespmem:s24+$0xF080] =	vst v5  }
0x161: {  	[tilespmem:s24+$0xF060] =	vst v6;
	v5 =	vld [tilespmem:s24+$0x90E0]  }
0x162: {  	v6 =	vld [tilespmem:s25+$0x0];
	_ =	sdelay $0x4  }
0x163: {  	v5 =	vadd.f32 v6, v5;
	_ =	sdelay $0x1  }
0x164: {  	v6 =	vmul.f32 $2.000000030e-01, v5;
	_ =	sdelay $0x1  }
0x165: {  	v5 =	vmax.f32 v5, v6  }
0x166: {  	v5 =	vmul.f32 $1.442695020e+00, v5;
	_ =	sdelay $0x1  }
0x167: {  	(erf) = vpow2.f32 v5;
	_ =	sdelay $0x4  }
0x168: {  	v5 =	vld [tilespmem:s24+$0x90D0]  }
0x169: {  	v6 =	vld [tilespmem:s24+$0x90B0]  }
0x16a: {  	v7 =	vld [tilespmem:s24+$0x90A0]  }
0x16b: {  	v8 =	vld [tilespmem:s24+$0x90C0]  }
0x16c: {  	v9 =	vpop (erf)  }
0x16d: {  	[tilespmem:s24+$0xF0E0] =	vst v9;
	v10 =	vperm.xlane v9, v1;
	v11 =	vperm.xlane v9, v2  }
0x16e: {  	v12 =	vperm.xlane v9, v3;
	v9 =	vperm.xlane v9, v4  }
0x16f: {  	v7 =	vmul.f32 v7, v10;
	v6 =	vmul.f32 v6, v11  }
0x170: {  	v5 =	vmul.f32 v5, v9;
	v8 =	vmul.f32 v8, v12  }
0x171: {  	[tilespmem:s24+$0xF0A0] =	vst v7  }
0x172: {  	[tilespmem:s24+$0xF0D0] =	vst v5  }
0x173: {  	[tilespmem:s24+$0xF0B0] =	vst v6  }
0x174: {  	[tilespmem:s24+$0xF0C0] =	vst v8;
	v5 =	vld [tilespmem:s24+$0x9130]  }
0x175: {  	v6 =	vld [tilespmem:s25+$0x10];
	_ =	sdelay $0x4  }
0x176: {  	v5 =	vadd.f32 v6, v5;
	_ =	sdelay $0x1  }
0x177: {  	v6 =	vmul.f32 $2.000000030e-01, v5  }
.Ltmp2:
0x178: {  	(pc) =	sbr.rel @p0 .LBB2_7-.Ltmp2, $3  }
0x179: {  	v5 =	vmax.f32 v5, v6  }
0x17a: {  	v5 =	vmul.f32 $1.442695020e+00, v5;
	_ =	sdelay $0x1  }
0x17b: {  	(erf) = vpow2.f32 v5  }
0x17c: {  	_ =	sdelay $0x5  }
0x17d: {  	v5 =	vld [tilespmem:s24+$0x90F0]  }
0x17e: {  	v6 =	vld [tilespmem:s24+$0x9100]  }
0x17f: {  	v7 =	vld [tilespmem:s24+$0x9120];
	v8 =	vpop (erf)  }
0x180: {  	v9 =	vld [tilespmem:s24+$0x9110];
	v10 =	vperm.xlane v8, v1  }
0x181: {  	v11 =	vperm.xlane v8, v2  }
0x182: {  	v12 =	vperm.xlane v8, v4;
	v5 =	vmul.f32 v5, v10  }
0x183: {  	[tilespmem:s24+$0xF130] =	vst v8;
	v8 =	vperm.xlane v8, v3;
	v6 =	vmul.f32 v6, v11  }
0x184: {  	v7 =	vmul.f32 v7, v12;
	[tilespmem:s24+$0xF0F0] =	vst v5  }
0x185: {  	v5 =	vmul.f32 v9, v8;
	[tilespmem:s24+$0xF100] =	vst v6  }
0x186: {  	[tilespmem:s24+$0xF120] =	vst v7  }
0x187: {  	s0 =	sadd.s32 $0x3480, s23;
	[tilespmem:s24+$0xF110] =	vst v5  }
0x188: {  	[spmem:s2] =	stream.indirect.scatter.add.f32 [tilespmem:s29], [sflag:$0x4], $0x50, s0, s20, $0xb8;
	[tilespmem:$0x1E000] =	vst v63  }
0x189: {  	s0 =	sadd.s32 $0x3, s22  }
0x18a: {  	p0 =	sge.s32 s0, s3  }
0x18b: {  	s0 =	sshll.u32 @!p0 s0, $0x7;
	s4 =	simm.s32 @!p0 $0x80;
	s22 =	simm.s32 @!p0 $0x9000  }
0x18c: {  	[tilespmem:s22], [sflag:$0x2] =	stream.indirect.gather @!p0 [hbm4b:s5+s4], $0x50, s0, s4, $0xb8;
	[tilespmem:$0x1E000] =	vst v63  }
0x18d: {  	s21 =	sadd.s32 $0x1, s21;
	s0 =	sadd.s32 @!p0 $0x3400, s0;
	s22 =	simm.s32 @!p0 $0xC000  }
0x18e: {  	[tilespmem:s22], [sflag:$0x2] =	stream.indirect.gather @!p0 [hbm4b:s6+s4], $0x10, s0, s4, $0xb8;
	[tilespmem:$0x1E000] =	vst v63  }
0x18f: {  	p0 =	sne.s32 s21, s14  }
.Ltmp3:
0x190: {  	_ = 	snop;
	(pc) =	sbr.rel @p0 .LBB2_4-.Ltmp3, $1  }
0x191: {  	_ =	sdelay $0x3  }
0x192: {  	_ =	swait.ge [sflag:s30], $0x2800  }
0x193: {  	[sflag:s30] =	ssyncset.done $0x0  }
0x194: {  	[sflag:s30] =	ssyncadd.s32 $0xFFFFD800  }
0x195: {  	s0 =	stileid.u32;
	_ =	swait.ge [sflag:s31], $0x2800  }
0x196: {  	s4 =	sshrl.u32 s9, $0x3;
	s1 =	sadd.s32 $0x1, s1;
	[sflag:s31] =	ssyncset.done $0x0  }
0x197: {  	s0 =	sshll.u32 s0, $0x6;
	p0 =	sne.s32 s1, s16;
	[sflag:s31] =	ssyncadd.s32 $0xFFFFD800  }
.Ltmp4:
0x198: {  	s0 =	sor.u32 $0x1C05, s0;
	[bflag:$0x0] =	sbarrier.arrive $0xFFFF;
	(pc) =	sbr.rel @p0 .LBB2_1-.Ltmp4, $4  }
0x199: {  	[hbm:s15], [sflag:s0] =	dma.local [spmem:s4], $0x1900  }
0x19a: {  	_ =	swait.ge [sflag:s17], $0x1900  }
0x19b: {  	[sflag:s17] =	ssyncset.done $0x0  }
0x19c: {  	[sflag:s17] =	ssyncadd.s32 $0xFFFFE700  }
0x19d: {  	_ =	sfence.sel $0x180000  }
0x19e: {  	[bflag:$0x0] =	sbarrier.arrive $0xFFFF  }
0x19f: {  	_ =	strace $0x9000004A  }
0x1a0: {  	s0 =	stileid.u32;
	[bflag:$0x2] =	sbarrier.arrive $0xFFFF  }
0x1a1: {  	p0 =	sne.s32 s0, $0x0;
	s0 =	rddreg [dreg:$0x3]  }
0x1a2: {  	s0 =	sadd.s32 @!p0 $0x100000, s0  }
0x1a3: {  	[sflag:s0] =	ssyncadd.tile.s32 @!p0 $0x1;
	_ =	shalt  }
.Lfunc_end2:
_tile_overlayer_lowered:
.L_overlay_start_2:
0x1a4: {  	(tag) =	ssettag $0x2  }
0x1a5: {  	s0 =	rddreg [dreg:$0x0];
	s2 =	stileid.u32  }
0x1a6: {  	s1 =	rddreg [dreg:$0x1];
	p0 =	sne.s32 s2, $0x0  }
0x1a7: {  	s3 =	rddreg [dreg:$0x2];
	[bflag:$0x3] =	sbarrier.arrive $0xFFFF;
	s2 =	simm.s32 @!p0 $0x1C05  }
0x1a8: {  	[timem:s3], [sflag:s2] =	dma.local @!p0 [hbm:s0], s1  }
0x1a9: {  	s0 =	simm.s32 @!p0 $0x5  }
0x1aa: {  	_ =	swait.ge @!p0 [sflag:s0], s1  }
0x1ab: {  	s1 =	ssub.s32 @!p0 $0x0, s1;
	[sflag:s0] =	ssyncset.done @!p0 $0x0  }
0x1ac: {  	[sflag:s0] =	ssyncadd.s32 @!p0 s1  }
0x1ad: {  	[bflag:$0x3] =	sbarrier.arrive $0xFFFF  }
0x1ae: {  	_ =	shalt  }

// kernel: kernel.7.cloned.1.call-start
scs
__scs_entry_jumppad:
0x0: {  	(pc) =	sbr.rel $0x88, $3  }
0x1: {  	(tag) =	ssettag $0x0;
	lr =	simm.s32 $0x1  }
0x2: {  	[smem:$0x3F97] =	sst lr;
	_ =	strace $0xD0000000  }
0x3: {  	_ = 	snop  }
0x4: {  	_ = 	snop  }
0x5: {  	_ = 	snop  }
0x6: {  	_ = 	snop  }
0x7: {  	_ = 	snop  }
__scs_overlays_trampoline_lowered:
0x8: {  	[smem:$0x3FA6] =	sst s0  }
0x9: {  	[smem:$0x3FA7] =	sst s1  }
0xa: {  	[smem:$0x3FA8] =	sst s2  }
0xb: {  	[smem:$0x3FA9] =	sst s3  }
0xc: {  	[smem:$0x3FAA] =	sst s4  }
0xd: {  	[smem:$0x3FAB] =	sst s5  }
0xe: {  	[smem:$0x3FAC] =	sst s6  }
0xf: {  	[smem:$0x3FAD] =	sst s7  }
0x10: {  	[smem:$0x3FAE] =	sst s8  }
0x11: {  	[smem:$0x3FAF] =	sst s9;
	s0 =	simm.s32 @!p0 $0x0  }
0x12: {  	s1 =	sld [smem:$0x3F95];
	s0 =	simm.s32 @p0 $0x1  }
0x13: {  	[smem:$0x3FB0] =	sst s0;
	s0 =	simm.s32 @!p1 $0x0  }
0x14: {  	s2 =	sld [smem:$0x3F94];
	s0 =	simm.s32 @p1 $0x1  }
0x15: {  	[smem:$0x3FB1] =	sst s0;
	s0 =	simm.s32 @!p2 $0x0  }
0x16: {  	s3 =	sld [smem:$0x3FDB];
	s0 =	simm.s32 @p2 $0x1  }
0x17: {  	s4 =	simm.s32 $0x1BF5;
	[smem:$0x3FB3] =	sst s0  }
0x18: {  	s0 =	sld [smem:$0x3F96];
	_ =	swait.ge [sflag:s4], $0x0  }
0x19: {  	s7 =	sld [smem:$0x3F97]  }
0x1a: {  	s8 =	sadd.s32 $0xFFFFE003, lr  }
0x1b: {  	s9 =	sadd.s32 $0xFFFFFEF7, lr;
	s5 =	simm.s32 $0xFFFFFFFF;
	p2 =	slt.u32 s8, $0xFFFFF086  }
0x1c: {  	p1 =	slt.u32 s9, $0xF7A;
	s5 =	simm.s32 @!p2 $0x0  }
0x1d: {  	s5 =	simm.s32 @p1 $0x1;
	p0 =	seq.s32 s7, s2  }
0x1e: {  	s7 =	smul.u32 @!p0 $0xF7A, s2;
	p2 =	seq.s32 @!p0 s5, $0x0  }
0x1f: {  	s9 =	smul.u32 $0xF7A, s1;
	s8 =	simm.s32 @!p0 $0x1BF5;
	p2 =	por !p2, p0  }
0x20: {  	[sflag:s8] =	ssyncset.s32 @!p0 $0xFFFFF086;
	s6 =	sadd.s32 @!p0 s3, s7;
	s7 =	simm.s32 @!p0 $0x108  }
0x21: {  	s3 =	sadd.s32 s3, s9;
	s6 =	sadd.s32 @!p0 $0x88, s6;
	s7 =	simm.s32 @p2 $0x1082  }
0x22: {  	[simem:s7], [sflag:s8] =	dma.local @!p0 [hbm:s6], $0xF7A  }
0x23: {  	s9 =	sor.u32 $0xD0000000, s2;
	s6 =	simm.s32 $0x108;
	_ =	swait.ge @!p0 [sflag:s8], $0x0  }
0x24: {  	s3 =	sadd.s32 $0x88, s3;
	s6 =	simm.s32 @!p1 $0x1082;
	[sflag:s4] =	ssyncset.s32 $0xFFFFF086  }
0x25: {  	[simem:s6], [sflag:s4] =	dma.local [hbm:s3], $0xF7A  }
0x26: {  	[smem:$0x3F97] =	sst s1;
	(tag) =	ssettag s2;
	_ =	strace s9  }
0x27: {  	s1 =	sld [smem:$0x3FA7]  }
0x28: {  	s2 =	sld [smem:$0x3FA8]  }
0x29: {  	s4 =	sld [smem:$0x3FAA]  }
0x2a: {  	p0 =	seq.s32 s5, $0x0;
	s5 =	sld [smem:$0x3FAB]  }
0x2b: {  	s6 =	sld [smem:$0x3FAC]  }
0x2c: {  	s7 =	sld [smem:$0x3FAD]  }
0x2d: {  	s3 =	simm.s32 $0x108;
	s8 =	sld [smem:$0x3FAE]  }
0x2e: {  	s3 =	simm.s32 @!p0 $0x1082;
	s9 =	sld [smem:$0x3FAF]  }
0x2f: {  	lr =	sadd.s32 s0, s3;
	s0 =	sld [smem:$0x3FA6]  }
0x30: {  	s3 =	sld [smem:$0x3FA9]  }
0x31: {  	[smem:$0x3FB2] =	sst s10  }
0x32: {  	s10 =	sld [smem:$0x3FB0];
	_ =	sdelay $0x3  }
0x33: {  	p0 =	seq.s32 s10, $0x1;
	s10 =	sld [smem:$0x3FB2];
	_ =	sdelay $0x3  }
0x34: {  	[smem:$0x3FB2] =	sst s10  }
0x35: {  	s10 =	sld [smem:$0x3FB1];
	_ =	sdelay $0x3  }
0x36: {  	p1 =	seq.s32 s10, $0x1;
	s10 =	sld [smem:$0x3FB2];
	_ =	sdelay $0x3  }
0x37: {  	[smem:$0x3FB2] =	sst s10  }
0x38: {  	s10 =	sld [smem:$0x3FB3]  }
0x39: {  	_ = 	snop;
	(pc) =	sbr.ind lr, $3  }
0x3a: {  	_ = 	snop  }
0x3b: {  	_ = 	snop  }
0x3c: {  	p2 =	seq.s32 s10, $0x1;
	s10 =	sld [smem:$0x3FB2]  }
0x3d: {  	_ =	shalt  }
0x3e: {  	_ =	shalt  }
0x3f: {  	_ =	shalt  }
0x40: {  	_ =	shalt  }
0x41: {  	_ =	shalt  }
0x42: {  	_ =	shalt  }
0x43: {  	_ =	shalt  }
0x44: {  	_ =	shalt  }
0x45: {  	_ =	shalt  }
0x46: {  	_ =	shalt  }
0x47: {  	_ =	shalt  }
0x48: {  	_ =	shalt  }
0x49: {  	_ =	shalt  }
0x4a: {  	_ =	shalt  }
0x4b: {  	_ =	shalt  }
0x4c: {  	_ =	shalt  }
0x4d: {  	_ =	shalt  }
0x4e: {  	_ =	shalt  }
0x4f: {  	_ =	shalt  }
0x50: {  	_ =	shalt  }
0x51: {  	_ =	shalt  }
0x52: {  	_ =	shalt  }
0x53: {  	_ =	shalt  }
0x54: {  	_ =	shalt  }
0x55: {  	_ =	shalt  }
0x56: {  	_ =	shalt  }
0x57: {  	_ =	shalt  }
0x58: {  	_ =	shalt  }
0x59: {  	_ =	shalt  }
0x5a: {  	_ =	shalt  }
0x5b: {  	_ =	shalt  }
0x5c: {  	_ =	shalt  }
0x5d: {  	_ =	shalt  }
0x5e: {  	_ =	shalt  }
0x5f: {  	_ =	shalt  }
0x60: {  	_ =	shalt  }
0x61: {  	_ =	shalt  }
0x62: {  	_ =	shalt  }
0x63: {  	_ =	shalt  }
0x64: {  	_ =	shalt  }
0x65: {  	_ =	shalt  }
0x66: {  	_ =	shalt  }
0x67: {  	_ =	shalt  }
0x68: {  	_ =	shalt  }
0x69: {  	_ =	shalt  }
0x6a: {  	_ =	shalt  }
0x6b: {  	_ =	shalt  }
0x6c: {  	_ =	shalt  }
0x6d: {  	_ =	shalt  }
0x6e: {  	_ =	shalt  }
0x6f: {  	_ =	shalt  }
0x70: {  	_ =	shalt  }
0x71: {  	_ =	shalt  }
0x72: {  	_ =	shalt  }
0x73: {  	_ =	shalt  }
0x74: {  	_ =	shalt  }
0x75: {  	_ =	shalt  }
0x76: {  	_ =	shalt  }
0x77: {  	_ =	shalt  }
0x78: {  	_ =	shalt  }
0x79: {  	_ =	shalt  }
0x7a: {  	_ =	shalt  }
0x7b: {  	_ =	shalt  }
0x7c: {  	_ =	shalt  }
0x7d: {  	_ =	shalt  }
0x7e: {  	_ =	shalt  }
0x7f: {  	_ =	shalt  }
0x80: {  	_ =	shalt  }
0x81: {  	_ =	shalt  }
0x82: {  	_ =	shalt  }
0x83: {  	_ =	shalt  }
0x84: {  	_ =	shalt  }
0x85: {  	_ =	shalt  }
0x86: {  	_ =	shalt  }
0x87: {  	_ =	shalt  }
.Lfunc_end0:
.L_simem_size_0:
called_computation_lowered:
.L_overlay_start_0:
0x88: {  	s2 =	sld [smem:$0x3FD9]  }
0x89: {  	s3 =	sld [smem:$0x3FFE];
	_ =	sdelay $0x1  }
0x8a: {  	s1 =	srdreg.scid  }
0x8b: {  	s0 =	sand.u32 $0x1, s1  }
0x8c: {  	s17 =	sshll.u32 s0, $0xA;
	s2 =	sadd.s32 s3, s2  }
0x8d: {  	s2 =	sadd.s32 s2, s17  }
0x8e: {  	[smem:$0x3FBE] =	sst s2  }
0x8f: {  	_ = 	snop  }
0x90: {  	s2 =	sld [smem:$0x3FD0];
	(tm) =	ssettm $0x1  }
0x91: {  	s18 =	sld [smem:$0x3FFB];
	_ =	sdelay $0x3  }
0x92: {  	_ =	strace s18  }
0x93: {  	s3 =	sld [smem:$0x3FFC];
	_ =	sdelay $0x3  }
0x94: {  	_ =	strace s3  }
0x95: {  	s3 =	sld [smem:$0x3FFD];
	_ =	sdelay $0x3  }
0x96: {  	_ =	strace s3  }
0x97: {  	_ =	strace $0x8FFFFFFF  }
0x98: {  	s19 =	sld [smem:$0x3FDB];
	_ =	sdelay $0x1  }
0x99: {  	s4 =	simm.s32 $_scs_section_size  }
0x9a: {  	s5 =	simm.s32 $_size__tile_overlayer_lowered;
	s6 =	simm.s32 $_tile_overlayer_lowered  }
0x9b: {  	s22 =	simm.s32 $0x1BFF;
	s21 =	sshll.u32 s6, $0x1;
	s3 =	sadd.s32 s4, s19  }
0x9c: {  	s7 =	simm.s32 $0x0;
	s20 =	sshll.u32 s5, $0x1;
	s5 =	sadd.s32 s21, s3  }
0x9d: {  	[timem:s7], [sflag:s22] =	dma.local [hbm:s5], s20  }
0x9e: {  	_ =	swait.ge [sflag:s22], s20  }
0x9f: {  	s4 =	ssub.s32 $0x0, s20;
	[sflag:s22] =	ssyncset.done $0x0  }
0xa0: {  	[sflag:s22] =	ssyncadd.s32 s4;
	_ =	sdelay $0x1  }
0xa1: {  	s23 =	simm.s32 $0x1B8B  }
0xa2: {  	_ =	swait.ge [sflag:s23], $0x1  }
0xa3: {  	[sflag:s23] =	ssyncset.done $0x0  }
0xa4: {  	s25 =	simm.s32 $0x1B8E;
	s24 =	sld [smem:$0x3FFE];
	[sflag:s23] =	ssyncadd.s32 $0xFFFFFFFF  }
0xa5: {  	s26 =	simm.s32 $execute0_lowered;
	[smem:$0x3FD2] =	sst s25  }
0xa6: {  	s5 =	sshll.u32 s26, $0x1;
	_ =	strace $0x80000046;
	[dreg:$0x1] =	wrdreg $0xFFFFFFFF  }
0xa7: {  	s28 =	simm.s32 $_size_execute0_lowered;
	s3 =	sadd.s32 s3, s5;
	[dreg:$0x0] =	wrdreg $0x0  }
0xa8: {  	s5 =	sshll.u32 s28, $0x1;
	[dreg:$0x2] =	wrdreg s3  }
0xa9: {  	[dreg:$0x3] =	wrdreg s5  }
0xaa: {  	[dreg:$0x4] =	wrdreg $0xC0  }
0xab: {  	_ =	task [dreg:s7], $0x5FFFF  }
0xac: {  	[dreg:$0x1] =	wrdreg $0xFFFFFFFF  }
0xad: {  	[dreg:$0x0] =	wrdreg $0x60  }
0xae: {  	[dreg:$0x2] =	wrdreg s24  }
0xaf: {  	[dreg:$0x3] =	wrdreg s2  }
0xb0: {  	[dreg:$0x4] =	wrdreg $0x118000  }
0xb1: {  	[dreg:$0x5] =	wrdreg $0x9  }
0xb2: {  	_ =	task.clear_ibuf [dreg:s7], $0x6FFFF;
	_ =	strace $0x90000046  }
0xb3: {  	s29 =	simm.s32 $0x9;
	_ =	strace $0x80000048  }
0xb4: {  	_ =	swait.ge [sflag:s29], $0x1  }
0xb5: {  	[sflag:s29] =	ssyncadd.s32 $0xFFFFFFFF  }
0xb6: {  	_ =	strace $0x90000048  }
0xb7: {  	_ =	sfence  }
0xb8: {  	s30 =	sld [smem:$0x0];
	_ =	sdelay $0x2  }
0xb9: {  	s31 =	sshll.u32 s1, $0xD;
	s1 =	sshrl.u32 s1, $0x2  }
0xba: {  	s3 =	sand.u32 $0x4000, s31;
	s1 =	sadd.s32 s1, s30  }
0xbb: {  	s0 =	sor.u32 s3, s0;
	s1 =	sshll.u32 s1, $0x11  }
0xbc: {  	s0 =	sor.u32 s1, s0  }
0xbd: {  	s0 =	sadd.s32 $0x8F2B, s0  }
0xbe: {  	[sflag:s0] =	ssyncadd.remote.s32 $0x1  }
0xbf: {  	_ =	sfence.sel $0xFFFF  }
0xc0: {  	[dreg:$0x0] =	wrdreg $0xFFFFFFFF;
	(pc) =	sbr.abs _section_cstart, $3  }
0xc1: {  	[dreg:$0x1] =	wrdreg $0xFFFFFFFF  }
0xc2: {  	_ =	task.clear_ibuf [dreg:s7], $0x2FFFF;
	_ =	strace $0x9FFFFFFF  }
0xc3: {  	(tm) =	ssettm $0x7FFFFFFF  }
tec
execute0_lowered:
.L_overlay_start_1:
0x0: {  	(tag) =	ssettag $0x1  }
0x1: {  	s1 =	rddreg [dreg:$0x0]  }
0x2: {  	s0 =	srdreg.scid;
	s7 =	rddreg [dreg:$0x1]  }
0x3: {  	s2 =	rddreg [dreg:$0x2];
	s4 =	stileid.u32  }
0x4: {  	s8 =	simm.s32 $0x0;
	s17 =	simm.s32 $0x5;
	s18 =	simm.s32 $0x3400  }
0x5: {  	s19 =	simm.s32 $0xC800;
	s20 =	simm.s32 $0x80;
	s9 =	smul.u32 $0xC800, s4  }
0x6: {  	s28 =	simm.s32 $0x2;
	s0 =	sand.u32 $0x1, s0;
	s11 =	smul.u32 $0x32000, s4  }
0x7: {  	s29 =	simm.s32 $0xF000;
	s30 =	simm.s32 $0x3;
	s3 =	smul.u32 $0xFFFFFFD0, s0  }
0x8: {  	s31 =	simm.s32 $0x4;
	[smem:$0x7FF] =	sst s8;
	s5 =	smul.u32 $0x680, s0  }
0x9: {  	_ =	strace $0x80000047;
	s10 =	smul.u32 $0xC8000, s0;
	s0 =	ssub.s32 $0x2, s0  }
0xa: {  	s26 =	sshrl.u32 s0, $0x1;
	s11 =	sshrl.u32 s11, $0x2;
	s3 =	sadd.s32 $0x68, s3  }
0xb: {  	s10 =	sadd.s32 s9, s10;
	s0 =	ssub.s32 s0, s26;
	s6 =	smul.u32 s4, s3  }
0xc: {  	s13 =	sadd.s32 s11, s2;
	s9 =	sadd.s32 s9, s2;
	s26 =	simm.s32 $0x1  }
0xd: {  	s10 =	sshrl.u32 s10, $0x3;
	s11 =	sadd.s32 $0x5000, s13;
	s25 =	sadd.s32 s5, s6  }
0xe: {  	s14 =	sshrl.u32 s3, $0x1;
	s16 =	smax.u32 s0, $0x1;
	s8 =	sshll.u32 s25, $0x4  }
0xf: {  	s5 =	sadd.s32 $0x1200, s1;
	s6 =	sadd.s32 $0x1A200, s1;
	s8 =	sand.u32 $0x1FFFFF80, s8  }
0x10: {  	v1 =	vlaneseq.u32;
	s12 =	sadd.s32 s8, s1;
	s1 =	sadd.s32 s10, s1;
	s7 =	sadd.s32 s7, s8  }
0x11: {  	v0 =	vimm.f32 $0.0e+00;
	v1 =	vshrl.u32 v1, $0x3;
	s10 =	sadd.s32 $0x2800, s13;
	s8 =	sadd.s32 $0x1F200, s12;
	s12 =	sadd.s32 $0x7800, s13  }
0x12: {  	v2 =	vor.u32 $0x2, v1;
	v3 =	vor.u32 $0x4, v1;
	v4 =	vor.u32 $0x6, v1;
	s13 =	sadd.s32 $0xA000, s13;
	s15 =	sadd.s32 $0x29600, s1;
	s1 =	simm.s32 $0x0  }
.LBB2_1:
0x13: {  	s0 =	simm.s32 $0x0  }
0x14: {  	[tilespmem:s0], [sflag:$0x5] =	stream.linear.gather [hbm4b:s7+s0], $0x3400, $0x38;
	[tilespmem:$0x1E000] =	vst v63  }
0x15: {  	_ =	swait.ge [sflag:s17], $0x3400  }
0x16: {  	[sflag:s17] =	ssyncset.done $0x0  }
0x17: {  	[sflag:s17] =	ssyncadd.s32 $0xFFFFCC00  }
0x18: {  	[tilespmem:s18], [sflag:$0x5] =	stream.linear.gather [hbm4b:s8+s0], $0x3400, $0x38;
	[tilespmem:$0x1E000] =	vst v63  }
0x19: {  	_ =	swait.ge [sflag:s17], $0x3400  }
0x1a: {  	[sflag:s17] =	ssyncset.done $0x0  }
0x1b: {  	s21 =	simm.s32 $0x140;
	s0 =	simm.s32 $0x0;
	[sflag:s17] =	ssyncadd.s32 $0xFFFFCC00  }
.LBB2_2:
0x1c: {  	p0 =	sne.s32 s21, $0x9EC0;
	[tilespmem:s0+$0xC840] =	vst v0;
	s22 =	smov.u32 s21;
	s21 =	sadd.s32 $0x140, s21  }
.Ltmp0:
0x1d: {  	[tilespmem:s0+$0xC830] =	vst v0;
	(pc) =	sbr.rel @p0 .LBB2_2-.Ltmp0, $4  }
0x1e: {  	[tilespmem:s0+$0xC820] =	vst v0  }
0x1f: {  	[tilespmem:s0+$0xC800] =	vst v0  }
0x20: {  	[tilespmem:s0+$0xC810] =	vst v0  }
0x21: {  	s0 =	sshra.s32 s22, $0x2  }
0x22: {  	[tilespmem:s0+$0xC840] =	vst v0  }
0x23: {  	[tilespmem:s0+$0xC830] =	vst v0  }
0x24: {  	[tilespmem:s0+$0xC820] =	vst v0  }
0x25: {  	[tilespmem:s0+$0xC800] =	vst v0  }
0x26: {  	[tilespmem:s0+$0xC810] =	vst v0  }
0x27: {  	[spmem:s9] =	stream.linear.scatter [tilespmem:s19], [sflag:$0x5], $0x2800, $0x38;
	[tilespmem:$0x1E000] =	vst v63  }
0x28: {  	_ =	swait.ge [sflag:s17], $0x2800  }
0x29: {  	[sflag:s17] =	ssyncset.done $0x0  }
0x2a: {  	[sflag:s17] =	ssyncadd.s32 $0xFFFFD800  }
0x2b: {  	[spmem:s10] =	stream.linear.scatter [tilespmem:s19], [sflag:$0x5], $0x2800, $0x38;
	[tilespmem:$0x1E000] =	vst v63  }
0x2c: {  	_ =	swait.ge [sflag:s17], $0x2800  }
0x2d: {  	[sflag:s17] =	ssyncset.done $0x0  }
0x2e: {  	[sflag:s17] =	ssyncadd.s32 $0xFFFFD800  }
0x2f: {  	[spmem:s11] =	stream.linear.scatter [tilespmem:s19], [sflag:$0x5], $0x2800, $0x38;
	[tilespmem:$0x1E000] =	vst v63  }
0x30: {  	_ =	swait.ge [sflag:s17], $0x2800  }
0x31: {  	[sflag:s17] =	ssyncset.done $0x0  }
0x32: {  	[sflag:s17] =	ssyncadd.s32 $0xFFFFD800  }
0x33: {  	[spmem:s12] =	stream.linear.scatter [tilespmem:s19], [sflag:$0x5], $0x2800, $0x38;
	[tilespmem:$0x1E000] =	vst v63  }
0x34: {  	_ =	swait.ge [sflag:s17], $0x2800  }
0x35: {  	[sflag:s17] =	ssyncset.done $0x0  }
0x36: {  	[sflag:s17] =	ssyncadd.s32 $0xFFFFD800  }
0x37: {  	[spmem:s13] =	stream.linear.scatter [tilespmem:s19], [sflag:$0x5], $0x2800, $0x38;
	[tilespmem:$0x1E000] =	vst v63  }
0x38: {  	_ =	swait.ge [sflag:s17], $0x2800  }
0x39: {  	[sflag:s17] =	ssyncset.done $0x0  }
0x3a: {  	s21 =	simm.s32 $0x0;
	s22 =	simm.s32 $0x6800;
	[sflag:s17] =	ssyncadd.s32 $0xFFFFD800  }
0x3b: {  	[tilespmem:s22], [sflag:$0x1] =	stream.indirect.gather [hbm4b:s5+s20], $0x50, s21, s20, $0xb8;
	[tilespmem:$0x1E000] =	vst v63  }
0x3c: {  	s23 =	simm.s32 $0xB800  }
0x3d: {  	[tilespmem:s23], [sflag:$0x1] =	stream.indirect.gather [hbm4b:s6+s20], $0x10, s18, s20, $0xb8;
	[tilespmem:$0x1E000] =	vst v63  }
0x3e: {  	s24 =	simm.s32 $0x9000  }
0x3f: {  	[tilespmem:s24], [sflag:$0x2] =	stream.indirect.gather [hbm4b:s5+s20], $0x50, s20, s20, $0xb8;
	[tilespmem:$0x1E000] =	vst v63  }
0x40: {  	s25 =	simm.s32 $0x3480;
	s4 =	simm.s32 $0xC000  }
0x41: {  	[tilespmem:s4], [sflag:$0x2] =	stream.indirect.gather [hbm4b:s6+s20], $0x10, s25, s20, $0xb8;
	[tilespmem:$0x1E000] =	vst v63  }
0x42: {  	[bflag:$0x0] =	sbarrier.arrive $0xFFFF  }
.LBB2_4:
0x43: {  	_ =	swait.ge [sflag:s26], $0x2800  }
0x44: {  	[sflag:s26] =	ssyncset.done $0x0  }
0x45: {  	[sflag:s26] =	ssyncadd.s32 $0xFFFFD800  }
0x46: {  	_ =	swait.ge [sflag:s26], $0x800  }
0x47: {  	p0 =	seq.s32 s21, $0x0;
	[sflag:s26] =	ssyncset.done $0x0  }
0x48: {  	s0 =	simm.s32 @!p0 $0x3;
	[sflag:s26] =	ssyncadd.s32 $0xFFFFF800  }
0x49: {  	_ =	swait.ge @!p0 [sflag:s0], $0x2800  }
0x4a: {  	[sflag:s0] =	ssyncset.done @!p0 $0x0  }
0x4b: {  	s24 =	simm.s32 $0x0;
	[sflag:s0] =	ssyncadd.s32 @!p0 $0xFFFFD800  }
0x4c: {  	s23 =	simm.s32 $0xB820;
	v5 =	vld [tilespmem:s24+$0x6840]  }
0x4d: {  	v6 =	vld [tilespmem:s23+$0xFFFFFFE0];
	_ =	sdelay $0x4  }
0x4e: {  	v5 =	vadd.f32 v6, v5;
	_ =	sdelay $0x1  }
0x4f: {  	v6 =	vmul.f32 $2.000000030e-01, v5;
	_ =	sdelay $0x1  }
0x50: {  	v5 =	vmax.f32 v5, v6  }
0x51: {  	v5 =	vmul.f32 $1.442695020e+00, v5;
	_ =	sdelay $0x1  }
0x52: {  	(erf) = vpow2.f32 v5;
	_ =	sdelay $0x6  }
0x53: {  	v5 =	vld [tilespmem:s24+$0x6810]  }
0x54: {  	v6 =	vld [tilespmem:s24+$0x6800]  }
0x55: {  	v7 =	vld [tilespmem:s24+$0x6830];
	v8 =	vpop (erf)  }
0x56: {  	v9 =	vld [tilespmem:s24+$0x6820];
	v10 =	vperm.xlane v8, v2  }
0x57: {  	v11 =	vperm.xlane v8, v1  }
0x58: {  	v12 =	vperm.xlane v8, v4;
	v5 =	vmul.f32 v5, v10  }
0x59: {  	v53 =	vperm.xlane v8, v3;
	[tilespmem:s24+$0xC840] =	vst v8;
	v6 =	vmul.f32 v6, v11  }
0x5a: {  	v7 =	vmul.f32 v7, v12;
	[tilespmem:s24+$0xC810] =	vst v5  }
0x5b: {  	v5 =	vmul.f32 v9, v53;
	[tilespmem:s24+$0xC800] =	vst v6  }
0x5c: {  	[tilespmem:s24+$0xC830] =	vst v7  }
0x5d: {  	[tilespmem:s24+$0xC820] =	vst v5;
	v5 =	vld [tilespmem:s24+$0x6890]  }
0x5e: {  	v6 =	vld [tilespmem:s23+$0xFFFFFFF0];
	_ =	sdelay $0x4  }
0x5f: {  	v5 =	vadd.f32 v6, v5;
	_ =	sdelay $0x1  }
0x60: {  	v6 =	vmul.f32 $2.000000030e-01, v5;
	_ =	sdelay $0x1  }
0x61: {  	v5 =	vmax.f32 v5, v6  }
0x62: {  	v5 =	vmul.f32 $1.442695020e+00, v5;
	_ =	sdelay $0x1  }
0x63: {  	(erf) = vpow2.f32 v5;
	_ =	sdelay $0x6  }
0x64: {  	v5 =	vld [tilespmem:s24+$0x6850]  }
0x65: {  	v6 =	vld [tilespmem:s24+$0x6870]  }
0x66: {  	v7 =	vld [tilespmem:s24+$0x6880];
	v54 =	vpop (erf)  }
0x67: {  	v55 =	vld [tilespmem:s24+$0x6860];
	v56 =	vperm.xlane v54, v1  }
0x68: {  	v57 =	vperm.xlane v54, v3  }
0x69: {  	v58 =	vperm.xlane v54, v4;
	v5 =	vmul.f32 v5, v56  }
0x6a: {  	[tilespmem:s24+$0xC890] =	vst v54;
	v8 =	vperm.xlane v54, v2;
	v6 =	vmul.f32 v6, v57  }
0x6b: {  	v7 =	vmul.f32 v7, v58;
	[tilespmem:s24+$0xC850] =	vst v5  }
0x6c: {  	v5 =	vmul.f32 v55, v8;
	[tilespmem:s24+$0xC870] =	vst v6  }
0x6d: {  	[tilespmem:s24+$0xC880] =	vst v7  }
0x6e: {  	[tilespmem:s24+$0xC860] =	vst v5;
	v5 =	vld [tilespmem:s24+$0x68E0]  }
0x6f: {  	v6 =	vld [tilespmem:s23+$0x0];
	_ =	sdelay $0x4  }
0x70: {  	v5 =	vadd.f32 v6, v5;
	_ =	sdelay $0x1  }
0x71: {  	v6 =	vmul.f32 $2.000000030e-01, v5;
	_ =	sdelay $0x1  }
0x72: {  	v5 =	vmax.f32 v5, v6  }
0x73: {  	v5 =	vmul.f32 $1.442695020e+00, v5;
	_ =	sdelay $0x1  }
0x74: {  	(erf) = vpow2.f32 v5;
	_ =	sdelay $0x6  }
0x75: {  	v5 =	vld [tilespmem:s24+$0x68A0]  }
0x76: {  	v6 =	vld [tilespmem:s24+$0x68D0]  }
0x77: {  	v7 =	vld [tilespmem:s24+$0x68B0];
	v59 =	vpop (erf)  }
0x78: {  	v60 =	vld [tilespmem:s24+$0x68C0];
	v61 =	vperm.xlane v59, v1  }
0x79: {  	v62 =	vperm.xlane v59, v4  }
0x7a: {  	v63 =	vperm.xlane v59, v2;
	v5 =	vmul.f32 v5, v61  }
0x7b: {  	[tilespmem:s24+$0xC8E0] =	vst v59;
	v8 =	vperm.xlane v59, v3;
	v6 =	vmul.f32 v6, v62  }
0x7c: {  	v7 =	vmul.f32 v7, v63;
	[tilespmem:s24+$0xC8A0] =	vst v5  }
0x7d: {  	v5 =	vmul.f32 v60, v8;
	[tilespmem:s24+$0xC8D0] =	vst v6  }
0x7e: {  	[tilespmem:s24+$0xC8B0] =	vst v7  }
0x7f: {  	[tilespmem:s24+$0xC8C0] =	vst v5;
	v5 =	vld [tilespmem:s24+$0x6930]  }
0x80: {  	v6 =	vld [tilespmem:s23+$0x10];
	_ =	sdelay $0x4  }
0x81: {  	v5 =	vadd.f32 v6, v5;
	_ =	sdelay $0x1  }
0x82: {  	v6 =	vmul.f32 $2.000000030e-01, v5;
	_ =	sdelay $0x1  }
0x83: {  	v5 =	vmax.f32 v5, v6  }
0x84: {  	v5 =	vmul.f32 $1.442695020e+00, v5;
	_ =	sdelay $0x1  }
0x85: {  	s22 =	sshll.u32 s21, $0x1;
	s25 =	simm.s32 $0x500;
	(erf) = vpow2.f32 v5  }
.LBB2_5:
0x86: {  	_ =	sdelay $0x1  }
0x87: {  	p1 =	sne.s32 s25, $0x9B00  }
0x88: {  	s23 =	sadd.s32 $0x40, s23;
	s0 =	smov.u32 s25;
	s25 =	sadd.s32 $0x500, s25  }
0x89: {  	v5 =	vld [tilespmem:s24+$0x6920]  }
0x8a: {  	v6 =	vld [tilespmem:s24+$0x6900]  }
0x8b: {  	v7 =	vld [tilespmem:s24+$0x68F0]  }
0x8c: {  	v8 =	vld [tilespmem:s24+$0x6910]  }
0x8d: {  	v9 =	vpop (erf)  }
0x8e: {  	[tilespmem:s24+$0xC930] =	vst v9;
	v10 =	vperm.xlane v9, v1;
	v11 =	vperm.xlane v9, v2  }
0x8f: {  	v12 =	vperm.xlane v9, v3;
	v9 =	vperm.xlane v9, v4  }
0x90: {  	v7 =	vmul.f32 v7, v10;
	v6 =	vmul.f32 v6, v11  }
0x91: {  	v8 =	vmul.f32 v8, v12;
	v5 =	vmul.f32 v5, v9  }
0x92: {  	[tilespmem:s24+$0xC8F0] =	vst v7  }
0x93: {  	[tilespmem:s24+$0xC900] =	vst v6  }
0x94: {  	s0 =	sshra.s32 s0, $0x2;
	[tilespmem:s24+$0xC920] =	vst v5  }
0x95: {  	v5 =	vld [tilespmem:s0+$0x6840];
	[tilespmem:s24+$0xC910] =	vst v8;
	s24 =	smov.u32 s0  }
0x96: {  	v6 =	vld [tilespmem:s23+$0xFFFFFFE0];
	_ =	sdelay $0x4  }
0x97: {  	v5 =	vadd.f32 v6, v5;
	_ =	sdelay $0x1  }
0x98: {  	v6 =	vmul.f32 $2.000000030e-01, v5;
	_ =	sdelay $0x1  }
0x99: {  	v5 =	vmax.f32 v5, v6  }
0x9a: {  	v5 =	vmul.f32 $1.442695020e+00, v5;
	_ =	sdelay $0x1  }
0x9b: {  	(erf) = vpow2.f32 v5;
	_ =	sdelay $0x4  }
0x9c: {  	v5 =	vld [tilespmem:s24+$0x6830]  }
0x9d: {  	v6 =	vld [tilespmem:s24+$0x6810]  }
0x9e: {  	v7 =	vld [tilespmem:s24+$0x6800]  }
0x9f: {  	v8 =	vld [tilespmem:s24+$0x6820]  }
0xa0: {  	v9 =	vpop (erf)  }
0xa1: {  	v10 =	vperm.xlane v9, v1;
	v11 =	vperm.xlane v9, v2  }
0xa2: {  	v12 =	vperm.xlane v9, v3;
	v13 =	vperm.xlane v9, v4  }
0xa3: {  	v7 =	vmul.f32 v7, v10;
	v6 =	vmul.f32 v6, v11  }
0xa4: {  	v5 =	vmul.f32 v5, v13;
	[tilespmem:s24+$0xC840] =	vst v9;
	v8 =	vmul.f32 v8, v12  }
0xa5: {  	[tilespmem:s24+$0xC810] =	vst v6  }
0xa6: {  	[tilespmem:s24+$0xC800] =	vst v7  }
0xa7: {  	[tilespmem:s24+$0xC830] =	vst v5  }
0xa8: {  	[tilespmem:s24+$0xC820] =	vst v8;
	v5 =	vld [tilespmem:s24+$0x6890]  }
0xa9: {  	v6 =	vld [tilespmem:s23+$0xFFFFFFF0];
	_ =	sdelay $0x4  }
0xaa: {  	v5 =	vadd.f32 v6, v5;
	_ =	sdelay $0x1  }
0xab: {  	v6 =	vmul.f32 $2.000000030e-01, v5;
	_ =	sdelay $0x1  }
0xac: {  	v5 =	vmax.f32 v5, v6  }
0xad: {  	v5 =	vmul.f32 $1.442695020e+00, v5;
	_ =	sdelay $0x1  }
0xae: {  	(erf) = vpow2.f32 v5;
	_ =	sdelay $0x4  }
0xaf: {  	v5 =	vld [tilespmem:s24+$0x6880]  }
0xb0: {  	v6 =	vld [tilespmem:s24+$0x6860]  }
0xb1: {  	v7 =	vld [tilespmem:s24+$0x6850]  }
0xb2: {  	v8 =	vld [tilespmem:s24+$0x6870]  }
0xb3: {  	v9 =	vpop (erf)  }
0xb4: {  	[tilespmem:s24+$0xC890] =	vst v9;
	v10 =	vperm.xlane v9, v1;
	v11 =	vperm.xlane v9, v2  }
0xb5: {  	v12 =	vperm.xlane v9, v3;
	v9 =	vperm.xlane v9, v4  }
0xb6: {  	v7 =	vmul.f32 v7, v10;
	v6 =	vmul.f32 v6, v11  }
0xb7: {  	v5 =	vmul.f32 v5, v9;
	v8 =	vmul.f32 v8, v12  }
0xb8: {  	[tilespmem:s24+$0xC850] =	vst v7  }
0xb9: {  	[tilespmem:s24+$0xC870] =	vst v8  }
0xba: {  	[tilespmem:s24+$0xC880] =	vst v5  }
0xbb: {  	[tilespmem:s24+$0xC860] =	vst v6;
	v5 =	vld [tilespmem:s24+$0x68E0]  }
0xbc: {  	v6 =	vld [tilespmem:s23+$0x0];
	_ =	sdelay $0x4  }
0xbd: {  	v5 =	vadd.f32 v6, v5;
	_ =	sdelay $0x1  }
0xbe: {  	v6 =	vmul.f32 $2.000000030e-01, v5;
	_ =	sdelay $0x1  }
0xbf: {  	v5 =	vmax.f32 v5, v6  }
0xc0: {  	v5 =	vmul.f32 $1.442695020e+00, v5;
	_ =	sdelay $0x1  }
0xc1: {  	(erf) = vpow2.f32 v5;
	_ =	sdelay $0x4  }
0xc2: {  	v5 =	vld [tilespmem:s24+$0x68D0]  }
0xc3: {  	v6 =	vld [tilespmem:s24+$0x68B0]  }
0xc4: {  	v7 =	vld [tilespmem:s24+$0x68A0]  }
0xc5: {  	v8 =	vld [tilespmem:s24+$0x68C0]  }
0xc6: {  	v9 =	vpop (erf)  }
0xc7: {  	[tilespmem:s24+$0xC8E0] =	vst v9;
	v10 =	vperm.xlane v9, v1;
	v11 =	vperm.xlane v9, v2  }
0xc8: {  	v12 =	vperm.xlane v9, v3;
	v9 =	vperm.xlane v9, v4  }
0xc9: {  	v7 =	vmul.f32 v7, v10;
	v6 =	vmul.f32 v6, v11  }
0xca: {  	v5 =	vmul.f32 v5, v9;
	v8 =	vmul.f32 v8, v12  }
0xcb: {  	[tilespmem:s24+$0xC8A0] =	vst v7  }
0xcc: {  	[tilespmem:s24+$0xC8D0] =	vst v5  }
0xcd: {  	[tilespmem:s24+$0xC8B0] =	vst v6  }
0xce: {  	[tilespmem:s24+$0xC8C0] =	vst v8;
	v5 =	vld [tilespmem:s24+$0x6930]  }
0xcf: {  	v6 =	vld [tilespmem:s23+$0x10];
	_ =	sdelay $0x4  }
0xd0: {  	v5 =	vadd.f32 v6, v5;
	_ =	sdelay $0x1  }
0xd1: {  	v6 =	vmul.f32 $2.000000030e-01, v5  }
.Ltmp1:
0xd2: {  	(pc) =	sbr.rel @p1 .LBB2_5-.Ltmp1, $3  }
0xd3: {  	v5 =	vmax.f32 v5, v6  }
0xd4: {  	v5 =	vmul.f32 $1.442695020e+00, v5;
	_ =	sdelay $0x1  }
0xd5: {  	(erf) = vpow2.f32 v5  }
0xd6: {  	_ =	sdelay $0x5  }
0xd7: {  	v5 =	vld [tilespmem:s24+$0x68F0]  }
0xd8: {  	v6 =	vld [tilespmem:s24+$0x6900]  }
0xd9: {  	v7 =	vld [tilespmem:s24+$0x6920];
	v8 =	vpop (erf)  }
0xda: {  	v9 =	vld [tilespmem:s24+$0x6910];
	v10 =	vperm.xlane v8, v1  }
0xdb: {  	v11 =	vperm.xlane v8, v2  }
0xdc: {  	v12 =	vperm.xlane v8, v4;
	v5 =	vmul.f32 v5, v10  }
0xdd: {  	[tilespmem:s24+$0xC930] =	vst v8;
	v8 =	vperm.xlane v8, v3;
	v6 =	vmul.f32 v6, v11  }
0xde: {  	v7 =	vmul.f32 v7, v12;
	[tilespmem:s24+$0xC8F0] =	vst v5  }
0xdf: {  	s0 =	sshll.u32 s21, $0xA;
	v5 =	vmul.f32 v9, v8;
	[tilespmem:s24+$0xC900] =	vst v6  }
0xe0: {  	s23 =	sshra.s32 s0, $0x2;
	[tilespmem:s24+$0xC920] =	vst v7  }
0xe1: {  	s0 =	sadd.s32 $0x3400, s23;
	[tilespmem:s24+$0xC910] =	vst v5  }
0xe2: {  	[spmem:s2] =	stream.indirect.scatter.add.f32 [tilespmem:s19], [sflag:$0x3], $0x50, s0, s20, $0xb8;
	[tilespmem:$0x1E000] =	vst v63  }
0xe3: {  	s0 =	sadd.s32 $0x2, s22  }
0xe4: {  	p1 =	sge.s32 s0, s3  }
0xe5: {  	s0 =	sshll.u32 @!p1 s0, $0x7;
	s24 =	simm.s32 @!p1 $0x80;
	s25 =	simm.s32 @!p1 $0x6800  }
0xe6: {  	[tilespmem:s25], [sflag:$0x1] =	stream.indirect.gather @!p1 [hbm4b:s5+s24], $0x50, s0, s24, $0xb8;
	[tilespmem:$0x1E000] =	vst v63  }
0xe7: {  	s0 =	sadd.s32 @!p1 $0x3400, s0;
	s25 =	simm.s32 @!p1 $0xB800  }
0xe8: {  	[tilespmem:s25], [sflag:$0x1] =	stream.indirect.gather @!p1 [hbm4b:s6+s24], $0x10, s0, s24, $0xb8;
	[tilespmem:$0x1E000] =	vst v63  }
0xe9: {  	_ =	swait.ge [sflag:s28], $0x2800  }
0xea: {  	[sflag:s28] =	ssyncset.done $0x0  }
0xeb: {  	[sflag:s28] =	ssyncadd.s32 $0xFFFFD800  }
0xec: {  	_ =	swait.ge [sflag:s28], $0x800  }
0xed: {  	[sflag:s28] =	ssyncset.done $0x0  }
0xee: {  	s0 =	simm.s32 @!p0 $0x4;
	[sflag:s28] =	ssyncadd.s32 $0xFFFFF800  }
0xef: {  	_ =	swait.ge @!p0 [sflag:s0], $0x2800  }
0xf0: {  	[sflag:s0] =	ssyncset.done @!p0 $0x0  }
0xf1: {  	s24 =	simm.s32 $0x0;
	[sflag:s0] =	ssyncadd.s32 @!p0 $0xFFFFD800  }
0xf2: {  	s25 =	simm.s32 $0xC020;
	v5 =	vld [tilespmem:s24+$0x9040]  }
0xf3: {  	v6 =	vld [tilespmem:s25+$0xFFFFFFE0];
	_ =	sdelay $0x4  }
0xf4: {  	v5 =	vadd.f32 v6, v5;
	_ =	sdelay $0x1  }
0xf5: {  	v6 =	vmul.f32 $2.000000030e-01, v5;
	_ =	sdelay $0x1  }
0xf6: {  	v5 =	vmax.f32 v5, v6  }
0xf7: {  	v5 =	vmul.f32 $1.442695020e+00, v5;
	_ =	sdelay $0x1  }
0xf8: {  	(erf) = vpow2.f32 v5;
	_ =	sdelay $0x6  }
0xf9: {  	v5 =	vld [tilespmem:s24+$0x9010]  }
0xfa: {  	v6 =	vld [tilespmem:s24+$0x9000]  }
0xfb: {  	v7 =	vld [tilespmem:s24+$0x9030];
	v48 =	vpop (erf)  }
0xfc: {  	v49 =	vld [tilespmem:s24+$0x9020];
	v50 =	vperm.xlane v48, v2  }
0xfd: {  	v51 =	vperm.xlane v48, v1  }
0xfe: {  	v52 =	vperm.xlane v48, v4;
	v5 =	vmul.f32 v5, v50  }
0xff: {  	v53 =	vperm.xlane v48, v3;
	[tilespmem:s24+$0xF040] =	vst v48;
	v6 =	vmul.f32 v6, v51  }
0x100: {  	v7 =	vmul.f32 v7, v52;
	[tilespmem:s24+$0xF010] =	vst v5  }
0x101: {  	v5 =	vmul.f32 v49, v53;
	[tilespmem:s24+$0xF000] =	vst v6  }
0x102: {  	[tilespmem:s24+$0xF030] =	vst v7  }
0x103: {  	[tilespmem:s24+$0xF020] =	vst v5;
	v5 =	vld [tilespmem:s24+$0x9090]  }
0x104: {  	v6 =	vld [tilespmem:s25+$0xFFFFFFF0];
	_ =	sdelay $0x4  }
0x105: {  	v5 =	vadd.f32 v6, v5;
	_ =	sdelay $0x1  }
0x106: {  	v6 =	vmul.f32 $2.000000030e-01, v5;
	_ =	sdelay $0x1  }
0x107: {  	v5 =	vmax.f32 v5, v6  }
0x108: {  	v5 =	vmul.f32 $1.442695020e+00, v5;
	_ =	sdelay $0x1  }
0x109: {  	(erf) = vpow2.f32 v5;
	_ =	sdelay $0x6  }
0x10a: {  	v5 =	vld [tilespmem:s24+$0x9050]  }
0x10b: {  	v6 =	vld [tilespmem:s24+$0x9070]  }
0x10c: {  	v7 =	vld [tilespmem:s24+$0x9080];
	v54 =	vpop (erf)  }
0x10d: {  	v55 =	vld [tilespmem:s24+$0x9060];
	v56 =	vperm.xlane v54, v1  }
0x10e: {  	v57 =	vperm.xlane v54, v3  }
0x10f: {  	v58 =	vperm.xlane v54, v4;
	v5 =	vmul.f32 v5, v56  }
0x110: {  	[tilespmem:s24+$0xF090] =	vst v54;
	v8 =	vperm.xlane v54, v2;
	v6 =	vmul.f32 v6, v57  }
0x111: {  	v7 =	vmul.f32 v7, v58;
	[tilespmem:s24+$0xF050] =	vst v5  }
0x112: {  	v5 =	vmul.f32 v55, v8;
	[tilespmem:s24+$0xF070] =	vst v6  }
0x113: {  	[tilespmem:s24+$0xF080] =	vst v7  }
0x114: {  	[tilespmem:s24+$0xF060] =	vst v5;
	v5 =	vld [tilespmem:s24+$0x90E0]  }
0x115: {  	v6 =	vld [tilespmem:s25+$0x0];
	_ =	sdelay $0x4  }
0x116: {  	v5 =	vadd.f32 v6, v5;
	_ =	sdelay $0x1  }
0x117: {  	v6 =	vmul.f32 $2.000000030e-01, v5;
	_ =	sdelay $0x1  }
0x118: {  	v5 =	vmax.f32 v5, v6  }
0x119: {  	v5 =	vmul.f32 $1.442695020e+00, v5;
	_ =	sdelay $0x1  }
0x11a: {  	(erf) = vpow2.f32 v5;
	_ =	sdelay $0x6  }
0x11b: {  	v5 =	vld [tilespmem:s24+$0x90A0]  }
0x11c: {  	v6 =	vld [tilespmem:s24+$0x90D0]  }
0x11d: {  	v7 =	vld [tilespmem:s24+$0x90B0];
	v59 =	vpop (erf)  }
0x11e: {  	v60 =	vld [tilespmem:s24+$0x90C0];
	v61 =	vperm.xlane v59, v1  }
0x11f: {  	v62 =	vperm.xlane v59, v4  }
0x120: {  	v63 =	vperm.xlane v59, v2;
	v5 =	vmul.f32 v5, v61  }
0x121: {  	[tilespmem:s24+$0xF0E0] =	vst v59;
	v8 =	vperm.xlane v59, v3;
	v6 =	vmul.f32 v6, v62  }
0x122: {  	v7 =	vmul.f32 v7, v63;
	[tilespmem:s24+$0xF0A0] =	vst v5  }
0x123: {  	v5 =	vmul.f32 v60, v8;
	[tilespmem:s24+$0xF0D0] =	vst v6  }
0x124: {  	[tilespmem:s24+$0xF0B0] =	vst v7  }
0x125: {  	[tilespmem:s24+$0xF0C0] =	vst v5;
	v5 =	vld [tilespmem:s24+$0x9130]  }
0x126: {  	v6 =	vld [tilespmem:s25+$0x10];
	_ =	sdelay $0x4  }
0x127: {  	v5 =	vadd.f32 v6, v5;
	_ =	sdelay $0x1  }
0x128: {  	v6 =	vmul.f32 $2.000000030e-01, v5;
	_ =	sdelay $0x1  }
0x129: {  	v5 =	vmax.f32 v5, v6  }
0x12a: {  	v5 =	vmul.f32 $1.442695020e+00, v5;
	_ =	sdelay $0x1  }
0x12b: {  	s0 =	simm.s32 $0x500;
	(erf) = vpow2.f32 v5  }
.LBB2_7:
0x12c: {  	_ =	sdelay $0x1  }
0x12d: {  	p0 =	sne.s32 s0, $0x9B00  }
0x12e: {  	s25 =	sadd.s32 $0x40, s25;
	s4 =	smov.u32 s0;
	s0 =	sadd.s32 $0x500, s0  }
0x12f: {  	v5 =	vld [tilespmem:s24+$0x9120]  }
0x130: {  	v6 =	vld [tilespmem:s24+$0x9100]  }
0x131: {  	v7 =	vld [tilespmem:s24+$0x90F0]  }
0x132: {  	v8 =	vld [tilespmem:s24+$0x9110]  }
0x133: {  	v9 =	vpop (erf)  }
0x134: {  	[tilespmem:s24+$0xF130] =	vst v9;
	v10 =	vperm.xlane v9, v1;
	v11 =	vperm.xlane v9, v2  }
0x135: {  	v12 =	vperm.xlane v9, v3;
	v9 =	vperm.xlane v9, v4  }
0x136: {  	v7 =	vmul.f32 v7, v10;
	v6 =	vmul.f32 v6, v11  }
0x137: {  	v8 =	vmul.f32 v8, v12;
	v5 =	vmul.f32 v5, v9  }
0x138: {  	[tilespmem:s24+$0xF0F0] =	vst v7  }
0x139: {  	[tilespmem:s24+$0xF100] =	vst v6  }
0x13a: {  	s4 =	sshra.s32 s4, $0x2;
	[tilespmem:s24+$0xF120] =	vst v5  }
0x13b: {  	v5 =	vld [tilespmem:s4+$0x9040];
	[tilespmem:s24+$0xF110] =	vst v8;
	s24 =	smov.u32 s4  }
0x13c: {  	v6 =	vld [tilespmem:s25+$0xFFFFFFE0];
	_ =	sdelay $0x4  }
0x13d: {  	v5 =	vadd.f32 v6, v5;
	_ =	sdelay $0x1  }
0x13e: {  	v6 =	vmul.f32 $2.000000030e-01, v5;
	_ =	sdelay $0x1  }
0x13f: {  	v5 =	vmax.f32 v5, v6  }
0x140: {  	v5 =	vmul.f32 $1.442695020e+00, v5;
	_ =	sdelay $0x1  }
0x141: {  	(erf) = vpow2.f32 v5;
	_ =	sdelay $0x4  }
0x142: {  	v5 =	vld [tilespmem:s24+$0x9030]  }
0x143: {  	v6 =	vld [tilespmem:s24+$0x9010]  }
0x144: {  	v7 =	vld [tilespmem:s24+$0x9000]  }
0x145: {  	v8 =	vld [tilespmem:s24+$0x9020]  }
0x146: {  	v9 =	vpop (erf)  }
0x147: {  	v10 =	vperm.xlane v9, v1;
	v11 =	vperm.xlane v9, v2  }
0x148: {  	v12 =	vperm.xlane v9, v3;
	v13 =	vperm.xlane v9, v4  }
0x149: {  	v7 =	vmul.f32 v7, v10;
	v6 =	vmul.f32 v6, v11  }
0x14a: {  	v5 =	vmul.f32 v5, v13;
	[tilespmem:s24+$0xF040] =	vst v9;
	v8 =	vmul.f32 v8, v12  }
0x14b: {  	[tilespmem:s24+$0xF010] =	vst v6  }
0x14c: {  	[tilespmem:s24+$0xF000] =	vst v7  }
0x14d: {  	[tilespmem:s24+$0xF030] =	vst v5  }
0x14e: {  	[tilespmem:s24+$0xF020] =	vst v8;
	v5 =	vld [tilespmem:s24+$0x9090]  }
0x14f: {  	v6 =	vld [tilespmem:s25+$0xFFFFFFF0];
	_ =	sdelay $0x4  }
0x150: {  	v5 =	vadd.f32 v6, v5;
	_ =	sdelay $0x1  }
0x151: {  	v6 =	vmul.f32 $2.000000030e-01, v5;
	_ =	sdelay $0x1  }
0x152: {  	v5 =	vmax.f32 v5, v6  }
0x153: {  	v5 =	vmul.f32 $1.442695020e+00, v5;
	_ =	sdelay $0x1  }
0x154: {  	(erf) = vpow2.f32 v5;
	_ =	sdelay $0x4  }
0x155: {  	v5 =	vld [tilespmem:s24+$0x9080]  }
0x156: {  	v6 =	vld [tilespmem:s24+$0x9060]  }
0x157: {  	v7 =	vld [tilespmem:s24+$0x9050]  }
0x158: {  	v8 =	vld [tilespmem:s24+$0x9070]  }
0x159: {  	v9 =	vpop (erf)  }
0x15a: {  	[tilespmem:s24+$0xF090] =	vst v9;
	v10 =	vperm.xlane v9, v1;
	v11 =	vperm.xlane v9, v2  }
0x15b: {  	v12 =	vperm.xlane v9, v3;
	v9 =	vperm.xlane v9, v4  }
0x15c: {  	v7 =	vmul.f32 v7, v10;
	v6 =	vmul.f32 v6, v11  }
0x15d: {  	v5 =	vmul.f32 v5, v9;
	v8 =	vmul.f32 v8, v12  }
0x15e: {  	[tilespmem:s24+$0xF050] =	vst v7  }
0x15f: {  	[tilespmem:s24+$0xF070] =	vst v8  }
0x160: {  	[tilespmem:s24+$0xF080] =	vst v5  }
0x161: {  	[tilespmem:s24+$0xF060] =	vst v6;
	v5 =	vld [tilespmem:s24+$0x90E0]  }
0x162: {  	v6 =	vld [tilespmem:s25+$0x0];
	_ =	sdelay $0x4  }
0x163: {  	v5 =	vadd.f32 v6, v5;
	_ =	sdelay $0x1  }
0x164: {  	v6 =	vmul.f32 $2.000000030e-01, v5;
	_ =	sdelay $0x1  }
0x165: {  	v5 =	vmax.f32 v5, v6  }
0x166: {  	v5 =	vmul.f32 $1.442695020e+00, v5;
	_ =	sdelay $0x1  }
0x167: {  	(erf) = vpow2.f32 v5;
	_ =	sdelay $0x4  }
0x168: {  	v5 =	vld [tilespmem:s24+$0x90D0]  }
0x169: {  	v6 =	vld [tilespmem:s24+$0x90B0]  }
0x16a: {  	v7 =	vld [tilespmem:s24+$0x90A0]  }
0x16b: {  	v8 =	vld [tilespmem:s24+$0x90C0]  }
0x16c: {  	v9 =	vpop (erf)  }
0x16d: {  	[tilespmem:s24+$0xF0E0] =	vst v9;
	v10 =	vperm.xlane v9, v1;
	v11 =	vperm.xlane v9, v2  }
0x16e: {  	v12 =	vperm.xlane v9, v3;
	v9 =	vperm.xlane v9, v4  }
0x16f: {  	v7 =	vmul.f32 v7, v10;
	v6 =	vmul.f32 v6, v11  }
0x170: {  	v5 =	vmul.f32 v5, v9;
	v8 =	vmul.f32 v8, v12  }
0x171: {  	[tilespmem:s24+$0xF0A0] =	vst v7  }
0x172: {  	[tilespmem:s24+$0xF0D0] =	vst v5  }
0x173: {  	[tilespmem:s24+$0xF0B0] =	vst v6  }
0x174: {  	[tilespmem:s24+$0xF0C0] =	vst v8;
	v5 =	vld [tilespmem:s24+$0x9130]  }
0x175: {  	v6 =	vld [tilespmem:s25+$0x10];
	_ =	sdelay $0x4  }
0x176: {  	v5 =	vadd.f32 v6, v5;
	_ =	sdelay $0x1  }
0x177: {  	v6 =	vmul.f32 $2.000000030e-01, v5  }
.Ltmp2:
0x178: {  	(pc) =	sbr.rel @p0 .LBB2_7-.Ltmp2, $3  }
0x179: {  	v5 =	vmax.f32 v5, v6  }
0x17a: {  	v5 =	vmul.f32 $1.442695020e+00, v5;
	_ =	sdelay $0x1  }
0x17b: {  	(erf) = vpow2.f32 v5  }
0x17c: {  	_ =	sdelay $0x5  }
0x17d: {  	v5 =	vld [tilespmem:s24+$0x90F0]  }
0x17e: {  	v6 =	vld [tilespmem:s24+$0x9100]  }
0x17f: {  	v7 =	vld [tilespmem:s24+$0x9120];
	v8 =	vpop (erf)  }
0x180: {  	v9 =	vld [tilespmem:s24+$0x9110];
	v10 =	vperm.xlane v8, v1  }
0x181: {  	v11 =	vperm.xlane v8, v2  }
0x182: {  	v12 =	vperm.xlane v8, v4;
	v5 =	vmul.f32 v5, v10  }
0x183: {  	[tilespmem:s24+$0xF130] =	vst v8;
	v8 =	vperm.xlane v8, v3;
	v6 =	vmul.f32 v6, v11  }
0x184: {  	v7 =	vmul.f32 v7, v12;
	[tilespmem:s24+$0xF0F0] =	vst v5  }
0x185: {  	v5 =	vmul.f32 v9, v8;
	[tilespmem:s24+$0xF100] =	vst v6  }
0x186: {  	[tilespmem:s24+$0xF120] =	vst v7  }
0x187: {  	s0 =	sadd.s32 $0x3480, s23;
	[tilespmem:s24+$0xF110] =	vst v5  }
0x188: {  	[spmem:s2] =	stream.indirect.scatter.add.f32 [tilespmem:s29], [sflag:$0x4], $0x50, s0, s20, $0xb8;
	[tilespmem:$0x1E000] =	vst v63  }
0x189: {  	s0 =	sadd.s32 $0x3, s22  }
0x18a: {  	p0 =	sge.s32 s0, s3  }
0x18b: {  	s0 =	sshll.u32 @!p0 s0, $0x7;
	s4 =	simm.s32 @!p0 $0x80;
	s22 =	simm.s32 @!p0 $0x9000  }
0x18c: {  	[tilespmem:s22], [sflag:$0x2] =	stream.indirect.gather @!p0 [hbm4b:s5+s4], $0x50, s0, s4, $0xb8;
	[tilespmem:$0x1E000] =	vst v63  }
0x18d: {  	s21 =	sadd.s32 $0x1, s21;
	s0 =	sadd.s32 @!p0 $0x3400, s0;
	s22 =	simm.s32 @!p0 $0xC000  }
0x18e: {  	[tilespmem:s22], [sflag:$0x2] =	stream.indirect.gather @!p0 [hbm4b:s6+s4], $0x10, s0, s4, $0xb8;
	[tilespmem:$0x1E000] =	vst v63  }
0x18f: {  	p0 =	sne.s32 s21, s14  }
.Ltmp3:
0x190: {  	_ = 	snop;
	(pc) =	sbr.rel @p0 .LBB2_4-.Ltmp3, $1  }
0x191: {  	_ =	sdelay $0x3  }
0x192: {  	_ =	swait.ge [sflag:s30], $0x2800  }
0x193: {  	[sflag:s30] =	ssyncset.done $0x0  }
0x194: {  	[sflag:s30] =	ssyncadd.s32 $0xFFFFD800  }
0x195: {  	s0 =	stileid.u32;
	_ =	swait.ge [sflag:s31], $0x2800  }
0x196: {  	s4 =	sshrl.u32 s9, $0x3;
	s1 =	sadd.s32 $0x1, s1;
	[sflag:s31] =	ssyncset.done $0x0  }
0x197: {  	s0 =	sshll.u32 s0, $0x6;
	p0 =	sne.s32 s1, s16;
	[sflag:s31] =	ssyncadd.s32 $0xFFFFD800  }
.Ltmp4:
0x198: {  	s0 =	sor.u32 $0x1C05, s0;
	[bflag:$0x0] =	sbarrier.arrive $0xFFFF;
	(pc) =	sbr.rel @p0 .LBB2_1-.Ltmp4, $4  }
0x199: {  	[hbm:s15], [sflag:s0] =	dma.local [spmem:s4], $0x1900  }
0x19a: {  	_ =	swait.ge [sflag:s17], $0x1900  }
0x19b: {  	[sflag:s17] =	ssyncset.done $0x0  }
0x19c: {  	[sflag:s17] =	ssyncadd.s32 $0xFFFFE700  }
0x19d: {  	_ =	sfence.sel $0x180000  }
0x19e: {  	[bflag:$0x0] =	sbarrier.arrive $0xFFFF  }
0x19f: {  	_ =	strace $0x90000047  }
0x1a0: {  	s0 =	stileid.u32;
	[bflag:$0x2] =	sbarrier.arrive $0xFFFF  }
0x1a1: {  	p0 =	sne.s32 s0, $0x0;
	s0 =	rddreg [dreg:$0x3]  }
0x1a2: {  	s0 =	sadd.s32 @!p0 $0x100000, s0  }
0x1a3: {  	[sflag:s0] =	ssyncadd.tile.s32 @!p0 $0x1;
	_ =	shalt  }
.Lfunc_end2:
_tile_overlayer_lowered:
.L_overlay_start_2:
0x1a4: {  	(tag) =	ssettag $0x2  }
0x1a5: {  	s0 =	rddreg [dreg:$0x0];
	s2 =	stileid.u32  }
0x1a6: {  	s1 =	rddreg [dreg:$0x1];
	p0 =	sne.s32 s2, $0x0  }
0x1a7: {  	s3 =	rddreg [dreg:$0x2];
	[bflag:$0x3] =	sbarrier.arrive $0xFFFF;
	s2 =	simm.s32 @!p0 $0x1C05  }
0x1a8: {  	[timem:s3], [sflag:s2] =	dma.local @!p0 [hbm:s0], s1  }
0x1a9: {  	s0 =	simm.s32 @!p0 $0x5  }
0x1aa: {  	_ =	swait.ge @!p0 [sflag:s0], s1  }
0x1ab: {  	s1 =	ssub.s32 @!p0 $0x0, s1;
	[sflag:s0] =	ssyncset.done @!p0 $0x0  }
0x1ac: {  	[sflag:s0] =	ssyncadd.s32 @!p0 s1  }
0x1ad: {  	[bflag:$0x3] =	sbarrier.arrive $0xFFFF  }
0x1ae: {  	_ =	shalt  }

</sc_bundles>
